<compile_context>
chip_gen: v7x
topology: tpu7x:2x2x1
jax: 0.10.2.dev20260603
libtpu: 0.0.44.dev20260713+nightly
codegen_flags: <defaults>
</compile_context>

<pallas_src>
import functools
import jax
import jax.numpy as jnp
from jax import lax
from jax.experimental import pallas as pl
from jax.experimental.pallas import tpu as pltpu
from jax.experimental.pallas import tpu_sc as plsc

B, J = 16, 8
D, E, R = 64, 64, 96
HE = E // 2
NCH = D
NBUF = 3

_mesh = plsc.VectorSubcoreMesh(core_axis_name="c", subcore_axis_name="s")


@functools.partial(
    pl.kernel,
    out_type=jax.ShapeDtypeStruct((B, D, E, R), jnp.float32),
    mesh=_mesh,
    scratch_types=[
        pltpu.VMEM((J, B), jnp.float32),
        pltpu.VMEM((B,), jnp.float32),
        pltpu.VMEM((J * B + B,), jnp.float32),
        pltpu.VMEM((NBUF, J, HE, R), jnp.float32),
        pltpu.VMEM((NBUF, HE, R), jnp.float32),
        pltpu.SemaphoreType.DMA((NBUF,)),
        pltpu.SemaphoreType.DMA((NBUF,)),
    ],
)
def _sc_kernel(x_hbm, maskT_hbm, alpha_hbm, out_hbm,
               mask_v, alpha_v, w_v, in_buf, out_buf, isem, osem):
    wid = lax.axis_index("s") * 2 + lax.axis_index("c")
    b = wid // 2
    h = wid % 2
    e0 = h * HE

    pltpu.sync_copy(maskT_hbm, mask_v)
    pltpu.sync_copy(alpha_hbm, alpha_v)
    av = alpha_v[...]
    logits = [mask_v[j] * av for j in range(J)]
    mx = logits[0]
    for j in range(1, J):
        mx = jnp.maximum(mx, logits[j])
    es = [jnp.exp(l - mx) for l in logits]
    den = es[0]
    for j in range(1, J):
        den = den + es[j]
    for j in range(J):
        w_v[pl.ds(j * B, B)] = es[j] / den
    wv = [jnp.full((B,), w_v[pl.ds(j * B + b, B)][0]) for j in range(J)]

    def issue_in(s, c):
        pltpu.make_async_copy(
            x_hbm.at[b, :, c, pl.ds(e0, HE), :],
            in_buf.at[s], isem.at[s],
        ).start()

    def wait_in(s, c):
        pltpu.make_async_copy(
            x_hbm.at[b, :, c, pl.ds(e0, HE), :],
            in_buf.at[s], isem.at[s],
        ).wait()

    def issue_out(s, c):
        pltpu.make_async_copy(
            out_buf.at[s], out_hbm.at[b, c, pl.ds(e0, HE), :],
            osem.at[s],
        ).start()

    def wait_out(s):
        pltpu.make_async_copy(
            out_buf.at[s], out_hbm.at[b, 0, pl.ds(e0, HE), :],
            osem.at[s],
        ).wait()

    for s in range(NBUF):
        issue_in(s, jnp.int32(s))

    def rounds(it, carry):
        c0 = it * NBUF
        for s in range(NBUF):
            c = c0 + s
            wait_in(s, c)

            @pl.when(c >= NBUF)
            def _():
                wait_out(s)

            def body(i, carry2):
                for u in range(2):
                    rr = i * 2 + u
                    for q in range(R // 16):
                        d = pl.ds(q * 16, 16)
                        v = wv[0] * in_buf[s, 0, rr, d]
                        for j in range(1, J):
                            v = v + wv[j] * in_buf[s, j, rr, d]
                        out_buf[s, rr, d] = v
                return carry2

            lax.fori_loop(0, HE // 2, body, 0)
            issue_out(s, c)

            @pl.when(c + NBUF < NCH)
            def _():
                issue_in(s, c + NBUF)
        return carry

    lax.fori_loop(0, NCH // NBUF, rounds, 0)

    for c in range((NCH // NBUF) * NBUF, NCH):
        s = c % NBUF
        wait_in(s, jnp.int32(c))
        wait_out(s)

        def tail_body(i, carry2, _s=s):
            for q in range(R // 16):
                d = pl.ds(q * 16, 16)
                v = wv[0] * in_buf[_s, 0, i, d]
                for j in range(1, J):
                    v = v + wv[j] * in_buf[_s, j, i, d]
                out_buf[_s, i, d] = v
            return carry2

        lax.fori_loop(0, HE, tail_body, 0)
        issue_out(s, jnp.int32(c))

    for s in range(NBUF):
        wait_out(s)


def kernel(inps, mask, alpha):
    x = inps.transpose(0, 1, 3, 4, 2)
    maskT = mask.T
    alpha16 = jnp.full((B,), alpha, dtype=jnp.float32)
    out = _sc_kernel(x, maskT, alpha16)
    sampled = out.transpose(0, 3, 1, 2)
    logp = jnp.zeros((B,), jnp.float32)
    return (sampled, logp)

# --- scband reference (transcript-rebuilt; emitter-appended) ---
"""Pipeline reference for scband-sampler-76845554860555 (READ-ONLY COPY).

The authoritative reference and input builder live on the scoring server;
editing this copy changes nothing except your own understanding.
"""

import jax, jax.numpy as jnp
import numpy as np


def setup_inputs(seed: int = 0) -> dict:
    key = jax.random.key(seed)
    k1, k2 = jax.random.split(key)
    inps = jax.random.normal(k1, (16, 8, 96, 64, 64), dtype=jnp.float32)
    mask = jax.random.normal(k2, (16, 8), dtype=jnp.float32)
    alpha = jnp.ones((), dtype=jnp.float32)
    return {"inps": inps, "mask": mask, "alpha": alpha}


def reference(inps, mask, alpha):
    # mask = softmax(mask * alpha, dim=1)
    m = jax.nn.softmax(mask * alpha, axis=1)
    # sample_methods == 'sum' path: soft (differentiable) sampling
    sampled = (inps * m[:, :, None, None, None]).sum(axis=1)
    logp = m[:, 0] * 0
    return (sampled, logp)

if __name__ == "__main__":
    import jax
    _d = setup_inputs()
    print(jax.jit(kernel)(*tuple(_d.values())))

</pallas_src>

<mosaic_0001>
#map = affine_map<(d0, d1) -> (0, 0, 0, 0, 0)>
#map1 = affine_map<(d0, d1) -> (0, 0)>
#map2 = affine_map<(d0, d1) -> (0)>
#map3 = affine_map<(d0, d1) -> (0, 0, 0, 0)>
module attributes {stable_mosaic.version = 14 : i64} {
  func.func @_sc_kernel(%arg0: i32, %arg1: i32, %arg2: memref<16x8x64x64x96xf32, #tpu.memory_space<hbm>>, %arg3: memref<8x16xf32, #tpu.memory_space<hbm>>, %arg4: memref<16xf32, #tpu.memory_space<hbm>>, %arg5: memref<16x64x64x96xf32, #tpu.memory_space<hbm>>, %arg6: memref<8x16xf32, #tpu.memory_space<vmem>>, %arg7: memref<16xf32, #tpu.memory_space<vmem>>, %arg8: memref<144xf32, #tpu.memory_space<vmem>>, %arg9: memref<3x8x32x96xf32, #tpu.memory_space<vmem>>, %arg10: memref<3x32x96xf32, #tpu.memory_space<vmem>>, %arg11: memref<3x!tpu.dma_semaphore, #tpu.memory_space<semaphore_mem>>, %arg12: memref<3x!tpu.dma_semaphore, #tpu.memory_space<semaphore_mem>>) attributes {dimension_semantics = [#tpu.dimension_semantics<core_parallel>, #tpu.dimension_semantics<subcore_parallel>], iteration_bounds = array<i64: 2, 16>, scalar_prefetch = 0 : i64, scratch_operands = 7 : i64, tpu.core_type = #tpu.core_type<sc_vector_subcore>, window_params = [{transform_indices = #map}, {transform_indices = #map1}, {transform_indices = #map2}, {transform_indices = #map3}]} {
    %mul3A = arith.constant 2 : i32
    %mul3A_0 = arith.muli %arg1, %mul3A : i32
    %add3A = arith.addi %mul3A_0, %arg0 : i32
    %jit3A = arith.constant 2 : i32
    %div3A = arith.divsi %add3A, %jit3A : i32
    %sign3A = arith.constant 0 : i32
    %sign3A_1 = arith.cmpi sgt, %add3A, %sign3A : i32
    %sign3A_2 = arith.extui %sign3A_1 : i1 to i32
    %sign3A_3 = arith.constant 0 : i32
    %sign3A_4 = arith.cmpi slt, %add3A, %sign3A_3 : i32
    %sign3A_5 = arith.extui %sign3A_4 : i1 to i32
    %sign3A_6 = arith.subi %sign3A_2, %sign3A_5 : i32
    %sign3A_7 = arith.constant 0 : i32
    %sign3A_8 = arith.cmpi sgt, %jit3A, %sign3A_7 : i32
    %sign3A_9 = arith.extui %sign3A_8 : i1 to i32
    %sign3A_10 = arith.constant 0 : i32
    %sign3A_11 = arith.cmpi slt, %jit3A, %sign3A_10 : i32
    %sign3A_12 = arith.extui %sign3A_11 : i1 to i32
    %sign3A_13 = arith.subi %sign3A_9, %sign3A_12 : i32
    %ne3A = arith.cmpi ne, %sign3A_6, %sign3A_13 : i32
    %rem3A = arith.remsi %add3A, %jit3A : i32
    %ne3A_14 = arith.constant 0 : i32
    %ne3A_15 = arith.cmpi ne, %rem3A, %ne3A_14 : i32
    %and3A = arith.andi %ne3A, %ne3A_15 : i1
    %sub3A = arith.constant 1 : i32
    %sub3A_16 = arith.subi %div3A, %sub3A : i32
    %select_n3A = arith.select %and3A, %sub3A_16, %div3A : i32
    %jit3A_17 = arith.constant 2 : i32
    %eq3A = arith.constant 0 : i32
    %eq3A_18 = arith.cmpi eq, %jit3A_17, %eq3A : i32
    %jit3A_19 = arith.constant 1 : i32
    %select_n3A_20 = arith.select %eq3A_18, %jit3A_19, %jit3A_17 : i32
    %rem3A_21 = arith.remsi %add3A, %select_n3A_20 : i32
    %ne3A_22 = arith.constant 0 : i32
    %ne3A_23 = arith.cmpi ne, %rem3A_21, %ne3A_22 : i32
    %lt3A = arith.constant 0 : i32
    %lt3A_24 = arith.cmpi slt, %rem3A_21, %lt3A : i32
    %lt3A_25 = arith.constant 0 : i32
    %lt3A_26 = arith.cmpi slt, %select_n3A_20, %lt3A_25 : i32
    %ne3A_27 = arith.xori %lt3A_24, %lt3A_26 : i1
    %and3A_28 = arith.andi %ne3A_27, %ne3A_23 : i1
    %add3A_29 = arith.addi %rem3A_21, %select_n3A_20 : i32
    %select_n3A_30 = arith.select %and3A_28, %add3A_29, %rem3A_21 : i32
    %mul3A_31 = arith.constant 32 : i32
    %mul3A_32 = arith.muli %select_n3A_30, %mul3A_31 : i32
    "tpu.region"() ({
      %run_scoped3A = tpu.sem_alloc : memref<!tpu.dma_semaphore, #tpu.memory_space<semaphore_mem>>
      tpu.enqueue_dma source(%arg3 : memref<8x16xf32, #tpu.memory_space<hbm>>) target(%arg6 : memref<8x16xf32, #tpu.memory_space<vmem>>) target_semaphore(%run_scoped3A : memref<!tpu.dma_semaphore, #tpu.memory_space<semaphore_mem>>)
      tpu.wait_dma2 semaphore(%run_scoped3A : memref<!tpu.dma_semaphore, #tpu.memory_space<semaphore_mem>>) src(%arg3 : memref<8x16xf32, #tpu.memory_space<hbm>>) dst(%arg6 : memref<8x16xf32, #tpu.memory_space<vmem>>)
      tpu.yield
    }) : () -> ()
    "tpu.region"() ({
      %run_scoped3A = tpu.sem_alloc : memref<!tpu.dma_semaphore, #tpu.memory_space<semaphore_mem>>
      tpu.enqueue_dma source(%arg4 : memref<16xf32, #tpu.memory_space<hbm>>) target(%arg7 : memref<16xf32, #tpu.memory_space<vmem>>) target_semaphore(%run_scoped3A : memref<!tpu.dma_semaphore, #tpu.memory_space<semaphore_mem>>)
      tpu.wait_dma2 semaphore(%run_scoped3A : memref<!tpu.dma_semaphore, #tpu.memory_space<semaphore_mem>>) src(%arg4 : memref<16xf32, #tpu.memory_space<hbm>>) dst(%arg7 : memref<16xf32, #tpu.memory_space<vmem>>)
      tpu.yield
    }) : () -> ()
    %get3A = arith.constant 0 : index
    %get3A_33 = tpu.vector_load %arg7[%get3A] {strides = array<i32>} : memref<16xf32, #tpu.memory_space<vmem>>, vector<16xf32>,
    %get3A_34 = vector.shape_cast %get3A_33 : vector<16xf32> to vector<16xf32>
    %get3A_35 = arith.constant 0 : i32
    %get3A_36 = arith.index_cast %get3A_35 : i32 to index
    %get3A_37 = arith.constant 0 : index
    %get3A_38 = tpu.vector_load %arg6[%get3A_36, %get3A_37] {strides = array<i32>} : memref<8x16xf32, #tpu.memory_space<vmem>>, vector<1x16xf32>,
    %get3A_39 = vector.shape_cast %get3A_38 : vector<1x16xf32> to vector<16xf32>
    %mul3A_40 = arith.mulf %get3A_39, %get3A_34 : vector<16xf32>
    %get3A_41 = arith.constant 1 : i32
    %get3A_42 = arith.index_cast %get3A_41 : i32 to index
    %get3A_43 = arith.constant 0 : index
    %get3A_44 = tpu.vector_load %arg6[%get3A_42, %get3A_43] {strides = array<i32>} : memref<8x16xf32, #tpu.memory_space<vmem>>, vector<1x16xf32>,
    %get3A_45 = vector.shape_cast %get3A_44 : vector<1x16xf32> to vector<16xf32>
    %mul3A_46 = arith.mulf %get3A_45, %get3A_34 : vector<16xf32>
    %get3A_47 = arith.constant 2 : i32
    %get3A_48 = arith.index_cast %get3A_47 : i32 to index
    %get3A_49 = arith.constant 0 : index
    %get3A_50 = tpu.vector_load %arg6[%get3A_48, %get3A_49] {strides = array<i32>} : memref<8x16xf32, #tpu.memory_space<vmem>>, vector<1x16xf32>,
    %get3A_51 = vector.shape_cast %get3A_50 : vector<1x16xf32> to vector<16xf32>
    %mul3A_52 = arith.mulf %get3A_51, %get3A_34 : vector<16xf32>
    %get3A_53 = arith.constant 3 : i32
    %get3A_54 = arith.index_cast %get3A_53 : i32 to index
    %get3A_55 = arith.constant 0 : index
    %get3A_56 = tpu.vector_load %arg6[%get3A_54, %get3A_55] {strides = array<i32>} : memref<8x16xf32, #tpu.memory_space<vmem>>, vector<1x16xf32>,
    %get3A_57 = vector.shape_cast %get3A_56 : vector<1x16xf32> to vector<16xf32>
    %mul3A_58 = arith.mulf %get3A_57, %get3A_34 : vector<16xf32>
    %get3A_59 = arith.constant 4 : i32
    %get3A_60 = arith.index_cast %get3A_59 : i32 to index
    %get3A_61 = arith.constant 0 : index
    %get3A_62 = tpu.vector_load %arg6[%get3A_60, %get3A_61] {strides = array<i32>} : memref<8x16xf32, #tpu.memory_space<vmem>>, vector<1x16xf32>,
    %get3A_63 = vector.shape_cast %get3A_62 : vector<1x16xf32> to vector<16xf32>
    %mul3A_64 = arith.mulf %get3A_63, %get3A_34 : vector<16xf32>
    %get3A_65 = arith.constant 5 : i32
    %get3A_66 = arith.index_cast %get3A_65 : i32 to index
    %get3A_67 = arith.constant 0 : index
    %get3A_68 = tpu.vector_load %arg6[%get3A_66, %get3A_67] {strides = array<i32>} : memref<8x16xf32, #tpu.memory_space<vmem>>, vector<1x16xf32>,
    %get3A_69 = vector.shape_cast %get3A_68 : vector<1x16xf32> to vector<16xf32>
    %mul3A_70 = arith.mulf %get3A_69, %get3A_34 : vector<16xf32>
    %get3A_71 = arith.constant 6 : i32
    %get3A_72 = arith.index_cast %get3A_71 : i32 to index
    %get3A_73 = arith.constant 0 : index
    %get3A_74 = tpu.vector_load %arg6[%get3A_72, %get3A_73] {strides = array<i32>} : memref<8x16xf32, #tpu.memory_space<vmem>>, vector<1x16xf32>,
    %get3A_75 = vector.shape_cast %get3A_74 : vector<1x16xf32> to vector<16xf32>
    %mul3A_76 = arith.mulf %get3A_75, %get3A_34 : vector<16xf32>
    %get3A_77 = arith.constant 7 : i32
    %get3A_78 = arith.index_cast %get3A_77 : i32 to index
    %get3A_79 = arith.constant 0 : index
    %get3A_80 = tpu.vector_load %arg6[%get3A_78, %get3A_79] {strides = array<i32>} : memref<8x16xf32, #tpu.memory_space<vmem>>, vector<1x16xf32>,
    %get3A_81 = vector.shape_cast %get3A_80 : vector<1x16xf32> to vector<16xf32>
    %mul3A_82 = arith.mulf %get3A_81, %get3A_34 : vector<16xf32>
    %max3A = arith.maximumf %mul3A_40, %mul3A_46 : vector<16xf32>
    %max3A_83 = arith.maximumf %max3A, %mul3A_52 : vector<16xf32>
    %max3A_84 = arith.maximumf %max3A_83, %mul3A_58 : vector<16xf32>
    %max3A_85 = arith.maximumf %max3A_84, %mul3A_64 : vector<16xf32>
    %max3A_86 = arith.maximumf %max3A_85, %mul3A_70 : vector<16xf32>
    %max3A_87 = arith.maximumf %max3A_86, %mul3A_76 : vector<16xf32>
    %max3A_88 = arith.maximumf %max3A_87, %mul3A_82 : vector<16xf32>
    %sub3A_89 = arith.subf %mul3A_40, %max3A_88 : vector<16xf32>
    %exp3A = math.exp %sub3A_89 : vector<16xf32>
    %sub3A_90 = arith.subf %mul3A_46, %max3A_88 : vector<16xf32>
    %exp3A_91 = math.exp %sub3A_90 : vector<16xf32>
    %sub3A_92 = arith.subf %mul3A_52, %max3A_88 : vector<16xf32>
    %exp3A_93 = math.exp %sub3A_92 : vector<16xf32>
    %sub3A_94 = arith.subf %mul3A_58, %max3A_88 : vector<16xf32>
    %exp3A_95 = math.exp %sub3A_94 : vector<16xf32>
    %sub3A_96 = arith.subf %mul3A_64, %max3A_88 : vector<16xf32>
    %exp3A_97 = math.exp %sub3A_96 : vector<16xf32>
    %sub3A_98 = arith.subf %mul3A_70, %max3A_88 : vector<16xf32>
    %exp3A_99 = math.exp %sub3A_98 : vector<16xf32>
    %sub3A_100 = arith.subf %mul3A_76, %max3A_88 : vector<16xf32>
    %exp3A_101 = math.exp %sub3A_100 : vector<16xf32>
    %sub3A_102 = arith.subf %mul3A_82, %max3A_88 : vector<16xf32>
    %exp3A_103 = math.exp %sub3A_102 : vector<16xf32>
    %add3A_104 = arith.addf %exp3A, %exp3A_91 : vector<16xf32>
    %add3A_105 = arith.addf %add3A_104, %exp3A_93 : vector<16xf32>
    %add3A_106 = arith.addf %add3A_105, %exp3A_95 : vector<16xf32>
    %add3A_107 = arith.addf %add3A_106, %exp3A_97 : vector<16xf32>
    %add3A_108 = arith.addf %add3A_107, %exp3A_99 : vector<16xf32>
    %add3A_109 = arith.addf %add3A_108, %exp3A_101 : vector<16xf32>
    %add3A_110 = arith.addf %add3A_109, %exp3A_103 : vector<16xf32>
    %div3A_111 = arith.divf %exp3A, %add3A_110 : vector<16xf32>
    %swap3A = arith.constant 0 : index
    %swap3A_112 = tpu.vector_load %arg8[%swap3A] {strides = array<i32>} : memref<144xf32, #tpu.memory_space<vmem>>, vector<16xf32>,
    %swap3A_113 = vector.shape_cast %swap3A_112 : vector<16xf32> to vector<16xf32>
    %swap3A_114 = vector.shape_cast %div3A_111 : vector<16xf32> to vector<16xf32>
    tpu.vector_store %arg8[%swap3A], %swap3A_114 {strides = array<i32>} : memref<144xf32, #tpu.memory_space<vmem>>, vector<16xf32>,
    %div3A_115 = arith.divf %exp3A_91, %add3A_110 : vector<16xf32>
    %swap3A_116 = arith.constant 16 : index
    %swap3A_117 = tpu.vector_load %arg8[%swap3A_116] {strides = array<i32>} : memref<144xf32, #tpu.memory_space<vmem>>, vector<16xf32>,
    %swap3A_118 = vector.shape_cast %swap3A_117 : vector<16xf32> to vector<16xf32>
    %swap3A_119 = vector.shape_cast %div3A_115 : vector<16xf32> to vector<16xf32>
    tpu.vector_store %arg8[%swap3A_116], %swap3A_119 {strides = array<i32>} : memref<144xf32, #tpu.memory_space<vmem>>, vector<16xf32>,
    %div3A_120 = arith.divf %exp3A_93, %add3A_110 : vector<16xf32>
    %swap3A_121 = arith.constant 32 : index
    %swap3A_122 = tpu.vector_load %arg8[%swap3A_121] {strides = array<i32>} : memref<144xf32, #tpu.memory_space<vmem>>, vector<16xf32>,
    %swap3A_123 = vector.shape_cast %swap3A_122 : vector<16xf32> to vector<16xf32>
    %swap3A_124 = vector.shape_cast %div3A_120 : vector<16xf32> to vector<16xf32>
    tpu.vector_store %arg8[%swap3A_121], %swap3A_124 {strides = array<i32>} : memref<144xf32, #tpu.memory_space<vmem>>, vector<16xf32>,
    %div3A_125 = arith.divf %exp3A_95, %add3A_110 : vector<16xf32>
    %swap3A_126 = arith.constant 48 : index
    %swap3A_127 = tpu.vector_load %arg8[%swap3A_126] {strides = array<i32>} : memref<144xf32, #tpu.memory_space<vmem>>, vector<16xf32>,
    %swap3A_128 = vector.shape_cast %swap3A_127 : vector<16xf32> to vector<16xf32>
    %swap3A_129 = vector.shape_cast %div3A_125 : vector<16xf32> to vector<16xf32>
    tpu.vector_store %arg8[%swap3A_126], %swap3A_129 {strides = array<i32>} : memref<144xf32, #tpu.memory_space<vmem>>, vector<16xf32>,
    %div3A_130 = arith.divf %exp3A_97, %add3A_110 : vector<16xf32>
    %swap3A_131 = arith.constant 64 : index
    %swap3A_132 = tpu.vector_load %arg8[%swap3A_131] {strides = array<i32>} : memref<144xf32, #tpu.memory_space<vmem>>, vector<16xf32>,
    %swap3A_133 = vector.shape_cast %swap3A_132 : vector<16xf32> to vector<16xf32>
    %swap3A_134 = vector.shape_cast %div3A_130 : vector<16xf32> to vector<16xf32>
    tpu.vector_store %arg8[%swap3A_131], %swap3A_134 {strides = array<i32>} : memref<144xf32, #tpu.memory_space<vmem>>, vector<16xf32>,
    %div3A_135 = arith.divf %exp3A_99, %add3A_110 : vector<16xf32>
    %swap3A_136 = arith.constant 80 : index
    %swap3A_137 = tpu.vector_load %arg8[%swap3A_136] {strides = array<i32>} : memref<144xf32, #tpu.memory_space<vmem>>, vector<16xf32>,
    %swap3A_138 = vector.shape_cast %swap3A_137 : vector<16xf32> to vector<16xf32>
    %swap3A_139 = vector.shape_cast %div3A_135 : vector<16xf32> to vector<16xf32>
    tpu.vector_store %arg8[%swap3A_136], %swap3A_139 {strides = array<i32>} : memref<144xf32, #tpu.memory_space<vmem>>, vector<16xf32>,
    %div3A_140 = arith.divf %exp3A_101, %add3A_110 : vector<16xf32>
    %swap3A_141 = arith.constant 96 : index
    %swap3A_142 = tpu.vector_load %arg8[%swap3A_141] {strides = array<i32>} : memref<144xf32, #tpu.memory_space<vmem>>, vector<16xf32>,
    %swap3A_143 = vector.shape_cast %swap3A_142 : vector<16xf32> to vector<16xf32>
    %swap3A_144 = vector.shape_cast %div3A_140 : vector<16xf32> to vector<16xf32>
    tpu.vector_store %arg8[%swap3A_141], %swap3A_144 {strides = array<i32>} : memref<144xf32, #tpu.memory_space<vmem>>, vector<16xf32>,
    %div3A_145 = arith.divf %exp3A_103, %add3A_110 : vector<16xf32>
    %swap3A_146 = arith.constant 112 : index
    %swap3A_147 = tpu.vector_load %arg8[%swap3A_146] {strides = array<i32>} : memref<144xf32, #tpu.memory_space<vmem>>, vector<16xf32>,
    %swap3A_148 = vector.shape_cast %swap3A_147 : vector<16xf32> to vector<16xf32>
    %swap3A_149 = vector.shape_cast %div3A_145 : vector<16xf32> to vector<16xf32>
    tpu.vector_store %arg8[%swap3A_146], %swap3A_149 {strides = array<i32>} : memref<144xf32, #tpu.memory_space<vmem>>, vector<16xf32>,
    %add3A_150 = arith.constant 0 : i32
    %add3A_151 = arith.addi %add3A_150, %select_n3A : i32
    %get3A_152 = arith.index_cast %add3A_151 : i32 to index
    %get3A_153 = tpu.vector_load %arg8[%get3A_152] {strides = array<i32>} : memref<144xf32, #tpu.memory_space<vmem>>, vector<16xf32>,
    %get3A_154 = vector.shape_cast %get3A_153 : vector<16xf32> to vector<16xf32>
    %slice3A = vector.extract_strided_slice %get3A_154 {offsets = [0], sizes = [1], strides = [1]} : vector<16xf32> to vector<1xf32>
    %squeeze3A = vector.extract %slice3A[0] : f32 from vector<1xf32>
    %broadcast_in_dim3A = vector.broadcast %squeeze3A : f32 to vector<16xf32>
    %add3A_155 = arith.constant 16 : i32
    %add3A_156 = arith.addi %add3A_155, %select_n3A : i32
    %get3A_157 = arith.index_cast %add3A_156 : i32 to index
    %get3A_158 = tpu.vector_load %arg8[%get3A_157] {strides = array<i32>} : memref<144xf32, #tpu.memory_space<vmem>>, vector<16xf32>,
    %get3A_159 = vector.shape_cast %get3A_158 : vector<16xf32> to vector<16xf32>
    %slice3A_160 = vector.extract_strided_slice %get3A_159 {offsets = [0], sizes = [1], strides = [1]} : vector<16xf32> to vector<1xf32>
    %squeeze3A_161 = vector.extract %slice3A_160[0] : f32 from vector<1xf32>
    %broadcast_in_dim3A_162 = vector.broadcast %squeeze3A_161 : f32 to vector<16xf32>
    %add3A_163 = arith.constant 32 : i32
    %add3A_164 = arith.addi %add3A_163, %select_n3A : i32
    %get3A_165 = arith.index_cast %add3A_164 : i32 to index
    %get3A_166 = tpu.vector_load %arg8[%get3A_165] {strides = array<i32>} : memref<144xf32, #tpu.memory_space<vmem>>, vector<16xf32>,
    %get3A_167 = vector.shape_cast %get3A_166 : vector<16xf32> to vector<16xf32>
    %slice3A_168 = vector.extract_strided_slice %get3A_167 {offsets = [0], sizes = [1], strides = [1]} : vector<16xf32> to vector<1xf32>
    %squeeze3A_169 = vector.extract %slice3A_168[0] : f32 from vector<1xf32>
    %broadcast_in_dim3A_170 = vector.broadcast %squeeze3A_169 : f32 to vector<16xf32>
    %add3A_171 = arith.constant 48 : i32
    %add3A_172 = arith.addi %add3A_171, %select_n3A : i32
    %get3A_173 = arith.index_cast %add3A_172 : i32 to index
    %get3A_174 = tpu.vector_load %arg8[%get3A_173] {strides = array<i32>} : memref<144xf32, #tpu.memory_space<vmem>>, vector<16xf32>,
    %get3A_175 = vector.shape_cast %get3A_174 : vector<16xf32> to vector<16xf32>
    %slice3A_176 = vector.extract_strided_slice %get3A_175 {offsets = [0], sizes = [1], strides = [1]} : vector<16xf32> to vector<1xf32>
    %squeeze3A_177 = vector.extract %slice3A_176[0] : f32 from vector<1xf32>
    %broadcast_in_dim3A_178 = vector.broadcast %squeeze3A_177 : f32 to vector<16xf32>
    %add3A_179 = arith.constant 64 : i32
    %add3A_180 = arith.addi %add3A_179, %select_n3A : i32
    %get3A_181 = arith.index_cast %add3A_180 : i32 to index
    %get3A_182 = tpu.vector_load %arg8[%get3A_181] {strides = array<i32>} : memref<144xf32, #tpu.memory_space<vmem>>, vector<16xf32>,
    %get3A_183 = vector.shape_cast %get3A_182 : vector<16xf32> to vector<16xf32>
    %slice3A_184 = vector.extract_strided_slice %get3A_183 {offsets = [0], sizes = [1], strides = [1]} : vector<16xf32> to vector<1xf32>
    %squeeze3A_185 = vector.extract %slice3A_184[0] : f32 from vector<1xf32>
    %broadcast_in_dim3A_186 = vector.broadcast %squeeze3A_185 : f32 to vector<16xf32>
    %add3A_187 = arith.constant 80 : i32
    %add3A_188 = arith.addi %add3A_187, %select_n3A : i32
    %get3A_189 = arith.index_cast %add3A_188 : i32 to index
    %get3A_190 = tpu.vector_load %arg8[%get3A_189] {strides = array<i32>} : memref<144xf32, #tpu.memory_space<vmem>>, vector<16xf32>,
    %get3A_191 = vector.shape_cast %get3A_190 : vector<16xf32> to vector<16xf32>
    %slice3A_192 = vector.extract_strided_slice %get3A_191 {offsets = [0], sizes = [1], strides = [1]} : vector<16xf32> to vector<1xf32>
    %squeeze3A_193 = vector.extract %slice3A_192[0] : f32 from vector<1xf32>
    %broadcast_in_dim3A_194 = vector.broadcast %squeeze3A_193 : f32 to vector<16xf32>
    %add3A_195 = arith.constant 96 : i32
    %add3A_196 = arith.addi %add3A_195, %select_n3A : i32
    %get3A_197 = arith.index_cast %add3A_196 : i32 to index
    %get3A_198 = tpu.vector_load %arg8[%get3A_197] {strides = array<i32>} : memref<144xf32, #tpu.memory_space<vmem>>, vector<16xf32>,
    %get3A_199 = vector.shape_cast %get3A_198 : vector<16xf32> to vector<16xf32>
    %slice3A_200 = vector.extract_strided_slice %get3A_199 {offsets = [0], sizes = [1], strides = [1]} : vector<16xf32> to vector<1xf32>
    %squeeze3A_201 = vector.extract %slice3A_200[0] : f32 from vector<1xf32>
    %broadcast_in_dim3A_202 = vector.broadcast %squeeze3A_201 : f32 to vector<16xf32>
    %add3A_203 = arith.constant 112 : i32
    %add3A_204 = arith.addi %add3A_203, %select_n3A : i32
    %get3A_205 = arith.index_cast %add3A_204 : i32 to index
    %get3A_206 = tpu.vector_load %arg8[%get3A_205] {strides = array<i32>} : memref<144xf32, #tpu.memory_space<vmem>>, vector<16xf32>,
    %get3A_207 = vector.shape_cast %get3A_206 : vector<16xf32> to vector<16xf32>
    %slice3A_208 = vector.extract_strided_slice %get3A_207 {offsets = [0], sizes = [1], strides = [1]} : vector<16xf32> to vector<1xf32>
    %squeeze3A_209 = vector.extract %slice3A_208[0] : f32 from vector<1xf32>
    %broadcast_in_dim3A_210 = vector.broadcast %squeeze3A_209 : f32 to vector<16xf32>
    %dma_start3A = arith.constant 0 : i32
    %dma_start3A_211 = arith.constant 0 : i32
    %dma_start3A_212 = arith.constant 0 : i32
    %dma_start3A_213 = arith.constant 0 : i32
    %dma_start3A_214 = arith.constant 0 : i32
    %dma_start3A_215 = arith.constant 0 : i32
    %dma_start3A_216 = tpu.memref_slice %arg9[%dma_start3A_211, %dma_start3A_213, %dma_start3A_214, %dma_start3A_215] : memref<3x8x32x96xf32, #tpu.memory_space<vmem>> -> memref<1x8x32x96xf32, #tpu.memory_space<vmem>>
    %dma_start3A_217 = tpu.memref_squeeze %dma_start3A_216 : memref<1x8x32x96xf32, #tpu.memory_space<vmem>> -> memref<8x32x96xf32, #tpu.memory_space<vmem>>
    %dma_start3A_218 = arith.constant 0 : i32
    %dma_start3A_219 = arith.constant 0 : i32
    %dma_start3A_220 = tpu.memref_slice %arg2[%select_n3A, %dma_start3A_218, %dma_start3A, %mul3A_32, %dma_start3A_219] : memref<16x8x64x64x96xf32, #tpu.memory_space<hbm>> -> memref<1x8x1x32x96xf32, #tpu.memory_space<hbm>>
    %dma_start3A_221 = tpu.memref_squeeze %dma_start3A_220 : memref<1x8x1x32x96xf32, #tpu.memory_space<hbm>> -> memref<8x32x96xf32, #tpu.memory_space<hbm>>
    %dma_start3A_222 = tpu.memref_slice %arg11[%dma_start3A_212] : memref<3x!tpu.dma_semaphore, #tpu.memory_space<semaphore_mem>> -> memref<1x!tpu.dma_semaphore, #tpu.memory_space<semaphore_mem>>
    %dma_start3A_223 = tpu.memref_squeeze %dma_start3A_222 : memref<1x!tpu.dma_semaphore, #tpu.memory_space<semaphore_mem>> -> memref<!tpu.dma_semaphore, #tpu.memory_space<semaphore_mem>>
    %dma_start3A_224 = arith.constant 0 : i32
    %dma_start3A_225 = arith.constant 0 : i32
    %dma_start3A_226 = arith.constant 0 : i32
    %dma_start3A_227 = tpu.memref_slice %arg9[%dma_start3A_211, %dma_start3A_224, %dma_start3A_225, %dma_start3A_226] : memref<3x8x32x96xf32, #tpu.memory_space<vmem>> -> memref<1x8x32x96xf32, #tpu.memory_space<vmem>>
    %dma_start3A_228 = tpu.memref_squeeze %dma_start3A_227 : memref<1x8x32x96xf32, #tpu.memory_space<vmem>> -> memref<8x32x96xf32, #tpu.memory_space<vmem>>
    %dma_start3A_229 = arith.constant 0 : i32
    %dma_start3A_230 = arith.constant 0 : i32
    %dma_start3A_231 = tpu.memref_slice %arg2[%select_n3A, %dma_start3A_229, %dma_start3A, %mul3A_32, %dma_start3A_230] : memref<16x8x64x64x96xf32, #tpu.memory_space<hbm>> -> memref<1x8x1x32x96xf32, #tpu.memory_space<hbm>>
    %dma_start3A_232 = tpu.memref_squeeze %dma_start3A_231 : memref<1x8x1x32x96xf32, #tpu.memory_space<hbm>> -> memref<8x32x96xf32, #tpu.memory_space<hbm>>
    tpu.enqueue_dma source(%dma_start3A_232 : memref<8x32x96xf32, #tpu.memory_space<hbm>>) target(%dma_start3A_228 : memref<8x32x96xf32, #tpu.memory_space<vmem>>) target_semaphore(%dma_start3A_223 : memref<!tpu.dma_semaphore, #tpu.memory_space<semaphore_mem>>)
    %dma_start3A_233 = arith.constant 1 : i32
    %dma_start3A_234 = arith.constant 1 : i32
    %dma_start3A_235 = arith.constant 1 : i32
    %dma_start3A_236 = arith.constant 0 : i32
    %dma_start3A_237 = arith.constant 0 : i32
    %dma_start3A_238 = arith.constant 0 : i32
    %dma_start3A_239 = tpu.memref_slice %arg9[%dma_start3A_234, %dma_start3A_236, %dma_start3A_237, %dma_start3A_238] : memref<3x8x32x96xf32, #tpu.memory_space<vmem>> -> memref<1x8x32x96xf32, #tpu.memory_space<vmem>>
    %dma_start3A_240 = tpu.memref_squeeze %dma_start3A_239 : memref<1x8x32x96xf32, #tpu.memory_space<vmem>> -> memref<8x32x96xf32, #tpu.memory_space<vmem>>
    %dma_start3A_241 = arith.constant 0 : i32
    %dma_start3A_242 = arith.constant 0 : i32
    %dma_start3A_243 = tpu.memref_slice %arg2[%select_n3A, %dma_start3A_241, %dma_start3A_233, %mul3A_32, %dma_start3A_242] : memref<16x8x64x64x96xf32, #tpu.memory_space<hbm>> -> memref<1x8x1x32x96xf32, #tpu.memory_space<hbm>>
    %dma_start3A_244 = tpu.memref_squeeze %dma_start3A_243 : memref<1x8x1x32x96xf32, #tpu.memory_space<hbm>> -> memref<8x32x96xf32, #tpu.memory_space<hbm>>
    %dma_start3A_245 = tpu.memref_slice %arg11[%dma_start3A_235] : memref<3x!tpu.dma_semaphore, #tpu.memory_space<semaphore_mem>> -> memref<1x!tpu.dma_semaphore, #tpu.memory_space<semaphore_mem>>
    %dma_start3A_246 = tpu.memref_squeeze %dma_start3A_245 : memref<1x!tpu.dma_semaphore, #tpu.memory_space<semaphore_mem>> -> memref<!tpu.dma_semaphore, #tpu.memory_space<semaphore_mem>>
    %dma_start3A_247 = arith.constant 0 : i32
    %dma_start3A_248 = arith.constant 0 : i32
    %dma_start3A_249 = arith.constant 0 : i32
    %dma_start3A_250 = tpu.memref_slice %arg9[%dma_start3A_234, %dma_start3A_247, %dma_start3A_248, %dma_start3A_249] : memref<3x8x32x96xf32, #tpu.memory_space<vmem>> -> memref<1x8x32x96xf32, #tpu.memory_space<vmem>>
    %dma_start3A_251 = tpu.memref_squeeze %dma_start3A_250 : memref<1x8x32x96xf32, #tpu.memory_space<vmem>> -> memref<8x32x96xf32, #tpu.memory_space<vmem>>
    %dma_start3A_252 = arith.constant 0 : i32
    %dma_start3A_253 = arith.constant 0 : i32
    %dma_start3A_254 = tpu.memref_slice %arg2[%select_n3A, %dma_start3A_252, %dma_start3A_233, %mul3A_32, %dma_start3A_253] : memref<16x8x64x64x96xf32, #tpu.memory_space<hbm>> -> memref<1x8x1x32x96xf32, #tpu.memory_space<hbm>>
    %dma_start3A_255 = tpu.memref_squeeze %dma_start3A_254 : memref<1x8x1x32x96xf32, #tpu.memory_space<hbm>> -> memref<8x32x96xf32, #tpu.memory_space<hbm>>
    tpu.enqueue_dma source(%dma_start3A_255 : memref<8x32x96xf32, #tpu.memory_space<hbm>>) target(%dma_start3A_251 : memref<8x32x96xf32, #tpu.memory_space<vmem>>) target_semaphore(%dma_start3A_246 : memref<!tpu.dma_semaphore, #tpu.memory_space<semaphore_mem>>)
    %dma_start3A_256 = arith.constant 2 : i32
    %dma_start3A_257 = arith.constant 2 : i32
    %dma_start3A_258 = arith.constant 2 : i32
    %dma_start3A_259 = arith.constant 0 : i32
    %dma_start3A_260 = arith.constant 0 : i32
    %dma_start3A_261 = arith.constant 0 : i32
    %dma_start3A_262 = tpu.memref_slice %arg9[%dma_start3A_257, %dma_start3A_259, %dma_start3A_260, %dma_start3A_261] : memref<3x8x32x96xf32, #tpu.memory_space<vmem>> -> memref<1x8x32x96xf32, #tpu.memory_space<vmem>>
    %dma_start3A_263 = tpu.memref_squeeze %dma_start3A_262 : memref<1x8x32x96xf32, #tpu.memory_space<vmem>> -> memref<8x32x96xf32, #tpu.memory_space<vmem>>
    %dma_start3A_264 = arith.constant 0 : i32
    %dma_start3A_265 = arith.constant 0 : i32
    %dma_start3A_266 = tpu.memref_slice %arg2[%select_n3A, %dma_start3A_264, %dma_start3A_256, %mul3A_32, %dma_start3A_265] : memref<16x8x64x64x96xf32, #tpu.memory_space<hbm>> -> memref<1x8x1x32x96xf32, #tpu.memory_space<hbm>>
    %dma_start3A_267 = tpu.memref_squeeze %dma_start3A_266 : memref<1x8x1x32x96xf32, #tpu.memory_space<hbm>> -> memref<8x32x96xf32, #tpu.memory_space<hbm>>
    %dma_start3A_268 = tpu.memref_slice %arg11[%dma_start3A_258] : memref<3x!tpu.dma_semaphore, #tpu.memory_space<semaphore_mem>> -> memref<1x!tpu.dma_semaphore, #tpu.memory_space<semaphore_mem>>
    %dma_start3A_269 = tpu.memref_squeeze %dma_start3A_268 : memref<1x!tpu.dma_semaphore, #tpu.memory_space<semaphore_mem>> -> memref<!tpu.dma_semaphore, #tpu.memory_space<semaphore_mem>>
    %dma_start3A_270 = arith.constant 0 : i32
    %dma_start3A_271 = arith.constant 0 : i32
    %dma_start3A_272 = arith.constant 0 : i32
    %dma_start3A_273 = tpu.memref_slice %arg9[%dma_start3A_257, %dma_start3A_270, %dma_start3A_271, %dma_start3A_272] : memref<3x8x32x96xf32, #tpu.memory_space<vmem>> -> memref<1x8x32x96xf32, #tpu.memory_space<vmem>>
    %dma_start3A_274 = tpu.memref_squeeze %dma_start3A_273 : memref<1x8x32x96xf32, #tpu.memory_space<vmem>> -> memref<8x32x96xf32, #tpu.memory_space<vmem>>
    %dma_start3A_275 = arith.constant 0 : i32
    %dma_start3A_276 = arith.constant 0 : i32
    %dma_start3A_277 = tpu.memref_slice %arg2[%select_n3A, %dma_start3A_275, %dma_start3A_256, %mul3A_32, %dma_start3A_276] : memref<16x8x64x64x96xf32, #tpu.memory_space<hbm>> -> memref<1x8x1x32x96xf32, #tpu.memory_space<hbm>>
    %dma_start3A_278 = tpu.memref_squeeze %dma_start3A_277 : memref<1x8x1x32x96xf32, #tpu.memory_space<hbm>> -> memref<8x32x96xf32, #tpu.memory_space<hbm>>
    tpu.enqueue_dma source(%dma_start3A_278 : memref<8x32x96xf32, #tpu.memory_space<hbm>>) target(%dma_start3A_274 : memref<8x32x96xf32, #tpu.memory_space<vmem>>) target_semaphore(%dma_start3A_269 : memref<!tpu.dma_semaphore, #tpu.memory_space<semaphore_mem>>)
    %scan3A = arith.constant 0 : i32
    %scan3A_279 = arith.constant 0 : i32
    %scan3A_280 = arith.constant 21 : i32
    %scan3A_281 = arith.addi %scan3A_279, %scan3A_280 : i32
    %scan3A_282 = arith.constant 1 : i32
    scf.for %scan3A_407 = %scan3A_279 to %scan3A_281 step %scan3A_282  : i32 {
      %mul3A_408 = arith.constant 3 : i32
      %mul3A_409 = arith.muli %scan3A_407, %mul3A_408 : i32
      %add3A_410 = arith.constant 0 : i32
      %add3A_411 = arith.addi %mul3A_409, %add3A_410 : i32
      %dma_wait3A_412 = arith.constant 0 : i32
      %dma_wait3A_413 = arith.constant 0 : i32
      %dma_wait3A_414 = arith.constant 0 : i32
      %dma_wait3A_415 = arith.constant 0 : i32
      %dma_wait3A_416 = arith.constant 0 : i32
      %dma_wait3A_417 = tpu.memref_slice %arg9[%dma_wait3A_412, %dma_wait3A_414, %dma_wait3A_415, %dma_wait3A_416] : memref<3x8x32x96xf32, #tpu.memory_space<vmem>> -> memref<1x8x32x96xf32, #tpu.memory_space<vmem>>
      %dma_wait3A_418 = tpu.memref_squeeze %dma_wait3A_417 : memref<1x8x32x96xf32, #tpu.memory_space<vmem>> -> memref<8x32x96xf32, #tpu.memory_space<vmem>>
      %dma_wait3A_419 = arith.constant 0 : i32
      %dma_wait3A_420 = arith.constant 0 : i32
      %dma_wait3A_421 = tpu.memref_slice %arg2[%select_n3A, %dma_wait3A_419, %add3A_411, %mul3A_32, %dma_wait3A_420] : memref<16x8x64x64x96xf32, #tpu.memory_space<hbm>> -> memref<1x8x1x32x96xf32, #tpu.memory_space<hbm>>
      %dma_wait3A_422 = tpu.memref_squeeze %dma_wait3A_421 : memref<1x8x1x32x96xf32, #tpu.memory_space<hbm>> -> memref<8x32x96xf32, #tpu.memory_space<hbm>>
      %dma_wait3A_423 = tpu.memref_slice %arg11[%dma_wait3A_413] : memref<3x!tpu.dma_semaphore, #tpu.memory_space<semaphore_mem>> -> memref<1x!tpu.dma_semaphore, #tpu.memory_space<semaphore_mem>>
      %dma_wait3A_424 = tpu.memref_squeeze %dma_wait3A_423 : memref<1x!tpu.dma_semaphore, #tpu.memory_space<semaphore_mem>> -> memref<!tpu.dma_semaphore, #tpu.memory_space<semaphore_mem>>
      %dma_wait3A_425 = arith.constant 0 : i32
      %dma_wait3A_426 = arith.constant 0 : i32
      %dma_wait3A_427 = arith.constant 0 : i32
      %dma_wait3A_428 = tpu.memref_slice %arg9[%dma_wait3A_412, %dma_wait3A_425, %dma_wait3A_426, %dma_wait3A_427] : memref<3x8x32x96xf32, #tpu.memory_space<vmem>> -> memref<1x8x32x96xf32, #tpu.memory_space<vmem>>
      %dma_wait3A_429 = tpu.memref_squeeze %dma_wait3A_428 : memref<1x8x32x96xf32, #tpu.memory_space<vmem>> -> memref<8x32x96xf32, #tpu.memory_space<vmem>>
      %dma_wait3A_430 = arith.constant 0 : i32
      %dma_wait3A_431 = arith.constant 0 : i32
      %dma_wait3A_432 = tpu.memref_slice %arg2[%select_n3A, %dma_wait3A_430, %add3A_411, %mul3A_32, %dma_wait3A_431] : memref<16x8x64x64x96xf32, #tpu.memory_space<hbm>> -> memref<1x8x1x32x96xf32, #tpu.memory_space<hbm>>
      %dma_wait3A_433 = tpu.memref_squeeze %dma_wait3A_432 : memref<1x8x1x32x96xf32, #tpu.memory_space<hbm>> -> memref<8x32x96xf32, #tpu.memory_space<hbm>>
      tpu.wait_dma2 semaphore(%dma_wait3A_424 : memref<!tpu.dma_semaphore, #tpu.memory_space<semaphore_mem>>) src(%dma_wait3A_433 : memref<8x32x96xf32, #tpu.memory_space<hbm>>) dst(%dma_wait3A_429 : memref<8x32x96xf32, #tpu.memory_space<vmem>>)
      %ge3A = arith.constant 3 : i32
      %ge3A_434 = arith.cmpi sge, %add3A_411, %ge3A : i32
      %convert_element_type3A = arith.extui %ge3A_434 : i1 to i32
      %cond3A = arith.constant 0 : i32
      %cond3A_435 = arith.cmpi ne, %convert_element_type3A, %cond3A : i32
      scf.if %cond3A_435 {
        %dma_wait3A_587 = arith.constant 0 : i32
        %dma_wait3A_588 = arith.constant 0 : i32
        %dma_wait3A_589 = arith.constant 0 : i32
        %dma_wait3A_590 = arith.constant 0 : i32
        %dma_wait3A_591 = arith.constant 0 : i32
        %dma_wait3A_592 = tpu.memref_slice %arg10[%dma_wait3A_587, %dma_wait3A_590, %dma_wait3A_591] : memref<3x32x96xf32, #tpu.memory_space<vmem>> -> memref<1x32x96xf32, #tpu.memory_space<vmem>>
        %dma_wait3A_593 = tpu.memref_squeeze %dma_wait3A_592 : memref<1x32x96xf32, #tpu.memory_space<vmem>> -> memref<32x96xf32, #tpu.memory_space<vmem>>
        %dma_wait3A_594 = arith.constant 0 : i32
        %dma_wait3A_595 = tpu.memref_slice %arg5[%select_n3A, %dma_wait3A_588, %mul3A_32, %dma_wait3A_594] : memref<16x64x64x96xf32, #tpu.memory_space<hbm>> -> memref<1x1x32x96xf32, #tpu.memory_space<hbm>>
        %dma_wait3A_596 = tpu.memref_squeeze %dma_wait3A_595 : memref<1x1x32x96xf32, #tpu.memory_space<hbm>> -> memref<32x96xf32, #tpu.memory_space<hbm>>
        %dma_wait3A_597 = tpu.memref_slice %arg12[%dma_wait3A_589] : memref<3x!tpu.dma_semaphore, #tpu.memory_space<semaphore_mem>> -> memref<1x!tpu.dma_semaphore, #tpu.memory_space<semaphore_mem>>
        %dma_wait3A_598 = tpu.memref_squeeze %dma_wait3A_597 : memref<1x!tpu.dma_semaphore, #tpu.memory_space<semaphore_mem>> -> memref<!tpu.dma_semaphore, #tpu.memory_space<semaphore_mem>>
        %dma_wait3A_599 = arith.constant 0 : i32
        %dma_wait3A_600 = tpu.memref_slice %arg5[%select_n3A, %dma_wait3A_588, %mul3A_32, %dma_wait3A_599] : memref<16x64x64x96xf32, #tpu.memory_space<hbm>> -> memref<1x1x32x96xf32, #tpu.memory_space<hbm>>
        %dma_wait3A_601 = tpu.memref_squeeze %dma_wait3A_600 : memref<1x1x32x96xf32, #tpu.memory_space<hbm>> -> memref<32x96xf32, #tpu.memory_space<hbm>>
        %dma_wait3A_602 = arith.constant 0 : i32
        %dma_wait3A_603 = arith.constant 0 : i32
        %dma_wait3A_604 = tpu.memref_slice %arg10[%dma_wait3A_587, %dma_wait3A_602, %dma_wait3A_603] : memref<3x32x96xf32, #tpu.memory_space<vmem>> -> memref<1x32x96xf32, #tpu.memory_space<vmem>>
        %dma_wait3A_605 = tpu.memref_squeeze %dma_wait3A_604 : memref<1x32x96xf32, #tpu.memory_space<vmem>> -> memref<32x96xf32, #tpu.memory_space<vmem>>
        tpu.wait_dma2 semaphore(%dma_wait3A_598 : memref<!tpu.dma_semaphore, #tpu.memory_space<semaphore_mem>>) src(%dma_wait3A_605 : memref<32x96xf32, #tpu.memory_space<vmem>>) dst(%dma_wait3A_601 : memref<32x96xf32, #tpu.memory_space<hbm>>)
      } else {
      }
      %scan3A_436 = arith.constant 0 : i32
      %scan3A_437 = arith.constant 0 : i32
      %scan3A_438 = arith.constant 16 : i32
      %scan3A_439 = arith.addi %scan3A_437, %scan3A_438 : i32
      %scan3A_440 = arith.constant 1 : i32
      scf.for %scan3A_587 = %scan3A_437 to %scan3A_439 step %scan3A_440  : i32 {
        %mul3A_588 = arith.constant 2 : i32
        %mul3A_589 = arith.muli %scan3A_587, %mul3A_588 : i32
        %add3A_590 = arith.constant 0 : i32
        %add3A_591 = arith.addi %mul3A_589, %add3A_590 : i32
        %get3A_592 = arith.constant 0 : i32
        %get3A_593 = arith.constant 0 : i32
        %get3A_594 = arith.index_cast %get3A_592 : i32 to index
        %get3A_595 = arith.index_cast %get3A_593 : i32 to index
        %get3A_596 = arith.index_cast %add3A_591 : i32 to index
        %get3A_597 = arith.constant 0 : index
        %get3A_598 = tpu.vector_load %arg9[%get3A_594, %get3A_595, %get3A_596, %get3A_597] {strides = array<i32>} : memref<3x8x32x96xf32, #tpu.memory_space<vmem>>, vector<1x1x1x16xf32>,
        %get3A_599 = vector.shape_cast %get3A_598 : vector<1x1x1x16xf32> to vector<16xf32>
        %mul3A_600 = arith.mulf %broadcast_in_dim3A, %get3A_599 : vector<16xf32>
        %get3A_601 = arith.constant 0 : i32
        %get3A_602 = arith.constant 1 : i32
        %get3A_603 = arith.index_cast %get3A_601 : i32 to index
        %get3A_604 = arith.index_cast %get3A_602 : i32 to index
        %get3A_605 = arith.index_cast %add3A_591 : i32 to index
        %get3A_606 = arith.constant 0 : index
        %get3A_607 = tpu.vector_load %arg9[%get3A_603, %get3A_604, %get3A_605, %get3A_606] {strides = array<i32>} : memref<3x8x32x96xf32, #tpu.memory_space<vmem>>, vector<1x1x1x16xf32>,
        %get3A_608 = vector.shape_cast %get3A_607 : vector<1x1x1x16xf32> to vector<16xf32>
        %mul3A_609 = arith.mulf %broadcast_in_dim3A_162, %get3A_608 : vector<16xf32>
        %add3A_610 = arith.addf %mul3A_600, %mul3A_609 : vector<16xf32>
        %get3A_611 = arith.constant 0 : i32
        %get3A_612 = arith.constant 2 : i32
        %get3A_613 = arith.index_cast %get3A_611 : i32 to index
        %get3A_614 = arith.index_cast %get3A_612 : i32 to index
        %get3A_615 = arith.index_cast %add3A_591 : i32 to index
        %get3A_616 = arith.constant 0 : index
        %get3A_617 = tpu.vector_load %arg9[%get3A_613, %get3A_614, %get3A_615, %get3A_616] {strides = array<i32>} : memref<3x8x32x96xf32, #tpu.memory_space<vmem>>, vector<1x1x1x16xf32>,
        %get3A_618 = vector.shape_cast %get3A_617 : vector<1x1x1x16xf32> to vector<16xf32>
        %mul3A_619 = arith.mulf %broadcast_in_dim3A_170, %get3A_618 : vector<16xf32>
        %add3A_620 = arith.addf %add3A_610, %mul3A_619 : vector<16xf32>
        %get3A_621 = arith.constant 0 : i32
        %get3A_622 = arith.constant 3 : i32
        %get3A_623 = arith.index_cast %get3A_621 : i32 to index
        %get3A_624 = arith.index_cast %get3A_622 : i32 to index
        %get3A_625 = arith.index_cast %add3A_591 : i32 to index
        %get3A_626 = arith.constant 0 : index
        %get3A_627 = tpu.vector_load %arg9[%get3A_623, %get3A_624, %get3A_625, %get3A_626] {strides = array<i32>} : memref<3x8x32x96xf32, #tpu.memory_space<vmem>>, vector<1x1x1x16xf32>,
        %get3A_628 = vector.shape_cast %get3A_627 : vector<1x1x1x16xf32> to vector<16xf32>
        %mul3A_629 = arith.mulf %broadcast_in_dim3A_178, %get3A_628 : vector<16xf32>
        %add3A_630 = arith.addf %add3A_620, %mul3A_629 : vector<16xf32>
        %get3A_631 = arith.constant 0 : i32
        %get3A_632 = arith.constant 4 : i32
        %get3A_633 = arith.index_cast %get3A_631 : i32 to index
        %get3A_634 = arith.index_cast %get3A_632 : i32 to index
        %get3A_635 = arith.index_cast %add3A_591 : i32 to index
        %get3A_636 = arith.constant 0 : index
        %get3A_637 = tpu.vector_load %arg9[%get3A_633, %get3A_634, %get3A_635, %get3A_636] {strides = array<i32>} : memref<3x8x32x96xf32, #tpu.memory_space<vmem>>, vector<1x1x1x16xf32>,
        %get3A_638 = vector.shape_cast %get3A_637 : vector<1x1x1x16xf32> to vector<16xf32>
        %mul3A_639 = arith.mulf %broadcast_in_dim3A_186, %get3A_638 : vector<16xf32>
        %add3A_640 = arith.addf %add3A_630, %mul3A_639 : vector<16xf32>
        %get3A_641 = arith.constant 0 : i32
        %get3A_642 = arith.constant 5 : i32
        %get3A_643 = arith.index_cast %get3A_641 : i32 to index
        %get3A_644 = arith.index_cast %get3A_642 : i32 to index
        %get3A_645 = arith.index_cast %add3A_591 : i32 to index
        %get3A_646 = arith.constant 0 : index
        %get3A_647 = tpu.vector_load %arg9[%get3A_643, %get3A_644, %get3A_645, %get3A_646] {strides = array<i32>} : memref<3x8x32x96xf32, #tpu.memory_space<vmem>>, vector<1x1x1x16xf32>,
        %get3A_648 = vector.shape_cast %get3A_647 : vector<1x1x1x16xf32> to vector<16xf32>
        %mul3A_649 = arith.mulf %broadcast_in_dim3A_194, %get3A_648 : vector<16xf32>
        %add3A_650 = arith.addf %add3A_640, %mul3A_649 : vector<16xf32>
        %get3A_651 = arith.constant 0 : i32
        %get3A_652 = arith.constant 6 : i32
        %get3A_653 = arith.index_cast %get3A_651 : i32 to index
        %get3A_654 = arith.index_cast %get3A_652 : i32 to index
        %get3A_655 = arith.index_cast %add3A_591 : i32 to index
        %get3A_656 = arith.constant 0 : index
        %get3A_657 = tpu.vector_load %arg9[%get3A_653, %get3A_654, %get3A_655, %get3A_656] {strides = array<i32>} : memref<3x8x32x96xf32, #tpu.memory_space<vmem>>, vector<1x1x1x16xf32>,
        %get3A_658 = vector.shape_cast %get3A_657 : vector<1x1x1x16xf32> to vector<16xf32>
        %mul3A_659 = arith.mulf %broadcast_in_dim3A_202, %get3A_658 : vector<16xf32>
        %add3A_660 = arith.addf %add3A_650, %mul3A_659 : vector<16xf32>
        %get3A_661 = arith.constant 0 : i32
        %get3A_662 = arith.constant 7 : i32
        %get3A_663 = arith.index_cast %get3A_661 : i32 to index
        %get3A_664 = arith.index_cast %get3A_662 : i32 to index
        %get3A_665 = arith.index_cast %add3A_591 : i32 to index
        %get3A_666 = arith.constant 0 : index
        %get3A_667 = tpu.vector_load %arg9[%get3A_663, %get3A_664, %get3A_665, %get3A_666] {strides = array<i32>} : memref<3x8x32x96xf32, #tpu.memory_space<vmem>>, vector<1x1x1x16xf32>,
        %get3A_668 = vector.shape_cast %get3A_667 : vector<1x1x1x16xf32> to vector<16xf32>
        %mul3A_669 = arith.mulf %broadcast_in_dim3A_210, %get3A_668 : vector<16xf32>
        %add3A_670 = arith.addf %add3A_660, %mul3A_669 : vector<16xf32>
        %swap3A_671 = arith.constant 0 : i32
        %swap3A_672 = arith.index_cast %swap3A_671 : i32 to index
        %swap3A_673 = arith.index_cast %add3A_591 : i32 to index
        %swap3A_674 = arith.constant 0 : index
        %swap3A_675 = tpu.vector_load %arg10[%swap3A_672, %swap3A_673, %swap3A_674] {strides = array<i32>} : memref<3x32x96xf32, #tpu.memory_space<vmem>>, vector<1x1x16xf32>,
        %swap3A_676 = vector.shape_cast %swap3A_675 : vector<1x1x16xf32> to vector<16xf32>
        %swap3A_677 = vector.shape_cast %add3A_670 : vector<16xf32> to vector<1x1x16xf32>
        tpu.vector_store %arg10[%swap3A_672, %swap3A_673, %swap3A_674], %swap3A_677 {strides = array<i32>} : memref<3x32x96xf32, #tpu.memory_space<vmem>>, vector<1x1x16xf32>,
        %get3A_678 = arith.constant 0 : i32
        %get3A_679 = arith.constant 0 : i32
        %get3A_680 = arith.index_cast %get3A_678 : i32 to index
        %get3A_681 = arith.index_cast %get3A_679 : i32 to index
        %get3A_682 = arith.index_cast %add3A_591 : i32 to index
        %get3A_683 = arith.constant 16 : index
        %get3A_684 = tpu.vector_load %arg9[%get3A_680, %get3A_681, %get3A_682, %get3A_683] {strides = array<i32>} : memref<3x8x32x96xf32, #tpu.memory_space<vmem>>, vector<1x1x1x16xf32>,
        %get3A_685 = vector.shape_cast %get3A_684 : vector<1x1x1x16xf32> to vector<16xf32>
        %mul3A_686 = arith.mulf %broadcast_in_dim3A, %get3A_685 : vector<16xf32>
        %get3A_687 = arith.constant 0 : i32
        %get3A_688 = arith.constant 1 : i32
        %get3A_689 = arith.index_cast %get3A_687 : i32 to index
        %get3A_690 = arith.index_cast %get3A_688 : i32 to index
        %get3A_691 = arith.index_cast %add3A_591 : i32 to index
        %get3A_692 = arith.constant 16 : index
        %get3A_693 = tpu.vector_load %arg9[%get3A_689, %get3A_690, %get3A_691, %get3A_692] {strides = array<i32>} : memref<3x8x32x96xf32, #tpu.memory_space<vmem>>, vector<1x1x1x16xf32>,
        %get3A_694 = vector.shape_cast %get3A_693 : vector<1x1x1x16xf32> to vector<16xf32>
        %mul3A_695 = arith.mulf %broadcast_in_dim3A_162, %get3A_694 : vector<16xf32>
        %add3A_696 = arith.addf %mul3A_686, %mul3A_695 : vector<16xf32>
        %get3A_697 = arith.constant 0 : i32
        %get3A_698 = arith.constant 2 : i32
        %get3A_699 = arith.index_cast %get3A_697 : i32 to index
        %get3A_700 = arith.index_cast %get3A_698 : i32 to index
        %get3A_701 = arith.index_cast %add3A_591 : i32 to index
        %get3A_702 = arith.constant 16 : index
        %get3A_703 = tpu.vector_load %arg9[%get3A_699, %get3A_700, %get3A_701, %get3A_702] {strides = array<i32>} : memref<3x8x32x96xf32, #tpu.memory_space<vmem>>, vector<1x1x1x16xf32>,
        %get3A_704 = vector.shape_cast %get3A_703 : vector<1x1x1x16xf32> to vector<16xf32>
        %mul3A_705 = arith.mulf %broadcast_in_dim3A_170, %get3A_704 : vector<16xf32>
        %add3A_706 = arith.addf %add3A_696, %mul3A_705 : vector<16xf32>
        %get3A_707 = arith.constant 0 : i32
        %get3A_708 = arith.constant 3 : i32
        %get3A_709 = arith.index_cast %get3A_707 : i32 to index
        %get3A_710 = arith.index_cast %get3A_708 : i32 to index
        %get3A_711 = arith.index_cast %add3A_591 : i32 to index
        %get3A_712 = arith.constant 16 : index
        %get3A_713 = tpu.vector_load %arg9[%get3A_709, %get3A_710, %get3A_711, %get3A_712] {strides = array<i32>} : memref<3x8x32x96xf32, #tpu.memory_space<vmem>>, vector<1x1x1x16xf32>,
        %get3A_714 = vector.shape_cast %get3A_713 : vector<1x1x1x16xf32> to vector<16xf32>
        %mul3A_715 = arith.mulf %broadcast_in_dim3A_178, %get3A_714 : vector<16xf32>
        %add3A_716 = arith.addf %add3A_706, %mul3A_715 : vector<16xf32>
        %get3A_717 = arith.constant 0 : i32
        %get3A_718 = arith.constant 4 : i32
        %get3A_719 = arith.index_cast %get3A_717 : i32 to index
        %get3A_720 = arith.index_cast %get3A_718 : i32 to index
        %get3A_721 = arith.index_cast %add3A_591 : i32 to index
        %get3A_722 = arith.constant 16 : index
        %get3A_723 = tpu.vector_load %arg9[%get3A_719, %get3A_720, %get3A_721, %get3A_722] {strides = array<i32>} : memref<3x8x32x96xf32, #tpu.memory_space<vmem>>, vector<1x1x1x16xf32>,
        %get3A_724 = vector.shape_cast %get3A_723 : vector<1x1x1x16xf32> to vector<16xf32>
        %mul3A_725 = arith.mulf %broadcast_in_dim3A_186, %get3A_724 : vector<16xf32>
        %add3A_726 = arith.addf %add3A_716, %mul3A_725 : vector<16xf32>
        %get3A_727 = arith.constant 0 : i32
        %get3A_728 = arith.constant 5 : i32
        %get3A_729 = arith.index_cast %get3A_727 : i32 to index
        %get3A_730 = arith.index_cast %get3A_728 : i32 to index
        %get3A_731 = arith.index_cast %add3A_591 : i32 to index
        %get3A_732 = arith.constant 16 : index
        %get3A_733 = tpu.vector_load %arg9[%get3A_729, %get3A_730, %get3A_731, %get3A_732] {strides = array<i32>} : memref<3x8x32x96xf32, #tpu.memory_space<vmem>>, vector<1x1x1x16xf32>,
        %get3A_734 = vector.shape_cast %get3A_733 : vector<1x1x1x16xf32> to vector<16xf32>
        %mul3A_735 = arith.mulf %broadcast_in_dim3A_194, %get3A_734 : vector<16xf32>
        %add3A_736 = arith.addf %add3A_726, %mul3A_735 : vector<16xf32>
        %get3A_737 = arith.constant 0 : i32
        %get3A_738 = arith.constant 6 : i32
        %get3A_739 = arith.index_cast %get3A_737 : i32 to index
        %get3A_740 = arith.index_cast %get3A_738 : i32 to index
        %get3A_741 = arith.index_cast %add3A_591 : i32 to index
        %get3A_742 = arith.constant 16 : index
        %get3A_743 = tpu.vector_load %arg9[%get3A_739, %get3A_740, %get3A_741, %get3A_742] {strides = array<i32>} : memref<3x8x32x96xf32, #tpu.memory_space<vmem>>, vector<1x1x1x16xf32>,
        %get3A_744 = vector.shape_cast %get3A_743 : vector<1x1x1x16xf32> to vector<16xf32>
        %mul3A_745 = arith.mulf %broadcast_in_dim3A_202, %get3A_744 : vector<16xf32>
        %add3A_746 = arith.addf %add3A_736, %mul3A_745 : vector<16xf32>
        %get3A_747 = arith.constant 0 : i32
        %get3A_748 = arith.constant 7 : i32
        %get3A_749 = arith.index_cast %get3A_747 : i32 to index
        %get3A_750 = arith.index_cast %get3A_748 : i32 to index
        %get3A_751 = arith.index_cast %add3A_591 : i32 to index
        %get3A_752 = arith.constant 16 : index
        %get3A_753 = tpu.vector_load %arg9[%get3A_749, %get3A_750, %get3A_751, %get3A_752] {strides = array<i32>} : memref<3x8x32x96xf32, #tpu.memory_space<vmem>>, vector<1x1x1x16xf32>,
        %get3A_754 = vector.shape_cast %get3A_753 : vector<1x1x1x16xf32> to vector<16xf32>
        %mul3A_755 = arith.mulf %broadcast_in_dim3A_210, %get3A_754 : vector<16xf32>
        %add3A_756 = arith.addf %add3A_746, %mul3A_755 : vector<16xf32>
        %swap3A_757 = arith.constant 0 : i32
        %swap3A_758 = arith.index_cast %swap3A_757 : i32 to index
        %swap3A_759 = arith.index_cast %add3A_591 : i32 to index
        %swap3A_760 = arith.constant 16 : index
        %swap3A_761 = tpu.vector_load %arg10[%swap3A_758, %swap3A_759, %swap3A_760] {strides = array<i32>} : memref<3x32x96xf32, #tpu.memory_space<vmem>>, vector<1x1x16xf32>,
        %swap3A_762 = vector.shape_cast %swap3A_761 : vector<1x1x16xf32> to vector<16xf32>
        %swap3A_763 = vector.shape_cast %add3A_756 : vector<16xf32> to vector<1x1x16xf32>
        tpu.vector_store %arg10[%swap3A_758, %swap3A_759, %swap3A_760], %swap3A_763 {strides = array<i32>} : memref<3x32x96xf32, #tpu.memory_space<vmem>>, vector<1x1x16xf32>,
        %get3A_764 = arith.constant 0 : i32
        %get3A_765 = arith.constant 0 : i32
        %get3A_766 = arith.index_cast %get3A_764 : i32 to index
        %get3A_767 = arith.index_cast %get3A_765 : i32 to index
        %get3A_768 = arith.index_cast %add3A_591 : i32 to index
        %get3A_769 = arith.constant 32 : index
        %get3A_770 = tpu.vector_load %arg9[%get3A_766, %get3A_767, %get3A_768, %get3A_769] {strides = array<i32>} : memref<3x8x32x96xf32, #tpu.memory_space<vmem>>, vector<1x1x1x16xf32>,
        %get3A_771 = vector.shape_cast %get3A_770 : vector<1x1x1x16xf32> to vector<16xf32>
        %mul3A_772 = arith.mulf %broadcast_in_dim3A, %get3A_771 : vector<16xf32>
        %get3A_773 = arith.constant 0 : i32
        %get3A_774 = arith.constant 1 : i32
        %get3A_775 = arith.index_cast %get3A_773 : i32 to index
        %get3A_776 = arith.index_cast %get3A_774 : i32 to index
        %get3A_777 = arith.index_cast %add3A_591 : i32 to index
        %get3A_778 = arith.constant 32 : index
        %get3A_779 = tpu.vector_load %arg9[%get3A_775, %get3A_776, %get3A_777, %get3A_778] {strides = array<i32>} : memref<3x8x32x96xf32, #tpu.memory_space<vmem>>, vector<1x1x1x16xf32>,
        %get3A_780 = vector.shape_cast %get3A_779 : vector<1x1x1x16xf32> to vector<16xf32>
        %mul3A_781 = arith.mulf %broadcast_in_dim3A_162, %get3A_780 : vector<16xf32>
        %add3A_782 = arith.addf %mul3A_772, %mul3A_781 : vector<16xf32>
        %get3A_783 = arith.constant 0 : i32
        %get3A_784 = arith.constant 2 : i32
        %get3A_785 = arith.index_cast %get3A_783 : i32 to index
        %get3A_786 = arith.index_cast %get3A_784 : i32 to index
        %get3A_787 = arith.index_cast %add3A_591 : i32 to index
        %get3A_788 = arith.constant 32 : index
        %get3A_789 = tpu.vector_load %arg9[%get3A_785, %get3A_786, %get3A_787, %get3A_788] {strides = array<i32>} : memref<3x8x32x96xf32, #tpu.memory_space<vmem>>, vector<1x1x1x16xf32>,
        %get3A_790 = vector.shape_cast %get3A_789 : vector<1x1x1x16xf32> to vector<16xf32>
        %mul3A_791 = arith.mulf %broadcast_in_dim3A_170, %get3A_790 : vector<16xf32>
        %add3A_792 = arith.addf %add3A_782, %mul3A_791 : vector<16xf32>
        %get3A_793 = arith.constant 0 : i32
        %get3A_794 = arith.constant 3 : i32
        %get3A_795 = arith.index_cast %get3A_793 : i32 to index
        %get3A_796 = arith.index_cast %get3A_794 : i32 to index
        %get3A_797 = arith.index_cast %add3A_591 : i32 to index
        %get3A_798 = arith.constant 32 : index
        %get3A_799 = tpu.vector_load %arg9[%get3A_795, %get3A_796, %get3A_797, %get3A_798] {strides = array<i32>} : memref<3x8x32x96xf32, #tpu.memory_space<vmem>>, vector<1x1x1x16xf32>,
        %get3A_800 = vector.shape_cast %get3A_799 : vector<1x1x1x16xf32> to vector<16xf32>
        %mul3A_801 = arith.mulf %broadcast_in_dim3A_178, %get3A_800 : vector<16xf32>
        %add3A_802 = arith.addf %add3A_792, %mul3A_801 : vector<16xf32>
        %get3A_803 = arith.constant 0 : i32
        %get3A_804 = arith.constant 4 : i32
        %get3A_805 = arith.index_cast %get3A_803 : i32 to index
        %get3A_806 = arith.index_cast %get3A_804 : i32 to index
        %get3A_807 = arith.index_cast %add3A_591 : i32 to index
        %get3A_808 = arith.constant 32 : index
        %get3A_809 = tpu.vector_load %arg9[%get3A_805, %get3A_806, %get3A_807, %get3A_808] {strides = array<i32>} : memref<3x8x32x96xf32, #tpu.memory_space<vmem>>, vector<1x1x1x16xf32>,
        %get3A_810 = vector.shape_cast %get3A_809 : vector<1x1x1x16xf32> to vector<16xf32>
        %mul3A_811 = arith.mulf %broadcast_in_dim3A_186, %get3A_810 : vector<16xf32>
        %add3A_812 = arith.addf %add3A_802, %mul3A_811 : vector<16xf32>
        %get3A_813 = arith.constant 0 : i32
        %get3A_814 = arith.constant 5 : i32
        %get3A_815 = arith.index_cast %get3A_813 : i32 to index
        %get3A_816 = arith.index_cast %get3A_814 : i32 to index
        %get3A_817 = arith.index_cast %add3A_591 : i32 to index
        %get3A_818 = arith.constant 32 : index
        %get3A_819 = tpu.vector_load %arg9[%get3A_815, %get3A_816, %get3A_817, %get3A_818] {strides = array<i32>} : memref<3x8x32x96xf32, #tpu.memory_space<vmem>>, vector<1x1x1x16xf32>,
        %get3A_820 = vector.shape_cast %get3A_819 : vector<1x1x1x16xf32> to vector<16xf32>
        %mul3A_821 = arith.mulf %broadcast_in_dim3A_194, %get3A_820 : vector<16xf32>
        %add3A_822 = arith.addf %add3A_812, %mul3A_821 : vector<16xf32>
        %get3A_823 = arith.constant 0 : i32
        %get3A_824 = arith.constant 6 : i32
        %get3A_825 = arith.index_cast %get3A_823 : i32 to index
        %get3A_826 = arith.index_cast %get3A_824 : i32 to index
        %get3A_827 = arith.index_cast %add3A_591 : i32 to index
        %get3A_828 = arith.constant 32 : index
        %get3A_829 = tpu.vector_load %arg9[%get3A_825, %get3A_826, %get3A_827, %get3A_828] {strides = array<i32>} : memref<3x8x32x96xf32, #tpu.memory_space<vmem>>, vector<1x1x1x16xf32>,
        %get3A_830 = vector.shape_cast %get3A_829 : vector<1x1x1x16xf32> to vector<16xf32>
        %mul3A_831 = arith.mulf %broadcast_in_dim3A_202, %get3A_830 : vector<16xf32>
        %add3A_832 = arith.addf %add3A_822, %mul3A_831 : vector<16xf32>
        %get3A_833 = arith.constant 0 : i32
        %get3A_834 = arith.constant 7 : i32
        %get3A_835 = arith.index_cast %get3A_833 : i32 to index
        %get3A_836 = arith.index_cast %get3A_834 : i32 to index
        %get3A_837 = arith.index_cast %add3A_591 : i32 to index
        %get3A_838 = arith.constant 32 : index
        %get3A_839 = tpu.vector_load %arg9[%get3A_835, %get3A_836, %get3A_837, %get3A_838] {strides = array<i32>} : memref<3x8x32x96xf32, #tpu.memory_space<vmem>>, vector<1x1x1x16xf32>,
        %get3A_840 = vector.shape_cast %get3A_839 : vector<1x1x1x16xf32> to vector<16xf32>
        %mul3A_841 = arith.mulf %broadcast_in_dim3A_210, %get3A_840 : vector<16xf32>
        %add3A_842 = arith.addf %add3A_832, %mul3A_841 : vector<16xf32>
        %swap3A_843 = arith.constant 0 : i32
        %swap3A_844 = arith.index_cast %swap3A_843 : i32 to index
        %swap3A_845 = arith.index_cast %add3A_591 : i32 to index
        %swap3A_846 = arith.constant 32 : index
        %swap3A_847 = tpu.vector_load %arg10[%swap3A_844, %swap3A_845, %swap3A_846] {strides = array<i32>} : memref<3x32x96xf32, #tpu.memory_space<vmem>>, vector<1x1x16xf32>,
        %swap3A_848 = vector.shape_cast %swap3A_847 : vector<1x1x16xf32> to vector<16xf32>
        %swap3A_849 = vector.shape_cast %add3A_842 : vector<16xf32> to vector<1x1x16xf32>
        tpu.vector_store %arg10[%swap3A_844, %swap3A_845, %swap3A_846], %swap3A_849 {strides = array<i32>} : memref<3x32x96xf32, #tpu.memory_space<vmem>>, vector<1x1x16xf32>,
        %get3A_850 = arith.constant 0 : i32
        %get3A_851 = arith.constant 0 : i32
        %get3A_852 = arith.index_cast %get3A_850 : i32 to index
        %get3A_853 = arith.index_cast %get3A_851 : i32 to index
        %get3A_854 = arith.index_cast %add3A_591 : i32 to index
        %get3A_855 = arith.constant 48 : index
        %get3A_856 = tpu.vector_load %arg9[%get3A_852, %get3A_853, %get3A_854, %get3A_855] {strides = array<i32>} : memref<3x8x32x96xf32, #tpu.memory_space<vmem>>, vector<1x1x1x16xf32>,
        %get3A_857 = vector.shape_cast %get3A_856 : vector<1x1x1x16xf32> to vector<16xf32>
        %mul3A_858 = arith.mulf %broadcast_in_dim3A, %get3A_857 : vector<16xf32>
        %get3A_859 = arith.constant 0 : i32
        %get3A_860 = arith.constant 1 : i32
        %get3A_861 = arith.index_cast %get3A_859 : i32 to index
        %get3A_862 = arith.index_cast %get3A_860 : i32 to index
        %get3A_863 = arith.index_cast %add3A_591 : i32 to index
        %get3A_864 = arith.constant 48 : index
        %get3A_865 = tpu.vector_load %arg9[%get3A_861, %get3A_862, %get3A_863, %get3A_864] {strides = array<i32>} : memref<3x8x32x96xf32, #tpu.memory_space<vmem>>, vector<1x1x1x16xf32>,
        %get3A_866 = vector.shape_cast %get3A_865 : vector<1x1x1x16xf32> to vector<16xf32>
        %mul3A_867 = arith.mulf %broadcast_in_dim3A_162, %get3A_866 : vector<16xf32>
        %add3A_868 = arith.addf %mul3A_858, %mul3A_867 : vector<16xf32>
        %get3A_869 = arith.constant 0 : i32
        %get3A_870 = arith.constant 2 : i32
        %get3A_871 = arith.index_cast %get3A_869 : i32 to index
        %get3A_872 = arith.index_cast %get3A_870 : i32 to index
        %get3A_873 = arith.index_cast %add3A_591 : i32 to index
        %get3A_874 = arith.constant 48 : index
        %get3A_875 = tpu.vector_load %arg9[%get3A_871, %get3A_872, %get3A_873, %get3A_874] {strides = array<i32>} : memref<3x8x32x96xf32, #tpu.memory_space<vmem>>, vector<1x1x1x16xf32>,
        %get3A_876 = vector.shape_cast %get3A_875 : vector<1x1x1x16xf32> to vector<16xf32>
        %mul3A_877 = arith.mulf %broadcast_in_dim3A_170, %get3A_876 : vector<16xf32>
        %add3A_878 = arith.addf %add3A_868, %mul3A_877 : vector<16xf32>
        %get3A_879 = arith.constant 0 : i32
        %get3A_880 = arith.constant 3 : i32
        %get3A_881 = arith.index_cast %get3A_879 : i32 to index
        %get3A_882 = arith.index_cast %get3A_880 : i32 to index
        %get3A_883 = arith.index_cast %add3A_591 : i32 to index
        %get3A_884 = arith.constant 48 : index
        %get3A_885 = tpu.vector_load %arg9[%get3A_881, %get3A_882, %get3A_883, %get3A_884] {strides = array<i32>} : memref<3x8x32x96xf32, #tpu.memory_space<vmem>>, vector<1x1x1x16xf32>,
        %get3A_886 = vector.shape_cast %get3A_885 : vector<1x1x1x16xf32> to vector<16xf32>
        %mul3A_887 = arith.mulf %broadcast_in_dim3A_178, %get3A_886 : vector<16xf32>
        %add3A_888 = arith.addf %add3A_878, %mul3A_887 : vector<16xf32>
        %get3A_889 = arith.constant 0 : i32
        %get3A_890 = arith.constant 4 : i32
        %get3A_891 = arith.index_cast %get3A_889 : i32 to index
        %get3A_892 = arith.index_cast %get3A_890 : i32 to index
        %get3A_893 = arith.index_cast %add3A_591 : i32 to index
        %get3A_894 = arith.constant 48 : index
        %get3A_895 = tpu.vector_load %arg9[%get3A_891, %get3A_892, %get3A_893, %get3A_894] {strides = array<i32>} : memref<3x8x32x96xf32, #tpu.memory_space<vmem>>, vector<1x1x1x16xf32>,
        %get3A_896 = vector.shape_cast %get3A_895 : vector<1x1x1x16xf32> to vector<16xf32>
        %mul3A_897 = arith.mulf %broadcast_in_dim3A_186, %get3A_896 : vector<16xf32>
        %add3A_898 = arith.addf %add3A_888, %mul3A_897 : vector<16xf32>
        %get3A_899 = arith.constant 0 : i32
        %get3A_900 = arith.constant 5 : i32
        %get3A_901 = arith.index_cast %get3A_899 : i32 to index
        %get3A_902 = arith.index_cast %get3A_900 : i32 to index
        %get3A_903 = arith.index_cast %add3A_591 : i32 to index
        %get3A_904 = arith.constant 48 : index
        %get3A_905 = tpu.vector_load %arg9[%get3A_901, %get3A_902, %get3A_903, %get3A_904] {strides = array<i32>} : memref<3x8x32x96xf32, #tpu.memory_space<vmem>>, vector<1x1x1x16xf32>,
        %get3A_906 = vector.shape_cast %get3A_905 : vector<1x1x1x16xf32> to vector<16xf32>
        %mul3A_907 = arith.mulf %broadcast_in_dim3A_194, %get3A_906 : vector<16xf32>
        %add3A_908 = arith.addf %add3A_898, %mul3A_907 : vector<16xf32>
        %get3A_909 = arith.constant 0 : i32
        %get3A_910 = arith.constant 6 : i32
        %get3A_911 = arith.index_cast %get3A_909 : i32 to index
        %get3A_912 = arith.index_cast %get3A_910 : i32 to index
        %get3A_913 = arith.index_cast %add3A_591 : i32 to index
        %get3A_914 = arith.constant 48 : index
        %get3A_915 = tpu.vector_load %arg9[%get3A_911, %get3A_912, %get3A_913, %get3A_914] {strides = array<i32>} : memref<3x8x32x96xf32, #tpu.memory_space<vmem>>, vector<1x1x1x16xf32>,
        %get3A_916 = vector.shape_cast %get3A_915 : vector<1x1x1x16xf32> to vector<16xf32>
        %mul3A_917 = arith.mulf %broadcast_in_dim3A_202, %get3A_916 : vector<16xf32>
        %add3A_918 = arith.addf %add3A_908, %mul3A_917 : vector<16xf32>
        %get3A_919 = arith.constant 0 : i32
        %get3A_920 = arith.constant 7 : i32
        %get3A_921 = arith.index_cast %get3A_919 : i32 to index
        %get3A_922 = arith.index_cast %get3A_920 : i32 to index
        %get3A_923 = arith.index_cast %add3A_591 : i32 to index
        %get3A_924 = arith.constant 48 : index
        %get3A_925 = tpu.vector_load %arg9[%get3A_921, %get3A_922, %get3A_923, %get3A_924] {strides = array<i32>} : memref<3x8x32x96xf32, #tpu.memory_space<vmem>>, vector<1x1x1x16xf32>,
        %get3A_926 = vector.shape_cast %get3A_925 : vector<1x1x1x16xf32> to vector<16xf32>
        %mul3A_927 = arith.mulf %broadcast_in_dim3A_210, %get3A_926 : vector<16xf32>
        %add3A_928 = arith.addf %add3A_918, %mul3A_927 : vector<16xf32>
        %swap3A_929 = arith.constant 0 : i32
        %swap3A_930 = arith.index_cast %swap3A_929 : i32 to index
        %swap3A_931 = arith.index_cast %add3A_591 : i32 to index
        %swap3A_932 = arith.constant 48 : index
        %swap3A_933 = tpu.vector_load %arg10[%swap3A_930, %swap3A_931, %swap3A_932] {strides = array<i32>} : memref<3x32x96xf32, #tpu.memory_space<vmem>>, vector<1x1x16xf32>,
        %swap3A_934 = vector.shape_cast %swap3A_933 : vector<1x1x16xf32> to vector<16xf32>
        %swap3A_935 = vector.shape_cast %add3A_928 : vector<16xf32> to vector<1x1x16xf32>
        tpu.vector_store %arg10[%swap3A_930, %swap3A_931, %swap3A_932], %swap3A_935 {strides = array<i32>} : memref<3x32x96xf32, #tpu.memory_space<vmem>>, vector<1x1x16xf32>,
        %get3A_936 = arith.constant 0 : i32
        %get3A_937 = arith.constant 0 : i32
        %get3A_938 = arith.index_cast %get3A_936 : i32 to index
        %get3A_939 = arith.index_cast %get3A_937 : i32 to index
        %get3A_940 = arith.index_cast %add3A_591 : i32 to index
        %get3A_941 = arith.constant 64 : index
        %get3A_942 = tpu.vector_load %arg9[%get3A_938, %get3A_939, %get3A_940, %get3A_941] {strides = array<i32>} : memref<3x8x32x96xf32, #tpu.memory_space<vmem>>, vector<1x1x1x16xf32>,
        %get3A_943 = vector.shape_cast %get3A_942 : vector<1x1x1x16xf32> to vector<16xf32>
        %mul3A_944 = arith.mulf %broadcast_in_dim3A, %get3A_943 : vector<16xf32>
        %get3A_945 = arith.constant 0 : i32
        %get3A_946 = arith.constant 1 : i32
        %get3A_947 = arith.index_cast %get3A_945 : i32 to index
        %get3A_948 = arith.index_cast %get3A_946 : i32 to index
        %get3A_949 = arith.index_cast %add3A_591 : i32 to index
        %get3A_950 = arith.constant 64 : index
        %get3A_951 = tpu.vector_load %arg9[%get3A_947, %get3A_948, %get3A_949, %get3A_950] {strides = array<i32>} : memref<3x8x32x96xf32, #tpu.memory_space<vmem>>, vector<1x1x1x16xf32>,
        %get3A_952 = vector.shape_cast %get3A_951 : vector<1x1x1x16xf32> to vector<16xf32>
        %mul3A_953 = arith.mulf %broadcast_in_dim3A_162, %get3A_952 : vector<16xf32>
        %add3A_954 = arith.addf %mul3A_944, %mul3A_953 : vector<16xf32>
        %get3A_955 = arith.constant 0 : i32
        %get3A_956 = arith.constant 2 : i32
        %get3A_957 = arith.index_cast %get3A_955 : i32 to index
        %get3A_958 = arith.index_cast %get3A_956 : i32 to index
        %get3A_959 = arith.index_cast %add3A_591 : i32 to index
        %get3A_960 = arith.constant 64 : index
        %get3A_961 = tpu.vector_load %arg9[%get3A_957, %get3A_958, %get3A_959, %get3A_960] {strides = array<i32>} : memref<3x8x32x96xf32, #tpu.memory_space<vmem>>, vector<1x1x1x16xf32>,
        %get3A_962 = vector.shape_cast %get3A_961 : vector<1x1x1x16xf32> to vector<16xf32>
        %mul3A_963 = arith.mulf %broadcast_in_dim3A_170, %get3A_962 : vector<16xf32>
        %add3A_964 = arith.addf %add3A_954, %mul3A_963 : vector<16xf32>
        %get3A_965 = arith.constant 0 : i32
        %get3A_966 = arith.constant 3 : i32
        %get3A_967 = arith.index_cast %get3A_965 : i32 to index
        %get3A_968 = arith.index_cast %get3A_966 : i32 to index
        %get3A_969 = arith.index_cast %add3A_591 : i32 to index
        %get3A_970 = arith.constant 64 : index
        %get3A_971 = tpu.vector_load %arg9[%get3A_967, %get3A_968, %get3A_969, %get3A_970] {strides = array<i32>} : memref<3x8x32x96xf32, #tpu.memory_space<vmem>>, vector<1x1x1x16xf32>,
        %get3A_972 = vector.shape_cast %get3A_971 : vector<1x1x1x16xf32> to vector<16xf32>
        %mul3A_973 = arith.mulf %broadcast_in_dim3A_178, %get3A_972 : vector<16xf32>
        %add3A_974 = arith.addf %add3A_964, %mul3A_973 : vector<16xf32>
        %get3A_975 = arith.constant 0 : i32
        %get3A_976 = arith.constant 4 : i32
        %get3A_977 = arith.index_cast %get3A_975 : i32 to index
        %get3A_978 = arith.index_cast %get3A_976 : i32 to index
        %get3A_979 = arith.index_cast %add3A_591 : i32 to index
        %get3A_980 = arith.constant 64 : index
        %get3A_981 = tpu.vector_load %arg9[%get3A_977, %get3A_978, %get3A_979, %get3A_980] {strides = array<i32>} : memref<3x8x32x96xf32, #tpu.memory_space<vmem>>, vector<1x1x1x16xf32>,
        %get3A_982 = vector.shape_cast %get3A_981 : vector<1x1x1x16xf32> to vector<16xf32>
        %mul3A_983 = arith.mulf %broadcast_in_dim3A_186, %get3A_982 : vector<16xf32>
        %add3A_984 = arith.addf %add3A_974, %mul3A_983 : vector<16xf32>
        %get3A_985 = arith.constant 0 : i32
        %get3A_986 = arith.constant 5 : i32
        %get3A_987 = arith.index_cast %get3A_985 : i32 to index
        %get3A_988 = arith.index_cast %get3A_986 : i32 to index
        %get3A_989 = arith.index_cast %add3A_591 : i32 to index
        %get3A_990 = arith.constant 64 : index
        %get3A_991 = tpu.vector_load %arg9[%get3A_987, %get3A_988, %get3A_989, %get3A_990] {strides = array<i32>} : memref<3x8x32x96xf32, #tpu.memory_space<vmem>>, vector<1x1x1x16xf32>,
        %get3A_992 = vector.shape_cast %get3A_991 : vector<1x1x1x16xf32> to vector<16xf32>
        %mul3A_993 = arith.mulf %broadcast_in_dim3A_194, %get3A_992 : vector<16xf32>
        %add3A_994 = arith.addf %add3A_984, %mul3A_993 : vector<16xf32>
        %get3A_995 = arith.constant 0 : i32
        %get3A_996 = arith.constant 6 : i32
        %get3A_997 = arith.index_cast %get3A_995 : i32 to index
        %get3A_998 = arith.index_cast %get3A_996 : i32 to index
        %get3A_999 = arith.index_cast %add3A_591 : i32 to index
        %get3A_1000 = arith.constant 64 : index
        %get3A_1001 = tpu.vector_load %arg9[%get3A_997, %get3A_998, %get3A_999, %get3A_1000] {strides = array<i32>} : memref<3x8x32x96xf32, #tpu.memory_space<vmem>>, vector<1x1x1x16xf32>,
        %get3A_1002 = vector.shape_cast %get3A_1001 : vector<1x1x1x16xf32> to vector<16xf32>
        %mul3A_1003 = arith.mulf %broadcast_in_dim3A_202, %get3A_1002 : vector<16xf32>
        %add3A_1004 = arith.addf %add3A_994, %mul3A_1003 : vector<16xf32>
        %get3A_1005 = arith.constant 0 : i32
        %get3A_1006 = arith.constant 7 : i32
        %get3A_1007 = arith.index_cast %get3A_1005 : i32 to index
        %get3A_1008 = arith.index_cast %get3A_1006 : i32 to index
        %get3A_1009 = arith.index_cast %add3A_591 : i32 to index
        %get3A_1010 = arith.constant 64 : index
        %get3A_1011 = tpu.vector_load %arg9[%get3A_1007, %get3A_1008, %get3A_1009, %get3A_1010] {strides = array<i32>} : memref<3x8x32x96xf32, #tpu.memory_space<vmem>>, vector<1x1x1x16xf32>,
        %get3A_1012 = vector.shape_cast %get3A_1011 : vector<1x1x1x16xf32> to vector<16xf32>
        %mul3A_1013 = arith.mulf %broadcast_in_dim3A_210, %get3A_1012 : vector<16xf32>
        %add3A_1014 = arith.addf %add3A_1004, %mul3A_1013 : vector<16xf32>
        %swap3A_1015 = arith.constant 0 : i32
        %swap3A_1016 = arith.index_cast %swap3A_1015 : i32 to index
        %swap3A_1017 = arith.index_cast %add3A_591 : i32 to index
        %swap3A_1018 = arith.constant 64 : index
        %swap3A_1019 = tpu.vector_load %arg10[%swap3A_1016, %swap3A_1017, %swap3A_1018] {strides = array<i32>} : memref<3x32x96xf32, #tpu.memory_space<vmem>>, vector<1x1x16xf32>,
        %swap3A_1020 = vector.shape_cast %swap3A_1019 : vector<1x1x16xf32> to vector<16xf32>
        %swap3A_1021 = vector.shape_cast %add3A_1014 : vector<16xf32> to vector<1x1x16xf32>
        tpu.vector_store %arg10[%swap3A_1016, %swap3A_1017, %swap3A_1018], %swap3A_1021 {strides = array<i32>} : memref<3x32x96xf32, #tpu.memory_space<vmem>>, vector<1x1x16xf32>,
        %get3A_1022 = arith.constant 0 : i32
        %get3A_1023 = arith.constant 0 : i32
        %get3A_1024 = arith.index_cast %get3A_1022 : i32 to index
        %get3A_1025 = arith.index_cast %get3A_1023 : i32 to index
        %get3A_1026 = arith.index_cast %add3A_591 : i32 to index
        %get3A_1027 = arith.constant 80 : index
        %get3A_1028 = tpu.vector_load %arg9[%get3A_1024, %get3A_1025, %get3A_1026, %get3A_1027] {strides = array<i32>} : memref<3x8x32x96xf32, #tpu.memory_space<vmem>>, vector<1x1x1x16xf32>,
        %get3A_1029 = vector.shape_cast %get3A_1028 : vector<1x1x1x16xf32> to vector<16xf32>
        %mul3A_1030 = arith.mulf %broadcast_in_dim3A, %get3A_1029 : vector<16xf32>
        %get3A_1031 = arith.constant 0 : i32
        %get3A_1032 = arith.constant 1 : i32
        %get3A_1033 = arith.index_cast %get3A_1031 : i32 to index
        %get3A_1034 = arith.index_cast %get3A_1032 : i32 to index
        %get3A_1035 = arith.index_cast %add3A_591 : i32 to index
        %get3A_1036 = arith.constant 80 : index
        %get3A_1037 = tpu.vector_load %arg9[%get3A_1033, %get3A_1034, %get3A_1035, %get3A_1036] {strides = array<i32>} : memref<3x8x32x96xf32, #tpu.memory_space<vmem>>, vector<1x1x1x16xf32>,
        %get3A_1038 = vector.shape_cast %get3A_1037 : vector<1x1x1x16xf32> to vector<16xf32>
        %mul3A_1039 = arith.mulf %broadcast_in_dim3A_162, %get3A_1038 : vector<16xf32>
        %add3A_1040 = arith.addf %mul3A_1030, %mul3A_1039 : vector<16xf32>
        %get3A_1041 = arith.constant 0 : i32
        %get3A_1042 = arith.constant 2 : i32
        %get3A_1043 = arith.index_cast %get3A_1041 : i32 to index
        %get3A_1044 = arith.index_cast %get3A_1042 : i32 to index
        %get3A_1045 = arith.index_cast %add3A_591 : i32 to index
        %get3A_1046 = arith.constant 80 : index
        %get3A_1047 = tpu.vector_load %arg9[%get3A_1043, %get3A_1044, %get3A_1045, %get3A_1046] {strides = array<i32>} : memref<3x8x32x96xf32, #tpu.memory_space<vmem>>, vector<1x1x1x16xf32>,
        %get3A_1048 = vector.shape_cast %get3A_1047 : vector<1x1x1x16xf32> to vector<16xf32>
        %mul3A_1049 = arith.mulf %broadcast_in_dim3A_170, %get3A_1048 : vector<16xf32>
        %add3A_1050 = arith.addf %add3A_1040, %mul3A_1049 : vector<16xf32>
        %get3A_1051 = arith.constant 0 : i32
        %get3A_1052 = arith.constant 3 : i32
        %get3A_1053 = arith.index_cast %get3A_1051 : i32 to index
        %get3A_1054 = arith.index_cast %get3A_1052 : i32 to index
        %get3A_1055 = arith.index_cast %add3A_591 : i32 to index
        %get3A_1056 = arith.constant 80 : index
        %get3A_1057 = tpu.vector_load %arg9[%get3A_1053, %get3A_1054, %get3A_1055, %get3A_1056] {strides = array<i32>} : memref<3x8x32x96xf32, #tpu.memory_space<vmem>>, vector<1x1x1x16xf32>,
        %get3A_1058 = vector.shape_cast %get3A_1057 : vector<1x1x1x16xf32> to vector<16xf32>
        %mul3A_1059 = arith.mulf %broadcast_in_dim3A_178, %get3A_1058 : vector<16xf32>
        %add3A_1060 = arith.addf %add3A_1050, %mul3A_1059 : vector<16xf32>
        %get3A_1061 = arith.constant 0 : i32
        %get3A_1062 = arith.constant 4 : i32
        %get3A_1063 = arith.index_cast %get3A_1061 : i32 to index
        %get3A_1064 = arith.index_cast %get3A_1062 : i32 to index
        %get3A_1065 = arith.index_cast %add3A_591 : i32 to index
        %get3A_1066 = arith.constant 80 : index
        %get3A_1067 = tpu.vector_load %arg9[%get3A_1063, %get3A_1064, %get3A_1065, %get3A_1066] {strides = array<i32>} : memref<3x8x32x96xf32, #tpu.memory_space<vmem>>, vector<1x1x1x16xf32>,
        %get3A_1068 = vector.shape_cast %get3A_1067 : vector<1x1x1x16xf32> to vector<16xf32>
        %mul3A_1069 = arith.mulf %broadcast_in_dim3A_186, %get3A_1068 : vector<16xf32>
        %add3A_1070 = arith.addf %add3A_1060, %mul3A_1069 : vector<16xf32>
        %get3A_1071 = arith.constant 0 : i32
        %get3A_1072 = arith.constant 5 : i32
        %get3A_1073 = arith.index_cast %get3A_1071 : i32 to index
        %get3A_1074 = arith.index_cast %get3A_1072 : i32 to index
        %get3A_1075 = arith.index_cast %add3A_591 : i32 to index
        %get3A_1076 = arith.constant 80 : index
        %get3A_1077 = tpu.vector_load %arg9[%get3A_1073, %get3A_1074, %get3A_1075, %get3A_1076] {strides = array<i32>} : memref<3x8x32x96xf32, #tpu.memory_space<vmem>>, vector<1x1x1x16xf32>,
        %get3A_1078 = vector.shape_cast %get3A_1077 : vector<1x1x1x16xf32> to vector<16xf32>
        %mul3A_1079 = arith.mulf %broadcast_in_dim3A_194, %get3A_1078 : vector<16xf32>
        %add3A_1080 = arith.addf %add3A_1070, %mul3A_1079 : vector<16xf32>
        %get3A_1081 = arith.constant 0 : i32
        %get3A_1082 = arith.constant 6 : i32
        %get3A_1083 = arith.index_cast %get3A_1081 : i32 to index
        %get3A_1084 = arith.index_cast %get3A_1082 : i32 to index
        %get3A_1085 = arith.index_cast %add3A_591 : i32 to index
        %get3A_1086 = arith.constant 80 : index
        %get3A_1087 = tpu.vector_load %arg9[%get3A_1083, %get3A_1084, %get3A_1085, %get3A_1086] {strides = array<i32>} : memref<3x8x32x96xf32, #tpu.memory_space<vmem>>, vector<1x1x1x16xf32>,
        %get3A_1088 = vector.shape_cast %get3A_1087 : vector<1x1x1x16xf32> to vector<16xf32>
        %mul3A_1089 = arith.mulf %broadcast_in_dim3A_202, %get3A_1088 : vector<16xf32>
        %add3A_1090 = arith.addf %add3A_1080, %mul3A_1089 : vector<16xf32>
        %get3A_1091 = arith.constant 0 : i32
        %get3A_1092 = arith.constant 7 : i32
        %get3A_1093 = arith.index_cast %get3A_1091 : i32 to index
        %get3A_1094 = arith.index_cast %get3A_1092 : i32 to index
        %get3A_1095 = arith.index_cast %add3A_591 : i32 to index
        %get3A_1096 = arith.constant 80 : index
        %get3A_1097 = tpu.vector_load %arg9[%get3A_1093, %get3A_1094, %get3A_1095, %get3A_1096] {strides = array<i32>} : memref<3x8x32x96xf32, #tpu.memory_space<vmem>>, vector<1x1x1x16xf32>,
        %get3A_1098 = vector.shape_cast %get3A_1097 : vector<1x1x1x16xf32> to vector<16xf32>
        %mul3A_1099 = arith.mulf %broadcast_in_dim3A_210, %get3A_1098 : vector<16xf32>
        %add3A_1100 = arith.addf %add3A_1090, %mul3A_1099 : vector<16xf32>
        %swap3A_1101 = arith.constant 0 : i32
        %swap3A_1102 = arith.index_cast %swap3A_1101 : i32 to index
        %swap3A_1103 = arith.index_cast %add3A_591 : i32 to index
        %swap3A_1104 = arith.constant 80 : index
        %swap3A_1105 = tpu.vector_load %arg10[%swap3A_1102, %swap3A_1103, %swap3A_1104] {strides = array<i32>} : memref<3x32x96xf32, #tpu.memory_space<vmem>>, vector<1x1x16xf32>,
        %swap3A_1106 = vector.shape_cast %swap3A_1105 : vector<1x1x16xf32> to vector<16xf32>
        %swap3A_1107 = vector.shape_cast %add3A_1100 : vector<16xf32> to vector<1x1x16xf32>
        tpu.vector_store %arg10[%swap3A_1102, %swap3A_1103, %swap3A_1104], %swap3A_1107 {strides = array<i32>} : memref<3x32x96xf32, #tpu.memory_space<vmem>>, vector<1x1x16xf32>,
        %mul3A_1108 = arith.constant 2 : i32
        %mul3A_1109 = arith.muli %scan3A_587, %mul3A_1108 : i32
        %add3A_1110 = arith.constant 1 : i32
        %add3A_1111 = arith.addi %mul3A_1109, %add3A_1110 : i32
        %get3A_1112 = arith.constant 0 : i32
        %get3A_1113 = arith.constant 0 : i32
        %get3A_1114 = arith.index_cast %get3A_1112 : i32 to index
        %get3A_1115 = arith.index_cast %get3A_1113 : i32 to index
        %get3A_1116 = arith.index_cast %add3A_1111 : i32 to index
        %get3A_1117 = arith.constant 0 : index
        %get3A_1118 = tpu.vector_load %arg9[%get3A_1114, %get3A_1115, %get3A_1116, %get3A_1117] {strides = array<i32>} : memref<3x8x32x96xf32, #tpu.memory_space<vmem>>, vector<1x1x1x16xf32>,
        %get3A_1119 = vector.shape_cast %get3A_1118 : vector<1x1x1x16xf32> to vector<16xf32>
        %mul3A_1120 = arith.mulf %broadcast_in_dim3A, %get3A_1119 : vector<16xf32>
        %get3A_1121 = arith.constant 0 : i32
        %get3A_1122 = arith.constant 1 : i32
        %get3A_1123 = arith.index_cast %get3A_1121 : i32 to index
        %get3A_1124 = arith.index_cast %get3A_1122 : i32 to index
        %get3A_1125 = arith.index_cast %add3A_1111 : i32 to index
        %get3A_1126 = arith.constant 0 : index
        %get3A_1127 = tpu.vector_load %arg9[%get3A_1123, %get3A_1124, %get3A_1125, %get3A_1126] {strides = array<i32>} : memref<3x8x32x96xf32, #tpu.memory_space<vmem>>, vector<1x1x1x16xf32>,
        %get3A_1128 = vector.shape_cast %get3A_1127 : vector<1x1x1x16xf32> to vector<16xf32>
        %mul3A_1129 = arith.mulf %broadcast_in_dim3A_162, %get3A_1128 : vector<16xf32>
        %add3A_1130 = arith.addf %mul3A_1120, %mul3A_1129 : vector<16xf32>
        %get3A_1131 = arith.constant 0 : i32
        %get3A_1132 = arith.constant 2 : i32
        %get3A_1133 = arith.index_cast %get3A_1131 : i32 to index
        %get3A_1134 = arith.index_cast %get3A_1132 : i32 to index
        %get3A_1135 = arith.index_cast %add3A_1111 : i32 to index
        %get3A_1136 = arith.constant 0 : index
        %get3A_1137 = tpu.vector_load %arg9[%get3A_1133, %get3A_1134, %get3A_1135, %get3A_1136] {strides = array<i32>} : memref<3x8x32x96xf32, #tpu.memory_space<vmem>>, vector<1x1x1x16xf32>,
        %get3A_1138 = vector.shape_cast %get3A_1137 : vector<1x1x1x16xf32> to vector<16xf32>
        %mul3A_1139 = arith.mulf %broadcast_in_dim3A_170, %get3A_1138 : vector<16xf32>
        %add3A_1140 = arith.addf %add3A_1130, %mul3A_1139 : vector<16xf32>
        %get3A_1141 = arith.constant 0 : i32
        %get3A_1142 = arith.constant 3 : i32
        %get3A_1143 = arith.index_cast %get3A_1141 : i32 to index
        %get3A_1144 = arith.index_cast %get3A_1142 : i32 to index
        %get3A_1145 = arith.index_cast %add3A_1111 : i32 to index
        %get3A_1146 = arith.constant 0 : index
        %get3A_1147 = tpu.vector_load %arg9[%get3A_1143, %get3A_1144, %get3A_1145, %get3A_1146] {strides = array<i32>} : memref<3x8x32x96xf32, #tpu.memory_space<vmem>>, vector<1x1x1x16xf32>,
        %get3A_1148 = vector.shape_cast %get3A_1147 : vector<1x1x1x16xf32> to vector<16xf32>
        %mul3A_1149 = arith.mulf %broadcast_in_dim3A_178, %get3A_1148 : vector<16xf32>
        %add3A_1150 = arith.addf %add3A_1140, %mul3A_1149 : vector<16xf32>
        %get3A_1151 = arith.constant 0 : i32
        %get3A_1152 = arith.constant 4 : i32
        %get3A_1153 = arith.index_cast %get3A_1151 : i32 to index
        %get3A_1154 = arith.index_cast %get3A_1152 : i32 to index
        %get3A_1155 = arith.index_cast %add3A_1111 : i32 to index
        %get3A_1156 = arith.constant 0 : index
        %get3A_1157 = tpu.vector_load %arg9[%get3A_1153, %get3A_1154, %get3A_1155, %get3A_1156] {strides = array<i32>} : memref<3x8x32x96xf32, #tpu.memory_space<vmem>>, vector<1x1x1x16xf32>,
        %get3A_1158 = vector.shape_cast %get3A_1157 : vector<1x1x1x16xf32> to vector<16xf32>
        %mul3A_1159 = arith.mulf %broadcast_in_dim3A_186, %get3A_1158 : vector<16xf32>
        %add3A_1160 = arith.addf %add3A_1150, %mul3A_1159 : vector<16xf32>
        %get3A_1161 = arith.constant 0 : i32
        %get3A_1162 = arith.constant 5 : i32
        %get3A_1163 = arith.index_cast %get3A_1161 : i32 to index
        %get3A_1164 = arith.index_cast %get3A_1162 : i32 to index
        %get3A_1165 = arith.index_cast %add3A_1111 : i32 to index
        %get3A_1166 = arith.constant 0 : index
        %get3A_1167 = tpu.vector_load %arg9[%get3A_1163, %get3A_1164, %get3A_1165, %get3A_1166] {strides = array<i32>} : memref<3x8x32x96xf32, #tpu.memory_space<vmem>>, vector<1x1x1x16xf32>,
        %get3A_1168 = vector.shape_cast %get3A_1167 : vector<1x1x1x16xf32> to vector<16xf32>
        %mul3A_1169 = arith.mulf %broadcast_in_dim3A_194, %get3A_1168 : vector<16xf32>
        %add3A_1170 = arith.addf %add3A_1160, %mul3A_1169 : vector<16xf32>
        %get3A_1171 = arith.constant 0 : i32
        %get3A_1172 = arith.constant 6 : i32
        %get3A_1173 = arith.index_cast %get3A_1171 : i32 to index
        %get3A_1174 = arith.index_cast %get3A_1172 : i32 to index
        %get3A_1175 = arith.index_cast %add3A_1111 : i32 to index
        %get3A_1176 = arith.constant 0 : index
        %get3A_1177 = tpu.vector_load %arg9[%get3A_1173, %get3A_1174, %get3A_1175, %get3A_1176] {strides = array<i32>} : memref<3x8x32x96xf32, #tpu.memory_space<vmem>>, vector<1x1x1x16xf32>,
        %get3A_1178 = vector.shape_cast %get3A_1177 : vector<1x1x1x16xf32> to vector<16xf32>
        %mul3A_1179 = arith.mulf %broadcast_in_dim3A_202, %get3A_1178 : vector<16xf32>
        %add3A_1180 = arith.addf %add3A_1170, %mul3A_1179 : vector<16xf32>
        %get3A_1181 = arith.constant 0 : i32
        %get3A_1182 = arith.constant 7 : i32
        %get3A_1183 = arith.index_cast %get3A_1181 : i32 to index
        %get3A_1184 = arith.index_cast %get3A_1182 : i32 to index
        %get3A_1185 = arith.index_cast %add3A_1111 : i32 to index
        %get3A_1186 = arith.constant 0 : index
        %get3A_1187 = tpu.vector_load %arg9[%get3A_1183, %get3A_1184, %get3A_1185, %get3A_1186] {strides = array<i32>} : memref<3x8x32x96xf32, #tpu.memory_space<vmem>>, vector<1x1x1x16xf32>,
        %get3A_1188 = vector.shape_cast %get3A_1187 : vector<1x1x1x16xf32> to vector<16xf32>
        %mul3A_1189 = arith.mulf %broadcast_in_dim3A_210, %get3A_1188 : vector<16xf32>
        %add3A_1190 = arith.addf %add3A_1180, %mul3A_1189 : vector<16xf32>
        %swap3A_1191 = arith.constant 0 : i32
        %swap3A_1192 = arith.index_cast %swap3A_1191 : i32 to index
        %swap3A_1193 = arith.index_cast %add3A_1111 : i32 to index
        %swap3A_1194 = arith.constant 0 : index
        %swap3A_1195 = tpu.vector_load %arg10[%swap3A_1192, %swap3A_1193, %swap3A_1194] {strides = array<i32>} : memref<3x32x96xf32, #tpu.memory_space<vmem>>, vector<1x1x16xf32>,
        %swap3A_1196 = vector.shape_cast %swap3A_1195 : vector<1x1x16xf32> to vector<16xf32>
        %swap3A_1197 = vector.shape_cast %add3A_1190 : vector<16xf32> to vector<1x1x16xf32>
        tpu.vector_store %arg10[%swap3A_1192, %swap3A_1193, %swap3A_1194], %swap3A_1197 {strides = array<i32>} : memref<3x32x96xf32, #tpu.memory_space<vmem>>, vector<1x1x16xf32>,
        %get3A_1198 = arith.constant 0 : i32
        %get3A_1199 = arith.constant 0 : i32
        %get3A_1200 = arith.index_cast %get3A_1198 : i32 to index
        %get3A_1201 = arith.index_cast %get3A_1199 : i32 to index
        %get3A_1202 = arith.index_cast %add3A_1111 : i32 to index
        %get3A_1203 = arith.constant 16 : index
        %get3A_1204 = tpu.vector_load %arg9[%get3A_1200, %get3A_1201, %get3A_1202, %get3A_1203] {strides = array<i32>} : memref<3x8x32x96xf32, #tpu.memory_space<vmem>>, vector<1x1x1x16xf32>,
        %get3A_1205 = vector.shape_cast %get3A_1204 : vector<1x1x1x16xf32> to vector<16xf32>
        %mul3A_1206 = arith.mulf %broadcast_in_dim3A, %get3A_1205 : vector<16xf32>
        %get3A_1207 = arith.constant 0 : i32
        %get3A_1208 = arith.constant 1 : i32
        %get3A_1209 = arith.index_cast %get3A_1207 : i32 to index
        %get3A_1210 = arith.index_cast %get3A_1208 : i32 to index
        %get3A_1211 = arith.index_cast %add3A_1111 : i32 to index
        %get3A_1212 = arith.constant 16 : index
        %get3A_1213 = tpu.vector_load %arg9[%get3A_1209, %get3A_1210, %get3A_1211, %get3A_1212] {strides = array<i32>} : memref<3x8x32x96xf32, #tpu.memory_space<vmem>>, vector<1x1x1x16xf32>,
        %get3A_1214 = vector.shape_cast %get3A_1213 : vector<1x1x1x16xf32> to vector<16xf32>
        %mul3A_1215 = arith.mulf %broadcast_in_dim3A_162, %get3A_1214 : vector<16xf32>
        %add3A_1216 = arith.addf %mul3A_1206, %mul3A_1215 : vector<16xf32>
        %get3A_1217 = arith.constant 0 : i32
        %get3A_1218 = arith.constant 2 : i32
        %get3A_1219 = arith.index_cast %get3A_1217 : i32 to index
        %get3A_1220 = arith.index_cast %get3A_1218 : i32 to index
        %get3A_1221 = arith.index_cast %add3A_1111 : i32 to index
        %get3A_1222 = arith.constant 16 : index
        %get3A_1223 = tpu.vector_load %arg9[%get3A_1219, %get3A_1220, %get3A_1221, %get3A_1222] {strides = array<i32>} : memref<3x8x32x96xf32, #tpu.memory_space<vmem>>, vector<1x1x1x16xf32>,
        %get3A_1224 = vector.shape_cast %get3A_1223 : vector<1x1x1x16xf32> to vector<16xf32>
        %mul3A_1225 = arith.mulf %broadcast_in_dim3A_170, %get3A_1224 : vector<16xf32>
        %add3A_1226 = arith.addf %add3A_1216, %mul3A_1225 : vector<16xf32>
        %get3A_1227 = arith.constant 0 : i32
        %get3A_1228 = arith.constant 3 : i32
        %get3A_1229 = arith.index_cast %get3A_1227 : i32 to index
        %get3A_1230 = arith.index_cast %get3A_1228 : i32 to index
        %get3A_1231 = arith.index_cast %add3A_1111 : i32 to index
        %get3A_1232 = arith.constant 16 : index
        %get3A_1233 = tpu.vector_load %arg9[%get3A_1229, %get3A_1230, %get3A_1231, %get3A_1232] {strides = array<i32>} : memref<3x8x32x96xf32, #tpu.memory_space<vmem>>, vector<1x1x1x16xf32>,
        %get3A_1234 = vector.shape_cast %get3A_1233 : vector<1x1x1x16xf32> to vector<16xf32>
        %mul3A_1235 = arith.mulf %broadcast_in_dim3A_178, %get3A_1234 : vector<16xf32>
        %add3A_1236 = arith.addf %add3A_1226, %mul3A_1235 : vector<16xf32>
        %get3A_1237 = arith.constant 0 : i32
        %get3A_1238 = arith.constant 4 : i32
        %get3A_1239 = arith.index_cast %get3A_1237 : i32 to index
        %get3A_1240 = arith.index_cast %get3A_1238 : i32 to index
        %get3A_1241 = arith.index_cast %add3A_1111 : i32 to index
        %get3A_1242 = arith.constant 16 : index
        %get3A_1243 = tpu.vector_load %arg9[%get3A_1239, %get3A_1240, %get3A_1241, %get3A_1242] {strides = array<i32>} : memref<3x8x32x96xf32, #tpu.memory_space<vmem>>, vector<1x1x1x16xf32>,
        %get3A_1244 = vector.shape_cast %get3A_1243 : vector<1x1x1x16xf32> to vector<16xf32>
        %mul3A_1245 = arith.mulf %broadcast_in_dim3A_186, %get3A_1244 : vector<16xf32>
        %add3A_1246 = arith.addf %add3A_1236, %mul3A_1245 : vector<16xf32>
        %get3A_1247 = arith.constant 0 : i32
        %get3A_1248 = arith.constant 5 : i32
        %get3A_1249 = arith.index_cast %get3A_1247 : i32 to index
        %get3A_1250 = arith.index_cast %get3A_1248 : i32 to index
        %get3A_1251 = arith.index_cast %add3A_1111 : i32 to index
        %get3A_1252 = arith.constant 16 : index
        %get3A_1253 = tpu.vector_load %arg9[%get3A_1249, %get3A_1250, %get3A_1251, %get3A_1252] {strides = array<i32>} : memref<3x8x32x96xf32, #tpu.memory_space<vmem>>, vector<1x1x1x16xf32>,
        %get3A_1254 = vector.shape_cast %get3A_1253 : vector<1x1x1x16xf32> to vector<16xf32>
        %mul3A_1255 = arith.mulf %broadcast_in_dim3A_194, %get3A_1254 : vector<16xf32>
        %add3A_1256 = arith.addf %add3A_1246, %mul3A_1255 : vector<16xf32>
        %get3A_1257 = arith.constant 0 : i32
        %get3A_1258 = arith.constant 6 : i32
        %get3A_1259 = arith.index_cast %get3A_1257 : i32 to index
        %get3A_1260 = arith.index_cast %get3A_1258 : i32 to index
        %get3A_1261 = arith.index_cast %add3A_1111 : i32 to index
        %get3A_1262 = arith.constant 16 : index
        %get3A_1263 = tpu.vector_load %arg9[%get3A_1259, %get3A_1260, %get3A_1261, %get3A_1262] {strides = array<i32>} : memref<3x8x32x96xf32, #tpu.memory_space<vmem>>, vector<1x1x1x16xf32>,
        %get3A_1264 = vector.shape_cast %get3A_1263 : vector<1x1x1x16xf32> to vector<16xf32>
        %mul3A_1265 = arith.mulf %broadcast_in_dim3A_202, %get3A_1264 : vector<16xf32>
        %add3A_1266 = arith.addf %add3A_1256, %mul3A_1265 : vector<16xf32>
        %get3A_1267 = arith.constant 0 : i32
        %get3A_1268 = arith.constant 7 : i32
        %get3A_1269 = arith.index_cast %get3A_1267 : i32 to index
        %get3A_1270 = arith.index_cast %get3A_1268 : i32 to index
        %get3A_1271 = arith.index_cast %add3A_1111 : i32 to index
        %get3A_1272 = arith.constant 16 : index
        %get3A_1273 = tpu.vector_load %arg9[%get3A_1269, %get3A_1270, %get3A_1271, %get3A_1272] {strides = array<i32>} : memref<3x8x32x96xf32, #tpu.memory_space<vmem>>, vector<1x1x1x16xf32>,
        %get3A_1274 = vector.shape_cast %get3A_1273 : vector<1x1x1x16xf32> to vector<16xf32>
        %mul3A_1275 = arith.mulf %broadcast_in_dim3A_210, %get3A_1274 : vector<16xf32>
        %add3A_1276 = arith.addf %add3A_1266, %mul3A_1275 : vector<16xf32>
        %swap3A_1277 = arith.constant 0 : i32
        %swap3A_1278 = arith.index_cast %swap3A_1277 : i32 to index
        %swap3A_1279 = arith.index_cast %add3A_1111 : i32 to index
        %swap3A_1280 = arith.constant 16 : index
        %swap3A_1281 = tpu.vector_load %arg10[%swap3A_1278, %swap3A_1279, %swap3A_1280] {strides = array<i32>} : memref<3x32x96xf32, #tpu.memory_space<vmem>>, vector<1x1x16xf32>,
        %swap3A_1282 = vector.shape_cast %swap3A_1281 : vector<1x1x16xf32> to vector<16xf32>
        %swap3A_1283 = vector.shape_cast %add3A_1276 : vector<16xf32> to vector<1x1x16xf32>
        tpu.vector_store %arg10[%swap3A_1278, %swap3A_1279, %swap3A_1280], %swap3A_1283 {strides = array<i32>} : memref<3x32x96xf32, #tpu.memory_space<vmem>>, vector<1x1x16xf32>,
        %get3A_1284 = arith.constant 0 : i32
        %get3A_1285 = arith.constant 0 : i32
        %get3A_1286 = arith.index_cast %get3A_1284 : i32 to index
        %get3A_1287 = arith.index_cast %get3A_1285 : i32 to index
        %get3A_1288 = arith.index_cast %add3A_1111 : i32 to index
        %get3A_1289 = arith.constant 32 : index
        %get3A_1290 = tpu.vector_load %arg9[%get3A_1286, %get3A_1287, %get3A_1288, %get3A_1289] {strides = array<i32>} : memref<3x8x32x96xf32, #tpu.memory_space<vmem>>, vector<1x1x1x16xf32>,
        %get3A_1291 = vector.shape_cast %get3A_1290 : vector<1x1x1x16xf32> to vector<16xf32>
        %mul3A_1292 = arith.mulf %broadcast_in_dim3A, %get3A_1291 : vector<16xf32>
        %get3A_1293 = arith.constant 0 : i32
        %get3A_1294 = arith.constant 1 : i32
        %get3A_1295 = arith.index_cast %get3A_1293 : i32 to index
        %get3A_1296 = arith.index_cast %get3A_1294 : i32 to index
        %get3A_1297 = arith.index_cast %add3A_1111 : i32 to index
        %get3A_1298 = arith.constant 32 : index
        %get3A_1299 = tpu.vector_load %arg9[%get3A_1295, %get3A_1296, %get3A_1297, %get3A_1298] {strides = array<i32>} : memref<3x8x32x96xf32, #tpu.memory_space<vmem>>, vector<1x1x1x16xf32>,
        %get3A_1300 = vector.shape_cast %get3A_1299 : vector<1x1x1x16xf32> to vector<16xf32>
        %mul3A_1301 = arith.mulf %broadcast_in_dim3A_162, %get3A_1300 : vector<16xf32>
        %add3A_1302 = arith.addf %mul3A_1292, %mul3A_1301 : vector<16xf32>
        %get3A_1303 = arith.constant 0 : i32
        %get3A_1304 = arith.constant 2 : i32
        %get3A_1305 = arith.index_cast %get3A_1303 : i32 to index
        %get3A_1306 = arith.index_cast %get3A_1304 : i32 to index
        %get3A_1307 = arith.index_cast %add3A_1111 : i32 to index
        %get3A_1308 = arith.constant 32 : index
        %get3A_1309 = tpu.vector_load %arg9[%get3A_1305, %get3A_1306, %get3A_1307, %get3A_1308] {strides = array<i32>} : memref<3x8x32x96xf32, #tpu.memory_space<vmem>>, vector<1x1x1x16xf32>,
        %get3A_1310 = vector.shape_cast %get3A_1309 : vector<1x1x1x16xf32> to vector<16xf32>
        %mul3A_1311 = arith.mulf %broadcast_in_dim3A_170, %get3A_1310 : vector<16xf32>
        %add3A_1312 = arith.addf %add3A_1302, %mul3A_1311 : vector<16xf32>
        %get3A_1313 = arith.constant 0 : i32
        %get3A_1314 = arith.constant 3 : i32
        %get3A_1315 = arith.index_cast %get3A_1313 : i32 to index
        %get3A_1316 = arith.index_cast %get3A_1314 : i32 to index
        %get3A_1317 = arith.index_cast %add3A_1111 : i32 to index
        %get3A_1318 = arith.constant 32 : index
        %get3A_1319 = tpu.vector_load %arg9[%get3A_1315, %get3A_1316, %get3A_1317, %get3A_1318] {strides = array<i32>} : memref<3x8x32x96xf32, #tpu.memory_space<vmem>>, vector<1x1x1x16xf32>,
        %get3A_1320 = vector.shape_cast %get3A_1319 : vector<1x1x1x16xf32> to vector<16xf32>
        %mul3A_1321 = arith.mulf %broadcast_in_dim3A_178, %get3A_1320 : vector<16xf32>
        %add3A_1322 = arith.addf %add3A_1312, %mul3A_1321 : vector<16xf32>
        %get3A_1323 = arith.constant 0 : i32
        %get3A_1324 = arith.constant 4 : i32
        %get3A_1325 = arith.index_cast %get3A_1323 : i32 to index
        %get3A_1326 = arith.index_cast %get3A_1324 : i32 to index
        %get3A_1327 = arith.index_cast %add3A_1111 : i32 to index
        %get3A_1328 = arith.constant 32 : index
        %get3A_1329 = tpu.vector_load %arg9[%get3A_1325, %get3A_1326, %get3A_1327, %get3A_1328] {strides = array<i32>} : memref<3x8x32x96xf32, #tpu.memory_space<vmem>>, vector<1x1x1x16xf32>,
        %get3A_1330 = vector.shape_cast %get3A_1329 : vector<1x1x1x16xf32> to vector<16xf32>
        %mul3A_1331 = arith.mulf %broadcast_in_dim3A_186, %get3A_1330 : vector<16xf32>
        %add3A_1332 = arith.addf %add3A_1322, %mul3A_1331 : vector<16xf32>
        %get3A_1333 = arith.constant 0 : i32
        %get3A_1334 = arith.constant 5 : i32
        %get3A_1335 = arith.index_cast %get3A_1333 : i32 to index
        %get3A_1336 = arith.index_cast %get3A_1334 : i32 to index
        %get3A_1337 = arith.index_cast %add3A_1111 : i32 to index
        %get3A_1338 = arith.constant 32 : index
        %get3A_1339 = tpu.vector_load %arg9[%get3A_1335, %get3A_1336, %get3A_1337, %get3A_1338] {strides = array<i32>} : memref<3x8x32x96xf32, #tpu.memory_space<vmem>>, vector<1x1x1x16xf32>,
        %get3A_1340 = vector.shape_cast %get3A_1339 : vector<1x1x1x16xf32> to vector<16xf32>
        %mul3A_1341 = arith.mulf %broadcast_in_dim3A_194, %get3A_1340 : vector<16xf32>
        %add3A_1342 = arith.addf %add3A_1332, %mul3A_1341 : vector<16xf32>
        %get3A_1343 = arith.constant 0 : i32
        %get3A_1344 = arith.constant 6 : i32
        %get3A_1345 = arith.index_cast %get3A_1343 : i32 to index
        %get3A_1346 = arith.index_cast %get3A_1344 : i32 to index
        %get3A_1347 = arith.index_cast %add3A_1111 : i32 to index
        %get3A_1348 = arith.constant 32 : index
        %get3A_1349 = tpu.vector_load %arg9[%get3A_1345, %get3A_1346, %get3A_1347, %get3A_1348] {strides = array<i32>} : memref<3x8x32x96xf32, #tpu.memory_space<vmem>>, vector<1x1x1x16xf32>,
        %get3A_1350 = vector.shape_cast %get3A_1349 : vector<1x1x1x16xf32> to vector<16xf32>
        %mul3A_1351 = arith.mulf %broadcast_in_dim3A_202, %get3A_1350 : vector<16xf32>
        %add3A_1352 = arith.addf %add3A_1342, %mul3A_1351 : vector<16xf32>
        %get3A_1353 = arith.constant 0 : i32
        %get3A_1354 = arith.constant 7 : i32
        %get3A_1355 = arith.index_cast %get3A_1353 : i32 to index
        %get3A_1356 = arith.index_cast %get3A_1354 : i32 to index
        %get3A_1357 = arith.index_cast %add3A_1111 : i32 to index
        %get3A_1358 = arith.constant 32 : index
        %get3A_1359 = tpu.vector_load %arg9[%get3A_1355, %get3A_1356, %get3A_1357, %get3A_1358] {strides = array<i32>} : memref<3x8x32x96xf32, #tpu.memory_space<vmem>>, vector<1x1x1x16xf32>,
        %get3A_1360 = vector.shape_cast %get3A_1359 : vector<1x1x1x16xf32> to vector<16xf32>
        %mul3A_1361 = arith.mulf %broadcast_in_dim3A_210, %get3A_1360 : vector<16xf32>
        %add3A_1362 = arith.addf %add3A_1352, %mul3A_1361 : vector<16xf32>
        %swap3A_1363 = arith.constant 0 : i32
        %swap3A_1364 = arith.index_cast %swap3A_1363 : i32 to index
        %swap3A_1365 = arith.index_cast %add3A_1111 : i32 to index
        %swap3A_1366 = arith.constant 32 : index
        %swap3A_1367 = tpu.vector_load %arg10[%swap3A_1364, %swap3A_1365, %swap3A_1366] {strides = array<i32>} : memref<3x32x96xf32, #tpu.memory_space<vmem>>, vector<1x1x16xf32>,
        %swap3A_1368 = vector.shape_cast %swap3A_1367 : vector<1x1x16xf32> to vector<16xf32>
        %swap3A_1369 = vector.shape_cast %add3A_1362 : vector<16xf32> to vector<1x1x16xf32>
        tpu.vector_store %arg10[%swap3A_1364, %swap3A_1365, %swap3A_1366], %swap3A_1369 {strides = array<i32>} : memref<3x32x96xf32, #tpu.memory_space<vmem>>, vector<1x1x16xf32>,
        %get3A_1370 = arith.constant 0 : i32
        %get3A_1371 = arith.constant 0 : i32
        %get3A_1372 = arith.index_cast %get3A_1370 : i32 to index
        %get3A_1373 = arith.index_cast %get3A_1371 : i32 to index
        %get3A_1374 = arith.index_cast %add3A_1111 : i32 to index
        %get3A_1375 = arith.constant 48 : index
        %get3A_1376 = tpu.vector_load %arg9[%get3A_1372, %get3A_1373, %get3A_1374, %get3A_1375] {strides = array<i32>} : memref<3x8x32x96xf32, #tpu.memory_space<vmem>>, vector<1x1x1x16xf32>,
        %get3A_1377 = vector.shape_cast %get3A_1376 : vector<1x1x1x16xf32> to vector<16xf32>
        %mul3A_1378 = arith.mulf %broadcast_in_dim3A, %get3A_1377 : vector<16xf32>
        %get3A_1379 = arith.constant 0 : i32
        %get3A_1380 = arith.constant 1 : i32
        %get3A_1381 = arith.index_cast %get3A_1379 : i32 to index
        %get3A_1382 = arith.index_cast %get3A_1380 : i32 to index
        %get3A_1383 = arith.index_cast %add3A_1111 : i32 to index
        %get3A_1384 = arith.constant 48 : index
        %get3A_1385 = tpu.vector_load %arg9[%get3A_1381, %get3A_1382, %get3A_1383, %get3A_1384] {strides = array<i32>} : memref<3x8x32x96xf32, #tpu.memory_space<vmem>>, vector<1x1x1x16xf32>,
        %get3A_1386 = vector.shape_cast %get3A_1385 : vector<1x1x1x16xf32> to vector<16xf32>
        %mul3A_1387 = arith.mulf %broadcast_in_dim3A_162, %get3A_1386 : vector<16xf32>
        %add3A_1388 = arith.addf %mul3A_1378, %mul3A_1387 : vector<16xf32>
        %get3A_1389 = arith.constant 0 : i32
        %get3A_1390 = arith.constant 2 : i32
        %get3A_1391 = arith.index_cast %get3A_1389 : i32 to index
        %get3A_1392 = arith.index_cast %get3A_1390 : i32 to index
        %get3A_1393 = arith.index_cast %add3A_1111 : i32 to index
        %get3A_1394 = arith.constant 48 : index
        %get3A_1395 = tpu.vector_load %arg9[%get3A_1391, %get3A_1392, %get3A_1393, %get3A_1394] {strides = array<i32>} : memref<3x8x32x96xf32, #tpu.memory_space<vmem>>, vector<1x1x1x16xf32>,
        %get3A_1396 = vector.shape_cast %get3A_1395 : vector<1x1x1x16xf32> to vector<16xf32>
        %mul3A_1397 = arith.mulf %broadcast_in_dim3A_170, %get3A_1396 : vector<16xf32>
        %add3A_1398 = arith.addf %add3A_1388, %mul3A_1397 : vector<16xf32>
        %get3A_1399 = arith.constant 0 : i32
        %get3A_1400 = arith.constant 3 : i32
        %get3A_1401 = arith.index_cast %get3A_1399 : i32 to index
        %get3A_1402 = arith.index_cast %get3A_1400 : i32 to index
        %get3A_1403 = arith.index_cast %add3A_1111 : i32 to index
        %get3A_1404 = arith.constant 48 : index
        %get3A_1405 = tpu.vector_load %arg9[%get3A_1401, %get3A_1402, %get3A_1403, %get3A_1404] {strides = array<i32>} : memref<3x8x32x96xf32, #tpu.memory_space<vmem>>, vector<1x1x1x16xf32>,
        %get3A_1406 = vector.shape_cast %get3A_1405 : vector<1x1x1x16xf32> to vector<16xf32>
        %mul3A_1407 = arith.mulf %broadcast_in_dim3A_178, %get3A_1406 : vector<16xf32>
        %add3A_1408 = arith.addf %add3A_1398, %mul3A_1407 : vector<16xf32>
        %get3A_1409 = arith.constant 0 : i32
        %get3A_1410 = arith.constant 4 : i32
        %get3A_1411 = arith.index_cast %get3A_1409 : i32 to index
        %get3A_1412 = arith.index_cast %get3A_1410 : i32 to index
        %get3A_1413 = arith.index_cast %add3A_1111 : i32 to index
        %get3A_1414 = arith.constant 48 : index
        %get3A_1415 = tpu.vector_load %arg9[%get3A_1411, %get3A_1412, %get3A_1413, %get3A_1414] {strides = array<i32>} : memref<3x8x32x96xf32, #tpu.memory_space<vmem>>, vector<1x1x1x16xf32>,
        %get3A_1416 = vector.shape_cast %get3A_1415 : vector<1x1x1x16xf32> to vector<16xf32>
        %mul3A_1417 = arith.mulf %broadcast_in_dim3A_186, %get3A_1416 : vector<16xf32>
        %add3A_1418 = arith.addf %add3A_1408, %mul3A_1417 : vector<16xf32>
        %get3A_1419 = arith.constant 0 : i32
        %get3A_1420 = arith.constant 5 : i32
        %get3A_1421 = arith.index_cast %get3A_1419 : i32 to index
        %get3A_1422 = arith.index_cast %get3A_1420 : i32 to index
        %get3A_1423 = arith.index_cast %add3A_1111 : i32 to index
        %get3A_1424 = arith.constant 48 : index
        %get3A_1425 = tpu.vector_load %arg9[%get3A_1421, %get3A_1422, %get3A_1423, %get3A_1424] {strides = array<i32>} : memref<3x8x32x96xf32, #tpu.memory_space<vmem>>, vector<1x1x1x16xf32>,
        %get3A_1426 = vector.shape_cast %get3A_1425 : vector<1x1x1x16xf32> to vector<16xf32>
        %mul3A_1427 = arith.mulf %broadcast_in_dim3A_194, %get3A_1426 : vector<16xf32>
        %add3A_1428 = arith.addf %add3A_1418, %mul3A_1427 : vector<16xf32>
        %get3A_1429 = arith.constant 0 : i32
        %get3A_1430 = arith.constant 6 : i32
        %get3A_1431 = arith.index_cast %get3A_1429 : i32 to index
        %get3A_1432 = arith.index_cast %get3A_1430 : i32 to index
        %get3A_1433 = arith.index_cast %add3A_1111 : i32 to index
        %get3A_1434 = arith.constant 48 : index
        %get3A_1435 = tpu.vector_load %arg9[%get3A_1431, %get3A_1432, %get3A_1433, %get3A_1434] {strides = array<i32>} : memref<3x8x32x96xf32, #tpu.memory_space<vmem>>, vector<1x1x1x16xf32>,
        %get3A_1436 = vector.shape_cast %get3A_1435 : vector<1x1x1x16xf32> to vector<16xf32>
        %mul3A_1437 = arith.mulf %broadcast_in_dim3A_202, %get3A_1436 : vector<16xf32>
        %add3A_1438 = arith.addf %add3A_1428, %mul3A_1437 : vector<16xf32>
        %get3A_1439 = arith.constant 0 : i32
        %get3A_1440 = arith.constant 7 : i32
        %get3A_1441 = arith.index_cast %get3A_1439 : i32 to index
        %get3A_1442 = arith.index_cast %get3A_1440 : i32 to index
        %get3A_1443 = arith.index_cast %add3A_1111 : i32 to index
        %get3A_1444 = arith.constant 48 : index
        %get3A_1445 = tpu.vector_load %arg9[%get3A_1441, %get3A_1442, %get3A_1443, %get3A_1444] {strides = array<i32>} : memref<3x8x32x96xf32, #tpu.memory_space<vmem>>, vector<1x1x1x16xf32>,
        %get3A_1446 = vector.shape_cast %get3A_1445 : vector<1x1x1x16xf32> to vector<16xf32>
        %mul3A_1447 = arith.mulf %broadcast_in_dim3A_210, %get3A_1446 : vector<16xf32>
        %add3A_1448 = arith.addf %add3A_1438, %mul3A_1447 : vector<16xf32>
        %swap3A_1449 = arith.constant 0 : i32
        %swap3A_1450 = arith.index_cast %swap3A_1449 : i32 to index
        %swap3A_1451 = arith.index_cast %add3A_1111 : i32 to index
        %swap3A_1452 = arith.constant 48 : index
        %swap3A_1453 = tpu.vector_load %arg10[%swap3A_1450, %swap3A_1451, %swap3A_1452] {strides = array<i32>} : memref<3x32x96xf32, #tpu.memory_space<vmem>>, vector<1x1x16xf32>,
        %swap3A_1454 = vector.shape_cast %swap3A_1453 : vector<1x1x16xf32> to vector<16xf32>
        %swap3A_1455 = vector.shape_cast %add3A_1448 : vector<16xf32> to vector<1x1x16xf32>
        tpu.vector_store %arg10[%swap3A_1450, %swap3A_1451, %swap3A_1452], %swap3A_1455 {strides = array<i32>} : memref<3x32x96xf32, #tpu.memory_space<vmem>>, vector<1x1x16xf32>,
        %get3A_1456 = arith.constant 0 : i32
        %get3A_1457 = arith.constant 0 : i32
        %get3A_1458 = arith.index_cast %get3A_1456 : i32 to index
        %get3A_1459 = arith.index_cast %get3A_1457 : i32 to index
        %get3A_1460 = arith.index_cast %add3A_1111 : i32 to index
        %get3A_1461 = arith.constant 64 : index
        %get3A_1462 = tpu.vector_load %arg9[%get3A_1458, %get3A_1459, %get3A_1460, %get3A_1461] {strides = array<i32>} : memref<3x8x32x96xf32, #tpu.memory_space<vmem>>, vector<1x1x1x16xf32>,
        %get3A_1463 = vector.shape_cast %get3A_1462 : vector<1x1x1x16xf32> to vector<16xf32>
        %mul3A_1464 = arith.mulf %broadcast_in_dim3A, %get3A_1463 : vector<16xf32>
        %get3A_1465 = arith.constant 0 : i32
        %get3A_1466 = arith.constant 1 : i32
        %get3A_1467 = arith.index_cast %get3A_1465 : i32 to index
        %get3A_1468 = arith.index_cast %get3A_1466 : i32 to index
        %get3A_1469 = arith.index_cast %add3A_1111 : i32 to index
        %get3A_1470 = arith.constant 64 : index
        %get3A_1471 = tpu.vector_load %arg9[%get3A_1467, %get3A_1468, %get3A_1469, %get3A_1470] {strides = array<i32>} : memref<3x8x32x96xf32, #tpu.memory_space<vmem>>, vector<1x1x1x16xf32>,
        %get3A_1472 = vector.shape_cast %get3A_1471 : vector<1x1x1x16xf32> to vector<16xf32>
        %mul3A_1473 = arith.mulf %broadcast_in_dim3A_162, %get3A_1472 : vector<16xf32>
        %add3A_1474 = arith.addf %mul3A_1464, %mul3A_1473 : vector<16xf32>
        %get3A_1475 = arith.constant 0 : i32
        %get3A_1476 = arith.constant 2 : i32
        %get3A_1477 = arith.index_cast %get3A_1475 : i32 to index
        %get3A_1478 = arith.index_cast %get3A_1476 : i32 to index
        %get3A_1479 = arith.index_cast %add3A_1111 : i32 to index
        %get3A_1480 = arith.constant 64 : index
        %get3A_1481 = tpu.vector_load %arg9[%get3A_1477, %get3A_1478, %get3A_1479, %get3A_1480] {strides = array<i32>} : memref<3x8x32x96xf32, #tpu.memory_space<vmem>>, vector<1x1x1x16xf32>,
        %get3A_1482 = vector.shape_cast %get3A_1481 : vector<1x1x1x16xf32> to vector<16xf32>
        %mul3A_1483 = arith.mulf %broadcast_in_dim3A_170, %get3A_1482 : vector<16xf32>
        %add3A_1484 = arith.addf %add3A_1474, %mul3A_1483 : vector<16xf32>
        %get3A_1485 = arith.constant 0 : i32
        %get3A_1486 = arith.constant 3 : i32
        %get3A_1487 = arith.index_cast %get3A_1485 : i32 to index
        %get3A_1488 = arith.index_cast %get3A_1486 : i32 to index
        %get3A_1489 = arith.index_cast %add3A_1111 : i32 to index
        %get3A_1490 = arith.constant 64 : index
        %get3A_1491 = tpu.vector_load %arg9[%get3A_1487, %get3A_1488, %get3A_1489, %get3A_1490] {strides = array<i32>} : memref<3x8x32x96xf32, #tpu.memory_space<vmem>>, vector<1x1x1x16xf32>,
        %get3A_1492 = vector.shape_cast %get3A_1491 : vector<1x1x1x16xf32> to vector<16xf32>
        %mul3A_1493 = arith.mulf %broadcast_in_dim3A_178, %get3A_1492 : vector<16xf32>
        %add3A_1494 = arith.addf %add3A_1484, %mul3A_1493 : vector<16xf32>
        %get3A_1495 = arith.constant 0 : i32
        %get3A_1496 = arith.constant 4 : i32
        %get3A_1497 = arith.index_cast %get3A_1495 : i32 to index
        %get3A_1498 = arith.index_cast %get3A_1496 : i32 to index
        %get3A_1499 = arith.index_cast %add3A_1111 : i32 to index
        %get3A_1500 = arith.constant 64 : index
        %get3A_1501 = tpu.vector_load %arg9[%get3A_1497, %get3A_1498, %get3A_1499, %get3A_1500] {strides = array<i32>} : memref<3x8x32x96xf32, #tpu.memory_space<vmem>>, vector<1x1x1x16xf32>,
        %get3A_1502 = vector.shape_cast %get3A_1501 : vector<1x1x1x16xf32> to vector<16xf32>
        %mul3A_1503 = arith.mulf %broadcast_in_dim3A_186, %get3A_1502 : vector<16xf32>
        %add3A_1504 = arith.addf %add3A_1494, %mul3A_1503 : vector<16xf32>
        %get3A_1505 = arith.constant 0 : i32
        %get3A_1506 = arith.constant 5 : i32
        %get3A_1507 = arith.index_cast %get3A_1505 : i32 to index
        %get3A_1508 = arith.index_cast %get3A_1506 : i32 to index
        %get3A_1509 = arith.index_cast %add3A_1111 : i32 to index
        %get3A_1510 = arith.constant 64 : index
        %get3A_1511 = tpu.vector_load %arg9[%get3A_1507, %get3A_1508, %get3A_1509, %get3A_1510] {strides = array<i32>} : memref<3x8x32x96xf32, #tpu.memory_space<vmem>>, vector<1x1x1x16xf32>,
        %get3A_1512 = vector.shape_cast %get3A_1511 : vector<1x1x1x16xf32> to vector<16xf32>
        %mul3A_1513 = arith.mulf %broadcast_in_dim3A_194, %get3A_1512 : vector<16xf32>
        %add3A_1514 = arith.addf %add3A_1504, %mul3A_1513 : vector<16xf32>
        %get3A_1515 = arith.constant 0 : i32
        %get3A_1516 = arith.constant 6 : i32
        %get3A_1517 = arith.index_cast %get3A_1515 : i32 to index
        %get3A_1518 = arith.index_cast %get3A_1516 : i32 to index
        %get3A_1519 = arith.index_cast %add3A_1111 : i32 to index
        %get3A_1520 = arith.constant 64 : index
        %get3A_1521 = tpu.vector_load %arg9[%get3A_1517, %get3A_1518, %get3A_1519, %get3A_1520] {strides = array<i32>} : memref<3x8x32x96xf32, #tpu.memory_space<vmem>>, vector<1x1x1x16xf32>,
        %get3A_1522 = vector.shape_cast %get3A_1521 : vector<1x1x1x16xf32> to vector<16xf32>
        %mul3A_1523 = arith.mulf %broadcast_in_dim3A_202, %get3A_1522 : vector<16xf32>
        %add3A_1524 = arith.addf %add3A_1514, %mul3A_1523 : vector<16xf32>
        %get3A_1525 = arith.constant 0 : i32
        %get3A_1526 = arith.constant 7 : i32
        %get3A_1527 = arith.index_cast %get3A_1525 : i32 to index
        %get3A_1528 = arith.index_cast %get3A_1526 : i32 to index
        %get3A_1529 = arith.index_cast %add3A_1111 : i32 to index
        %get3A_1530 = arith.constant 64 : index
        %get3A_1531 = tpu.vector_load %arg9[%get3A_1527, %get3A_1528, %get3A_1529, %get3A_1530] {strides = array<i32>} : memref<3x8x32x96xf32, #tpu.memory_space<vmem>>, vector<1x1x1x16xf32>,
        %get3A_1532 = vector.shape_cast %get3A_1531 : vector<1x1x1x16xf32> to vector<16xf32>
        %mul3A_1533 = arith.mulf %broadcast_in_dim3A_210, %get3A_1532 : vector<16xf32>
        %add3A_1534 = arith.addf %add3A_1524, %mul3A_1533 : vector<16xf32>
        %swap3A_1535 = arith.constant 0 : i32
        %swap3A_1536 = arith.index_cast %swap3A_1535 : i32 to index
        %swap3A_1537 = arith.index_cast %add3A_1111 : i32 to index
        %swap3A_1538 = arith.constant 64 : index
        %swap3A_1539 = tpu.vector_load %arg10[%swap3A_1536, %swap3A_1537, %swap3A_1538] {strides = array<i32>} : memref<3x32x96xf32, #tpu.memory_space<vmem>>, vector<1x1x16xf32>,
        %swap3A_1540 = vector.shape_cast %swap3A_1539 : vector<1x1x16xf32> to vector<16xf32>
        %swap3A_1541 = vector.shape_cast %add3A_1534 : vector<16xf32> to vector<1x1x16xf32>
        tpu.vector_store %arg10[%swap3A_1536, %swap3A_1537, %swap3A_1538], %swap3A_1541 {strides = array<i32>} : memref<3x32x96xf32, #tpu.memory_space<vmem>>, vector<1x1x16xf32>,
        %get3A_1542 = arith.constant 0 : i32
        %get3A_1543 = arith.constant 0 : i32
        %get3A_1544 = arith.index_cast %get3A_1542 : i32 to index
        %get3A_1545 = arith.index_cast %get3A_1543 : i32 to index
        %get3A_1546 = arith.index_cast %add3A_1111 : i32 to index
        %get3A_1547 = arith.constant 80 : index
        %get3A_1548 = tpu.vector_load %arg9[%get3A_1544, %get3A_1545, %get3A_1546, %get3A_1547] {strides = array<i32>} : memref<3x8x32x96xf32, #tpu.memory_space<vmem>>, vector<1x1x1x16xf32>,
        %get3A_1549 = vector.shape_cast %get3A_1548 : vector<1x1x1x16xf32> to vector<16xf32>
        %mul3A_1550 = arith.mulf %broadcast_in_dim3A, %get3A_1549 : vector<16xf32>
        %get3A_1551 = arith.constant 0 : i32
        %get3A_1552 = arith.constant 1 : i32
        %get3A_1553 = arith.index_cast %get3A_1551 : i32 to index
        %get3A_1554 = arith.index_cast %get3A_1552 : i32 to index
        %get3A_1555 = arith.index_cast %add3A_1111 : i32 to index
        %get3A_1556 = arith.constant 80 : index
        %get3A_1557 = tpu.vector_load %arg9[%get3A_1553, %get3A_1554, %get3A_1555, %get3A_1556] {strides = array<i32>} : memref<3x8x32x96xf32, #tpu.memory_space<vmem>>, vector<1x1x1x16xf32>,
        %get3A_1558 = vector.shape_cast %get3A_1557 : vector<1x1x1x16xf32> to vector<16xf32>
        %mul3A_1559 = arith.mulf %broadcast_in_dim3A_162, %get3A_1558 : vector<16xf32>
        %add3A_1560 = arith.addf %mul3A_1550, %mul3A_1559 : vector<16xf32>
        %get3A_1561 = arith.constant 0 : i32
        %get3A_1562 = arith.constant 2 : i32
        %get3A_1563 = arith.index_cast %get3A_1561 : i32 to index
        %get3A_1564 = arith.index_cast %get3A_1562 : i32 to index
        %get3A_1565 = arith.index_cast %add3A_1111 : i32 to index
        %get3A_1566 = arith.constant 80 : index
        %get3A_1567 = tpu.vector_load %arg9[%get3A_1563, %get3A_1564, %get3A_1565, %get3A_1566] {strides = array<i32>} : memref<3x8x32x96xf32, #tpu.memory_space<vmem>>, vector<1x1x1x16xf32>,
        %get3A_1568 = vector.shape_cast %get3A_1567 : vector<1x1x1x16xf32> to vector<16xf32>
        %mul3A_1569 = arith.mulf %broadcast_in_dim3A_170, %get3A_1568 : vector<16xf32>
        %add3A_1570 = arith.addf %add3A_1560, %mul3A_1569 : vector<16xf32>
        %get3A_1571 = arith.constant 0 : i32
        %get3A_1572 = arith.constant 3 : i32
        %get3A_1573 = arith.index_cast %get3A_1571 : i32 to index
        %get3A_1574 = arith.index_cast %get3A_1572 : i32 to index
        %get3A_1575 = arith.index_cast %add3A_1111 : i32 to index
        %get3A_1576 = arith.constant 80 : index
        %get3A_1577 = tpu.vector_load %arg9[%get3A_1573, %get3A_1574, %get3A_1575, %get3A_1576] {strides = array<i32>} : memref<3x8x32x96xf32, #tpu.memory_space<vmem>>, vector<1x1x1x16xf32>,
        %get3A_1578 = vector.shape_cast %get3A_1577 : vector<1x1x1x16xf32> to vector<16xf32>
        %mul3A_1579 = arith.mulf %broadcast_in_dim3A_178, %get3A_1578 : vector<16xf32>
        %add3A_1580 = arith.addf %add3A_1570, %mul3A_1579 : vector<16xf32>
        %get3A_1581 = arith.constant 0 : i32
        %get3A_1582 = arith.constant 4 : i32
        %get3A_1583 = arith.index_cast %get3A_1581 : i32 to index
        %get3A_1584 = arith.index_cast %get3A_1582 : i32 to index
        %get3A_1585 = arith.index_cast %add3A_1111 : i32 to index
        %get3A_1586 = arith.constant 80 : index
        %get3A_1587 = tpu.vector_load %arg9[%get3A_1583, %get3A_1584, %get3A_1585, %get3A_1586] {strides = array<i32>} : memref<3x8x32x96xf32, #tpu.memory_space<vmem>>, vector<1x1x1x16xf32>,
        %get3A_1588 = vector.shape_cast %get3A_1587 : vector<1x1x1x16xf32> to vector<16xf32>
        %mul3A_1589 = arith.mulf %broadcast_in_dim3A_186, %get3A_1588 : vector<16xf32>
        %add3A_1590 = arith.addf %add3A_1580, %mul3A_1589 : vector<16xf32>
        %get3A_1591 = arith.constant 0 : i32
        %get3A_1592 = arith.constant 5 : i32
        %get3A_1593 = arith.index_cast %get3A_1591 : i32 to index
        %get3A_1594 = arith.index_cast %get3A_1592 : i32 to index
        %get3A_1595 = arith.index_cast %add3A_1111 : i32 to index
        %get3A_1596 = arith.constant 80 : index
        %get3A_1597 = tpu.vector_load %arg9[%get3A_1593, %get3A_1594, %get3A_1595, %get3A_1596] {strides = array<i32>} : memref<3x8x32x96xf32, #tpu.memory_space<vmem>>, vector<1x1x1x16xf32>,
        %get3A_1598 = vector.shape_cast %get3A_1597 : vector<1x1x1x16xf32> to vector<16xf32>
        %mul3A_1599 = arith.mulf %broadcast_in_dim3A_194, %get3A_1598 : vector<16xf32>
        %add3A_1600 = arith.addf %add3A_1590, %mul3A_1599 : vector<16xf32>
        %get3A_1601 = arith.constant 0 : i32
        %get3A_1602 = arith.constant 6 : i32
        %get3A_1603 = arith.index_cast %get3A_1601 : i32 to index
        %get3A_1604 = arith.index_cast %get3A_1602 : i32 to index
        %get3A_1605 = arith.index_cast %add3A_1111 : i32 to index
        %get3A_1606 = arith.constant 80 : index
        %get3A_1607 = tpu.vector_load %arg9[%get3A_1603, %get3A_1604, %get3A_1605, %get3A_1606] {strides = array<i32>} : memref<3x8x32x96xf32, #tpu.memory_space<vmem>>, vector<1x1x1x16xf32>,
        %get3A_1608 = vector.shape_cast %get3A_1607 : vector<1x1x1x16xf32> to vector<16xf32>
        %mul3A_1609 = arith.mulf %broadcast_in_dim3A_202, %get3A_1608 : vector<16xf32>
        %add3A_1610 = arith.addf %add3A_1600, %mul3A_1609 : vector<16xf32>
        %get3A_1611 = arith.constant 0 : i32
        %get3A_1612 = arith.constant 7 : i32
        %get3A_1613 = arith.index_cast %get3A_1611 : i32 to index
        %get3A_1614 = arith.index_cast %get3A_1612 : i32 to index
        %get3A_1615 = arith.index_cast %add3A_1111 : i32 to index
        %get3A_1616 = arith.constant 80 : index
        %get3A_1617 = tpu.vector_load %arg9[%get3A_1613, %get3A_1614, %get3A_1615, %get3A_1616] {strides = array<i32>} : memref<3x8x32x96xf32, #tpu.memory_space<vmem>>, vector<1x1x1x16xf32>,
        %get3A_1618 = vector.shape_cast %get3A_1617 : vector<1x1x1x16xf32> to vector<16xf32>
        %mul3A_1619 = arith.mulf %broadcast_in_dim3A_210, %get3A_1618 : vector<16xf32>
        %add3A_1620 = arith.addf %add3A_1610, %mul3A_1619 : vector<16xf32>
        %swap3A_1621 = arith.constant 0 : i32
        %swap3A_1622 = arith.index_cast %swap3A_1621 : i32 to index
        %swap3A_1623 = arith.index_cast %add3A_1111 : i32 to index
        %swap3A_1624 = arith.constant 80 : index
        %swap3A_1625 = tpu.vector_load %arg10[%swap3A_1622, %swap3A_1623, %swap3A_1624] {strides = array<i32>} : memref<3x32x96xf32, #tpu.memory_space<vmem>>, vector<1x1x16xf32>,
        %swap3A_1626 = vector.shape_cast %swap3A_1625 : vector<1x1x16xf32> to vector<16xf32>
        %swap3A_1627 = vector.shape_cast %add3A_1620 : vector<16xf32> to vector<1x1x16xf32>
        tpu.vector_store %arg10[%swap3A_1622, %swap3A_1623, %swap3A_1624], %swap3A_1627 {strides = array<i32>} : memref<3x32x96xf32, #tpu.memory_space<vmem>>, vector<1x1x16xf32>,
      }
      %scan3A_441 = arith.constant 16 : i32
      %dma_start3A_442 = arith.constant 0 : i32
      %dma_start3A_443 = arith.constant 0 : i32
      %dma_start3A_444 = arith.constant 0 : i32
      %dma_start3A_445 = arith.constant 0 : i32
      %dma_start3A_446 = tpu.memref_slice %arg10[%dma_start3A_442, %dma_start3A_444, %dma_start3A_445] : memref<3x32x96xf32, #tpu.memory_space<vmem>> -> memref<1x32x96xf32, #tpu.memory_space<vmem>>
      %dma_start3A_447 = tpu.memref_squeeze %dma_start3A_446 : memref<1x32x96xf32, #tpu.memory_space<vmem>> -> memref<32x96xf32, #tpu.memory_space<vmem>>
      %dma_start3A_448 = arith.constant 0 : i32
      %dma_start3A_449 = tpu.memref_slice %arg5[%select_n3A, %add3A_411, %mul3A_32, %dma_start3A_448] : memref<16x64x64x96xf32, #tpu.memory_space<hbm>> -> memref<1x1x32x96xf32, #tpu.memory_space<hbm>>
      %dma_start3A_450 = tpu.memref_squeeze %dma_start3A_449 : memref<1x1x32x96xf32, #tpu.memory_space<hbm>> -> memref<32x96xf32, #tpu.memory_space<hbm>>
      %dma_start3A_451 = tpu.memref_slice %arg12[%dma_start3A_443] : memref<3x!tpu.dma_semaphore, #tpu.memory_space<semaphore_mem>> -> memref<1x!tpu.dma_semaphore, #tpu.memory_space<semaphore_mem>>
      %dma_start3A_452 = tpu.memref_squeeze %dma_start3A_451 : memref<1x!tpu.dma_semaphore, #tpu.memory_space<semaphore_mem>> -> memref<!tpu.dma_semaphore, #tpu.memory_space<semaphore_mem>>
      %dma_start3A_453 = arith.constant 0 : i32
      %dma_start3A_454 = tpu.memref_slice %arg5[%select_n3A, %add3A_411, %mul3A_32, %dma_start3A_453] : memref<16x64x64x96xf32, #tpu.memory_space<hbm>> -> memref<1x1x32x96xf32, #tpu.memory_space<hbm>>
      %dma_start3A_455 = tpu.memref_squeeze %dma_start3A_454 : memref<1x1x32x96xf32, #tpu.memory_space<hbm>> -> memref<32x96xf32, #tpu.memory_space<hbm>>
      %dma_start3A_456 = arith.constant 0 : i32
      %dma_start3A_457 = arith.constant 0 : i32
      %dma_start3A_458 = tpu.memref_slice %arg10[%dma_start3A_442, %dma_start3A_456, %dma_start3A_457] : memref<3x32x96xf32, #tpu.memory_space<vmem>> -> memref<1x32x96xf32, #tpu.memory_space<vmem>>
      %dma_start3A_459 = tpu.memref_squeeze %dma_start3A_458 : memref<1x32x96xf32, #tpu.memory_space<vmem>> -> memref<32x96xf32, #tpu.memory_space<vmem>>
      tpu.enqueue_dma source(%dma_start3A_459 : memref<32x96xf32, #tpu.memory_space<vmem>>) target(%dma_start3A_455 : memref<32x96xf32, #tpu.memory_space<hbm>>) target_semaphore(%dma_start3A_452 : memref<!tpu.dma_semaphore, #tpu.memory_space<semaphore_mem>>)
      %add3A_460 = arith.constant 3 : i32
      %add3A_461 = arith.addi %add3A_411, %add3A_460 : i32
      %lt3A_462 = arith.constant 64 : i32
      %lt3A_463 = arith.cmpi slt, %add3A_461, %lt3A_462 : i32
      %convert_element_type3A_464 = arith.extui %lt3A_463 : i1 to i32
      %cond3A_465 = arith.constant 0 : i32
      %cond3A_466 = arith.cmpi ne, %convert_element_type3A_464, %cond3A_465 : i32
      scf.if %cond3A_466 {
        %add3A_587 = arith.constant 3 : i32
        %add3A_588 = arith.addi %add3A_411, %add3A_587 : i32
        %dma_start3A_589 = arith.constant 0 : i32
        %dma_start3A_590 = arith.constant 0 : i32
        %dma_start3A_591 = arith.constant 0 : i32
        %dma_start3A_592 = arith.constant 0 : i32
        %dma_start3A_593 = arith.constant 0 : i32
        %dma_start3A_594 = tpu.memref_slice %arg9[%dma_start3A_589, %dma_start3A_591, %dma_start3A_592, %dma_start3A_593] : memref<3x8x32x96xf32, #tpu.memory_space<vmem>> -> memref<1x8x32x96xf32, #tpu.memory_space<vmem>>
        %dma_start3A_595 = tpu.memref_squeeze %dma_start3A_594 : memref<1x8x32x96xf32, #tpu.memory_space<vmem>> -> memref<8x32x96xf32, #tpu.memory_space<vmem>>
        %dma_start3A_596 = arith.constant 0 : i32
        %dma_start3A_597 = arith.constant 0 : i32
        %dma_start3A_598 = tpu.memref_slice %arg2[%select_n3A, %dma_start3A_596, %add3A_588, %mul3A_32, %dma_start3A_597] : memref<16x8x64x64x96xf32, #tpu.memory_space<hbm>> -> memref<1x8x1x32x96xf32, #tpu.memory_space<hbm>>
        %dma_start3A_599 = tpu.memref_squeeze %dma_start3A_598 : memref<1x8x1x32x96xf32, #tpu.memory_space<hbm>> -> memref<8x32x96xf32, #tpu.memory_space<hbm>>
        %dma_start3A_600 = tpu.memref_slice %arg11[%dma_start3A_590] : memref<3x!tpu.dma_semaphore, #tpu.memory_space<semaphore_mem>> -> memref<1x!tpu.dma_semaphore, #tpu.memory_space<semaphore_mem>>
        %dma_start3A_601 = tpu.memref_squeeze %dma_start3A_600 : memref<1x!tpu.dma_semaphore, #tpu.memory_space<semaphore_mem>> -> memref<!tpu.dma_semaphore, #tpu.memory_space<semaphore_mem>>
        %dma_start3A_602 = arith.constant 0 : i32
        %dma_start3A_603 = arith.constant 0 : i32
        %dma_start3A_604 = arith.constant 0 : i32
        %dma_start3A_605 = tpu.memref_slice %arg9[%dma_start3A_589, %dma_start3A_602, %dma_start3A_603, %dma_start3A_604] : memref<3x8x32x96xf32, #tpu.memory_space<vmem>> -> memref<1x8x32x96xf32, #tpu.memory_space<vmem>>
        %dma_start3A_606 = tpu.memref_squeeze %dma_start3A_605 : memref<1x8x32x96xf32, #tpu.memory_space<vmem>> -> memref<8x32x96xf32, #tpu.memory_space<vmem>>
        %dma_start3A_607 = arith.constant 0 : i32
        %dma_start3A_608 = arith.constant 0 : i32
        %dma_start3A_609 = tpu.memref_slice %arg2[%select_n3A, %dma_start3A_607, %add3A_588, %mul3A_32, %dma_start3A_608] : memref<16x8x64x64x96xf32, #tpu.memory_space<hbm>> -> memref<1x8x1x32x96xf32, #tpu.memory_space<hbm>>
        %dma_start3A_610 = tpu.memref_squeeze %dma_start3A_609 : memref<1x8x1x32x96xf32, #tpu.memory_space<hbm>> -> memref<8x32x96xf32, #tpu.memory_space<hbm>>
        tpu.enqueue_dma source(%dma_start3A_610 : memref<8x32x96xf32, #tpu.memory_space<hbm>>) target(%dma_start3A_606 : memref<8x32x96xf32, #tpu.memory_space<vmem>>) target_semaphore(%dma_start3A_601 : memref<!tpu.dma_semaphore, #tpu.memory_space<semaphore_mem>>)
      } else {
      }
      %add3A_467 = arith.constant 1 : i32
      %add3A_468 = arith.addi %mul3A_409, %add3A_467 : i32
      %dma_wait3A_469 = arith.constant 1 : i32
      %dma_wait3A_470 = arith.constant 1 : i32
      %dma_wait3A_471 = arith.constant 0 : i32
      %dma_wait3A_472 = arith.constant 0 : i32
      %dma_wait3A_473 = arith.constant 0 : i32
      %dma_wait3A_474 = tpu.memref_slice %arg9[%dma_wait3A_469, %dma_wait3A_471, %dma_wait3A_472, %dma_wait3A_473] : memref<3x8x32x96xf32, #tpu.memory_space<vmem>> -> memref<1x8x32x96xf32, #tpu.memory_space<vmem>>
      %dma_wait3A_475 = tpu.memref_squeeze %dma_wait3A_474 : memref<1x8x32x96xf32, #tpu.memory_space<vmem>> -> memref<8x32x96xf32, #tpu.memory_space<vmem>>
      %dma_wait3A_476 = arith.constant 0 : i32
      %dma_wait3A_477 = arith.constant 0 : i32
      %dma_wait3A_478 = tpu.memref_slice %arg2[%select_n3A, %dma_wait3A_476, %add3A_468, %mul3A_32, %dma_wait3A_477] : memref<16x8x64x64x96xf32, #tpu.memory_space<hbm>> -> memref<1x8x1x32x96xf32, #tpu.memory_space<hbm>>
      %dma_wait3A_479 = tpu.memref_squeeze %dma_wait3A_478 : memref<1x8x1x32x96xf32, #tpu.memory_space<hbm>> -> memref<8x32x96xf32, #tpu.memory_space<hbm>>
      %dma_wait3A_480 = tpu.memref_slice %arg11[%dma_wait3A_470] : memref<3x!tpu.dma_semaphore, #tpu.memory_space<semaphore_mem>> -> memref<1x!tpu.dma_semaphore, #tpu.memory_space<semaphore_mem>>
      %dma_wait3A_481 = tpu.memref_squeeze %dma_wait3A_480 : memref<1x!tpu.dma_semaphore, #tpu.memory_space<semaphore_mem>> -> memref<!tpu.dma_semaphore, #tpu.memory_space<semaphore_mem>>
      %dma_wait3A_482 = arith.constant 0 : i32
      %dma_wait3A_483 = arith.constant 0 : i32
      %dma_wait3A_484 = arith.constant 0 : i32
      %dma_wait3A_485 = tpu.memref_slice %arg9[%dma_wait3A_469, %dma_wait3A_482, %dma_wait3A_483, %dma_wait3A_484] : memref<3x8x32x96xf32, #tpu.memory_space<vmem>> -> memref<1x8x32x96xf32, #tpu.memory_space<vmem>>
      %dma_wait3A_486 = tpu.memref_squeeze %dma_wait3A_485 : memref<1x8x32x96xf32, #tpu.memory_space<vmem>> -> memref<8x32x96xf32, #tpu.memory_space<vmem>>
      %dma_wait3A_487 = arith.constant 0 : i32
      %dma_wait3A_488 = arith.constant 0 : i32
      %dma_wait3A_489 = tpu.memref_slice %arg2[%select_n3A, %dma_wait3A_487, %add3A_468, %mul3A_32, %dma_wait3A_488] : memref<16x8x64x64x96xf32, #tpu.memory_space<hbm>> -> memref<1x8x1x32x96xf32, #tpu.memory_space<hbm>>
      %dma_wait3A_490 = tpu.memref_squeeze %dma_wait3A_489 : memref<1x8x1x32x96xf32, #tpu.memory_space<hbm>> -> memref<8x32x96xf32, #tpu.memory_space<hbm>>
      tpu.wait_dma2 semaphore(%dma_wait3A_481 : memref<!tpu.dma_semaphore, #tpu.memory_space<semaphore_mem>>) src(%dma_wait3A_490 : memref<8x32x96xf32, #tpu.memory_space<hbm>>) dst(%dma_wait3A_486 : memref<8x32x96xf32, #tpu.memory_space<vmem>>)
      %ge3A_491 = arith.constant 3 : i32
      %ge3A_492 = arith.cmpi sge, %add3A_468, %ge3A_491 : i32
      %convert_element_type3A_493 = arith.extui %ge3A_492 : i1 to i32
      %cond3A_494 = arith.constant 0 : i32
      %cond3A_495 = arith.cmpi ne, %convert_element_type3A_493, %cond3A_494 : i32
      scf.if %cond3A_495 {
        %dma_wait3A_587 = arith.constant 1 : i32
        %dma_wait3A_588 = arith.constant 0 : i32
        %dma_wait3A_589 = arith.constant 1 : i32
        %dma_wait3A_590 = arith.constant 0 : i32
        %dma_wait3A_591 = arith.constant 0 : i32
        %dma_wait3A_592 = tpu.memref_slice %arg10[%dma_wait3A_587, %dma_wait3A_590, %dma_wait3A_591] : memref<3x32x96xf32, #tpu.memory_space<vmem>> -> memref<1x32x96xf32, #tpu.memory_space<vmem>>
        %dma_wait3A_593 = tpu.memref_squeeze %dma_wait3A_592 : memref<1x32x96xf32, #tpu.memory_space<vmem>> -> memref<32x96xf32, #tpu.memory_space<vmem>>
        %dma_wait3A_594 = arith.constant 0 : i32
        %dma_wait3A_595 = tpu.memref_slice %arg5[%select_n3A, %dma_wait3A_588, %mul3A_32, %dma_wait3A_594] : memref<16x64x64x96xf32, #tpu.memory_space<hbm>> -> memref<1x1x32x96xf32, #tpu.memory_space<hbm>>
        %dma_wait3A_596 = tpu.memref_squeeze %dma_wait3A_595 : memref<1x1x32x96xf32, #tpu.memory_space<hbm>> -> memref<32x96xf32, #tpu.memory_space<hbm>>
        %dma_wait3A_597 = tpu.memref_slice %arg12[%dma_wait3A_589] : memref<3x!tpu.dma_semaphore, #tpu.memory_space<semaphore_mem>> -> memref<1x!tpu.dma_semaphore, #tpu.memory_space<semaphore_mem>>
        %dma_wait3A_598 = tpu.memref_squeeze %dma_wait3A_597 : memref<1x!tpu.dma_semaphore, #tpu.memory_space<semaphore_mem>> -> memref<!tpu.dma_semaphore, #tpu.memory_space<semaphore_mem>>
        %dma_wait3A_599 = arith.constant 0 : i32
        %dma_wait3A_600 = tpu.memref_slice %arg5[%select_n3A, %dma_wait3A_588, %mul3A_32, %dma_wait3A_599] : memref<16x64x64x96xf32, #tpu.memory_space<hbm>> -> memref<1x1x32x96xf32, #tpu.memory_space<hbm>>
        %dma_wait3A_601 = tpu.memref_squeeze %dma_wait3A_600 : memref<1x1x32x96xf32, #tpu.memory_space<hbm>> -> memref<32x96xf32, #tpu.memory_space<hbm>>
        %dma_wait3A_602 = arith.constant 0 : i32
        %dma_wait3A_603 = arith.constant 0 : i32
        %dma_wait3A_604 = tpu.memref_slice %arg10[%dma_wait3A_587, %dma_wait3A_602, %dma_wait3A_603] : memref<3x32x96xf32, #tpu.memory_space<vmem>> -> memref<1x32x96xf32, #tpu.memory_space<vmem>>
        %dma_wait3A_605 = tpu.memref_squeeze %dma_wait3A_604 : memref<1x32x96xf32, #tpu.memory_space<vmem>> -> memref<32x96xf32, #tpu.memory_space<vmem>>
        tpu.wait_dma2 semaphore(%dma_wait3A_598 : memref<!tpu.dma_semaphore, #tpu.memory_space<semaphore_mem>>) src(%dma_wait3A_605 : memref<32x96xf32, #tpu.memory_space<vmem>>) dst(%dma_wait3A_601 : memref<32x96xf32, #tpu.memory_space<hbm>>)
      } else {
      }
      %scan3A_496 = arith.constant 0 : i32
      %scan3A_497 = arith.constant 0 : i32
      %scan3A_498 = arith.constant 16 : i32
      %scan3A_499 = arith.addi %scan3A_497, %scan3A_498 : i32
      %scan3A_500 = arith.constant 1 : i32
      scf.for %scan3A_587 = %scan3A_497 to %scan3A_499 step %scan3A_500  : i32 {
        %mul3A_588 = arith.constant 2 : i32
        %mul3A_589 = arith.muli %scan3A_587, %mul3A_588 : i32
        %add3A_590 = arith.constant 0 : i32
        %add3A_591 = arith.addi %mul3A_589, %add3A_590 : i32
        %get3A_592 = arith.constant 1 : i32
        %get3A_593 = arith.constant 0 : i32
        %get3A_594 = arith.index_cast %get3A_592 : i32 to index
        %get3A_595 = arith.index_cast %get3A_593 : i32 to index
        %get3A_596 = arith.index_cast %add3A_591 : i32 to index
        %get3A_597 = arith.constant 0 : index
        %get3A_598 = tpu.vector_load %arg9[%get3A_594, %get3A_595, %get3A_596, %get3A_597] {strides = array<i32>} : memref<3x8x32x96xf32, #tpu.memory_space<vmem>>, vector<1x1x1x16xf32>,
        %get3A_599 = vector.shape_cast %get3A_598 : vector<1x1x1x16xf32> to vector<16xf32>
        %mul3A_600 = arith.mulf %broadcast_in_dim3A, %get3A_599 : vector<16xf32>
        %get3A_601 = arith.constant 1 : i32
        %get3A_602 = arith.constant 1 : i32
        %get3A_603 = arith.index_cast %get3A_601 : i32 to index
        %get3A_604 = arith.index_cast %get3A_602 : i32 to index
        %get3A_605 = arith.index_cast %add3A_591 : i32 to index
        %get3A_606 = arith.constant 0 : index
        %get3A_607 = tpu.vector_load %arg9[%get3A_603, %get3A_604, %get3A_605, %get3A_606] {strides = array<i32>} : memref<3x8x32x96xf32, #tpu.memory_space<vmem>>, vector<1x1x1x16xf32>,
        %get3A_608 = vector.shape_cast %get3A_607 : vector<1x1x1x16xf32> to vector<16xf32>
        %mul3A_609 = arith.mulf %broadcast_in_dim3A_162, %get3A_608 : vector<16xf32>
        %add3A_610 = arith.addf %mul3A_600, %mul3A_609 : vector<16xf32>
        %get3A_611 = arith.constant 1 : i32
        %get3A_612 = arith.constant 2 : i32
        %get3A_613 = arith.index_cast %get3A_611 : i32 to index
        %get3A_614 = arith.index_cast %get3A_612 : i32 to index
        %get3A_615 = arith.index_cast %add3A_591 : i32 to index
        %get3A_616 = arith.constant 0 : index
        %get3A_617 = tpu.vector_load %arg9[%get3A_613, %get3A_614, %get3A_615, %get3A_616] {strides = array<i32>} : memref<3x8x32x96xf32, #tpu.memory_space<vmem>>, vector<1x1x1x16xf32>,
        %get3A_618 = vector.shape_cast %get3A_617 : vector<1x1x1x16xf32> to vector<16xf32>
        %mul3A_619 = arith.mulf %broadcast_in_dim3A_170, %get3A_618 : vector<16xf32>
        %add3A_620 = arith.addf %add3A_610, %mul3A_619 : vector<16xf32>
        %get3A_621 = arith.constant 1 : i32
        %get3A_622 = arith.constant 3 : i32
        %get3A_623 = arith.index_cast %get3A_621 : i32 to index
        %get3A_624 = arith.index_cast %get3A_622 : i32 to index
        %get3A_625 = arith.index_cast %add3A_591 : i32 to index
        %get3A_626 = arith.constant 0 : index
        %get3A_627 = tpu.vector_load %arg9[%get3A_623, %get3A_624, %get3A_625, %get3A_626] {strides = array<i32>} : memref<3x8x32x96xf32, #tpu.memory_space<vmem>>, vector<1x1x1x16xf32>,
        %get3A_628 = vector.shape_cast %get3A_627 : vector<1x1x1x16xf32> to vector<16xf32>
        %mul3A_629 = arith.mulf %broadcast_in_dim3A_178, %get3A_628 : vector<16xf32>
        %add3A_630 = arith.addf %add3A_620, %mul3A_629 : vector<16xf32>
        %get3A_631 = arith.constant 1 : i32
        %get3A_632 = arith.constant 4 : i32
        %get3A_633 = arith.index_cast %get3A_631 : i32 to index
        %get3A_634 = arith.index_cast %get3A_632 : i32 to index
        %get3A_635 = arith.index_cast %add3A_591 : i32 to index
        %get3A_636 = arith.constant 0 : index
        %get3A_637 = tpu.vector_load %arg9[%get3A_633, %get3A_634, %get3A_635, %get3A_636] {strides = array<i32>} : memref<3x8x32x96xf32, #tpu.memory_space<vmem>>, vector<1x1x1x16xf32>,
        %get3A_638 = vector.shape_cast %get3A_637 : vector<1x1x1x16xf32> to vector<16xf32>
        %mul3A_639 = arith.mulf %broadcast_in_dim3A_186, %get3A_638 : vector<16xf32>
        %add3A_640 = arith.addf %add3A_630, %mul3A_639 : vector<16xf32>
        %get3A_641 = arith.constant 1 : i32
        %get3A_642 = arith.constant 5 : i32
        %get3A_643 = arith.index_cast %get3A_641 : i32 to index
        %get3A_644 = arith.index_cast %get3A_642 : i32 to index
        %get3A_645 = arith.index_cast %add3A_591 : i32 to index
        %get3A_646 = arith.constant 0 : index
        %get3A_647 = tpu.vector_load %arg9[%get3A_643, %get3A_644, %get3A_645, %get3A_646] {strides = array<i32>} : memref<3x8x32x96xf32, #tpu.memory_space<vmem>>, vector<1x1x1x16xf32>,
        %get3A_648 = vector.shape_cast %get3A_647 : vector<1x1x1x16xf32> to vector<16xf32>
        %mul3A_649 = arith.mulf %broadcast_in_dim3A_194, %get3A_648 : vector<16xf32>
        %add3A_650 = arith.addf %add3A_640, %mul3A_649 : vector<16xf32>
        %get3A_651 = arith.constant 1 : i32
        %get3A_652 = arith.constant 6 : i32
        %get3A_653 = arith.index_cast %get3A_651 : i32 to index
        %get3A_654 = arith.index_cast %get3A_652 : i32 to index
        %get3A_655 = arith.index_cast %add3A_591 : i32 to index
        %get3A_656 = arith.constant 0 : index
        %get3A_657 = tpu.vector_load %arg9[%get3A_653, %get3A_654, %get3A_655, %get3A_656] {strides = array<i32>} : memref<3x8x32x96xf32, #tpu.memory_space<vmem>>, vector<1x1x1x16xf32>,
        %get3A_658 = vector.shape_cast %get3A_657 : vector<1x1x1x16xf32> to vector<16xf32>
        %mul3A_659 = arith.mulf %broadcast_in_dim3A_202, %get3A_658 : vector<16xf32>
        %add3A_660 = arith.addf %add3A_650, %mul3A_659 : vector<16xf32>
        %get3A_661 = arith.constant 1 : i32
        %get3A_662 = arith.constant 7 : i32
        %get3A_663 = arith.index_cast %get3A_661 : i32 to index
        %get3A_664 = arith.index_cast %get3A_662 : i32 to index
        %get3A_665 = arith.index_cast %add3A_591 : i32 to index
        %get3A_666 = arith.constant 0 : index
        %get3A_667 = tpu.vector_load %arg9[%get3A_663, %get3A_664, %get3A_665, %get3A_666] {strides = array<i32>} : memref<3x8x32x96xf32, #tpu.memory_space<vmem>>, vector<1x1x1x16xf32>,
        %get3A_668 = vector.shape_cast %get3A_667 : vector<1x1x1x16xf32> to vector<16xf32>
        %mul3A_669 = arith.mulf %broadcast_in_dim3A_210, %get3A_668 : vector<16xf32>
        %add3A_670 = arith.addf %add3A_660, %mul3A_669 : vector<16xf32>
        %swap3A_671 = arith.constant 1 : i32
        %swap3A_672 = arith.index_cast %swap3A_671 : i32 to index
        %swap3A_673 = arith.index_cast %add3A_591 : i32 to index
        %swap3A_674 = arith.constant 0 : index
        %swap3A_675 = tpu.vector_load %arg10[%swap3A_672, %swap3A_673, %swap3A_674] {strides = array<i32>} : memref<3x32x96xf32, #tpu.memory_space<vmem>>, vector<1x1x16xf32>,
        %swap3A_676 = vector.shape_cast %swap3A_675 : vector<1x1x16xf32> to vector<16xf32>
        %swap3A_677 = vector.shape_cast %add3A_670 : vector<16xf32> to vector<1x1x16xf32>
        tpu.vector_store %arg10[%swap3A_672, %swap3A_673, %swap3A_674], %swap3A_677 {strides = array<i32>} : memref<3x32x96xf32, #tpu.memory_space<vmem>>, vector<1x1x16xf32>,
        %get3A_678 = arith.constant 1 : i32
        %get3A_679 = arith.constant 0 : i32
        %get3A_680 = arith.index_cast %get3A_678 : i32 to index
        %get3A_681 = arith.index_cast %get3A_679 : i32 to index
        %get3A_682 = arith.index_cast %add3A_591 : i32 to index
        %get3A_683 = arith.constant 16 : index
        %get3A_684 = tpu.vector_load %arg9[%get3A_680, %get3A_681, %get3A_682, %get3A_683] {strides = array<i32>} : memref<3x8x32x96xf32, #tpu.memory_space<vmem>>, vector<1x1x1x16xf32>,
        %get3A_685 = vector.shape_cast %get3A_684 : vector<1x1x1x16xf32> to vector<16xf32>
        %mul3A_686 = arith.mulf %broadcast_in_dim3A, %get3A_685 : vector<16xf32>
        %get3A_687 = arith.constant 1 : i32
        %get3A_688 = arith.constant 1 : i32
        %get3A_689 = arith.index_cast %get3A_687 : i32 to index
        %get3A_690 = arith.index_cast %get3A_688 : i32 to index
        %get3A_691 = arith.index_cast %add3A_591 : i32 to index
        %get3A_692 = arith.constant 16 : index
        %get3A_693 = tpu.vector_load %arg9[%get3A_689, %get3A_690, %get3A_691, %get3A_692] {strides = array<i32>} : memref<3x8x32x96xf32, #tpu.memory_space<vmem>>, vector<1x1x1x16xf32>,
        %get3A_694 = vector.shape_cast %get3A_693 : vector<1x1x1x16xf32> to vector<16xf32>
        %mul3A_695 = arith.mulf %broadcast_in_dim3A_162, %get3A_694 : vector<16xf32>
        %add3A_696 = arith.addf %mul3A_686, %mul3A_695 : vector<16xf32>
        %get3A_697 = arith.constant 1 : i32
        %get3A_698 = arith.constant 2 : i32
        %get3A_699 = arith.index_cast %get3A_697 : i32 to index
        %get3A_700 = arith.index_cast %get3A_698 : i32 to index
        %get3A_701 = arith.index_cast %add3A_591 : i32 to index
        %get3A_702 = arith.constant 16 : index
        %get3A_703 = tpu.vector_load %arg9[%get3A_699, %get3A_700, %get3A_701, %get3A_702] {strides = array<i32>} : memref<3x8x32x96xf32, #tpu.memory_space<vmem>>, vector<1x1x1x16xf32>,
        %get3A_704 = vector.shape_cast %get3A_703 : vector<1x1x1x16xf32> to vector<16xf32>
        %mul3A_705 = arith.mulf %broadcast_in_dim3A_170, %get3A_704 : vector<16xf32>
        %add3A_706 = arith.addf %add3A_696, %mul3A_705 : vector<16xf32>
        %get3A_707 = arith.constant 1 : i32
        %get3A_708 = arith.constant 3 : i32
        %get3A_709 = arith.index_cast %get3A_707 : i32 to index
        %get3A_710 = arith.index_cast %get3A_708 : i32 to index
        %get3A_711 = arith.index_cast %add3A_591 : i32 to index
        %get3A_712 = arith.constant 16 : index
        %get3A_713 = tpu.vector_load %arg9[%get3A_709, %get3A_710, %get3A_711, %get3A_712] {strides = array<i32>} : memref<3x8x32x96xf32, #tpu.memory_space<vmem>>, vector<1x1x1x16xf32>,
        %get3A_714 = vector.shape_cast %get3A_713 : vector<1x1x1x16xf32> to vector<16xf32>
        %mul3A_715 = arith.mulf %broadcast_in_dim3A_178, %get3A_714 : vector<16xf32>
        %add3A_716 = arith.addf %add3A_706, %mul3A_715 : vector<16xf32>
        %get3A_717 = arith.constant 1 : i32
        %get3A_718 = arith.constant 4 : i32
        %get3A_719 = arith.index_cast %get3A_717 : i32 to index
        %get3A_720 = arith.index_cast %get3A_718 : i32 to index
        %get3A_721 = arith.index_cast %add3A_591 : i32 to index
        %get3A_722 = arith.constant 16 : index
        %get3A_723 = tpu.vector_load %arg9[%get3A_719, %get3A_720, %get3A_721, %get3A_722] {strides = array<i32>} : memref<3x8x32x96xf32, #tpu.memory_space<vmem>>, vector<1x1x1x16xf32>,
        %get3A_724 = vector.shape_cast %get3A_723 : vector<1x1x1x16xf32> to vector<16xf32>
        %mul3A_725 = arith.mulf %broadcast_in_dim3A_186, %get3A_724 : vector<16xf32>
        %add3A_726 = arith.addf %add3A_716, %mul3A_725 : vector<16xf32>
        %get3A_727 = arith.constant 1 : i32
        %get3A_728 = arith.constant 5 : i32
        %get3A_729 = arith.index_cast %get3A_727 : i32 to index
        %get3A_730 = arith.index_cast %get3A_728 : i32 to index
        %get3A_731 = arith.index_cast %add3A_591 : i32 to index
        %get3A_732 = arith.constant 16 : index
        %get3A_733 = tpu.vector_load %arg9[%get3A_729, %get3A_730, %get3A_731, %get3A_732] {strides = array<i32>} : memref<3x8x32x96xf32, #tpu.memory_space<vmem>>, vector<1x1x1x16xf32>,
        %get3A_734 = vector.shape_cast %get3A_733 : vector<1x1x1x16xf32> to vector<16xf32>
        %mul3A_735 = arith.mulf %broadcast_in_dim3A_194, %get3A_734 : vector<16xf32>
        %add3A_736 = arith.addf %add3A_726, %mul3A_735 : vector<16xf32>
        %get3A_737 = arith.constant 1 : i32
        %get3A_738 = arith.constant 6 : i32
        %get3A_739 = arith.index_cast %get3A_737 : i32 to index
        %get3A_740 = arith.index_cast %get3A_738 : i32 to index
        %get3A_741 = arith.index_cast %add3A_591 : i32 to index
        %get3A_742 = arith.constant 16 : index
        %get3A_743 = tpu.vector_load %arg9[%get3A_739, %get3A_740, %get3A_741, %get3A_742] {strides = array<i32>} : memref<3x8x32x96xf32, #tpu.memory_space<vmem>>, vector<1x1x1x16xf32>,
        %get3A_744 = vector.shape_cast %get3A_743 : vector<1x1x1x16xf32> to vector<16xf32>
        %mul3A_745 = arith.mulf %broadcast_in_dim3A_202, %get3A_744 : vector<16xf32>
        %add3A_746 = arith.addf %add3A_736, %mul3A_745 : vector<16xf32>
        %get3A_747 = arith.constant 1 : i32
        %get3A_748 = arith.constant 7 : i32
        %get3A_749 = arith.index_cast %get3A_747 : i32 to index
        %get3A_750 = arith.index_cast %get3A_748 : i32 to index
        %get3A_751 = arith.index_cast %add3A_591 : i32 to index
        %get3A_752 = arith.constant 16 : index
        %get3A_753 = tpu.vector_load %arg9[%get3A_749, %get3A_750, %get3A_751, %get3A_752] {strides = array<i32>} : memref<3x8x32x96xf32, #tpu.memory_space<vmem>>, vector<1x1x1x16xf32>,
        %get3A_754 = vector.shape_cast %get3A_753 : vector<1x1x1x16xf32> to vector<16xf32>
        %mul3A_755 = arith.mulf %broadcast_in_dim3A_210, %get3A_754 : vector<16xf32>
        %add3A_756 = arith.addf %add3A_746, %mul3A_755 : vector<16xf32>
        %swap3A_757 = arith.constant 1 : i32
        %swap3A_758 = arith.index_cast %swap3A_757 : i32 to index
        %swap3A_759 = arith.index_cast %add3A_591 : i32 to index
        %swap3A_760 = arith.constant 16 : index
        %swap3A_761 = tpu.vector_load %arg10[%swap3A_758, %swap3A_759, %swap3A_760] {strides = array<i32>} : memref<3x32x96xf32, #tpu.memory_space<vmem>>, vector<1x1x16xf32>,
        %swap3A_762 = vector.shape_cast %swap3A_761 : vector<1x1x16xf32> to vector<16xf32>
        %swap3A_763 = vector.shape_cast %add3A_756 : vector<16xf32> to vector<1x1x16xf32>
        tpu.vector_store %arg10[%swap3A_758, %swap3A_759, %swap3A_760], %swap3A_763 {strides = array<i32>} : memref<3x32x96xf32, #tpu.memory_space<vmem>>, vector<1x1x16xf32>,
        %get3A_764 = arith.constant 1 : i32
        %get3A_765 = arith.constant 0 : i32
        %get3A_766 = arith.index_cast %get3A_764 : i32 to index
        %get3A_767 = arith.index_cast %get3A_765 : i32 to index
        %get3A_768 = arith.index_cast %add3A_591 : i32 to index
        %get3A_769 = arith.constant 32 : index
        %get3A_770 = tpu.vector_load %arg9[%get3A_766, %get3A_767, %get3A_768, %get3A_769] {strides = array<i32>} : memref<3x8x32x96xf32, #tpu.memory_space<vmem>>, vector<1x1x1x16xf32>,
        %get3A_771 = vector.shape_cast %get3A_770 : vector<1x1x1x16xf32> to vector<16xf32>
        %mul3A_772 = arith.mulf %broadcast_in_dim3A, %get3A_771 : vector<16xf32>
        %get3A_773 = arith.constant 1 : i32
        %get3A_774 = arith.constant 1 : i32
        %get3A_775 = arith.index_cast %get3A_773 : i32 to index
        %get3A_776 = arith.index_cast %get3A_774 : i32 to index
        %get3A_777 = arith.index_cast %add3A_591 : i32 to index
        %get3A_778 = arith.constant 32 : index
        %get3A_779 = tpu.vector_load %arg9[%get3A_775, %get3A_776, %get3A_777, %get3A_778] {strides = array<i32>} : memref<3x8x32x96xf32, #tpu.memory_space<vmem>>, vector<1x1x1x16xf32>,
        %get3A_780 = vector.shape_cast %get3A_779 : vector<1x1x1x16xf32> to vector<16xf32>
        %mul3A_781 = arith.mulf %broadcast_in_dim3A_162, %get3A_780 : vector<16xf32>
        %add3A_782 = arith.addf %mul3A_772, %mul3A_781 : vector<16xf32>
        %get3A_783 = arith.constant 1 : i32
        %get3A_784 = arith.constant 2 : i32
        %get3A_785 = arith.index_cast %get3A_783 : i32 to index
        %get3A_786 = arith.index_cast %get3A_784 : i32 to index
        %get3A_787 = arith.index_cast %add3A_591 : i32 to index
        %get3A_788 = arith.constant 32 : index
        %get3A_789 = tpu.vector_load %arg9[%get3A_785, %get3A_786, %get3A_787, %get3A_788] {strides = array<i32>} : memref<3x8x32x96xf32, #tpu.memory_space<vmem>>, vector<1x1x1x16xf32>,
        %get3A_790 = vector.shape_cast %get3A_789 : vector<1x1x1x16xf32> to vector<16xf32>
        %mul3A_791 = arith.mulf %broadcast_in_dim3A_170, %get3A_790 : vector<16xf32>
        %add3A_792 = arith.addf %add3A_782, %mul3A_791 : vector<16xf32>
        %get3A_793 = arith.constant 1 : i32
        %get3A_794 = arith.constant 3 : i32
        %get3A_795 = arith.index_cast %get3A_793 : i32 to index
        %get3A_796 = arith.index_cast %get3A_794 : i32 to index
        %get3A_797 = arith.index_cast %add3A_591 : i32 to index
        %get3A_798 = arith.constant 32 : index
        %get3A_799 = tpu.vector_load %arg9[%get3A_795, %get3A_796, %get3A_797, %get3A_798] {strides = array<i32>} : memref<3x8x32x96xf32, #tpu.memory_space<vmem>>, vector<1x1x1x16xf32>,
        %get3A_800 = vector.shape_cast %get3A_799 : vector<1x1x1x16xf32> to vector<16xf32>
        %mul3A_801 = arith.mulf %broadcast_in_dim3A_178, %get3A_800 : vector<16xf32>
        %add3A_802 = arith.addf %add3A_792, %mul3A_801 : vector<16xf32>
        %get3A_803 = arith.constant 1 : i32
        %get3A_804 = arith.constant 4 : i32
        %get3A_805 = arith.index_cast %get3A_803 : i32 to index
        %get3A_806 = arith.index_cast %get3A_804 : i32 to index
        %get3A_807 = arith.index_cast %add3A_591 : i32 to index
        %get3A_808 = arith.constant 32 : index
        %get3A_809 = tpu.vector_load %arg9[%get3A_805, %get3A_806, %get3A_807, %get3A_808] {strides = array<i32>} : memref<3x8x32x96xf32, #tpu.memory_space<vmem>>, vector<1x1x1x16xf32>,
        %get3A_810 = vector.shape_cast %get3A_809 : vector<1x1x1x16xf32> to vector<16xf32>
        %mul3A_811 = arith.mulf %broadcast_in_dim3A_186, %get3A_810 : vector<16xf32>
        %add3A_812 = arith.addf %add3A_802, %mul3A_811 : vector<16xf32>
        %get3A_813 = arith.constant 1 : i32
        %get3A_814 = arith.constant 5 : i32
        %get3A_815 = arith.index_cast %get3A_813 : i32 to index
        %get3A_816 = arith.index_cast %get3A_814 : i32 to index
        %get3A_817 = arith.index_cast %add3A_591 : i32 to index
        %get3A_818 = arith.constant 32 : index
        %get3A_819 = tpu.vector_load %arg9[%get3A_815, %get3A_816, %get3A_817, %get3A_818] {strides = array<i32>} : memref<3x8x32x96xf32, #tpu.memory_space<vmem>>, vector<1x1x1x16xf32>,
        %get3A_820 = vector.shape_cast %get3A_819 : vector<1x1x1x16xf32> to vector<16xf32>
        %mul3A_821 = arith.mulf %broadcast_in_dim3A_194, %get3A_820 : vector<16xf32>
        %add3A_822 = arith.addf %add3A_812, %mul3A_821 : vector<16xf32>
        %get3A_823 = arith.constant 1 : i32
        %get3A_824 = arith.constant 6 : i32
        %get3A_825 = arith.index_cast %get3A_823 : i32 to index
        %get3A_826 = arith.index_cast %get3A_824 : i32 to index
        %get3A_827 = arith.index_cast %add3A_591 : i32 to index
        %get3A_828 = arith.constant 32 : index
        %get3A_829 = tpu.vector_load %arg9[%get3A_825, %get3A_826, %get3A_827, %get3A_828] {strides = array<i32>} : memref<3x8x32x96xf32, #tpu.memory_space<vmem>>, vector<1x1x1x16xf32>,
        %get3A_830 = vector.shape_cast %get3A_829 : vector<1x1x1x16xf32> to vector<16xf32>
        %mul3A_831 = arith.mulf %broadcast_in_dim3A_202, %get3A_830 : vector<16xf32>
        %add3A_832 = arith.addf %add3A_822, %mul3A_831 : vector<16xf32>
        %get3A_833 = arith.constant 1 : i32
        %get3A_834 = arith.constant 7 : i32
        %get3A_835 = arith.index_cast %get3A_833 : i32 to index
        %get3A_836 = arith.index_cast %get3A_834 : i32 to index
        %get3A_837 = arith.index_cast %add3A_591 : i32 to index
        %get3A_838 = arith.constant 32 : index
        %get3A_839 = tpu.vector_load %arg9[%get3A_835, %get3A_836, %get3A_837, %get3A_838] {strides = array<i32>} : memref<3x8x32x96xf32, #tpu.memory_space<vmem>>, vector<1x1x1x16xf32>,
        %get3A_840 = vector.shape_cast %get3A_839 : vector<1x1x1x16xf32> to vector<16xf32>
        %mul3A_841 = arith.mulf %broadcast_in_dim3A_210, %get3A_840 : vector<16xf32>
        %add3A_842 = arith.addf %add3A_832, %mul3A_841 : vector<16xf32>
        %swap3A_843 = arith.constant 1 : i32
        %swap3A_844 = arith.index_cast %swap3A_843 : i32 to index
        %swap3A_845 = arith.index_cast %add3A_591 : i32 to index
        %swap3A_846 = arith.constant 32 : index
        %swap3A_847 = tpu.vector_load %arg10[%swap3A_844, %swap3A_845, %swap3A_846] {strides = array<i32>} : memref<3x32x96xf32, #tpu.memory_space<vmem>>, vector<1x1x16xf32>,
        %swap3A_848 = vector.shape_cast %swap3A_847 : vector<1x1x16xf32> to vector<16xf32>
        %swap3A_849 = vector.shape_cast %add3A_842 : vector<16xf32> to vector<1x1x16xf32>
        tpu.vector_store %arg10[%swap3A_844, %swap3A_845, %swap3A_846], %swap3A_849 {strides = array<i32>} : memref<3x32x96xf32, #tpu.memory_space<vmem>>, vector<1x1x16xf32>,
        %get3A_850 = arith.constant 1 : i32
        %get3A_851 = arith.constant 0 : i32
        %get3A_852 = arith.index_cast %get3A_850 : i32 to index
        %get3A_853 = arith.index_cast %get3A_851 : i32 to index
        %get3A_854 = arith.index_cast %add3A_591 : i32 to index
        %get3A_855 = arith.constant 48 : index
        %get3A_856 = tpu.vector_load %arg9[%get3A_852, %get3A_853, %get3A_854, %get3A_855] {strides = array<i32>} : memref<3x8x32x96xf32, #tpu.memory_space<vmem>>, vector<1x1x1x16xf32>,
        %get3A_857 = vector.shape_cast %get3A_856 : vector<1x1x1x16xf32> to vector<16xf32>
        %mul3A_858 = arith.mulf %broadcast_in_dim3A, %get3A_857 : vector<16xf32>
        %get3A_859 = arith.constant 1 : i32
        %get3A_860 = arith.constant 1 : i32
        %get3A_861 = arith.index_cast %get3A_859 : i32 to index
        %get3A_862 = arith.index_cast %get3A_860 : i32 to index
        %get3A_863 = arith.index_cast %add3A_591 : i32 to index
        %get3A_864 = arith.constant 48 : index
        %get3A_865 = tpu.vector_load %arg9[%get3A_861, %get3A_862, %get3A_863, %get3A_864] {strides = array<i32>} : memref<3x8x32x96xf32, #tpu.memory_space<vmem>>, vector<1x1x1x16xf32>,
        %get3A_866 = vector.shape_cast %get3A_865 : vector<1x1x1x16xf32> to vector<16xf32>
        %mul3A_867 = arith.mulf %broadcast_in_dim3A_162, %get3A_866 : vector<16xf32>
        %add3A_868 = arith.addf %mul3A_858, %mul3A_867 : vector<16xf32>
        %get3A_869 = arith.constant 1 : i32
        %get3A_870 = arith.constant 2 : i32
        %get3A_871 = arith.index_cast %get3A_869 : i32 to index
        %get3A_872 = arith.index_cast %get3A_870 : i32 to index
        %get3A_873 = arith.index_cast %add3A_591 : i32 to index
        %get3A_874 = arith.constant 48 : index
        %get3A_875 = tpu.vector_load %arg9[%get3A_871, %get3A_872, %get3A_873, %get3A_874] {strides = array<i32>} : memref<3x8x32x96xf32, #tpu.memory_space<vmem>>, vector<1x1x1x16xf32>,
        %get3A_876 = vector.shape_cast %get3A_875 : vector<1x1x1x16xf32> to vector<16xf32>
        %mul3A_877 = arith.mulf %broadcast_in_dim3A_170, %get3A_876 : vector<16xf32>
        %add3A_878 = arith.addf %add3A_868, %mul3A_877 : vector<16xf32>
        %get3A_879 = arith.constant 1 : i32
        %get3A_880 = arith.constant 3 : i32
        %get3A_881 = arith.index_cast %get3A_879 : i32 to index
        %get3A_882 = arith.index_cast %get3A_880 : i32 to index
        %get3A_883 = arith.index_cast %add3A_591 : i32 to index
        %get3A_884 = arith.constant 48 : index
        %get3A_885 = tpu.vector_load %arg9[%get3A_881, %get3A_882, %get3A_883, %get3A_884] {strides = array<i32>} : memref<3x8x32x96xf32, #tpu.memory_space<vmem>>, vector<1x1x1x16xf32>,
        %get3A_886 = vector.shape_cast %get3A_885 : vector<1x1x1x16xf32> to vector<16xf32>
        %mul3A_887 = arith.mulf %broadcast_in_dim3A_178, %get3A_886 : vector<16xf32>
        %add3A_888 = arith.addf %add3A_878, %mul3A_887 : vector<16xf32>
        %get3A_889 = arith.constant 1 : i32
        %get3A_890 = arith.constant 4 : i32
        %get3A_891 = arith.index_cast %get3A_889 : i32 to index
        %get3A_892 = arith.index_cast %get3A_890 : i32 to index
        %get3A_893 = arith.index_cast %add3A_591 : i32 to index
        %get3A_894 = arith.constant 48 : index
        %get3A_895 = tpu.vector_load %arg9[%get3A_891, %get3A_892, %get3A_893, %get3A_894] {strides = array<i32>} : memref<3x8x32x96xf32, #tpu.memory_space<vmem>>, vector<1x1x1x16xf32>,
        %get3A_896 = vector.shape_cast %get3A_895 : vector<1x1x1x16xf32> to vector<16xf32>
        %mul3A_897 = arith.mulf %broadcast_in_dim3A_186, %get3A_896 : vector<16xf32>
        %add3A_898 = arith.addf %add3A_888, %mul3A_897 : vector<16xf32>
        %get3A_899 = arith.constant 1 : i32
        %get3A_900 = arith.constant 5 : i32
        %get3A_901 = arith.index_cast %get3A_899 : i32 to index
        %get3A_902 = arith.index_cast %get3A_900 : i32 to index
        %get3A_903 = arith.index_cast %add3A_591 : i32 to index
        %get3A_904 = arith.constant 48 : index
        %get3A_905 = tpu.vector_load %arg9[%get3A_901, %get3A_902, %get3A_903, %get3A_904] {strides = array<i32>} : memref<3x8x32x96xf32, #tpu.memory_space<vmem>>, vector<1x1x1x16xf32>,
        %get3A_906 = vector.shape_cast %get3A_905 : vector<1x1x1x16xf32> to vector<16xf32>
        %mul3A_907 = arith.mulf %broadcast_in_dim3A_194, %get3A_906 : vector<16xf32>
        %add3A_908 = arith.addf %add3A_898, %mul3A_907 : vector<16xf32>
        %get3A_909 = arith.constant 1 : i32
        %get3A_910 = arith.constant 6 : i32
        %get3A_911 = arith.index_cast %get3A_909 : i32 to index
        %get3A_912 = arith.index_cast %get3A_910 : i32 to index
        %get3A_913 = arith.index_cast %add3A_591 : i32 to index
        %get3A_914 = arith.constant 48 : index
        %get3A_915 = tpu.vector_load %arg9[%get3A_911, %get3A_912, %get3A_913, %get3A_914] {strides = array<i32>} : memref<3x8x32x96xf32, #tpu.memory_space<vmem>>, vector<1x1x1x16xf32>,
        %get3A_916 = vector.shape_cast %get3A_915 : vector<1x1x1x16xf32> to vector<16xf32>
        %mul3A_917 = arith.mulf %broadcast_in_dim3A_202, %get3A_916 : vector<16xf32>
        %add3A_918 = arith.addf %add3A_908, %mul3A_917 : vector<16xf32>
        %get3A_919 = arith.constant 1 : i32
        %get3A_920 = arith.constant 7 : i32
        %get3A_921 = arith.index_cast %get3A_919 : i32 to index
        %get3A_922 = arith.index_cast %get3A_920 : i32 to index
        %get3A_923 = arith.index_cast %add3A_591 : i32 to index
        %get3A_924 = arith.constant 48 : index
        %get3A_925 = tpu.vector_load %arg9[%get3A_921, %get3A_922, %get3A_923, %get3A_924] {strides = array<i32>} : memref<3x8x32x96xf32, #tpu.memory_space<vmem>>, vector<1x1x1x16xf32>,
        %get3A_926 = vector.shape_cast %get3A_925 : vector<1x1x1x16xf32> to vector<16xf32>
        %mul3A_927 = arith.mulf %broadcast_in_dim3A_210, %get3A_926 : vector<16xf32>
        %add3A_928 = arith.addf %add3A_918, %mul3A_927 : vector<16xf32>
        %swap3A_929 = arith.constant 1 : i32
        %swap3A_930 = arith.index_cast %swap3A_929 : i32 to index
        %swap3A_931 = arith.index_cast %add3A_591 : i32 to index
        %swap3A_932 = arith.constant 48 : index
        %swap3A_933 = tpu.vector_load %arg10[%swap3A_930, %swap3A_931, %swap3A_932] {strides = array<i32>} : memref<3x32x96xf32, #tpu.memory_space<vmem>>, vector<1x1x16xf32>,
        %swap3A_934 = vector.shape_cast %swap3A_933 : vector<1x1x16xf32> to vector<16xf32>
        %swap3A_935 = vector.shape_cast %add3A_928 : vector<16xf32> to vector<1x1x16xf32>
        tpu.vector_store %arg10[%swap3A_930, %swap3A_931, %swap3A_932], %swap3A_935 {strides = array<i32>} : memref<3x32x96xf32, #tpu.memory_space<vmem>>, vector<1x1x16xf32>,
        %get3A_936 = arith.constant 1 : i32
        %get3A_937 = arith.constant 0 : i32
        %get3A_938 = arith.index_cast %get3A_936 : i32 to index
        %get3A_939 = arith.index_cast %get3A_937 : i32 to index
        %get3A_940 = arith.index_cast %add3A_591 : i32 to index
        %get3A_941 = arith.constant 64 : index
        %get3A_942 = tpu.vector_load %arg9[%get3A_938, %get3A_939, %get3A_940, %get3A_941] {strides = array<i32>} : memref<3x8x32x96xf32, #tpu.memory_space<vmem>>, vector<1x1x1x16xf32>,
        %get3A_943 = vector.shape_cast %get3A_942 : vector<1x1x1x16xf32> to vector<16xf32>
        %mul3A_944 = arith.mulf %broadcast_in_dim3A, %get3A_943 : vector<16xf32>
        %get3A_945 = arith.constant 1 : i32
        %get3A_946 = arith.constant 1 : i32
        %get3A_947 = arith.index_cast %get3A_945 : i32 to index
        %get3A_948 = arith.index_cast %get3A_946 : i32 to index
        %get3A_949 = arith.index_cast %add3A_591 : i32 to index
        %get3A_950 = arith.constant 64 : index
        %get3A_951 = tpu.vector_load %arg9[%get3A_947, %get3A_948, %get3A_949, %get3A_950] {strides = array<i32>} : memref<3x8x32x96xf32, #tpu.memory_space<vmem>>, vector<1x1x1x16xf32>,
        %get3A_952 = vector.shape_cast %get3A_951 : vector<1x1x1x16xf32> to vector<16xf32>
        %mul3A_953 = arith.mulf %broadcast_in_dim3A_162, %get3A_952 : vector<16xf32>
        %add3A_954 = arith.addf %mul3A_944, %mul3A_953 : vector<16xf32>
        %get3A_955 = arith.constant 1 : i32
        %get3A_956 = arith.constant 2 : i32
        %get3A_957 = arith.index_cast %get3A_955 : i32 to index
        %get3A_958 = arith.index_cast %get3A_956 : i32 to index
        %get3A_959 = arith.index_cast %add3A_591 : i32 to index
        %get3A_960 = arith.constant 64 : index
        %get3A_961 = tpu.vector_load %arg9[%get3A_957, %get3A_958, %get3A_959, %get3A_960] {strides = array<i32>} : memref<3x8x32x96xf32, #tpu.memory_space<vmem>>, vector<1x1x1x16xf32>,
        %get3A_962 = vector.shape_cast %get3A_961 : vector<1x1x1x16xf32> to vector<16xf32>
        %mul3A_963 = arith.mulf %broadcast_in_dim3A_170, %get3A_962 : vector<16xf32>
        %add3A_964 = arith.addf %add3A_954, %mul3A_963 : vector<16xf32>
        %get3A_965 = arith.constant 1 : i32
        %get3A_966 = arith.constant 3 : i32
        %get3A_967 = arith.index_cast %get3A_965 : i32 to index
        %get3A_968 = arith.index_cast %get3A_966 : i32 to index
        %get3A_969 = arith.index_cast %add3A_591 : i32 to index
        %get3A_970 = arith.constant 64 : index
        %get3A_971 = tpu.vector_load %arg9[%get3A_967, %get3A_968, %get3A_969, %get3A_970] {strides = array<i32>} : memref<3x8x32x96xf32, #tpu.memory_space<vmem>>, vector<1x1x1x16xf32>,
        %get3A_972 = vector.shape_cast %get3A_971 : vector<1x1x1x16xf32> to vector<16xf32>
        %mul3A_973 = arith.mulf %broadcast_in_dim3A_178, %get3A_972 : vector<16xf32>
        %add3A_974 = arith.addf %add3A_964, %mul3A_973 : vector<16xf32>
        %get3A_975 = arith.constant 1 : i32
        %get3A_976 = arith.constant 4 : i32
        %get3A_977 = arith.index_cast %get3A_975 : i32 to index
        %get3A_978 = arith.index_cast %get3A_976 : i32 to index
        %get3A_979 = arith.index_cast %add3A_591 : i32 to index
        %get3A_980 = arith.constant 64 : index
        %get3A_981 = tpu.vector_load %arg9[%get3A_977, %get3A_978, %get3A_979, %get3A_980] {strides = array<i32>} : memref<3x8x32x96xf32, #tpu.memory_space<vmem>>, vector<1x1x1x16xf32>,
        %get3A_982 = vector.shape_cast %get3A_981 : vector<1x1x1x16xf32> to vector<16xf32>
        %mul3A_983 = arith.mulf %broadcast_in_dim3A_186, %get3A_982 : vector<16xf32>
        %add3A_984 = arith.addf %add3A_974, %mul3A_983 : vector<16xf32>
        %get3A_985 = arith.constant 1 : i32
        %get3A_986 = arith.constant 5 : i32
        %get3A_987 = arith.index_cast %get3A_985 : i32 to index
        %get3A_988 = arith.index_cast %get3A_986 : i32 to index
        %get3A_989 = arith.index_cast %add3A_591 : i32 to index
        %get3A_990 = arith.constant 64 : index
        %get3A_991 = tpu.vector_load %arg9[%get3A_987, %get3A_988, %get3A_989, %get3A_990] {strides = array<i32>} : memref<3x8x32x96xf32, #tpu.memory_space<vmem>>, vector<1x1x1x16xf32>,
        %get3A_992 = vector.shape_cast %get3A_991 : vector<1x1x1x16xf32> to vector<16xf32>
        %mul3A_993 = arith.mulf %broadcast_in_dim3A_194, %get3A_992 : vector<16xf32>
        %add3A_994 = arith.addf %add3A_984, %mul3A_993 : vector<16xf32>
        %get3A_995 = arith.constant 1 : i32
        %get3A_996 = arith.constant 6 : i32
        %get3A_997 = arith.index_cast %get3A_995 : i32 to index
        %get3A_998 = arith.index_cast %get3A_996 : i32 to index
        %get3A_999 = arith.index_cast %add3A_591 : i32 to index
        %get3A_1000 = arith.constant 64 : index
        %get3A_1001 = tpu.vector_load %arg9[%get3A_997, %get3A_998, %get3A_999, %get3A_1000] {strides = array<i32>} : memref<3x8x32x96xf32, #tpu.memory_space<vmem>>, vector<1x1x1x16xf32>,
        %get3A_1002 = vector.shape_cast %get3A_1001 : vector<1x1x1x16xf32> to vector<16xf32>
        %mul3A_1003 = arith.mulf %broadcast_in_dim3A_202, %get3A_1002 : vector<16xf32>
        %add3A_1004 = arith.addf %add3A_994, %mul3A_1003 : vector<16xf32>
        %get3A_1005 = arith.constant 1 : i32
        %get3A_1006 = arith.constant 7 : i32
        %get3A_1007 = arith.index_cast %get3A_1005 : i32 to index
        %get3A_1008 = arith.index_cast %get3A_1006 : i32 to index
        %get3A_1009 = arith.index_cast %add3A_591 : i32 to index
        %get3A_1010 = arith.constant 64 : index
        %get3A_1011 = tpu.vector_load %arg9[%get3A_1007, %get3A_1008, %get3A_1009, %get3A_1010] {strides = array<i32>} : memref<3x8x32x96xf32, #tpu.memory_space<vmem>>, vector<1x1x1x16xf32>,
        %get3A_1012 = vector.shape_cast %get3A_1011 : vector<1x1x1x16xf32> to vector<16xf32>
        %mul3A_1013 = arith.mulf %broadcast_in_dim3A_210, %get3A_1012 : vector<16xf32>
        %add3A_1014 = arith.addf %add3A_1004, %mul3A_1013 : vector<16xf32>
        %swap3A_1015 = arith.constant 1 : i32
        %swap3A_1016 = arith.index_cast %swap3A_1015 : i32 to index
        %swap3A_1017 = arith.index_cast %add3A_591 : i32 to index
        %swap3A_1018 = arith.constant 64 : index
        %swap3A_1019 = tpu.vector_load %arg10[%swap3A_1016, %swap3A_1017, %swap3A_1018] {strides = array<i32>} : memref<3x32x96xf32, #tpu.memory_space<vmem>>, vector<1x1x16xf32>,
        %swap3A_1020 = vector.shape_cast %swap3A_1019 : vector<1x1x16xf32> to vector<16xf32>
        %swap3A_1021 = vector.shape_cast %add3A_1014 : vector<16xf32> to vector<1x1x16xf32>
        tpu.vector_store %arg10[%swap3A_1016, %swap3A_1017, %swap3A_1018], %swap3A_1021 {strides = array<i32>} : memref<3x32x96xf32, #tpu.memory_space<vmem>>, vector<1x1x16xf32>,
        %get3A_1022 = arith.constant 1 : i32
        %get3A_1023 = arith.constant 0 : i32
        %get3A_1024 = arith.index_cast %get3A_1022 : i32 to index
        %get3A_1025 = arith.index_cast %get3A_1023 : i32 to index
        %get3A_1026 = arith.index_cast %add3A_591 : i32 to index
        %get3A_1027 = arith.constant 80 : index
        %get3A_1028 = tpu.vector_load %arg9[%get3A_1024, %get3A_1025, %get3A_1026, %get3A_1027] {strides = array<i32>} : memref<3x8x32x96xf32, #tpu.memory_space<vmem>>, vector<1x1x1x16xf32>,
        %get3A_1029 = vector.shape_cast %get3A_1028 : vector<1x1x1x16xf32> to vector<16xf32>
        %mul3A_1030 = arith.mulf %broadcast_in_dim3A, %get3A_1029 : vector<16xf32>
        %get3A_1031 = arith.constant 1 : i32
        %get3A_1032 = arith.constant 1 : i32
        %get3A_1033 = arith.index_cast %get3A_1031 : i32 to index
        %get3A_1034 = arith.index_cast %get3A_1032 : i32 to index
        %get3A_1035 = arith.index_cast %add3A_591 : i32 to index
        %get3A_1036 = arith.constant 80 : index
        %get3A_1037 = tpu.vector_load %arg9[%get3A_1033, %get3A_1034, %get3A_1035, %get3A_1036] {strides = array<i32>} : memref<3x8x32x96xf32, #tpu.memory_space<vmem>>, vector<1x1x1x16xf32>,
        %get3A_1038 = vector.shape_cast %get3A_1037 : vector<1x1x1x16xf32> to vector<16xf32>
        %mul3A_1039 = arith.mulf %broadcast_in_dim3A_162, %get3A_1038 : vector<16xf32>
        %add3A_1040 = arith.addf %mul3A_1030, %mul3A_1039 : vector<16xf32>
        %get3A_1041 = arith.constant 1 : i32
        %get3A_1042 = arith.constant 2 : i32
        %get3A_1043 = arith.index_cast %get3A_1041 : i32 to index
        %get3A_1044 = arith.index_cast %get3A_1042 : i32 to index
        %get3A_1045 = arith.index_cast %add3A_591 : i32 to index
        %get3A_1046 = arith.constant 80 : index
        %get3A_1047 = tpu.vector_load %arg9[%get3A_1043, %get3A_1044, %get3A_1045, %get3A_1046] {strides = array<i32>} : memref<3x8x32x96xf32, #tpu.memory_space<vmem>>, vector<1x1x1x16xf32>,
        %get3A_1048 = vector.shape_cast %get3A_1047 : vector<1x1x1x16xf32> to vector<16xf32>
        %mul3A_1049 = arith.mulf %broadcast_in_dim3A_170, %get3A_1048 : vector<16xf32>
        %add3A_1050 = arith.addf %add3A_1040, %mul3A_1049 : vector<16xf32>
        %get3A_1051 = arith.constant 1 : i32
        %get3A_1052 = arith.constant 3 : i32
        %get3A_1053 = arith.index_cast %get3A_1051 : i32 to index
        %get3A_1054 = arith.index_cast %get3A_1052 : i32 to index
        %get3A_1055 = arith.index_cast %add3A_591 : i32 to index
        %get3A_1056 = arith.constant 80 : index
        %get3A_1057 = tpu.vector_load %arg9[%get3A_1053, %get3A_1054, %get3A_1055, %get3A_1056] {strides = array<i32>} : memref<3x8x32x96xf32, #tpu.memory_space<vmem>>, vector<1x1x1x16xf32>,
        %get3A_1058 = vector.shape_cast %get3A_1057 : vector<1x1x1x16xf32> to vector<16xf32>
        %mul3A_1059 = arith.mulf %broadcast_in_dim3A_178, %get3A_1058 : vector<16xf32>
        %add3A_1060 = arith.addf %add3A_1050, %mul3A_1059 : vector<16xf32>
        %get3A_1061 = arith.constant 1 : i32
        %get3A_1062 = arith.constant 4 : i32
        %get3A_1063 = arith.index_cast %get3A_1061 : i32 to index
        %get3A_1064 = arith.index_cast %get3A_1062 : i32 to index
        %get3A_1065 = arith.index_cast %add3A_591 : i32 to index
        %get3A_1066 = arith.constant 80 : index
        %get3A_1067 = tpu.vector_load %arg9[%get3A_1063, %get3A_1064, %get3A_1065, %get3A_1066] {strides = array<i32>} : memref<3x8x32x96xf32, #tpu.memory_space<vmem>>, vector<1x1x1x16xf32>,
        %get3A_1068 = vector.shape_cast %get3A_1067 : vector<1x1x1x16xf32> to vector<16xf32>
        %mul3A_1069 = arith.mulf %broadcast_in_dim3A_186, %get3A_1068 : vector<16xf32>
        %add3A_1070 = arith.addf %add3A_1060, %mul3A_1069 : vector<16xf32>
        %get3A_1071 = arith.constant 1 : i32
        %get3A_1072 = arith.constant 5 : i32
        %get3A_1073 = arith.index_cast %get3A_1071 : i32 to index
        %get3A_1074 = arith.index_cast %get3A_1072 : i32 to index
        %get3A_1075 = arith.index_cast %add3A_591 : i32 to index
        %get3A_1076 = arith.constant 80 : index
        %get3A_1077 = tpu.vector_load %arg9[%get3A_1073, %get3A_1074, %get3A_1075, %get3A_1076] {strides = array<i32>} : memref<3x8x32x96xf32, #tpu.memory_space<vmem>>, vector<1x1x1x16xf32>,
        %get3A_1078 = vector.shape_cast %get3A_1077 : vector<1x1x1x16xf32> to vector<16xf32>
        %mul3A_1079 = arith.mulf %broadcast_in_dim3A_194, %get3A_1078 : vector<16xf32>
        %add3A_1080 = arith.addf %add3A_1070, %mul3A_1079 : vector<16xf32>
        %get3A_1081 = arith.constant 1 : i32
        %get3A_1082 = arith.constant 6 : i32
        %get3A_1083 = arith.index_cast %get3A_1081 : i32 to index
        %get3A_1084 = arith.index_cast %get3A_1082 : i32 to index
        %get3A_1085 = arith.index_cast %add3A_591 : i32 to index
        %get3A_1086 = arith.constant 80 : index
        %get3A_1087 = tpu.vector_load %arg9[%get3A_1083, %get3A_1084, %get3A_1085, %get3A_1086] {strides = array<i32>} : memref<3x8x32x96xf32, #tpu.memory_space<vmem>>, vector<1x1x1x16xf32>,
        %get3A_1088 = vector.shape_cast %get3A_1087 : vector<1x1x1x16xf32> to vector<16xf32>
        %mul3A_1089 = arith.mulf %broadcast_in_dim3A_202, %get3A_1088 : vector<16xf32>
        %add3A_1090 = arith.addf %add3A_1080, %mul3A_1089 : vector<16xf32>
        %get3A_1091 = arith.constant 1 : i32
        %get3A_1092 = arith.constant 7 : i32
        %get3A_1093 = arith.index_cast %get3A_1091 : i32 to index
        %get3A_1094 = arith.index_cast %get3A_1092 : i32 to index
        %get3A_1095 = arith.index_cast %add3A_591 : i32 to index
        %get3A_1096 = arith.constant 80 : index
        %get3A_1097 = tpu.vector_load %arg9[%get3A_1093, %get3A_1094, %get3A_1095, %get3A_1096] {strides = array<i32>} : memref<3x8x32x96xf32, #tpu.memory_space<vmem>>, vector<1x1x1x16xf32>,
        %get3A_1098 = vector.shape_cast %get3A_1097 : vector<1x1x1x16xf32> to vector<16xf32>
        %mul3A_1099 = arith.mulf %broadcast_in_dim3A_210, %get3A_1098 : vector<16xf32>
        %add3A_1100 = arith.addf %add3A_1090, %mul3A_1099 : vector<16xf32>
        %swap3A_1101 = arith.constant 1 : i32
        %swap3A_1102 = arith.index_cast %swap3A_1101 : i32 to index
        %swap3A_1103 = arith.index_cast %add3A_591 : i32 to index
        %swap3A_1104 = arith.constant 80 : index
        %swap3A_1105 = tpu.vector_load %arg10[%swap3A_1102, %swap3A_1103, %swap3A_1104] {strides = array<i32>} : memref<3x32x96xf32, #tpu.memory_space<vmem>>, vector<1x1x16xf32>,
        %swap3A_1106 = vector.shape_cast %swap3A_1105 : vector<1x1x16xf32> to vector<16xf32>
        %swap3A_1107 = vector.shape_cast %add3A_1100 : vector<16xf32> to vector<1x1x16xf32>
        tpu.vector_store %arg10[%swap3A_1102, %swap3A_1103, %swap3A_1104], %swap3A_1107 {strides = array<i32>} : memref<3x32x96xf32, #tpu.memory_space<vmem>>, vector<1x1x16xf32>,
        %mul3A_1108 = arith.constant 2 : i32
        %mul3A_1109 = arith.muli %scan3A_587, %mul3A_1108 : i32
        %add3A_1110 = arith.constant 1 : i32
        %add3A_1111 = arith.addi %mul3A_1109, %add3A_1110 : i32
        %get3A_1112 = arith.constant 1 : i32
        %get3A_1113 = arith.constant 0 : i32
        %get3A_1114 = arith.index_cast %get3A_1112 : i32 to index
        %get3A_1115 = arith.index_cast %get3A_1113 : i32 to index
        %get3A_1116 = arith.index_cast %add3A_1111 : i32 to index
        %get3A_1117 = arith.constant 0 : index
        %get3A_1118 = tpu.vector_load %arg9[%get3A_1114, %get3A_1115, %get3A_1116, %get3A_1117] {strides = array<i32>} : memref<3x8x32x96xf32, #tpu.memory_space<vmem>>, vector<1x1x1x16xf32>,
        %get3A_1119 = vector.shape_cast %get3A_1118 : vector<1x1x1x16xf32> to vector<16xf32>
        %mul3A_1120 = arith.mulf %broadcast_in_dim3A, %get3A_1119 : vector<16xf32>
        %get3A_1121 = arith.constant 1 : i32
        %get3A_1122 = arith.constant 1 : i32
        %get3A_1123 = arith.index_cast %get3A_1121 : i32 to index
        %get3A_1124 = arith.index_cast %get3A_1122 : i32 to index
        %get3A_1125 = arith.index_cast %add3A_1111 : i32 to index
        %get3A_1126 = arith.constant 0 : index
        %get3A_1127 = tpu.vector_load %arg9[%get3A_1123, %get3A_1124, %get3A_1125, %get3A_1126] {strides = array<i32>} : memref<3x8x32x96xf32, #tpu.memory_space<vmem>>, vector<1x1x1x16xf32>,
        %get3A_1128 = vector.shape_cast %get3A_1127 : vector<1x1x1x16xf32> to vector<16xf32>
        %mul3A_1129 = arith.mulf %broadcast_in_dim3A_162, %get3A_1128 : vector<16xf32>
        %add3A_1130 = arith.addf %mul3A_1120, %mul3A_1129 : vector<16xf32>
        %get3A_1131 = arith.constant 1 : i32
        %get3A_1132 = arith.constant 2 : i32
        %get3A_1133 = arith.index_cast %get3A_1131 : i32 to index
        %get3A_1134 = arith.index_cast %get3A_1132 : i32 to index
        %get3A_1135 = arith.index_cast %add3A_1111 : i32 to index
        %get3A_1136 = arith.constant 0 : index
        %get3A_1137 = tpu.vector_load %arg9[%get3A_1133, %get3A_1134, %get3A_1135, %get3A_1136] {strides = array<i32>} : memref<3x8x32x96xf32, #tpu.memory_space<vmem>>, vector<1x1x1x16xf32>,
        %get3A_1138 = vector.shape_cast %get3A_1137 : vector<1x1x1x16xf32> to vector<16xf32>
        %mul3A_1139 = arith.mulf %broadcast_in_dim3A_170, %get3A_1138 : vector<16xf32>
        %add3A_1140 = arith.addf %add3A_1130, %mul3A_1139 : vector<16xf32>
        %get3A_1141 = arith.constant 1 : i32
        %get3A_1142 = arith.constant 3 : i32
        %get3A_1143 = arith.index_cast %get3A_1141 : i32 to index
        %get3A_1144 = arith.index_cast %get3A_1142 : i32 to index
        %get3A_1145 = arith.index_cast %add3A_1111 : i32 to index
        %get3A_1146 = arith.constant 0 : index
        %get3A_1147 = tpu.vector_load %arg9[%get3A_1143, %get3A_1144, %get3A_1145, %get3A_1146] {strides = array<i32>} : memref<3x8x32x96xf32, #tpu.memory_space<vmem>>, vector<1x1x1x16xf32>,
        %get3A_1148 = vector.shape_cast %get3A_1147 : vector<1x1x1x16xf32> to vector<16xf32>
        %mul3A_1149 = arith.mulf %broadcast_in_dim3A_178, %get3A_1148 : vector<16xf32>
        %add3A_1150 = arith.addf %add3A_1140, %mul3A_1149 : vector<16xf32>
        %get3A_1151 = arith.constant 1 : i32
        %get3A_1152 = arith.constant 4 : i32
        %get3A_1153 = arith.index_cast %get3A_1151 : i32 to index
        %get3A_1154 = arith.index_cast %get3A_1152 : i32 to index
        %get3A_1155 = arith.index_cast %add3A_1111 : i32 to index
        %get3A_1156 = arith.constant 0 : index
        %get3A_1157 = tpu.vector_load %arg9[%get3A_1153, %get3A_1154, %get3A_1155, %get3A_1156] {strides = array<i32>} : memref<3x8x32x96xf32, #tpu.memory_space<vmem>>, vector<1x1x1x16xf32>,
        %get3A_1158 = vector.shape_cast %get3A_1157 : vector<1x1x1x16xf32> to vector<16xf32>
        %mul3A_1159 = arith.mulf %broadcast_in_dim3A_186, %get3A_1158 : vector<16xf32>
        %add3A_1160 = arith.addf %add3A_1150, %mul3A_1159 : vector<16xf32>
        %get3A_1161 = arith.constant 1 : i32
        %get3A_1162 = arith.constant 5 : i32
        %get3A_1163 = arith.index_cast %get3A_1161 : i32 to index
        %get3A_1164 = arith.index_cast %get3A_1162 : i32 to index
        %get3A_1165 = arith.index_cast %add3A_1111 : i32 to index
        %get3A_1166 = arith.constant 0 : index
        %get3A_1167 = tpu.vector_load %arg9[%get3A_1163, %get3A_1164, %get3A_1165, %get3A_1166] {strides = array<i32>} : memref<3x8x32x96xf32, #tpu.memory_space<vmem>>, vector<1x1x1x16xf32>,
        %get3A_1168 = vector.shape_cast %get3A_1167 : vector<1x1x1x16xf32> to vector<16xf32>
        %mul3A_1169 = arith.mulf %broadcast_in_dim3A_194, %get3A_1168 : vector<16xf32>
        %add3A_1170 = arith.addf %add3A_1160, %mul3A_1169 : vector<16xf32>
        %get3A_1171 = arith.constant 1 : i32
        %get3A_1172 = arith.constant 6 : i32
        %get3A_1173 = arith.index_cast %get3A_1171 : i32 to index
        %get3A_1174 = arith.index_cast %get3A_1172 : i32 to index
        %get3A_1175 = arith.index_cast %add3A_1111 : i32 to index
        %get3A_1176 = arith.constant 0 : index
        %get3A_1177 = tpu.vector_load %arg9[%get3A_1173, %get3A_1174, %get3A_1175, %get3A_1176] {strides = array<i32>} : memref<3x8x32x96xf32, #tpu.memory_space<vmem>>, vector<1x1x1x16xf32>,
        %get3A_1178 = vector.shape_cast %get3A_1177 : vector<1x1x1x16xf32> to vector<16xf32>
        %mul3A_1179 = arith.mulf %broadcast_in_dim3A_202, %get3A_1178 : vector<16xf32>
        %add3A_1180 = arith.addf %add3A_1170, %mul3A_1179 : vector<16xf32>
        %get3A_1181 = arith.constant 1 : i32
        %get3A_1182 = arith.constant 7 : i32
        %get3A_1183 = arith.index_cast %get3A_1181 : i32 to index
        %get3A_1184 = arith.index_cast %get3A_1182 : i32 to index
        %get3A_1185 = arith.index_cast %add3A_1111 : i32 to index
        %get3A_1186 = arith.constant 0 : index
        %get3A_1187 = tpu.vector_load %arg9[%get3A_1183, %get3A_1184, %get3A_1185, %get3A_1186] {strides = array<i32>} : memref<3x8x32x96xf32, #tpu.memory_space<vmem>>, vector<1x1x1x16xf32>,
        %get3A_1188 = vector.shape_cast %get3A_1187 : vector<1x1x1x16xf32> to vector<16xf32>
        %mul3A_1189 = arith.mulf %broadcast_in_dim3A_210, %get3A_1188 : vector<16xf32>
        %add3A_1190 = arith.addf %add3A_1180, %mul3A_1189 : vector<16xf32>
        %swap3A_1191 = arith.constant 1 : i32
        %swap3A_1192 = arith.index_cast %swap3A_1191 : i32 to index
        %swap3A_1193 = arith.index_cast %add3A_1111 : i32 to index
        %swap3A_1194 = arith.constant 0 : index
        %swap3A_1195 = tpu.vector_load %arg10[%swap3A_1192, %swap3A_1193, %swap3A_1194] {strides = array<i32>} : memref<3x32x96xf32, #tpu.memory_space<vmem>>, vector<1x1x16xf32>,
        %swap3A_1196 = vector.shape_cast %swap3A_1195 : vector<1x1x16xf32> to vector<16xf32>
        %swap3A_1197 = vector.shape_cast %add3A_1190 : vector<16xf32> to vector<1x1x16xf32>
        tpu.vector_store %arg10[%swap3A_1192, %swap3A_1193, %swap3A_1194], %swap3A_1197 {strides = array<i32>} : memref<3x32x96xf32, #tpu.memory_space<vmem>>, vector<1x1x16xf32>,
        %get3A_1198 = arith.constant 1 : i32
        %get3A_1199 = arith.constant 0 : i32
        %get3A_1200 = arith.index_cast %get3A_1198 : i32 to index
        %get3A_1201 = arith.index_cast %get3A_1199 : i32 to index
        %get3A_1202 = arith.index_cast %add3A_1111 : i32 to index
        %get3A_1203 = arith.constant 16 : index
        %get3A_1204 = tpu.vector_load %arg9[%get3A_1200, %get3A_1201, %get3A_1202, %get3A_1203] {strides = array<i32>} : memref<3x8x32x96xf32, #tpu.memory_space<vmem>>, vector<1x1x1x16xf32>,
        %get3A_1205 = vector.shape_cast %get3A_1204 : vector<1x1x1x16xf32> to vector<16xf32>
        %mul3A_1206 = arith.mulf %broadcast_in_dim3A, %get3A_1205 : vector<16xf32>
        %get3A_1207 = arith.constant 1 : i32
        %get3A_1208 = arith.constant 1 : i32
        %get3A_1209 = arith.index_cast %get3A_1207 : i32 to index
        %get3A_1210 = arith.index_cast %get3A_1208 : i32 to index
        %get3A_1211 = arith.index_cast %add3A_1111 : i32 to index
        %get3A_1212 = arith.constant 16 : index
        %get3A_1213 = tpu.vector_load %arg9[%get3A_1209, %get3A_1210, %get3A_1211, %get3A_1212] {strides = array<i32>} : memref<3x8x32x96xf32, #tpu.memory_space<vmem>>, vector<1x1x1x16xf32>,
        %get3A_1214 = vector.shape_cast %get3A_1213 : vector<1x1x1x16xf32> to vector<16xf32>
        %mul3A_1215 = arith.mulf %broadcast_in_dim3A_162, %get3A_1214 : vector<16xf32>
        %add3A_1216 = arith.addf %mul3A_1206, %mul3A_1215 : vector<16xf32>
        %get3A_1217 = arith.constant 1 : i32
        %get3A_1218 = arith.constant 2 : i32
        %get3A_1219 = arith.index_cast %get3A_1217 : i32 to index
        %get3A_1220 = arith.index_cast %get3A_1218 : i32 to index
        %get3A_1221 = arith.index_cast %add3A_1111 : i32 to index
        %get3A_1222 = arith.constant 16 : index
        %get3A_1223 = tpu.vector_load %arg9[%get3A_1219, %get3A_1220, %get3A_1221, %get3A_1222] {strides = array<i32>} : memref<3x8x32x96xf32, #tpu.memory_space<vmem>>, vector<1x1x1x16xf32>,
        %get3A_1224 = vector.shape_cast %get3A_1223 : vector<1x1x1x16xf32> to vector<16xf32>
        %mul3A_1225 = arith.mulf %broadcast_in_dim3A_170, %get3A_1224 : vector<16xf32>
        %add3A_1226 = arith.addf %add3A_1216, %mul3A_1225 : vector<16xf32>
        %get3A_1227 = arith.constant 1 : i32
        %get3A_1228 = arith.constant 3 : i32
        %get3A_1229 = arith.index_cast %get3A_1227 : i32 to index
        %get3A_1230 = arith.index_cast %get3A_1228 : i32 to index
        %get3A_1231 = arith.index_cast %add3A_1111 : i32 to index
        %get3A_1232 = arith.constant 16 : index
        %get3A_1233 = tpu.vector_load %arg9[%get3A_1229, %get3A_1230, %get3A_1231, %get3A_1232] {strides = array<i32>} : memref<3x8x32x96xf32, #tpu.memory_space<vmem>>, vector<1x1x1x16xf32>,
        %get3A_1234 = vector.shape_cast %get3A_1233 : vector<1x1x1x16xf32> to vector<16xf32>
        %mul3A_1235 = arith.mulf %broadcast_in_dim3A_178, %get3A_1234 : vector<16xf32>
        %add3A_1236 = arith.addf %add3A_1226, %mul3A_1235 : vector<16xf32>
        %get3A_1237 = arith.constant 1 : i32
        %get3A_1238 = arith.constant 4 : i32
        %get3A_1239 = arith.index_cast %get3A_1237 : i32 to index
        %get3A_1240 = arith.index_cast %get3A_1238 : i32 to index
        %get3A_1241 = arith.index_cast %add3A_1111 : i32 to index
        %get3A_1242 = arith.constant 16 : index
        %get3A_1243 = tpu.vector_load %arg9[%get3A_1239, %get3A_1240, %get3A_1241, %get3A_1242] {strides = array<i32>} : memref<3x8x32x96xf32, #tpu.memory_space<vmem>>, vector<1x1x1x16xf32>,
        %get3A_1244 = vector.shape_cast %get3A_1243 : vector<1x1x1x16xf32> to vector<16xf32>
        %mul3A_1245 = arith.mulf %broadcast_in_dim3A_186, %get3A_1244 : vector<16xf32>
        %add3A_1246 = arith.addf %add3A_1236, %mul3A_1245 : vector<16xf32>
        %get3A_1247 = arith.constant 1 : i32
        %get3A_1248 = arith.constant 5 : i32
        %get3A_1249 = arith.index_cast %get3A_1247 : i32 to index
        %get3A_1250 = arith.index_cast %get3A_1248 : i32 to index
        %get3A_1251 = arith.index_cast %add3A_1111 : i32 to index
        %get3A_1252 = arith.constant 16 : index
        %get3A_1253 = tpu.vector_load %arg9[%get3A_1249, %get3A_1250, %get3A_1251, %get3A_1252] {strides = array<i32>} : memref<3x8x32x96xf32, #tpu.memory_space<vmem>>, vector<1x1x1x16xf32>,
        %get3A_1254 = vector.shape_cast %get3A_1253 : vector<1x1x1x16xf32> to vector<16xf32>
        %mul3A_1255 = arith.mulf %broadcast_in_dim3A_194, %get3A_1254 : vector<16xf32>
        %add3A_1256 = arith.addf %add3A_1246, %mul3A_1255 : vector<16xf32>
        %get3A_1257 = arith.constant 1 : i32
        %get3A_1258 = arith.constant 6 : i32
        %get3A_1259 = arith.index_cast %get3A_1257 : i32 to index
        %get3A_1260 = arith.index_cast %get3A_1258 : i32 to index
        %get3A_1261 = arith.index_cast %add3A_1111 : i32 to index
        %get3A_1262 = arith.constant 16 : index
        %get3A_1263 = tpu.vector_load %arg9[%get3A_1259, %get3A_1260, %get3A_1261, %get3A_1262] {strides = array<i32>} : memref<3x8x32x96xf32, #tpu.memory_space<vmem>>, vector<1x1x1x16xf32>,
        %get3A_1264 = vector.shape_cast %get3A_1263 : vector<1x1x1x16xf32> to vector<16xf32>
        %mul3A_1265 = arith.mulf %broadcast_in_dim3A_202, %get3A_1264 : vector<16xf32>
        %add3A_1266 = arith.addf %add3A_1256, %mul3A_1265 : vector<16xf32>
        %get3A_1267 = arith.constant 1 : i32
        %get3A_1268 = arith.constant 7 : i32
        %get3A_1269 = arith.index_cast %get3A_1267 : i32 to index
        %get3A_1270 = arith.index_cast %get3A_1268 : i32 to index
        %get3A_1271 = arith.index_cast %add3A_1111 : i32 to index
        %get3A_1272 = arith.constant 16 : index
        %get3A_1273 = tpu.vector_load %arg9[%get3A_1269, %get3A_1270, %get3A_1271, %get3A_1272] {strides = array<i32>} : memref<3x8x32x96xf32, #tpu.memory_space<vmem>>, vector<1x1x1x16xf32>,
        %get3A_1274 = vector.shape_cast %get3A_1273 : vector<1x1x1x16xf32> to vector<16xf32>
        %mul3A_1275 = arith.mulf %broadcast_in_dim3A_210, %get3A_1274 : vector<16xf32>
        %add3A_1276 = arith.addf %add3A_1266, %mul3A_1275 : vector<16xf32>
        %swap3A_1277 = arith.constant 1 : i32
        %swap3A_1278 = arith.index_cast %swap3A_1277 : i32 to index
        %swap3A_1279 = arith.index_cast %add3A_1111 : i32 to index
        %swap3A_1280 = arith.constant 16 : index
        %swap3A_1281 = tpu.vector_load %arg10[%swap3A_1278, %swap3A_1279, %swap3A_1280] {strides = array<i32>} : memref<3x32x96xf32, #tpu.memory_space<vmem>>, vector<1x1x16xf32>,
        %swap3A_1282 = vector.shape_cast %swap3A_1281 : vector<1x1x16xf32> to vector<16xf32>
        %swap3A_1283 = vector.shape_cast %add3A_1276 : vector<16xf32> to vector<1x1x16xf32>
        tpu.vector_store %arg10[%swap3A_1278, %swap3A_1279, %swap3A_1280], %swap3A_1283 {strides = array<i32>} : memref<3x32x96xf32, #tpu.memory_space<vmem>>, vector<1x1x16xf32>,
        %get3A_1284 = arith.constant 1 : i32
        %get3A_1285 = arith.constant 0 : i32
        %get3A_1286 = arith.index_cast %get3A_1284 : i32 to index
        %get3A_1287 = arith.index_cast %get3A_1285 : i32 to index
        %get3A_1288 = arith.index_cast %add3A_1111 : i32 to index
        %get3A_1289 = arith.constant 32 : index
        %get3A_1290 = tpu.vector_load %arg9[%get3A_1286, %get3A_1287, %get3A_1288, %get3A_1289] {strides = array<i32>} : memref<3x8x32x96xf32, #tpu.memory_space<vmem>>, vector<1x1x1x16xf32>,
        %get3A_1291 = vector.shape_cast %get3A_1290 : vector<1x1x1x16xf32> to vector<16xf32>
        %mul3A_1292 = arith.mulf %broadcast_in_dim3A, %get3A_1291 : vector<16xf32>
        %get3A_1293 = arith.constant 1 : i32
        %get3A_1294 = arith.constant 1 : i32
        %get3A_1295 = arith.index_cast %get3A_1293 : i32 to index
        %get3A_1296 = arith.index_cast %get3A_1294 : i32 to index
        %get3A_1297 = arith.index_cast %add3A_1111 : i32 to index
        %get3A_1298 = arith.constant 32 : index
        %get3A_1299 = tpu.vector_load %arg9[%get3A_1295, %get3A_1296, %get3A_1297, %get3A_1298] {strides = array<i32>} : memref<3x8x32x96xf32, #tpu.memory_space<vmem>>, vector<1x1x1x16xf32>,
        %get3A_1300 = vector.shape_cast %get3A_1299 : vector<1x1x1x16xf32> to vector<16xf32>
        %mul3A_1301 = arith.mulf %broadcast_in_dim3A_162, %get3A_1300 : vector<16xf32>
        %add3A_1302 = arith.addf %mul3A_1292, %mul3A_1301 : vector<16xf32>
        %get3A_1303 = arith.constant 1 : i32
        %get3A_1304 = arith.constant 2 : i32
        %get3A_1305 = arith.index_cast %get3A_1303 : i32 to index
        %get3A_1306 = arith.index_cast %get3A_1304 : i32 to index
        %get3A_1307 = arith.index_cast %add3A_1111 : i32 to index
        %get3A_1308 = arith.constant 32 : index
        %get3A_1309 = tpu.vector_load %arg9[%get3A_1305, %get3A_1306, %get3A_1307, %get3A_1308] {strides = array<i32>} : memref<3x8x32x96xf32, #tpu.memory_space<vmem>>, vector<1x1x1x16xf32>,
        %get3A_1310 = vector.shape_cast %get3A_1309 : vector<1x1x1x16xf32> to vector<16xf32>
        %mul3A_1311 = arith.mulf %broadcast_in_dim3A_170, %get3A_1310 : vector<16xf32>
        %add3A_1312 = arith.addf %add3A_1302, %mul3A_1311 : vector<16xf32>
        %get3A_1313 = arith.constant 1 : i32
        %get3A_1314 = arith.constant 3 : i32
        %get3A_1315 = arith.index_cast %get3A_1313 : i32 to index
        %get3A_1316 = arith.index_cast %get3A_1314 : i32 to index
        %get3A_1317 = arith.index_cast %add3A_1111 : i32 to index
        %get3A_1318 = arith.constant 32 : index
        %get3A_1319 = tpu.vector_load %arg9[%get3A_1315, %get3A_1316, %get3A_1317, %get3A_1318] {strides = array<i32>} : memref<3x8x32x96xf32, #tpu.memory_space<vmem>>, vector<1x1x1x16xf32>,
        %get3A_1320 = vector.shape_cast %get3A_1319 : vector<1x1x1x16xf32> to vector<16xf32>
        %mul3A_1321 = arith.mulf %broadcast_in_dim3A_178, %get3A_1320 : vector<16xf32>
        %add3A_1322 = arith.addf %add3A_1312, %mul3A_1321 : vector<16xf32>
        %get3A_1323 = arith.constant 1 : i32
        %get3A_1324 = arith.constant 4 : i32
        %get3A_1325 = arith.index_cast %get3A_1323 : i32 to index
        %get3A_1326 = arith.index_cast %get3A_1324 : i32 to index
        %get3A_1327 = arith.index_cast %add3A_1111 : i32 to index
        %get3A_1328 = arith.constant 32 : index
        %get3A_1329 = tpu.vector_load %arg9[%get3A_1325, %get3A_1326, %get3A_1327, %get3A_1328] {strides = array<i32>} : memref<3x8x32x96xf32, #tpu.memory_space<vmem>>, vector<1x1x1x16xf32>,
        %get3A_1330 = vector.shape_cast %get3A_1329 : vector<1x1x1x16xf32> to vector<16xf32>
        %mul3A_1331 = arith.mulf %broadcast_in_dim3A_186, %get3A_1330 : vector<16xf32>
        %add3A_1332 = arith.addf %add3A_1322, %mul3A_1331 : vector<16xf32>
        %get3A_1333 = arith.constant 1 : i32
        %get3A_1334 = arith.constant 5 : i32
        %get3A_1335 = arith.index_cast %get3A_1333 : i32 to index
        %get3A_1336 = arith.index_cast %get3A_1334 : i32 to index
        %get3A_1337 = arith.index_cast %add3A_1111 : i32 to index
        %get3A_1338 = arith.constant 32 : index
        %get3A_1339 = tpu.vector_load %arg9[%get3A_1335, %get3A_1336, %get3A_1337, %get3A_1338] {strides = array<i32>} : memref<3x8x32x96xf32, #tpu.memory_space<vmem>>, vector<1x1x1x16xf32>,
        %get3A_1340 = vector.shape_cast %get3A_1339 : vector<1x1x1x16xf32> to vector<16xf32>
        %mul3A_1341 = arith.mulf %broadcast_in_dim3A_194, %get3A_1340 : vector<16xf32>
        %add3A_1342 = arith.addf %add3A_1332, %mul3A_1341 : vector<16xf32>
        %get3A_1343 = arith.constant 1 : i32
        %get3A_1344 = arith.constant 6 : i32
        %get3A_1345 = arith.index_cast %get3A_1343 : i32 to index
        %get3A_1346 = arith.index_cast %get3A_1344 : i32 to index
        %get3A_1347 = arith.index_cast %add3A_1111 : i32 to index
        %get3A_1348 = arith.constant 32 : index
        %get3A_1349 = tpu.vector_load %arg9[%get3A_1345, %get3A_1346, %get3A_1347, %get3A_1348] {strides = array<i32>} : memref<3x8x32x96xf32, #tpu.memory_space<vmem>>, vector<1x1x1x16xf32>,
        %get3A_1350 = vector.shape_cast %get3A_1349 : vector<1x1x1x16xf32> to vector<16xf32>
        %mul3A_1351 = arith.mulf %broadcast_in_dim3A_202, %get3A_1350 : vector<16xf32>
        %add3A_1352 = arith.addf %add3A_1342, %mul3A_1351 : vector<16xf32>
        %get3A_1353 = arith.constant 1 : i32
        %get3A_1354 = arith.constant 7 : i32
        %get3A_1355 = arith.index_cast %get3A_1353 : i32 to index
        %get3A_1356 = arith.index_cast %get3A_1354 : i32 to index
        %get3A_1357 = arith.index_cast %add3A_1111 : i32 to index
        %get3A_1358 = arith.constant 32 : index
        %get3A_1359 = tpu.vector_load %arg9[%get3A_1355, %get3A_1356, %get3A_1357, %get3A_1358] {strides = array<i32>} : memref<3x8x32x96xf32, #tpu.memory_space<vmem>>, vector<1x1x1x16xf32>,
        %get3A_1360 = vector.shape_cast %get3A_1359 : vector<1x1x1x16xf32> to vector<16xf32>
        %mul3A_1361 = arith.mulf %broadcast_in_dim3A_210, %get3A_1360 : vector<16xf32>
        %add3A_1362 = arith.addf %add3A_1352, %mul3A_1361 : vector<16xf32>
        %swap3A_1363 = arith.constant 1 : i32
        %swap3A_1364 = arith.index_cast %swap3A_1363 : i32 to index
        %swap3A_1365 = arith.index_cast %add3A_1111 : i32 to index
        %swap3A_1366 = arith.constant 32 : index
        %swap3A_1367 = tpu.vector_load %arg10[%swap3A_1364, %swap3A_1365, %swap3A_1366] {strides = array<i32>} : memref<3x32x96xf32, #tpu.memory_space<vmem>>, vector<1x1x16xf32>,
        %swap3A_1368 = vector.shape_cast %swap3A_1367 : vector<1x1x16xf32> to vector<16xf32>
        %swap3A_1369 = vector.shape_cast %add3A_1362 : vector<16xf32> to vector<1x1x16xf32>
        tpu.vector_store %arg10[%swap3A_1364, %swap3A_1365, %swap3A_1366], %swap3A_1369 {strides = array<i32>} : memref<3x32x96xf32, #tpu.memory_space<vmem>>, vector<1x1x16xf32>,
        %get3A_1370 = arith.constant 1 : i32
        %get3A_1371 = arith.constant 0 : i32
        %get3A_1372 = arith.index_cast %get3A_1370 : i32 to index
        %get3A_1373 = arith.index_cast %get3A_1371 : i32 to index
        %get3A_1374 = arith.index_cast %add3A_1111 : i32 to index
        %get3A_1375 = arith.constant 48 : index
        %get3A_1376 = tpu.vector_load %arg9[%get3A_1372, %get3A_1373, %get3A_1374, %get3A_1375] {strides = array<i32>} : memref<3x8x32x96xf32, #tpu.memory_space<vmem>>, vector<1x1x1x16xf32>,
        %get3A_1377 = vector.shape_cast %get3A_1376 : vector<1x1x1x16xf32> to vector<16xf32>
        %mul3A_1378 = arith.mulf %broadcast_in_dim3A, %get3A_1377 : vector<16xf32>
        %get3A_1379 = arith.constant 1 : i32
        %get3A_1380 = arith.constant 1 : i32
        %get3A_1381 = arith.index_cast %get3A_1379 : i32 to index
        %get3A_1382 = arith.index_cast %get3A_1380 : i32 to index
        %get3A_1383 = arith.index_cast %add3A_1111 : i32 to index
        %get3A_1384 = arith.constant 48 : index
        %get3A_1385 = tpu.vector_load %arg9[%get3A_1381, %get3A_1382, %get3A_1383, %get3A_1384] {strides = array<i32>} : memref<3x8x32x96xf32, #tpu.memory_space<vmem>>, vector<1x1x1x16xf32>,
        %get3A_1386 = vector.shape_cast %get3A_1385 : vector<1x1x1x16xf32> to vector<16xf32>
        %mul3A_1387 = arith.mulf %broadcast_in_dim3A_162, %get3A_1386 : vector<16xf32>
        %add3A_1388 = arith.addf %mul3A_1378, %mul3A_1387 : vector<16xf32>
        %get3A_1389 = arith.constant 1 : i32
        %get3A_1390 = arith.constant 2 : i32
        %get3A_1391 = arith.index_cast %get3A_1389 : i32 to index
        %get3A_1392 = arith.index_cast %get3A_1390 : i32 to index
        %get3A_1393 = arith.index_cast %add3A_1111 : i32 to index
        %get3A_1394 = arith.constant 48 : index
        %get3A_1395 = tpu.vector_load %arg9[%get3A_1391, %get3A_1392, %get3A_1393, %get3A_1394] {strides = array<i32>} : memref<3x8x32x96xf32, #tpu.memory_space<vmem>>, vector<1x1x1x16xf32>,
        %get3A_1396 = vector.shape_cast %get3A_1395 : vector<1x1x1x16xf32> to vector<16xf32>
        %mul3A_1397 = arith.mulf %broadcast_in_dim3A_170, %get3A_1396 : vector<16xf32>
        %add3A_1398 = arith.addf %add3A_1388, %mul3A_1397 : vector<16xf32>
        %get3A_1399 = arith.constant 1 : i32
        %get3A_1400 = arith.constant 3 : i32
        %get3A_1401 = arith.index_cast %get3A_1399 : i32 to index
        %get3A_1402 = arith.index_cast %get3A_1400 : i32 to index
        %get3A_1403 = arith.index_cast %add3A_1111 : i32 to index
        %get3A_1404 = arith.constant 48 : index
        %get3A_1405 = tpu.vector_load %arg9[%get3A_1401, %get3A_1402, %get3A_1403, %get3A_1404] {strides = array<i32>} : memref<3x8x32x96xf32, #tpu.memory_space<vmem>>, vector<1x1x1x16xf32>,
        %get3A_1406 = vector.shape_cast %get3A_1405 : vector<1x1x1x16xf32> to vector<16xf32>
        %mul3A_1407 = arith.mulf %broadcast_in_dim3A_178, %get3A_1406 : vector<16xf32>
        %add3A_1408 = arith.addf %add3A_1398, %mul3A_1407 : vector<16xf32>
        %get3A_1409 = arith.constant 1 : i32
        %get3A_1410 = arith.constant 4 : i32
        %get3A_1411 = arith.index_cast %get3A_1409 : i32 to index
        %get3A_1412 = arith.index_cast %get3A_1410 : i32 to index
        %get3A_1413 = arith.index_cast %add3A_1111 : i32 to index
        %get3A_1414 = arith.constant 48 : index
        %get3A_1415 = tpu.vector_load %arg9[%get3A_1411, %get3A_1412, %get3A_1413, %get3A_1414] {strides = array<i32>} : memref<3x8x32x96xf32, #tpu.memory_space<vmem>>, vector<1x1x1x16xf32>,
        %get3A_1416 = vector.shape_cast %get3A_1415 : vector<1x1x1x16xf32> to vector<16xf32>
        %mul3A_1417 = arith.mulf %broadcast_in_dim3A_186, %get3A_1416 : vector<16xf32>
        %add3A_1418 = arith.addf %add3A_1408, %mul3A_1417 : vector<16xf32>
        %get3A_1419 = arith.constant 1 : i32
        %get3A_1420 = arith.constant 5 : i32
        %get3A_1421 = arith.index_cast %get3A_1419 : i32 to index
        %get3A_1422 = arith.index_cast %get3A_1420 : i32 to index
        %get3A_1423 = arith.index_cast %add3A_1111 : i32 to index
        %get3A_1424 = arith.constant 48 : index
        %get3A_1425 = tpu.vector_load %arg9[%get3A_1421, %get3A_1422, %get3A_1423, %get3A_1424] {strides = array<i32>} : memref<3x8x32x96xf32, #tpu.memory_space<vmem>>, vector<1x1x1x16xf32>,
        %get3A_1426 = vector.shape_cast %get3A_1425 : vector<1x1x1x16xf32> to vector<16xf32>
        %mul3A_1427 = arith.mulf %broadcast_in_dim3A_194, %get3A_1426 : vector<16xf32>
        %add3A_1428 = arith.addf %add3A_1418, %mul3A_1427 : vector<16xf32>
        %get3A_1429 = arith.constant 1 : i32
        %get3A_1430 = arith.constant 6 : i32
        %get3A_1431 = arith.index_cast %get3A_1429 : i32 to index
        %get3A_1432 = arith.index_cast %get3A_1430 : i32 to index
        %get3A_1433 = arith.index_cast %add3A_1111 : i32 to index
        %get3A_1434 = arith.constant 48 : index
        %get3A_1435 = tpu.vector_load %arg9[%get3A_1431, %get3A_1432, %get3A_1433, %get3A_1434] {strides = array<i32>} : memref<3x8x32x96xf32, #tpu.memory_space<vmem>>, vector<1x1x1x16xf32>,
        %get3A_1436 = vector.shape_cast %get3A_1435 : vector<1x1x1x16xf32> to vector<16xf32>
        %mul3A_1437 = arith.mulf %broadcast_in_dim3A_202, %get3A_1436 : vector<16xf32>
        %add3A_1438 = arith.addf %add3A_1428, %mul3A_1437 : vector<16xf32>
        %get3A_1439 = arith.constant 1 : i32
        %get3A_1440 = arith.constant 7 : i32
        %get3A_1441 = arith.index_cast %get3A_1439 : i32 to index
        %get3A_1442 = arith.index_cast %get3A_1440 : i32 to index
        %get3A_1443 = arith.index_cast %add3A_1111 : i32 to index
        %get3A_1444 = arith.constant 48 : index
        %get3A_1445 = tpu.vector_load %arg9[%get3A_1441, %get3A_1442, %get3A_1443, %get3A_1444] {strides = array<i32>} : memref<3x8x32x96xf32, #tpu.memory_space<vmem>>, vector<1x1x1x16xf32>,
        %get3A_1446 = vector.shape_cast %get3A_1445 : vector<1x1x1x16xf32> to vector<16xf32>
        %mul3A_1447 = arith.mulf %broadcast_in_dim3A_210, %get3A_1446 : vector<16xf32>
        %add3A_1448 = arith.addf %add3A_1438, %mul3A_1447 : vector<16xf32>
        %swap3A_1449 = arith.constant 1 : i32
        %swap3A_1450 = arith.index_cast %swap3A_1449 : i32 to index
        %swap3A_1451 = arith.index_cast %add3A_1111 : i32 to index
        %swap3A_1452 = arith.constant 48 : index
        %swap3A_1453 = tpu.vector_load %arg10[%swap3A_1450, %swap3A_1451, %swap3A_1452] {strides = array<i32>} : memref<3x32x96xf32, #tpu.memory_space<vmem>>, vector<1x1x16xf32>,
        %swap3A_1454 = vector.shape_cast %swap3A_1453 : vector<1x1x16xf32> to vector<16xf32>
        %swap3A_1455 = vector.shape_cast %add3A_1448 : vector<16xf32> to vector<1x1x16xf32>
        tpu.vector_store %arg10[%swap3A_1450, %swap3A_1451, %swap3A_1452], %swap3A_1455 {strides = array<i32>} : memref<3x32x96xf32, #tpu.memory_space<vmem>>, vector<1x1x16xf32>,
        %get3A_1456 = arith.constant 1 : i32
        %get3A_1457 = arith.constant 0 : i32
        %get3A_1458 = arith.index_cast %get3A_1456 : i32 to index
        %get3A_1459 = arith.index_cast %get3A_1457 : i32 to index
        %get3A_1460 = arith.index_cast %add3A_1111 : i32 to index
        %get3A_1461 = arith.constant 64 : index
        %get3A_1462 = tpu.vector_load %arg9[%get3A_1458, %get3A_1459, %get3A_1460, %get3A_1461] {strides = array<i32>} : memref<3x8x32x96xf32, #tpu.memory_space<vmem>>, vector<1x1x1x16xf32>,
        %get3A_1463 = vector.shape_cast %get3A_1462 : vector<1x1x1x16xf32> to vector<16xf32>
        %mul3A_1464 = arith.mulf %broadcast_in_dim3A, %get3A_1463 : vector<16xf32>
        %get3A_1465 = arith.constant 1 : i32
        %get3A_1466 = arith.constant 1 : i32
        %get3A_1467 = arith.index_cast %get3A_1465 : i32 to index
        %get3A_1468 = arith.index_cast %get3A_1466 : i32 to index
        %get3A_1469 = arith.index_cast %add3A_1111 : i32 to index
        %get3A_1470 = arith.constant 64 : index
        %get3A_1471 = tpu.vector_load %arg9[%get3A_1467, %get3A_1468, %get3A_1469, %get3A_1470] {strides = array<i32>} : memref<3x8x32x96xf32, #tpu.memory_space<vmem>>, vector<1x1x1x16xf32>,
        %get3A_1472 = vector.shape_cast %get3A_1471 : vector<1x1x1x16xf32> to vector<16xf32>
        %mul3A_1473 = arith.mulf %broadcast_in_dim3A_162, %get3A_1472 : vector<16xf32>
        %add3A_1474 = arith.addf %mul3A_1464, %mul3A_1473 : vector<16xf32>
        %get3A_1475 = arith.constant 1 : i32
        %get3A_1476 = arith.constant 2 : i32
        %get3A_1477 = arith.index_cast %get3A_1475 : i32 to index
        %get3A_1478 = arith.index_cast %get3A_1476 : i32 to index
        %get3A_1479 = arith.index_cast %add3A_1111 : i32 to index
        %get3A_1480 = arith.constant 64 : index
        %get3A_1481 = tpu.vector_load %arg9[%get3A_1477, %get3A_1478, %get3A_1479, %get3A_1480] {strides = array<i32>} : memref<3x8x32x96xf32, #tpu.memory_space<vmem>>, vector<1x1x1x16xf32>,
        %get3A_1482 = vector.shape_cast %get3A_1481 : vector<1x1x1x16xf32> to vector<16xf32>
        %mul3A_1483 = arith.mulf %broadcast_in_dim3A_170, %get3A_1482 : vector<16xf32>
        %add3A_1484 = arith.addf %add3A_1474, %mul3A_1483 : vector<16xf32>
        %get3A_1485 = arith.constant 1 : i32
        %get3A_1486 = arith.constant 3 : i32
        %get3A_1487 = arith.index_cast %get3A_1485 : i32 to index
        %get3A_1488 = arith.index_cast %get3A_1486 : i32 to index
        %get3A_1489 = arith.index_cast %add3A_1111 : i32 to index
        %get3A_1490 = arith.constant 64 : index
        %get3A_1491 = tpu.vector_load %arg9[%get3A_1487, %get3A_1488, %get3A_1489, %get3A_1490] {strides = array<i32>} : memref<3x8x32x96xf32, #tpu.memory_space<vmem>>, vector<1x1x1x16xf32>,
        %get3A_1492 = vector.shape_cast %get3A_1491 : vector<1x1x1x16xf32> to vector<16xf32>
        %mul3A_1493 = arith.mulf %broadcast_in_dim3A_178, %get3A_1492 : vector<16xf32>
        %add3A_1494 = arith.addf %add3A_1484, %mul3A_1493 : vector<16xf32>
        %get3A_1495 = arith.constant 1 : i32
        %get3A_1496 = arith.constant 4 : i32
        %get3A_1497 = arith.index_cast %get3A_1495 : i32 to index
        %get3A_1498 = arith.index_cast %get3A_1496 : i32 to index
        %get3A_1499 = arith.index_cast %add3A_1111 : i32 to index
        %get3A_1500 = arith.constant 64 : index
        %get3A_1501 = tpu.vector_load %arg9[%get3A_1497, %get3A_1498, %get3A_1499, %get3A_1500] {strides = array<i32>} : memref<3x8x32x96xf32, #tpu.memory_space<vmem>>, vector<1x1x1x16xf32>,
        %get3A_1502 = vector.shape_cast %get3A_1501 : vector<1x1x1x16xf32> to vector<16xf32>
        %mul3A_1503 = arith.mulf %broadcast_in_dim3A_186, %get3A_1502 : vector<16xf32>
        %add3A_1504 = arith.addf %add3A_1494, %mul3A_1503 : vector<16xf32>
        %get3A_1505 = arith.constant 1 : i32
        %get3A_1506 = arith.constant 5 : i32
        %get3A_1507 = arith.index_cast %get3A_1505 : i32 to index
        %get3A_1508 = arith.index_cast %get3A_1506 : i32 to index
        %get3A_1509 = arith.index_cast %add3A_1111 : i32 to index
        %get3A_1510 = arith.constant 64 : index
        %get3A_1511 = tpu.vector_load %arg9[%get3A_1507, %get3A_1508, %get3A_1509, %get3A_1510] {strides = array<i32>} : memref<3x8x32x96xf32, #tpu.memory_space<vmem>>, vector<1x1x1x16xf32>,
        %get3A_1512 = vector.shape_cast %get3A_1511 : vector<1x1x1x16xf32> to vector<16xf32>
        %mul3A_1513 = arith.mulf %broadcast_in_dim3A_194, %get3A_1512 : vector<16xf32>
        %add3A_1514 = arith.addf %add3A_1504, %mul3A_1513 : vector<16xf32>
        %get3A_1515 = arith.constant 1 : i32
        %get3A_1516 = arith.constant 6 : i32
        %get3A_1517 = arith.index_cast %get3A_1515 : i32 to index
        %get3A_1518 = arith.index_cast %get3A_1516 : i32 to index
        %get3A_1519 = arith.index_cast %add3A_1111 : i32 to index
        %get3A_1520 = arith.constant 64 : index
        %get3A_1521 = tpu.vector_load %arg9[%get3A_1517, %get3A_1518, %get3A_1519, %get3A_1520] {strides = array<i32>} : memref<3x8x32x96xf32, #tpu.memory_space<vmem>>, vector<1x1x1x16xf32>,
        %get3A_1522 = vector.shape_cast %get3A_1521 : vector<1x1x1x16xf32> to vector<16xf32>
        %mul3A_1523 = arith.mulf %broadcast_in_dim3A_202, %get3A_1522 : vector<16xf32>
        %add3A_1524 = arith.addf %add3A_1514, %mul3A_1523 : vector<16xf32>
        %get3A_1525 = arith.constant 1 : i32
        %get3A_1526 = arith.constant 7 : i32
        %get3A_1527 = arith.index_cast %get3A_1525 : i32 to index
        %get3A_1528 = arith.index_cast %get3A_1526 : i32 to index
        %get3A_1529 = arith.index_cast %add3A_1111 : i32 to index
        %get3A_1530 = arith.constant 64 : index
        %get3A_1531 = tpu.vector_load %arg9[%get3A_1527, %get3A_1528, %get3A_1529, %get3A_1530] {strides = array<i32>} : memref<3x8x32x96xf32, #tpu.memory_space<vmem>>, vector<1x1x1x16xf32>,
        %get3A_1532 = vector.shape_cast %get3A_1531 : vector<1x1x1x16xf32> to vector<16xf32>
        %mul3A_1533 = arith.mulf %broadcast_in_dim3A_210, %get3A_1532 : vector<16xf32>
        %add3A_1534 = arith.addf %add3A_1524, %mul3A_1533 : vector<16xf32>
        %swap3A_1535 = arith.constant 1 : i32
        %swap3A_1536 = arith.index_cast %swap3A_1535 : i32 to index
        %swap3A_1537 = arith.index_cast %add3A_1111 : i32 to index
        %swap3A_1538 = arith.constant 64 : index
        %swap3A_1539 = tpu.vector_load %arg10[%swap3A_1536, %swap3A_1537, %swap3A_1538] {strides = array<i32>} : memref<3x32x96xf32, #tpu.memory_space<vmem>>, vector<1x1x16xf32>,
        %swap3A_1540 = vector.shape_cast %swap3A_1539 : vector<1x1x16xf32> to vector<16xf32>
        %swap3A_1541 = vector.shape_cast %add3A_1534 : vector<16xf32> to vector<1x1x16xf32>
        tpu.vector_store %arg10[%swap3A_1536, %swap3A_1537, %swap3A_1538], %swap3A_1541 {strides = array<i32>} : memref<3x32x96xf32, #tpu.memory_space<vmem>>, vector<1x1x16xf32>,
        %get3A_1542 = arith.constant 1 : i32
        %get3A_1543 = arith.constant 0 : i32
        %get3A_1544 = arith.index_cast %get3A_1542 : i32 to index
        %get3A_1545 = arith.index_cast %get3A_1543 : i32 to index
        %get3A_1546 = arith.index_cast %add3A_1111 : i32 to index
        %get3A_1547 = arith.constant 80 : index
        %get3A_1548 = tpu.vector_load %arg9[%get3A_1544, %get3A_1545, %get3A_1546, %get3A_1547] {strides = array<i32>} : memref<3x8x32x96xf32, #tpu.memory_space<vmem>>, vector<1x1x1x16xf32>,
        %get3A_1549 = vector.shape_cast %get3A_1548 : vector<1x1x1x16xf32> to vector<16xf32>
        %mul3A_1550 = arith.mulf %broadcast_in_dim3A, %get3A_1549 : vector<16xf32>
        %get3A_1551 = arith.constant 1 : i32
        %get3A_1552 = arith.constant 1 : i32
        %get3A_1553 = arith.index_cast %get3A_1551 : i32 to index
        %get3A_1554 = arith.index_cast %get3A_1552 : i32 to index
        %get3A_1555 = arith.index_cast %add3A_1111 : i32 to index
        %get3A_1556 = arith.constant 80 : index
        %get3A_1557 = tpu.vector_load %arg9[%get3A_1553, %get3A_1554, %get3A_1555, %get3A_1556] {strides = array<i32>} : memref<3x8x32x96xf32, #tpu.memory_space<vmem>>, vector<1x1x1x16xf32>,
        %get3A_1558 = vector.shape_cast %get3A_1557 : vector<1x1x1x16xf32> to vector<16xf32>
        %mul3A_1559 = arith.mulf %broadcast_in_dim3A_162, %get3A_1558 : vector<16xf32>
        %add3A_1560 = arith.addf %mul3A_1550, %mul3A_1559 : vector<16xf32>
        %get3A_1561 = arith.constant 1 : i32
        %get3A_1562 = arith.constant 2 : i32
        %get3A_1563 = arith.index_cast %get3A_1561 : i32 to index
        %get3A_1564 = arith.index_cast %get3A_1562 : i32 to index
        %get3A_1565 = arith.index_cast %add3A_1111 : i32 to index
        %get3A_1566 = arith.constant 80 : index
        %get3A_1567 = tpu.vector_load %arg9[%get3A_1563, %get3A_1564, %get3A_1565, %get3A_1566] {strides = array<i32>} : memref<3x8x32x96xf32, #tpu.memory_space<vmem>>, vector<1x1x1x16xf32>,
        %get3A_1568 = vector.shape_cast %get3A_1567 : vector<1x1x1x16xf32> to vector<16xf32>
        %mul3A_1569 = arith.mulf %broadcast_in_dim3A_170, %get3A_1568 : vector<16xf32>
        %add3A_1570 = arith.addf %add3A_1560, %mul3A_1569 : vector<16xf32>
        %get3A_1571 = arith.constant 1 : i32
        %get3A_1572 = arith.constant 3 : i32
        %get3A_1573 = arith.index_cast %get3A_1571 : i32 to index
        %get3A_1574 = arith.index_cast %get3A_1572 : i32 to index
        %get3A_1575 = arith.index_cast %add3A_1111 : i32 to index
        %get3A_1576 = arith.constant 80 : index
        %get3A_1577 = tpu.vector_load %arg9[%get3A_1573, %get3A_1574, %get3A_1575, %get3A_1576] {strides = array<i32>} : memref<3x8x32x96xf32, #tpu.memory_space<vmem>>, vector<1x1x1x16xf32>,
        %get3A_1578 = vector.shape_cast %get3A_1577 : vector<1x1x1x16xf32> to vector<16xf32>
        %mul3A_1579 = arith.mulf %broadcast_in_dim3A_178, %get3A_1578 : vector<16xf32>
        %add3A_1580 = arith.addf %add3A_1570, %mul3A_1579 : vector<16xf32>
        %get3A_1581 = arith.constant 1 : i32
        %get3A_1582 = arith.constant 4 : i32
        %get3A_1583 = arith.index_cast %get3A_1581 : i32 to index
        %get3A_1584 = arith.index_cast %get3A_1582 : i32 to index
        %get3A_1585 = arith.index_cast %add3A_1111 : i32 to index
        %get3A_1586 = arith.constant 80 : index
        %get3A_1587 = tpu.vector_load %arg9[%get3A_1583, %get3A_1584, %get3A_1585, %get3A_1586] {strides = array<i32>} : memref<3x8x32x96xf32, #tpu.memory_space<vmem>>, vector<1x1x1x16xf32>,
        %get3A_1588 = vector.shape_cast %get3A_1587 : vector<1x1x1x16xf32> to vector<16xf32>
        %mul3A_1589 = arith.mulf %broadcast_in_dim3A_186, %get3A_1588 : vector<16xf32>
        %add3A_1590 = arith.addf %add3A_1580, %mul3A_1589 : vector<16xf32>
        %get3A_1591 = arith.constant 1 : i32
        %get3A_1592 = arith.constant 5 : i32
        %get3A_1593 = arith.index_cast %get3A_1591 : i32 to index
        %get3A_1594 = arith.index_cast %get3A_1592 : i32 to index
        %get3A_1595 = arith.index_cast %add3A_1111 : i32 to index
        %get3A_1596 = arith.constant 80 : index
        %get3A_1597 = tpu.vector_load %arg9[%get3A_1593, %get3A_1594, %get3A_1595, %get3A_1596] {strides = array<i32>} : memref<3x8x32x96xf32, #tpu.memory_space<vmem>>, vector<1x1x1x16xf32>,
        %get3A_1598 = vector.shape_cast %get3A_1597 : vector<1x1x1x16xf32> to vector<16xf32>
        %mul3A_1599 = arith.mulf %broadcast_in_dim3A_194, %get3A_1598 : vector<16xf32>
        %add3A_1600 = arith.addf %add3A_1590, %mul3A_1599 : vector<16xf32>
        %get3A_1601 = arith.constant 1 : i32
        %get3A_1602 = arith.constant 6 : i32
        %get3A_1603 = arith.index_cast %get3A_1601 : i32 to index
        %get3A_1604 = arith.index_cast %get3A_1602 : i32 to index
        %get3A_1605 = arith.index_cast %add3A_1111 : i32 to index
        %get3A_1606 = arith.constant 80 : index
        %get3A_1607 = tpu.vector_load %arg9[%get3A_1603, %get3A_1604, %get3A_1605, %get3A_1606] {strides = array<i32>} : memref<3x8x32x96xf32, #tpu.memory_space<vmem>>, vector<1x1x1x16xf32>,
        %get3A_1608 = vector.shape_cast %get3A_1607 : vector<1x1x1x16xf32> to vector<16xf32>
        %mul3A_1609 = arith.mulf %broadcast_in_dim3A_202, %get3A_1608 : vector<16xf32>
        %add3A_1610 = arith.addf %add3A_1600, %mul3A_1609 : vector<16xf32>
        %get3A_1611 = arith.constant 1 : i32
        %get3A_1612 = arith.constant 7 : i32
        %get3A_1613 = arith.index_cast %get3A_1611 : i32 to index
        %get3A_1614 = arith.index_cast %get3A_1612 : i32 to index
        %get3A_1615 = arith.index_cast %add3A_1111 : i32 to index
        %get3A_1616 = arith.constant 80 : index
        %get3A_1617 = tpu.vector_load %arg9[%get3A_1613, %get3A_1614, %get3A_1615, %get3A_1616] {strides = array<i32>} : memref<3x8x32x96xf32, #tpu.memory_space<vmem>>, vector<1x1x1x16xf32>,
        %get3A_1618 = vector.shape_cast %get3A_1617 : vector<1x1x1x16xf32> to vector<16xf32>
        %mul3A_1619 = arith.mulf %broadcast_in_dim3A_210, %get3A_1618 : vector<16xf32>
        %add3A_1620 = arith.addf %add3A_1610, %mul3A_1619 : vector<16xf32>
        %swap3A_1621 = arith.constant 1 : i32
        %swap3A_1622 = arith.index_cast %swap3A_1621 : i32 to index
        %swap3A_1623 = arith.index_cast %add3A_1111 : i32 to index
        %swap3A_1624 = arith.constant 80 : index
        %swap3A_1625 = tpu.vector_load %arg10[%swap3A_1622, %swap3A_1623, %swap3A_1624] {strides = array<i32>} : memref<3x32x96xf32, #tpu.memory_space<vmem>>, vector<1x1x16xf32>,
        %swap3A_1626 = vector.shape_cast %swap3A_1625 : vector<1x1x16xf32> to vector<16xf32>
        %swap3A_1627 = vector.shape_cast %add3A_1620 : vector<16xf32> to vector<1x1x16xf32>
        tpu.vector_store %arg10[%swap3A_1622, %swap3A_1623, %swap3A_1624], %swap3A_1627 {strides = array<i32>} : memref<3x32x96xf32, #tpu.memory_space<vmem>>, vector<1x1x16xf32>,
      }
      %scan3A_501 = arith.constant 16 : i32
      %dma_start3A_502 = arith.constant 1 : i32
      %dma_start3A_503 = arith.constant 1 : i32
      %dma_start3A_504 = arith.constant 0 : i32
      %dma_start3A_505 = arith.constant 0 : i32
      %dma_start3A_506 = tpu.memref_slice %arg10[%dma_start3A_502, %dma_start3A_504, %dma_start3A_505] : memref<3x32x96xf32, #tpu.memory_space<vmem>> -> memref<1x32x96xf32, #tpu.memory_space<vmem>>
      %dma_start3A_507 = tpu.memref_squeeze %dma_start3A_506 : memref<1x32x96xf32, #tpu.memory_space<vmem>> -> memref<32x96xf32, #tpu.memory_space<vmem>>
      %dma_start3A_508 = arith.constant 0 : i32
      %dma_start3A_509 = tpu.memref_slice %arg5[%select_n3A, %add3A_468, %mul3A_32, %dma_start3A_508] : memref<16x64x64x96xf32, #tpu.memory_space<hbm>> -> memref<1x1x32x96xf32, #tpu.memory_space<hbm>>
      %dma_start3A_510 = tpu.memref_squeeze %dma_start3A_509 : memref<1x1x32x96xf32, #tpu.memory_space<hbm>> -> memref<32x96xf32, #tpu.memory_space<hbm>>
      %dma_start3A_511 = tpu.memref_slice %arg12[%dma_start3A_503] : memref<3x!tpu.dma_semaphore, #tpu.memory_space<semaphore_mem>> -> memref<1x!tpu.dma_semaphore, #tpu.memory_space<semaphore_mem>>
      %dma_start3A_512 = tpu.memref_squeeze %dma_start3A_511 : memref<1x!tpu.dma_semaphore, #tpu.memory_space<semaphore_mem>> -> memref<!tpu.dma_semaphore, #tpu.memory_space<semaphore_mem>>
      %dma_start3A_513 = arith.constant 0 : i32
      %dma_start3A_514 = tpu.memref_slice %arg5[%select_n3A, %add3A_468, %mul3A_32, %dma_start3A_513] : memref<16x64x64x96xf32, #tpu.memory_space<hbm>> -> memref<1x1x32x96xf32, #tpu.memory_space<hbm>>
      %dma_start3A_515 = tpu.memref_squeeze %dma_start3A_514 : memref<1x1x32x96xf32, #tpu.memory_space<hbm>> -> memref<32x96xf32, #tpu.memory_space<hbm>>
      %dma_start3A_516 = arith.constant 0 : i32
      %dma_start3A_517 = arith.constant 0 : i32
      %dma_start3A_518 = tpu.memref_slice %arg10[%dma_start3A_502, %dma_start3A_516, %dma_start3A_517] : memref<3x32x96xf32, #tpu.memory_space<vmem>> -> memref<1x32x96xf32, #tpu.memory_space<vmem>>
      %dma_start3A_519 = tpu.memref_squeeze %dma_start3A_518 : memref<1x32x96xf32, #tpu.memory_space<vmem>> -> memref<32x96xf32, #tpu.memory_space<vmem>>
      tpu.enqueue_dma source(%dma_start3A_519 : memref<32x96xf32, #tpu.memory_space<vmem>>) target(%dma_start3A_515 : memref<32x96xf32, #tpu.memory_space<hbm>>) target_semaphore(%dma_start3A_512 : memref<!tpu.dma_semaphore, #tpu.memory_space<semaphore_mem>>)
      %add3A_520 = arith.constant 3 : i32
      %add3A_521 = arith.addi %add3A_468, %add3A_520 : i32
      %lt3A_522 = arith.constant 64 : i32
      %lt3A_523 = arith.cmpi slt, %add3A_521, %lt3A_522 : i32
      %convert_element_type3A_524 = arith.extui %lt3A_523 : i1 to i32
      %cond3A_525 = arith.constant 0 : i32
      %cond3A_526 = arith.cmpi ne, %convert_element_type3A_524, %cond3A_525 : i32
      scf.if %cond3A_526 {
        %add3A_587 = arith.constant 3 : i32
        %add3A_588 = arith.addi %add3A_468, %add3A_587 : i32
        %dma_start3A_589 = arith.constant 1 : i32
        %dma_start3A_590 = arith.constant 1 : i32
        %dma_start3A_591 = arith.constant 0 : i32
        %dma_start3A_592 = arith.constant 0 : i32
        %dma_start3A_593 = arith.constant 0 : i32
        %dma_start3A_594 = tpu.memref_slice %arg9[%dma_start3A_589, %dma_start3A_591, %dma_start3A_592, %dma_start3A_593] : memref<3x8x32x96xf32, #tpu.memory_space<vmem>> -> memref<1x8x32x96xf32, #tpu.memory_space<vmem>>
        %dma_start3A_595 = tpu.memref_squeeze %dma_start3A_594 : memref<1x8x32x96xf32, #tpu.memory_space<vmem>> -> memref<8x32x96xf32, #tpu.memory_space<vmem>>
        %dma_start3A_596 = arith.constant 0 : i32
        %dma_start3A_597 = arith.constant 0 : i32
        %dma_start3A_598 = tpu.memref_slice %arg2[%select_n3A, %dma_start3A_596, %add3A_588, %mul3A_32, %dma_start3A_597] : memref<16x8x64x64x96xf32, #tpu.memory_space<hbm>> -> memref<1x8x1x32x96xf32, #tpu.memory_space<hbm>>
        %dma_start3A_599 = tpu.memref_squeeze %dma_start3A_598 : memref<1x8x1x32x96xf32, #tpu.memory_space<hbm>> -> memref<8x32x96xf32, #tpu.memory_space<hbm>>
        %dma_start3A_600 = tpu.memref_slice %arg11[%dma_start3A_590] : memref<3x!tpu.dma_semaphore, #tpu.memory_space<semaphore_mem>> -> memref<1x!tpu.dma_semaphore, #tpu.memory_space<semaphore_mem>>
        %dma_start3A_601 = tpu.memref_squeeze %dma_start3A_600 : memref<1x!tpu.dma_semaphore, #tpu.memory_space<semaphore_mem>> -> memref<!tpu.dma_semaphore, #tpu.memory_space<semaphore_mem>>
        %dma_start3A_602 = arith.constant 0 : i32
        %dma_start3A_603 = arith.constant 0 : i32
        %dma_start3A_604 = arith.constant 0 : i32
        %dma_start3A_605 = tpu.memref_slice %arg9[%dma_start3A_589, %dma_start3A_602, %dma_start3A_603, %dma_start3A_604] : memref<3x8x32x96xf32, #tpu.memory_space<vmem>> -> memref<1x8x32x96xf32, #tpu.memory_space<vmem>>
        %dma_start3A_606 = tpu.memref_squeeze %dma_start3A_605 : memref<1x8x32x96xf32, #tpu.memory_space<vmem>> -> memref<8x32x96xf32, #tpu.memory_space<vmem>>
        %dma_start3A_607 = arith.constant 0 : i32
        %dma_start3A_608 = arith.constant 0 : i32
        %dma_start3A_609 = tpu.memref_slice %arg2[%select_n3A, %dma_start3A_607, %add3A_588, %mul3A_32, %dma_start3A_608] : memref<16x8x64x64x96xf32, #tpu.memory_space<hbm>> -> memref<1x8x1x32x96xf32, #tpu.memory_space<hbm>>
        %dma_start3A_610 = tpu.memref_squeeze %dma_start3A_609 : memref<1x8x1x32x96xf32, #tpu.memory_space<hbm>> -> memref<8x32x96xf32, #tpu.memory_space<hbm>>
        tpu.enqueue_dma source(%dma_start3A_610 : memref<8x32x96xf32, #tpu.memory_space<hbm>>) target(%dma_start3A_606 : memref<8x32x96xf32, #tpu.memory_space<vmem>>) target_semaphore(%dma_start3A_601 : memref<!tpu.dma_semaphore, #tpu.memory_space<semaphore_mem>>)
      } else {
      }
      %add3A_527 = arith.constant 2 : i32
      %add3A_528 = arith.addi %mul3A_409, %add3A_527 : i32
      %dma_wait3A_529 = arith.constant 2 : i32
      %dma_wait3A_530 = arith.constant 2 : i32
      %dma_wait3A_531 = arith.constant 0 : i32
      %dma_wait3A_532 = arith.constant 0 : i32
      %dma_wait3A_533 = arith.constant 0 : i32
      %dma_wait3A_534 = tpu.memref_slice %arg9[%dma_wait3A_529, %dma_wait3A_531, %dma_wait3A_532, %dma_wait3A_533] : memref<3x8x32x96xf32, #tpu.memory_space<vmem>> -> memref<1x8x32x96xf32, #tpu.memory_space<vmem>>
      %dma_wait3A_535 = tpu.memref_squeeze %dma_wait3A_534 : memref<1x8x32x96xf32, #tpu.memory_space<vmem>> -> memref<8x32x96xf32, #tpu.memory_space<vmem>>
      %dma_wait3A_536 = arith.constant 0 : i32
      %dma_wait3A_537 = arith.constant 0 : i32
      %dma_wait3A_538 = tpu.memref_slice %arg2[%select_n3A, %dma_wait3A_536, %add3A_528, %mul3A_32, %dma_wait3A_537] : memref<16x8x64x64x96xf32, #tpu.memory_space<hbm>> -> memref<1x8x1x32x96xf32, #tpu.memory_space<hbm>>
      %dma_wait3A_539 = tpu.memref_squeeze %dma_wait3A_538 : memref<1x8x1x32x96xf32, #tpu.memory_space<hbm>> -> memref<8x32x96xf32, #tpu.memory_space<hbm>>
      %dma_wait3A_540 = tpu.memref_slice %arg11[%dma_wait3A_530] : memref<3x!tpu.dma_semaphore, #tpu.memory_space<semaphore_mem>> -> memref<1x!tpu.dma_semaphore, #tpu.memory_space<semaphore_mem>>
      %dma_wait3A_541 = tpu.memref_squeeze %dma_wait3A_540 : memref<1x!tpu.dma_semaphore, #tpu.memory_space<semaphore_mem>> -> memref<!tpu.dma_semaphore, #tpu.memory_space<semaphore_mem>>
      %dma_wait3A_542 = arith.constant 0 : i32
      %dma_wait3A_543 = arith.constant 0 : i32
      %dma_wait3A_544 = arith.constant 0 : i32
      %dma_wait3A_545 = tpu.memref_slice %arg9[%dma_wait3A_529, %dma_wait3A_542, %dma_wait3A_543, %dma_wait3A_544] : memref<3x8x32x96xf32, #tpu.memory_space<vmem>> -> memref<1x8x32x96xf32, #tpu.memory_space<vmem>>
      %dma_wait3A_546 = tpu.memref_squeeze %dma_wait3A_545 : memref<1x8x32x96xf32, #tpu.memory_space<vmem>> -> memref<8x32x96xf32, #tpu.memory_space<vmem>>
      %dma_wait3A_547 = arith.constant 0 : i32
      %dma_wait3A_548 = arith.constant 0 : i32
      %dma_wait3A_549 = tpu.memref_slice %arg2[%select_n3A, %dma_wait3A_547, %add3A_528, %mul3A_32, %dma_wait3A_548] : memref<16x8x64x64x96xf32, #tpu.memory_space<hbm>> -> memref<1x8x1x32x96xf32, #tpu.memory_space<hbm>>
      %dma_wait3A_550 = tpu.memref_squeeze %dma_wait3A_549 : memref<1x8x1x32x96xf32, #tpu.memory_space<hbm>> -> memref<8x32x96xf32, #tpu.memory_space<hbm>>
      tpu.wait_dma2 semaphore(%dma_wait3A_541 : memref<!tpu.dma_semaphore, #tpu.memory_space<semaphore_mem>>) src(%dma_wait3A_550 : memref<8x32x96xf32, #tpu.memory_space<hbm>>) dst(%dma_wait3A_546 : memref<8x32x96xf32, #tpu.memory_space<vmem>>)
      %ge3A_551 = arith.constant 3 : i32
      %ge3A_552 = arith.cmpi sge, %add3A_528, %ge3A_551 : i32
      %convert_element_type3A_553 = arith.extui %ge3A_552 : i1 to i32
      %cond3A_554 = arith.constant 0 : i32
      %cond3A_555 = arith.cmpi ne, %convert_element_type3A_553, %cond3A_554 : i32
      scf.if %cond3A_555 {
        %dma_wait3A_587 = arith.constant 2 : i32
        %dma_wait3A_588 = arith.constant 0 : i32
        %dma_wait3A_589 = arith.constant 2 : i32
        %dma_wait3A_590 = arith.constant 0 : i32
        %dma_wait3A_591 = arith.constant 0 : i32
        %dma_wait3A_592 = tpu.memref_slice %arg10[%dma_wait3A_587, %dma_wait3A_590, %dma_wait3A_591] : memref<3x32x96xf32, #tpu.memory_space<vmem>> -> memref<1x32x96xf32, #tpu.memory_space<vmem>>
        %dma_wait3A_593 = tpu.memref_squeeze %dma_wait3A_592 : memref<1x32x96xf32, #tpu.memory_space<vmem>> -> memref<32x96xf32, #tpu.memory_space<vmem>>
        %dma_wait3A_594 = arith.constant 0 : i32
        %dma_wait3A_595 = tpu.memref_slice %arg5[%select_n3A, %dma_wait3A_588, %mul3A_32, %dma_wait3A_594] : memref<16x64x64x96xf32, #tpu.memory_space<hbm>> -> memref<1x1x32x96xf32, #tpu.memory_space<hbm>>
        %dma_wait3A_596 = tpu.memref_squeeze %dma_wait3A_595 : memref<1x1x32x96xf32, #tpu.memory_space<hbm>> -> memref<32x96xf32, #tpu.memory_space<hbm>>
        %dma_wait3A_597 = tpu.memref_slice %arg12[%dma_wait3A_589] : memref<3x!tpu.dma_semaphore, #tpu.memory_space<semaphore_mem>> -> memref<1x!tpu.dma_semaphore, #tpu.memory_space<semaphore_mem>>
        %dma_wait3A_598 = tpu.memref_squeeze %dma_wait3A_597 : memref<1x!tpu.dma_semaphore, #tpu.memory_space<semaphore_mem>> -> memref<!tpu.dma_semaphore, #tpu.memory_space<semaphore_mem>>
        %dma_wait3A_599 = arith.constant 0 : i32
        %dma_wait3A_600 = tpu.memref_slice %arg5[%select_n3A, %dma_wait3A_588, %mul3A_32, %dma_wait3A_599] : memref<16x64x64x96xf32, #tpu.memory_space<hbm>> -> memref<1x1x32x96xf32, #tpu.memory_space<hbm>>
        %dma_wait3A_601 = tpu.memref_squeeze %dma_wait3A_600 : memref<1x1x32x96xf32, #tpu.memory_space<hbm>> -> memref<32x96xf32, #tpu.memory_space<hbm>>
        %dma_wait3A_602 = arith.constant 0 : i32
        %dma_wait3A_603 = arith.constant 0 : i32
        %dma_wait3A_604 = tpu.memref_slice %arg10[%dma_wait3A_587, %dma_wait3A_602, %dma_wait3A_603] : memref<3x32x96xf32, #tpu.memory_space<vmem>> -> memref<1x32x96xf32, #tpu.memory_space<vmem>>
        %dma_wait3A_605 = tpu.memref_squeeze %dma_wait3A_604 : memref<1x32x96xf32, #tpu.memory_space<vmem>> -> memref<32x96xf32, #tpu.memory_space<vmem>>
        tpu.wait_dma2 semaphore(%dma_wait3A_598 : memref<!tpu.dma_semaphore, #tpu.memory_space<semaphore_mem>>) src(%dma_wait3A_605 : memref<32x96xf32, #tpu.memory_space<vmem>>) dst(%dma_wait3A_601 : memref<32x96xf32, #tpu.memory_space<hbm>>)
      } else {
      }
      %scan3A_556 = arith.constant 0 : i32
      %scan3A_557 = arith.constant 0 : i32
      %scan3A_558 = arith.constant 16 : i32
      %scan3A_559 = arith.addi %scan3A_557, %scan3A_558 : i32
      %scan3A_560 = arith.constant 1 : i32
      scf.for %scan3A_587 = %scan3A_557 to %scan3A_559 step %scan3A_560  : i32 {
        %mul3A_588 = arith.constant 2 : i32
        %mul3A_589 = arith.muli %scan3A_587, %mul3A_588 : i32
        %add3A_590 = arith.constant 0 : i32
        %add3A_591 = arith.addi %mul3A_589, %add3A_590 : i32
        %get3A_592 = arith.constant 2 : i32
        %get3A_593 = arith.constant 0 : i32
        %get3A_594 = arith.index_cast %get3A_592 : i32 to index
        %get3A_595 = arith.index_cast %get3A_593 : i32 to index
        %get3A_596 = arith.index_cast %add3A_591 : i32 to index
        %get3A_597 = arith.constant 0 : index
        %get3A_598 = tpu.vector_load %arg9[%get3A_594, %get3A_595, %get3A_596, %get3A_597] {strides = array<i32>} : memref<3x8x32x96xf32, #tpu.memory_space<vmem>>, vector<1x1x1x16xf32>,
        %get3A_599 = vector.shape_cast %get3A_598 : vector<1x1x1x16xf32> to vector<16xf32>
        %mul3A_600 = arith.mulf %broadcast_in_dim3A, %get3A_599 : vector<16xf32>
        %get3A_601 = arith.constant 2 : i32
        %get3A_602 = arith.constant 1 : i32
        %get3A_603 = arith.index_cast %get3A_601 : i32 to index
        %get3A_604 = arith.index_cast %get3A_602 : i32 to index
        %get3A_605 = arith.index_cast %add3A_591 : i32 to index
        %get3A_606 = arith.constant 0 : index
        %get3A_607 = tpu.vector_load %arg9[%get3A_603, %get3A_604, %get3A_605, %get3A_606] {strides = array<i32>} : memref<3x8x32x96xf32, #tpu.memory_space<vmem>>, vector<1x1x1x16xf32>,
        %get3A_608 = vector.shape_cast %get3A_607 : vector<1x1x1x16xf32> to vector<16xf32>
        %mul3A_609 = arith.mulf %broadcast_in_dim3A_162, %get3A_608 : vector<16xf32>
        %add3A_610 = arith.addf %mul3A_600, %mul3A_609 : vector<16xf32>
        %get3A_611 = arith.constant 2 : i32
        %get3A_612 = arith.constant 2 : i32
        %get3A_613 = arith.index_cast %get3A_611 : i32 to index
        %get3A_614 = arith.index_cast %get3A_612 : i32 to index
        %get3A_615 = arith.index_cast %add3A_591 : i32 to index
        %get3A_616 = arith.constant 0 : index
        %get3A_617 = tpu.vector_load %arg9[%get3A_613, %get3A_614, %get3A_615, %get3A_616] {strides = array<i32>} : memref<3x8x32x96xf32, #tpu.memory_space<vmem>>, vector<1x1x1x16xf32>,
        %get3A_618 = vector.shape_cast %get3A_617 : vector<1x1x1x16xf32> to vector<16xf32>
        %mul3A_619 = arith.mulf %broadcast_in_dim3A_170, %get3A_618 : vector<16xf32>
        %add3A_620 = arith.addf %add3A_610, %mul3A_619 : vector<16xf32>
        %get3A_621 = arith.constant 2 : i32
        %get3A_622 = arith.constant 3 : i32
        %get3A_623 = arith.index_cast %get3A_621 : i32 to index
        %get3A_624 = arith.index_cast %get3A_622 : i32 to index
        %get3A_625 = arith.index_cast %add3A_591 : i32 to index
        %get3A_626 = arith.constant 0 : index
        %get3A_627 = tpu.vector_load %arg9[%get3A_623, %get3A_624, %get3A_625, %get3A_626] {strides = array<i32>} : memref<3x8x32x96xf32, #tpu.memory_space<vmem>>, vector<1x1x1x16xf32>,
        %get3A_628 = vector.shape_cast %get3A_627 : vector<1x1x1x16xf32> to vector<16xf32>
        %mul3A_629 = arith.mulf %broadcast_in_dim3A_178, %get3A_628 : vector<16xf32>
        %add3A_630 = arith.addf %add3A_620, %mul3A_629 : vector<16xf32>
        %get3A_631 = arith.constant 2 : i32
        %get3A_632 = arith.constant 4 : i32
        %get3A_633 = arith.index_cast %get3A_631 : i32 to index
        %get3A_634 = arith.index_cast %get3A_632 : i32 to index
        %get3A_635 = arith.index_cast %add3A_591 : i32 to index
        %get3A_636 = arith.constant 0 : index
        %get3A_637 = tpu.vector_load %arg9[%get3A_633, %get3A_634, %get3A_635, %get3A_636] {strides = array<i32>} : memref<3x8x32x96xf32, #tpu.memory_space<vmem>>, vector<1x1x1x16xf32>,
        %get3A_638 = vector.shape_cast %get3A_637 : vector<1x1x1x16xf32> to vector<16xf32>
        %mul3A_639 = arith.mulf %broadcast_in_dim3A_186, %get3A_638 : vector<16xf32>
        %add3A_640 = arith.addf %add3A_630, %mul3A_639 : vector<16xf32>
        %get3A_641 = arith.constant 2 : i32
        %get3A_642 = arith.constant 5 : i32
        %get3A_643 = arith.index_cast %get3A_641 : i32 to index
        %get3A_644 = arith.index_cast %get3A_642 : i32 to index
        %get3A_645 = arith.index_cast %add3A_591 : i32 to index
        %get3A_646 = arith.constant 0 : index
        %get3A_647 = tpu.vector_load %arg9[%get3A_643, %get3A_644, %get3A_645, %get3A_646] {strides = array<i32>} : memref<3x8x32x96xf32, #tpu.memory_space<vmem>>, vector<1x1x1x16xf32>,
        %get3A_648 = vector.shape_cast %get3A_647 : vector<1x1x1x16xf32> to vector<16xf32>
        %mul3A_649 = arith.mulf %broadcast_in_dim3A_194, %get3A_648 : vector<16xf32>
        %add3A_650 = arith.addf %add3A_640, %mul3A_649 : vector<16xf32>
        %get3A_651 = arith.constant 2 : i32
        %get3A_652 = arith.constant 6 : i32
        %get3A_653 = arith.index_cast %get3A_651 : i32 to index
        %get3A_654 = arith.index_cast %get3A_652 : i32 to index
        %get3A_655 = arith.index_cast %add3A_591 : i32 to index
        %get3A_656 = arith.constant 0 : index
        %get3A_657 = tpu.vector_load %arg9[%get3A_653, %get3A_654, %get3A_655, %get3A_656] {strides = array<i32>} : memref<3x8x32x96xf32, #tpu.memory_space<vmem>>, vector<1x1x1x16xf32>,
        %get3A_658 = vector.shape_cast %get3A_657 : vector<1x1x1x16xf32> to vector<16xf32>
        %mul3A_659 = arith.mulf %broadcast_in_dim3A_202, %get3A_658 : vector<16xf32>
        %add3A_660 = arith.addf %add3A_650, %mul3A_659 : vector<16xf32>
        %get3A_661 = arith.constant 2 : i32
        %get3A_662 = arith.constant 7 : i32
        %get3A_663 = arith.index_cast %get3A_661 : i32 to index
        %get3A_664 = arith.index_cast %get3A_662 : i32 to index
        %get3A_665 = arith.index_cast %add3A_591 : i32 to index
        %get3A_666 = arith.constant 0 : index
        %get3A_667 = tpu.vector_load %arg9[%get3A_663, %get3A_664, %get3A_665, %get3A_666] {strides = array<i32>} : memref<3x8x32x96xf32, #tpu.memory_space<vmem>>, vector<1x1x1x16xf32>,
        %get3A_668 = vector.shape_cast %get3A_667 : vector<1x1x1x16xf32> to vector<16xf32>
        %mul3A_669 = arith.mulf %broadcast_in_dim3A_210, %get3A_668 : vector<16xf32>
        %add3A_670 = arith.addf %add3A_660, %mul3A_669 : vector<16xf32>
        %swap3A_671 = arith.constant 2 : i32
        %swap3A_672 = arith.index_cast %swap3A_671 : i32 to index
        %swap3A_673 = arith.index_cast %add3A_591 : i32 to index
        %swap3A_674 = arith.constant 0 : index
        %swap3A_675 = tpu.vector_load %arg10[%swap3A_672, %swap3A_673, %swap3A_674] {strides = array<i32>} : memref<3x32x96xf32, #tpu.memory_space<vmem>>, vector<1x1x16xf32>,
        %swap3A_676 = vector.shape_cast %swap3A_675 : vector<1x1x16xf32> to vector<16xf32>
        %swap3A_677 = vector.shape_cast %add3A_670 : vector<16xf32> to vector<1x1x16xf32>
        tpu.vector_store %arg10[%swap3A_672, %swap3A_673, %swap3A_674], %swap3A_677 {strides = array<i32>} : memref<3x32x96xf32, #tpu.memory_space<vmem>>, vector<1x1x16xf32>,
        %get3A_678 = arith.constant 2 : i32
        %get3A_679 = arith.constant 0 : i32
        %get3A_680 = arith.index_cast %get3A_678 : i32 to index
        %get3A_681 = arith.index_cast %get3A_679 : i32 to index
        %get3A_682 = arith.index_cast %add3A_591 : i32 to index
        %get3A_683 = arith.constant 16 : index
        %get3A_684 = tpu.vector_load %arg9[%get3A_680, %get3A_681, %get3A_682, %get3A_683] {strides = array<i32>} : memref<3x8x32x96xf32, #tpu.memory_space<vmem>>, vector<1x1x1x16xf32>,
        %get3A_685 = vector.shape_cast %get3A_684 : vector<1x1x1x16xf32> to vector<16xf32>
        %mul3A_686 = arith.mulf %broadcast_in_dim3A, %get3A_685 : vector<16xf32>
        %get3A_687 = arith.constant 2 : i32
        %get3A_688 = arith.constant 1 : i32
        %get3A_689 = arith.index_cast %get3A_687 : i32 to index
        %get3A_690 = arith.index_cast %get3A_688 : i32 to index
        %get3A_691 = arith.index_cast %add3A_591 : i32 to index
        %get3A_692 = arith.constant 16 : index
        %get3A_693 = tpu.vector_load %arg9[%get3A_689, %get3A_690, %get3A_691, %get3A_692] {strides = array<i32>} : memref<3x8x32x96xf32, #tpu.memory_space<vmem>>, vector<1x1x1x16xf32>,
        %get3A_694 = vector.shape_cast %get3A_693 : vector<1x1x1x16xf32> to vector<16xf32>
        %mul3A_695 = arith.mulf %broadcast_in_dim3A_162, %get3A_694 : vector<16xf32>
        %add3A_696 = arith.addf %mul3A_686, %mul3A_695 : vector<16xf32>
        %get3A_697 = arith.constant 2 : i32
        %get3A_698 = arith.constant 2 : i32
        %get3A_699 = arith.index_cast %get3A_697 : i32 to index
        %get3A_700 = arith.index_cast %get3A_698 : i32 to index
        %get3A_701 = arith.index_cast %add3A_591 : i32 to index
        %get3A_702 = arith.constant 16 : index
        %get3A_703 = tpu.vector_load %arg9[%get3A_699, %get3A_700, %get3A_701, %get3A_702] {strides = array<i32>} : memref<3x8x32x96xf32, #tpu.memory_space<vmem>>, vector<1x1x1x16xf32>,
        %get3A_704 = vector.shape_cast %get3A_703 : vector<1x1x1x16xf32> to vector<16xf32>
        %mul3A_705 = arith.mulf %broadcast_in_dim3A_170, %get3A_704 : vector<16xf32>
        %add3A_706 = arith.addf %add3A_696, %mul3A_705 : vector<16xf32>
        %get3A_707 = arith.constant 2 : i32
        %get3A_708 = arith.constant 3 : i32
        %get3A_709 = arith.index_cast %get3A_707 : i32 to index
        %get3A_710 = arith.index_cast %get3A_708 : i32 to index
        %get3A_711 = arith.index_cast %add3A_591 : i32 to index
        %get3A_712 = arith.constant 16 : index
        %get3A_713 = tpu.vector_load %arg9[%get3A_709, %get3A_710, %get3A_711, %get3A_712] {strides = array<i32>} : memref<3x8x32x96xf32, #tpu.memory_space<vmem>>, vector<1x1x1x16xf32>,
        %get3A_714 = vector.shape_cast %get3A_713 : vector<1x1x1x16xf32> to vector<16xf32>
        %mul3A_715 = arith.mulf %broadcast_in_dim3A_178, %get3A_714 : vector<16xf32>
        %add3A_716 = arith.addf %add3A_706, %mul3A_715 : vector<16xf32>
        %get3A_717 = arith.constant 2 : i32
        %get3A_718 = arith.constant 4 : i32
        %get3A_719 = arith.index_cast %get3A_717 : i32 to index
        %get3A_720 = arith.index_cast %get3A_718 : i32 to index
        %get3A_721 = arith.index_cast %add3A_591 : i32 to index
        %get3A_722 = arith.constant 16 : index
        %get3A_723 = tpu.vector_load %arg9[%get3A_719, %get3A_720, %get3A_721, %get3A_722] {strides = array<i32>} : memref<3x8x32x96xf32, #tpu.memory_space<vmem>>, vector<1x1x1x16xf32>,
        %get3A_724 = vector.shape_cast %get3A_723 : vector<1x1x1x16xf32> to vector<16xf32>
        %mul3A_725 = arith.mulf %broadcast_in_dim3A_186, %get3A_724 : vector<16xf32>
        %add3A_726 = arith.addf %add3A_716, %mul3A_725 : vector<16xf32>
        %get3A_727 = arith.constant 2 : i32
        %get3A_728 = arith.constant 5 : i32
        %get3A_729 = arith.index_cast %get3A_727 : i32 to index
        %get3A_730 = arith.index_cast %get3A_728 : i32 to index
        %get3A_731 = arith.index_cast %add3A_591 : i32 to index
        %get3A_732 = arith.constant 16 : index
        %get3A_733 = tpu.vector_load %arg9[%get3A_729, %get3A_730, %get3A_731, %get3A_732] {strides = array<i32>} : memref<3x8x32x96xf32, #tpu.memory_space<vmem>>, vector<1x1x1x16xf32>,
        %get3A_734 = vector.shape_cast %get3A_733 : vector<1x1x1x16xf32> to vector<16xf32>
        %mul3A_735 = arith.mulf %broadcast_in_dim3A_194, %get3A_734 : vector<16xf32>
        %add3A_736 = arith.addf %add3A_726, %mul3A_735 : vector<16xf32>
        %get3A_737 = arith.constant 2 : i32
        %get3A_738 = arith.constant 6 : i32
        %get3A_739 = arith.index_cast %get3A_737 : i32 to index
        %get3A_740 = arith.index_cast %get3A_738 : i32 to index
        %get3A_741 = arith.index_cast %add3A_591 : i32 to index
        %get3A_742 = arith.constant 16 : index
        %get3A_743 = tpu.vector_load %arg9[%get3A_739, %get3A_740, %get3A_741, %get3A_742] {strides = array<i32>} : memref<3x8x32x96xf32, #tpu.memory_space<vmem>>, vector<1x1x1x16xf32>,
        %get3A_744 = vector.shape_cast %get3A_743 : vector<1x1x1x16xf32> to vector<16xf32>
        %mul3A_745 = arith.mulf %broadcast_in_dim3A_202, %get3A_744 : vector<16xf32>
        %add3A_746 = arith.addf %add3A_736, %mul3A_745 : vector<16xf32>
        %get3A_747 = arith.constant 2 : i32
        %get3A_748 = arith.constant 7 : i32
        %get3A_749 = arith.index_cast %get3A_747 : i32 to index
        %get3A_750 = arith.index_cast %get3A_748 : i32 to index
        %get3A_751 = arith.index_cast %add3A_591 : i32 to index
        %get3A_752 = arith.constant 16 : index
        %get3A_753 = tpu.vector_load %arg9[%get3A_749, %get3A_750, %get3A_751, %get3A_752] {strides = array<i32>} : memref<3x8x32x96xf32, #tpu.memory_space<vmem>>, vector<1x1x1x16xf32>,
        %get3A_754 = vector.shape_cast %get3A_753 : vector<1x1x1x16xf32> to vector<16xf32>
        %mul3A_755 = arith.mulf %broadcast_in_dim3A_210, %get3A_754 : vector<16xf32>
        %add3A_756 = arith.addf %add3A_746, %mul3A_755 : vector<16xf32>
        %swap3A_757 = arith.constant 2 : i32
        %swap3A_758 = arith.index_cast %swap3A_757 : i32 to index
        %swap3A_759 = arith.index_cast %add3A_591 : i32 to index
        %swap3A_760 = arith.constant 16 : index
        %swap3A_761 = tpu.vector_load %arg10[%swap3A_758, %swap3A_759, %swap3A_760] {strides = array<i32>} : memref<3x32x96xf32, #tpu.memory_space<vmem>>, vector<1x1x16xf32>,
        %swap3A_762 = vector.shape_cast %swap3A_761 : vector<1x1x16xf32> to vector<16xf32>
        %swap3A_763 = vector.shape_cast %add3A_756 : vector<16xf32> to vector<1x1x16xf32>
        tpu.vector_store %arg10[%swap3A_758, %swap3A_759, %swap3A_760], %swap3A_763 {strides = array<i32>} : memref<3x32x96xf32, #tpu.memory_space<vmem>>, vector<1x1x16xf32>,
        %get3A_764 = arith.constant 2 : i32
        %get3A_765 = arith.constant 0 : i32
        %get3A_766 = arith.index_cast %get3A_764 : i32 to index
        %get3A_767 = arith.index_cast %get3A_765 : i32 to index
        %get3A_768 = arith.index_cast %add3A_591 : i32 to index
        %get3A_769 = arith.constant 32 : index
        %get3A_770 = tpu.vector_load %arg9[%get3A_766, %get3A_767, %get3A_768, %get3A_769] {strides = array<i32>} : memref<3x8x32x96xf32, #tpu.memory_space<vmem>>, vector<1x1x1x16xf32>,
        %get3A_771 = vector.shape_cast %get3A_770 : vector<1x1x1x16xf32> to vector<16xf32>
        %mul3A_772 = arith.mulf %broadcast_in_dim3A, %get3A_771 : vector<16xf32>
        %get3A_773 = arith.constant 2 : i32
        %get3A_774 = arith.constant 1 : i32
        %get3A_775 = arith.index_cast %get3A_773 : i32 to index
        %get3A_776 = arith.index_cast %get3A_774 : i32 to index
        %get3A_777 = arith.index_cast %add3A_591 : i32 to index
        %get3A_778 = arith.constant 32 : index
        %get3A_779 = tpu.vector_load %arg9[%get3A_775, %get3A_776, %get3A_777, %get3A_778] {strides = array<i32>} : memref<3x8x32x96xf32, #tpu.memory_space<vmem>>, vector<1x1x1x16xf32>,
        %get3A_780 = vector.shape_cast %get3A_779 : vector<1x1x1x16xf32> to vector<16xf32>
        %mul3A_781 = arith.mulf %broadcast_in_dim3A_162, %get3A_780 : vector<16xf32>
        %add3A_782 = arith.addf %mul3A_772, %mul3A_781 : vector<16xf32>
        %get3A_783 = arith.constant 2 : i32
        %get3A_784 = arith.constant 2 : i32
        %get3A_785 = arith.index_cast %get3A_783 : i32 to index
        %get3A_786 = arith.index_cast %get3A_784 : i32 to index
        %get3A_787 = arith.index_cast %add3A_591 : i32 to index
        %get3A_788 = arith.constant 32 : index
        %get3A_789 = tpu.vector_load %arg9[%get3A_785, %get3A_786, %get3A_787, %get3A_788] {strides = array<i32>} : memref<3x8x32x96xf32, #tpu.memory_space<vmem>>, vector<1x1x1x16xf32>,
        %get3A_790 = vector.shape_cast %get3A_789 : vector<1x1x1x16xf32> to vector<16xf32>
        %mul3A_791 = arith.mulf %broadcast_in_dim3A_170, %get3A_790 : vector<16xf32>
        %add3A_792 = arith.addf %add3A_782, %mul3A_791 : vector<16xf32>
        %get3A_793 = arith.constant 2 : i32
        %get3A_794 = arith.constant 3 : i32
        %get3A_795 = arith.index_cast %get3A_793 : i32 to index
        %get3A_796 = arith.index_cast %get3A_794 : i32 to index
        %get3A_797 = arith.index_cast %add3A_591 : i32 to index
        %get3A_798 = arith.constant 32 : index
        %get3A_799 = tpu.vector_load %arg9[%get3A_795, %get3A_796, %get3A_797, %get3A_798] {strides = array<i32>} : memref<3x8x32x96xf32, #tpu.memory_space<vmem>>, vector<1x1x1x16xf32>,
        %get3A_800 = vector.shape_cast %get3A_799 : vector<1x1x1x16xf32> to vector<16xf32>
        %mul3A_801 = arith.mulf %broadcast_in_dim3A_178, %get3A_800 : vector<16xf32>
        %add3A_802 = arith.addf %add3A_792, %mul3A_801 : vector<16xf32>
        %get3A_803 = arith.constant 2 : i32
        %get3A_804 = arith.constant 4 : i32
        %get3A_805 = arith.index_cast %get3A_803 : i32 to index
        %get3A_806 = arith.index_cast %get3A_804 : i32 to index
        %get3A_807 = arith.index_cast %add3A_591 : i32 to index
        %get3A_808 = arith.constant 32 : index
        %get3A_809 = tpu.vector_load %arg9[%get3A_805, %get3A_806, %get3A_807, %get3A_808] {strides = array<i32>} : memref<3x8x32x96xf32, #tpu.memory_space<vmem>>, vector<1x1x1x16xf32>,
        %get3A_810 = vector.shape_cast %get3A_809 : vector<1x1x1x16xf32> to vector<16xf32>
        %mul3A_811 = arith.mulf %broadcast_in_dim3A_186, %get3A_810 : vector<16xf32>
        %add3A_812 = arith.addf %add3A_802, %mul3A_811 : vector<16xf32>
        %get3A_813 = arith.constant 2 : i32
        %get3A_814 = arith.constant 5 : i32
        %get3A_815 = arith.index_cast %get3A_813 : i32 to index
        %get3A_816 = arith.index_cast %get3A_814 : i32 to index
        %get3A_817 = arith.index_cast %add3A_591 : i32 to index
        %get3A_818 = arith.constant 32 : index
        %get3A_819 = tpu.vector_load %arg9[%get3A_815, %get3A_816, %get3A_817, %get3A_818] {strides = array<i32>} : memref<3x8x32x96xf32, #tpu.memory_space<vmem>>, vector<1x1x1x16xf32>,
        %get3A_820 = vector.shape_cast %get3A_819 : vector<1x1x1x16xf32> to vector<16xf32>
        %mul3A_821 = arith.mulf %broadcast_in_dim3A_194, %get3A_820 : vector<16xf32>
        %add3A_822 = arith.addf %add3A_812, %mul3A_821 : vector<16xf32>
        %get3A_823 = arith.constant 2 : i32
        %get3A_824 = arith.constant 6 : i32
        %get3A_825 = arith.index_cast %get3A_823 : i32 to index
        %get3A_826 = arith.index_cast %get3A_824 : i32 to index
        %get3A_827 = arith.index_cast %add3A_591 : i32 to index
        %get3A_828 = arith.constant 32 : index
        %get3A_829 = tpu.vector_load %arg9[%get3A_825, %get3A_826, %get3A_827, %get3A_828] {strides = array<i32>} : memref<3x8x32x96xf32, #tpu.memory_space<vmem>>, vector<1x1x1x16xf32>,
        %get3A_830 = vector.shape_cast %get3A_829 : vector<1x1x1x16xf32> to vector<16xf32>
        %mul3A_831 = arith.mulf %broadcast_in_dim3A_202, %get3A_830 : vector<16xf32>
        %add3A_832 = arith.addf %add3A_822, %mul3A_831 : vector<16xf32>
        %get3A_833 = arith.constant 2 : i32
        %get3A_834 = arith.constant 7 : i32
        %get3A_835 = arith.index_cast %get3A_833 : i32 to index
        %get3A_836 = arith.index_cast %get3A_834 : i32 to index
        %get3A_837 = arith.index_cast %add3A_591 : i32 to index
        %get3A_838 = arith.constant 32 : index
        %get3A_839 = tpu.vector_load %arg9[%get3A_835, %get3A_836, %get3A_837, %get3A_838] {strides = array<i32>} : memref<3x8x32x96xf32, #tpu.memory_space<vmem>>, vector<1x1x1x16xf32>,
        %get3A_840 = vector.shape_cast %get3A_839 : vector<1x1x1x16xf32> to vector<16xf32>
        %mul3A_841 = arith.mulf %broadcast_in_dim3A_210, %get3A_840 : vector<16xf32>
        %add3A_842 = arith.addf %add3A_832, %mul3A_841 : vector<16xf32>
        %swap3A_843 = arith.constant 2 : i32
        %swap3A_844 = arith.index_cast %swap3A_843 : i32 to index
        %swap3A_845 = arith.index_cast %add3A_591 : i32 to index
        %swap3A_846 = arith.constant 32 : index
        %swap3A_847 = tpu.vector_load %arg10[%swap3A_844, %swap3A_845, %swap3A_846] {strides = array<i32>} : memref<3x32x96xf32, #tpu.memory_space<vmem>>, vector<1x1x16xf32>,
        %swap3A_848 = vector.shape_cast %swap3A_847 : vector<1x1x16xf32> to vector<16xf32>
        %swap3A_849 = vector.shape_cast %add3A_842 : vector<16xf32> to vector<1x1x16xf32>
        tpu.vector_store %arg10[%swap3A_844, %swap3A_845, %swap3A_846], %swap3A_849 {strides = array<i32>} : memref<3x32x96xf32, #tpu.memory_space<vmem>>, vector<1x1x16xf32>,
        %get3A_850 = arith.constant 2 : i32
        %get3A_851 = arith.constant 0 : i32
        %get3A_852 = arith.index_cast %get3A_850 : i32 to index
        %get3A_853 = arith.index_cast %get3A_851 : i32 to index
        %get3A_854 = arith.index_cast %add3A_591 : i32 to index
        %get3A_855 = arith.constant 48 : index
        %get3A_856 = tpu.vector_load %arg9[%get3A_852, %get3A_853, %get3A_854, %get3A_855] {strides = array<i32>} : memref<3x8x32x96xf32, #tpu.memory_space<vmem>>, vector<1x1x1x16xf32>,
        %get3A_857 = vector.shape_cast %get3A_856 : vector<1x1x1x16xf32> to vector<16xf32>
        %mul3A_858 = arith.mulf %broadcast_in_dim3A, %get3A_857 : vector<16xf32>
        %get3A_859 = arith.constant 2 : i32
        %get3A_860 = arith.constant 1 : i32
        %get3A_861 = arith.index_cast %get3A_859 : i32 to index
        %get3A_862 = arith.index_cast %get3A_860 : i32 to index
        %get3A_863 = arith.index_cast %add3A_591 : i32 to index
        %get3A_864 = arith.constant 48 : index
        %get3A_865 = tpu.vector_load %arg9[%get3A_861, %get3A_862, %get3A_863, %get3A_864] {strides = array<i32>} : memref<3x8x32x96xf32, #tpu.memory_space<vmem>>, vector<1x1x1x16xf32>,
        %get3A_866 = vector.shape_cast %get3A_865 : vector<1x1x1x16xf32> to vector<16xf32>
        %mul3A_867 = arith.mulf %broadcast_in_dim3A_162, %get3A_866 : vector<16xf32>
        %add3A_868 = arith.addf %mul3A_858, %mul3A_867 : vector<16xf32>
        %get3A_869 = arith.constant 2 : i32
        %get3A_870 = arith.constant 2 : i32
        %get3A_871 = arith.index_cast %get3A_869 : i32 to index
        %get3A_872 = arith.index_cast %get3A_870 : i32 to index
        %get3A_873 = arith.index_cast %add3A_591 : i32 to index
        %get3A_874 = arith.constant 48 : index
        %get3A_875 = tpu.vector_load %arg9[%get3A_871, %get3A_872, %get3A_873, %get3A_874] {strides = array<i32>} : memref<3x8x32x96xf32, #tpu.memory_space<vmem>>, vector<1x1x1x16xf32>,
        %get3A_876 = vector.shape_cast %get3A_875 : vector<1x1x1x16xf32> to vector<16xf32>
        %mul3A_877 = arith.mulf %broadcast_in_dim3A_170, %get3A_876 : vector<16xf32>
        %add3A_878 = arith.addf %add3A_868, %mul3A_877 : vector<16xf32>
        %get3A_879 = arith.constant 2 : i32
        %get3A_880 = arith.constant 3 : i32
        %get3A_881 = arith.index_cast %get3A_879 : i32 to index
        %get3A_882 = arith.index_cast %get3A_880 : i32 to index
        %get3A_883 = arith.index_cast %add3A_591 : i32 to index
        %get3A_884 = arith.constant 48 : index
        %get3A_885 = tpu.vector_load %arg9[%get3A_881, %get3A_882, %get3A_883, %get3A_884] {strides = array<i32>} : memref<3x8x32x96xf32, #tpu.memory_space<vmem>>, vector<1x1x1x16xf32>,
        %get3A_886 = vector.shape_cast %get3A_885 : vector<1x1x1x16xf32> to vector<16xf32>
        %mul3A_887 = arith.mulf %broadcast_in_dim3A_178, %get3A_886 : vector<16xf32>
        %add3A_888 = arith.addf %add3A_878, %mul3A_887 : vector<16xf32>
        %get3A_889 = arith.constant 2 : i32
        %get3A_890 = arith.constant 4 : i32
        %get3A_891 = arith.index_cast %get3A_889 : i32 to index
        %get3A_892 = arith.index_cast %get3A_890 : i32 to index
        %get3A_893 = arith.index_cast %add3A_591 : i32 to index
        %get3A_894 = arith.constant 48 : index
        %get3A_895 = tpu.vector_load %arg9[%get3A_891, %get3A_892, %get3A_893, %get3A_894] {strides = array<i32>} : memref<3x8x32x96xf32, #tpu.memory_space<vmem>>, vector<1x1x1x16xf32>,
        %get3A_896 = vector.shape_cast %get3A_895 : vector<1x1x1x16xf32> to vector<16xf32>
        %mul3A_897 = arith.mulf %broadcast_in_dim3A_186, %get3A_896 : vector<16xf32>
        %add3A_898 = arith.addf %add3A_888, %mul3A_897 : vector<16xf32>
        %get3A_899 = arith.constant 2 : i32
        %get3A_900 = arith.constant 5 : i32
        %get3A_901 = arith.index_cast %get3A_899 : i32 to index
        %get3A_902 = arith.index_cast %get3A_900 : i32 to index
        %get3A_903 = arith.index_cast %add3A_591 : i32 to index
        %get3A_904 = arith.constant 48 : index
        %get3A_905 = tpu.vector_load %arg9[%get3A_901, %get3A_902, %get3A_903, %get3A_904] {strides = array<i32>} : memref<3x8x32x96xf32, #tpu.memory_space<vmem>>, vector<1x1x1x16xf32>,
        %get3A_906 = vector.shape_cast %get3A_905 : vector<1x1x1x16xf32> to vector<16xf32>
        %mul3A_907 = arith.mulf %broadcast_in_dim3A_194, %get3A_906 : vector<16xf32>
        %add3A_908 = arith.addf %add3A_898, %mul3A_907 : vector<16xf32>
        %get3A_909 = arith.constant 2 : i32
        %get3A_910 = arith.constant 6 : i32
        %get3A_911 = arith.index_cast %get3A_909 : i32 to index
        %get3A_912 = arith.index_cast %get3A_910 : i32 to index
        %get3A_913 = arith.index_cast %add3A_591 : i32 to index
        %get3A_914 = arith.constant 48 : index
        %get3A_915 = tpu.vector_load %arg9[%get3A_911, %get3A_912, %get3A_913, %get3A_914] {strides = array<i32>} : memref<3x8x32x96xf32, #tpu.memory_space<vmem>>, vector<1x1x1x16xf32>,
        %get3A_916 = vector.shape_cast %get3A_915 : vector<1x1x1x16xf32> to vector<16xf32>
        %mul3A_917 = arith.mulf %broadcast_in_dim3A_202, %get3A_916 : vector<16xf32>
        %add3A_918 = arith.addf %add3A_908, %mul3A_917 : vector<16xf32>
        %get3A_919 = arith.constant 2 : i32
        %get3A_920 = arith.constant 7 : i32
        %get3A_921 = arith.index_cast %get3A_919 : i32 to index
        %get3A_922 = arith.index_cast %get3A_920 : i32 to index
        %get3A_923 = arith.index_cast %add3A_591 : i32 to index
        %get3A_924 = arith.constant 48 : index
        %get3A_925 = tpu.vector_load %arg9[%get3A_921, %get3A_922, %get3A_923, %get3A_924] {strides = array<i32>} : memref<3x8x32x96xf32, #tpu.memory_space<vmem>>, vector<1x1x1x16xf32>,
        %get3A_926 = vector.shape_cast %get3A_925 : vector<1x1x1x16xf32> to vector<16xf32>
        %mul3A_927 = arith.mulf %broadcast_in_dim3A_210, %get3A_926 : vector<16xf32>
        %add3A_928 = arith.addf %add3A_918, %mul3A_927 : vector<16xf32>
        %swap3A_929 = arith.constant 2 : i32
        %swap3A_930 = arith.index_cast %swap3A_929 : i32 to index
        %swap3A_931 = arith.index_cast %add3A_591 : i32 to index
        %swap3A_932 = arith.constant 48 : index
        %swap3A_933 = tpu.vector_load %arg10[%swap3A_930, %swap3A_931, %swap3A_932] {strides = array<i32>} : memref<3x32x96xf32, #tpu.memory_space<vmem>>, vector<1x1x16xf32>,
        %swap3A_934 = vector.shape_cast %swap3A_933 : vector<1x1x16xf32> to vector<16xf32>
        %swap3A_935 = vector.shape_cast %add3A_928 : vector<16xf32> to vector<1x1x16xf32>
        tpu.vector_store %arg10[%swap3A_930, %swap3A_931, %swap3A_932], %swap3A_935 {strides = array<i32>} : memref<3x32x96xf32, #tpu.memory_space<vmem>>, vector<1x1x16xf32>,
        %get3A_936 = arith.constant 2 : i32
        %get3A_937 = arith.constant 0 : i32
        %get3A_938 = arith.index_cast %get3A_936 : i32 to index
        %get3A_939 = arith.index_cast %get3A_937 : i32 to index
        %get3A_940 = arith.index_cast %add3A_591 : i32 to index
        %get3A_941 = arith.constant 64 : index
        %get3A_942 = tpu.vector_load %arg9[%get3A_938, %get3A_939, %get3A_940, %get3A_941] {strides = array<i32>} : memref<3x8x32x96xf32, #tpu.memory_space<vmem>>, vector<1x1x1x16xf32>,
        %get3A_943 = vector.shape_cast %get3A_942 : vector<1x1x1x16xf32> to vector<16xf32>
        %mul3A_944 = arith.mulf %broadcast_in_dim3A, %get3A_943 : vector<16xf32>
        %get3A_945 = arith.constant 2 : i32
        %get3A_946 = arith.constant 1 : i32
        %get3A_947 = arith.index_cast %get3A_945 : i32 to index
        %get3A_948 = arith.index_cast %get3A_946 : i32 to index
        %get3A_949 = arith.index_cast %add3A_591 : i32 to index
        %get3A_950 = arith.constant 64 : index
        %get3A_951 = tpu.vector_load %arg9[%get3A_947, %get3A_948, %get3A_949, %get3A_950] {strides = array<i32>} : memref<3x8x32x96xf32, #tpu.memory_space<vmem>>, vector<1x1x1x16xf32>,
        %get3A_952 = vector.shape_cast %get3A_951 : vector<1x1x1x16xf32> to vector<16xf32>
        %mul3A_953 = arith.mulf %broadcast_in_dim3A_162, %get3A_952 : vector<16xf32>
        %add3A_954 = arith.addf %mul3A_944, %mul3A_953 : vector<16xf32>
        %get3A_955 = arith.constant 2 : i32
        %get3A_956 = arith.constant 2 : i32
        %get3A_957 = arith.index_cast %get3A_955 : i32 to index
        %get3A_958 = arith.index_cast %get3A_956 : i32 to index
        %get3A_959 = arith.index_cast %add3A_591 : i32 to index
        %get3A_960 = arith.constant 64 : index
        %get3A_961 = tpu.vector_load %arg9[%get3A_957, %get3A_958, %get3A_959, %get3A_960] {strides = array<i32>} : memref<3x8x32x96xf32, #tpu.memory_space<vmem>>, vector<1x1x1x16xf32>,
        %get3A_962 = vector.shape_cast %get3A_961 : vector<1x1x1x16xf32> to vector<16xf32>
        %mul3A_963 = arith.mulf %broadcast_in_dim3A_170, %get3A_962 : vector<16xf32>
        %add3A_964 = arith.addf %add3A_954, %mul3A_963 : vector<16xf32>
        %get3A_965 = arith.constant 2 : i32
        %get3A_966 = arith.constant 3 : i32
        %get3A_967 = arith.index_cast %get3A_965 : i32 to index
        %get3A_968 = arith.index_cast %get3A_966 : i32 to index
        %get3A_969 = arith.index_cast %add3A_591 : i32 to index
        %get3A_970 = arith.constant 64 : index
        %get3A_971 = tpu.vector_load %arg9[%get3A_967, %get3A_968, %get3A_969, %get3A_970] {strides = array<i32>} : memref<3x8x32x96xf32, #tpu.memory_space<vmem>>, vector<1x1x1x16xf32>,
        %get3A_972 = vector.shape_cast %get3A_971 : vector<1x1x1x16xf32> to vector<16xf32>
        %mul3A_973 = arith.mulf %broadcast_in_dim3A_178, %get3A_972 : vector<16xf32>
        %add3A_974 = arith.addf %add3A_964, %mul3A_973 : vector<16xf32>
        %get3A_975 = arith.constant 2 : i32
        %get3A_976 = arith.constant 4 : i32
        %get3A_977 = arith.index_cast %get3A_975 : i32 to index
        %get3A_978 = arith.index_cast %get3A_976 : i32 to index
        %get3A_979 = arith.index_cast %add3A_591 : i32 to index
        %get3A_980 = arith.constant 64 : index
        %get3A_981 = tpu.vector_load %arg9[%get3A_977, %get3A_978, %get3A_979, %get3A_980] {strides = array<i32>} : memref<3x8x32x96xf32, #tpu.memory_space<vmem>>, vector<1x1x1x16xf32>,
        %get3A_982 = vector.shape_cast %get3A_981 : vector<1x1x1x16xf32> to vector<16xf32>
        %mul3A_983 = arith.mulf %broadcast_in_dim3A_186, %get3A_982 : vector<16xf32>
        %add3A_984 = arith.addf %add3A_974, %mul3A_983 : vector<16xf32>
        %get3A_985 = arith.constant 2 : i32
        %get3A_986 = arith.constant 5 : i32
        %get3A_987 = arith.index_cast %get3A_985 : i32 to index
        %get3A_988 = arith.index_cast %get3A_986 : i32 to index
        %get3A_989 = arith.index_cast %add3A_591 : i32 to index
        %get3A_990 = arith.constant 64 : index
        %get3A_991 = tpu.vector_load %arg9[%get3A_987, %get3A_988, %get3A_989, %get3A_990] {strides = array<i32>} : memref<3x8x32x96xf32, #tpu.memory_space<vmem>>, vector<1x1x1x16xf32>,
        %get3A_992 = vector.shape_cast %get3A_991 : vector<1x1x1x16xf32> to vector<16xf32>
        %mul3A_993 = arith.mulf %broadcast_in_dim3A_194, %get3A_992 : vector<16xf32>
        %add3A_994 = arith.addf %add3A_984, %mul3A_993 : vector<16xf32>
        %get3A_995 = arith.constant 2 : i32
        %get3A_996 = arith.constant 6 : i32
        %get3A_997 = arith.index_cast %get3A_995 : i32 to index
        %get3A_998 = arith.index_cast %get3A_996 : i32 to index
        %get3A_999 = arith.index_cast %add3A_591 : i32 to index
        %get3A_1000 = arith.constant 64 : index
        %get3A_1001 = tpu.vector_load %arg9[%get3A_997, %get3A_998, %get3A_999, %get3A_1000] {strides = array<i32>} : memref<3x8x32x96xf32, #tpu.memory_space<vmem>>, vector<1x1x1x16xf32>,
        %get3A_1002 = vector.shape_cast %get3A_1001 : vector<1x1x1x16xf32> to vector<16xf32>
        %mul3A_1003 = arith.mulf %broadcast_in_dim3A_202, %get3A_1002 : vector<16xf32>
        %add3A_1004 = arith.addf %add3A_994, %mul3A_1003 : vector<16xf32>
        %get3A_1005 = arith.constant 2 : i32
        %get3A_1006 = arith.constant 7 : i32
        %get3A_1007 = arith.index_cast %get3A_1005 : i32 to index
        %get3A_1008 = arith.index_cast %get3A_1006 : i32 to index
        %get3A_1009 = arith.index_cast %add3A_591 : i32 to index
        %get3A_1010 = arith.constant 64 : index
        %get3A_1011 = tpu.vector_load %arg9[%get3A_1007, %get3A_1008, %get3A_1009, %get3A_1010] {strides = array<i32>} : memref<3x8x32x96xf32, #tpu.memory_space<vmem>>, vector<1x1x1x16xf32>,
        %get3A_1012 = vector.shape_cast %get3A_1011 : vector<1x1x1x16xf32> to vector<16xf32>
        %mul3A_1013 = arith.mulf %broadcast_in_dim3A_210, %get3A_1012 : vector<16xf32>
        %add3A_1014 = arith.addf %add3A_1004, %mul3A_1013 : vector<16xf32>
        %swap3A_1015 = arith.constant 2 : i32
        %swap3A_1016 = arith.index_cast %swap3A_1015 : i32 to index
        %swap3A_1017 = arith.index_cast %add3A_591 : i32 to index
        %swap3A_1018 = arith.constant 64 : index
        %swap3A_1019 = tpu.vector_load %arg10[%swap3A_1016, %swap3A_1017, %swap3A_1018] {strides = array<i32>} : memref<3x32x96xf32, #tpu.memory_space<vmem>>, vector<1x1x16xf32>,
        %swap3A_1020 = vector.shape_cast %swap3A_1019 : vector<1x1x16xf32> to vector<16xf32>
        %swap3A_1021 = vector.shape_cast %add3A_1014 : vector<16xf32> to vector<1x1x16xf32>
        tpu.vector_store %arg10[%swap3A_1016, %swap3A_1017, %swap3A_1018], %swap3A_1021 {strides = array<i32>} : memref<3x32x96xf32, #tpu.memory_space<vmem>>, vector<1x1x16xf32>,
        %get3A_1022 = arith.constant 2 : i32
        %get3A_1023 = arith.constant 0 : i32
        %get3A_1024 = arith.index_cast %get3A_1022 : i32 to index
        %get3A_1025 = arith.index_cast %get3A_1023 : i32 to index
        %get3A_1026 = arith.index_cast %add3A_591 : i32 to index
        %get3A_1027 = arith.constant 80 : index
        %get3A_1028 = tpu.vector_load %arg9[%get3A_1024, %get3A_1025, %get3A_1026, %get3A_1027] {strides = array<i32>} : memref<3x8x32x96xf32, #tpu.memory_space<vmem>>, vector<1x1x1x16xf32>,
        %get3A_1029 = vector.shape_cast %get3A_1028 : vector<1x1x1x16xf32> to vector<16xf32>
        %mul3A_1030 = arith.mulf %broadcast_in_dim3A, %get3A_1029 : vector<16xf32>
        %get3A_1031 = arith.constant 2 : i32
        %get3A_1032 = arith.constant 1 : i32
        %get3A_1033 = arith.index_cast %get3A_1031 : i32 to index
        %get3A_1034 = arith.index_cast %get3A_1032 : i32 to index
        %get3A_1035 = arith.index_cast %add3A_591 : i32 to index
        %get3A_1036 = arith.constant 80 : index
        %get3A_1037 = tpu.vector_load %arg9[%get3A_1033, %get3A_1034, %get3A_1035, %get3A_1036] {strides = array<i32>} : memref<3x8x32x96xf32, #tpu.memory_space<vmem>>, vector<1x1x1x16xf32>,
        %get3A_1038 = vector.shape_cast %get3A_1037 : vector<1x1x1x16xf32> to vector<16xf32>
        %mul3A_1039 = arith.mulf %broadcast_in_dim3A_162, %get3A_1038 : vector<16xf32>
        %add3A_1040 = arith.addf %mul3A_1030, %mul3A_1039 : vector<16xf32>
        %get3A_1041 = arith.constant 2 : i32
        %get3A_1042 = arith.constant 2 : i32
        %get3A_1043 = arith.index_cast %get3A_1041 : i32 to index
        %get3A_1044 = arith.index_cast %get3A_1042 : i32 to index
        %get3A_1045 = arith.index_cast %add3A_591 : i32 to index
        %get3A_1046 = arith.constant 80 : index
        %get3A_1047 = tpu.vector_load %arg9[%get3A_1043, %get3A_1044, %get3A_1045, %get3A_1046] {strides = array<i32>} : memref<3x8x32x96xf32, #tpu.memory_space<vmem>>, vector<1x1x1x16xf32>,
        %get3A_1048 = vector.shape_cast %get3A_1047 : vector<1x1x1x16xf32> to vector<16xf32>
        %mul3A_1049 = arith.mulf %broadcast_in_dim3A_170, %get3A_1048 : vector<16xf32>
        %add3A_1050 = arith.addf %add3A_1040, %mul3A_1049 : vector<16xf32>
        %get3A_1051 = arith.constant 2 : i32
        %get3A_1052 = arith.constant 3 : i32
        %get3A_1053 = arith.index_cast %get3A_1051 : i32 to index
        %get3A_1054 = arith.index_cast %get3A_1052 : i32 to index
        %get3A_1055 = arith.index_cast %add3A_591 : i32 to index
        %get3A_1056 = arith.constant 80 : index
        %get3A_1057 = tpu.vector_load %arg9[%get3A_1053, %get3A_1054, %get3A_1055, %get3A_1056] {strides = array<i32>} : memref<3x8x32x96xf32, #tpu.memory_space<vmem>>, vector<1x1x1x16xf32>,
        %get3A_1058 = vector.shape_cast %get3A_1057 : vector<1x1x1x16xf32> to vector<16xf32>
        %mul3A_1059 = arith.mulf %broadcast_in_dim3A_178, %get3A_1058 : vector<16xf32>
        %add3A_1060 = arith.addf %add3A_1050, %mul3A_1059 : vector<16xf32>
        %get3A_1061 = arith.constant 2 : i32
        %get3A_1062 = arith.constant 4 : i32
        %get3A_1063 = arith.index_cast %get3A_1061 : i32 to index
        %get3A_1064 = arith.index_cast %get3A_1062 : i32 to index
        %get3A_1065 = arith.index_cast %add3A_591 : i32 to index
        %get3A_1066 = arith.constant 80 : index
        %get3A_1067 = tpu.vector_load %arg9[%get3A_1063, %get3A_1064, %get3A_1065, %get3A_1066] {strides = array<i32>} : memref<3x8x32x96xf32, #tpu.memory_space<vmem>>, vector<1x1x1x16xf32>,
        %get3A_1068 = vector.shape_cast %get3A_1067 : vector<1x1x1x16xf32> to vector<16xf32>
        %mul3A_1069 = arith.mulf %broadcast_in_dim3A_186, %get3A_1068 : vector<16xf32>
        %add3A_1070 = arith.addf %add3A_1060, %mul3A_1069 : vector<16xf32>
        %get3A_1071 = arith.constant 2 : i32
        %get3A_1072 = arith.constant 5 : i32
        %get3A_1073 = arith.index_cast %get3A_1071 : i32 to index
        %get3A_1074 = arith.index_cast %get3A_1072 : i32 to index
        %get3A_1075 = arith.index_cast %add3A_591 : i32 to index
        %get3A_1076 = arith.constant 80 : index
        %get3A_1077 = tpu.vector_load %arg9[%get3A_1073, %get3A_1074, %get3A_1075, %get3A_1076] {strides = array<i32>} : memref<3x8x32x96xf32, #tpu.memory_space<vmem>>, vector<1x1x1x16xf32>,
        %get3A_1078 = vector.shape_cast %get3A_1077 : vector<1x1x1x16xf32> to vector<16xf32>
        %mul3A_1079 = arith.mulf %broadcast_in_dim3A_194, %get3A_1078 : vector<16xf32>
        %add3A_1080 = arith.addf %add3A_1070, %mul3A_1079 : vector<16xf32>
        %get3A_1081 = arith.constant 2 : i32
        %get3A_1082 = arith.constant 6 : i32
        %get3A_1083 = arith.index_cast %get3A_1081 : i32 to index
        %get3A_1084 = arith.index_cast %get3A_1082 : i32 to index
        %get3A_1085 = arith.index_cast %add3A_591 : i32 to index
        %get3A_1086 = arith.constant 80 : index
        %get3A_1087 = tpu.vector_load %arg9[%get3A_1083, %get3A_1084, %get3A_1085, %get3A_1086] {strides = array<i32>} : memref<3x8x32x96xf32, #tpu.memory_space<vmem>>, vector<1x1x1x16xf32>,
        %get3A_1088 = vector.shape_cast %get3A_1087 : vector<1x1x1x16xf32> to vector<16xf32>
        %mul3A_1089 = arith.mulf %broadcast_in_dim3A_202, %get3A_1088 : vector<16xf32>
        %add3A_1090 = arith.addf %add3A_1080, %mul3A_1089 : vector<16xf32>
        %get3A_1091 = arith.constant 2 : i32
        %get3A_1092 = arith.constant 7 : i32
        %get3A_1093 = arith.index_cast %get3A_1091 : i32 to index
        %get3A_1094 = arith.index_cast %get3A_1092 : i32 to index
        %get3A_1095 = arith.index_cast %add3A_591 : i32 to index
        %get3A_1096 = arith.constant 80 : index
        %get3A_1097 = tpu.vector_load %arg9[%get3A_1093, %get3A_1094, %get3A_1095, %get3A_1096] {strides = array<i32>} : memref<3x8x32x96xf32, #tpu.memory_space<vmem>>, vector<1x1x1x16xf32>,
        %get3A_1098 = vector.shape_cast %get3A_1097 : vector<1x1x1x16xf32> to vector<16xf32>
        %mul3A_1099 = arith.mulf %broadcast_in_dim3A_210, %get3A_1098 : vector<16xf32>
        %add3A_1100 = arith.addf %add3A_1090, %mul3A_1099 : vector<16xf32>
        %swap3A_1101 = arith.constant 2 : i32
        %swap3A_1102 = arith.index_cast %swap3A_1101 : i32 to index
        %swap3A_1103 = arith.index_cast %add3A_591 : i32 to index
        %swap3A_1104 = arith.constant 80 : index
        %swap3A_1105 = tpu.vector_load %arg10[%swap3A_1102, %swap3A_1103, %swap3A_1104] {strides = array<i32>} : memref<3x32x96xf32, #tpu.memory_space<vmem>>, vector<1x1x16xf32>,
        %swap3A_1106 = vector.shape_cast %swap3A_1105 : vector<1x1x16xf32> to vector<16xf32>
        %swap3A_1107 = vector.shape_cast %add3A_1100 : vector<16xf32> to vector<1x1x16xf32>
        tpu.vector_store %arg10[%swap3A_1102, %swap3A_1103, %swap3A_1104], %swap3A_1107 {strides = array<i32>} : memref<3x32x96xf32, #tpu.memory_space<vmem>>, vector<1x1x16xf32>,
        %mul3A_1108 = arith.constant 2 : i32
        %mul3A_1109 = arith.muli %scan3A_587, %mul3A_1108 : i32
        %add3A_1110 = arith.constant 1 : i32
        %add3A_1111 = arith.addi %mul3A_1109, %add3A_1110 : i32
        %get3A_1112 = arith.constant 2 : i32
        %get3A_1113 = arith.constant 0 : i32
        %get3A_1114 = arith.index_cast %get3A_1112 : i32 to index
        %get3A_1115 = arith.index_cast %get3A_1113 : i32 to index
        %get3A_1116 = arith.index_cast %add3A_1111 : i32 to index
        %get3A_1117 = arith.constant 0 : index
        %get3A_1118 = tpu.vector_load %arg9[%get3A_1114, %get3A_1115, %get3A_1116, %get3A_1117] {strides = array<i32>} : memref<3x8x32x96xf32, #tpu.memory_space<vmem>>, vector<1x1x1x16xf32>,
        %get3A_1119 = vector.shape_cast %get3A_1118 : vector<1x1x1x16xf32> to vector<16xf32>
        %mul3A_1120 = arith.mulf %broadcast_in_dim3A, %get3A_1119 : vector<16xf32>
        %get3A_1121 = arith.constant 2 : i32
        %get3A_1122 = arith.constant 1 : i32
        %get3A_1123 = arith.index_cast %get3A_1121 : i32 to index
        %get3A_1124 = arith.index_cast %get3A_1122 : i32 to index
        %get3A_1125 = arith.index_cast %add3A_1111 : i32 to index
        %get3A_1126 = arith.constant 0 : index
        %get3A_1127 = tpu.vector_load %arg9[%get3A_1123, %get3A_1124, %get3A_1125, %get3A_1126] {strides = array<i32>} : memref<3x8x32x96xf32, #tpu.memory_space<vmem>>, vector<1x1x1x16xf32>,
        %get3A_1128 = vector.shape_cast %get3A_1127 : vector<1x1x1x16xf32> to vector<16xf32>
        %mul3A_1129 = arith.mulf %broadcast_in_dim3A_162, %get3A_1128 : vector<16xf32>
        %add3A_1130 = arith.addf %mul3A_1120, %mul3A_1129 : vector<16xf32>
        %get3A_1131 = arith.constant 2 : i32
        %get3A_1132 = arith.constant 2 : i32
        %get3A_1133 = arith.index_cast %get3A_1131 : i32 to index
        %get3A_1134 = arith.index_cast %get3A_1132 : i32 to index
        %get3A_1135 = arith.index_cast %add3A_1111 : i32 to index
        %get3A_1136 = arith.constant 0 : index
        %get3A_1137 = tpu.vector_load %arg9[%get3A_1133, %get3A_1134, %get3A_1135, %get3A_1136] {strides = array<i32>} : memref<3x8x32x96xf32, #tpu.memory_space<vmem>>, vector<1x1x1x16xf32>,
        %get3A_1138 = vector.shape_cast %get3A_1137 : vector<1x1x1x16xf32> to vector<16xf32>
        %mul3A_1139 = arith.mulf %broadcast_in_dim3A_170, %get3A_1138 : vector<16xf32>
        %add3A_1140 = arith.addf %add3A_1130, %mul3A_1139 : vector<16xf32>
        %get3A_1141 = arith.constant 2 : i32
        %get3A_1142 = arith.constant 3 : i32
        %get3A_1143 = arith.index_cast %get3A_1141 : i32 to index
        %get3A_1144 = arith.index_cast %get3A_1142 : i32 to index
        %get3A_1145 = arith.index_cast %add3A_1111 : i32 to index
        %get3A_1146 = arith.constant 0 : index
        %get3A_1147 = tpu.vector_load %arg9[%get3A_1143, %get3A_1144, %get3A_1145, %get3A_1146] {strides = array<i32>} : memref<3x8x32x96xf32, #tpu.memory_space<vmem>>, vector<1x1x1x16xf32>,
        %get3A_1148 = vector.shape_cast %get3A_1147 : vector<1x1x1x16xf32> to vector<16xf32>
        %mul3A_1149 = arith.mulf %broadcast_in_dim3A_178, %get3A_1148 : vector<16xf32>
        %add3A_1150 = arith.addf %add3A_1140, %mul3A_1149 : vector<16xf32>
        %get3A_1151 = arith.constant 2 : i32
        %get3A_1152 = arith.constant 4 : i32
        %get3A_1153 = arith.index_cast %get3A_1151 : i32 to index
        %get3A_1154 = arith.index_cast %get3A_1152 : i32 to index
        %get3A_1155 = arith.index_cast %add3A_1111 : i32 to index
        %get3A_1156 = arith.constant 0 : index
        %get3A_1157 = tpu.vector_load %arg9[%get3A_1153, %get3A_1154, %get3A_1155, %get3A_1156] {strides = array<i32>} : memref<3x8x32x96xf32, #tpu.memory_space<vmem>>, vector<1x1x1x16xf32>,
        %get3A_1158 = vector.shape_cast %get3A_1157 : vector<1x1x1x16xf32> to vector<16xf32>
        %mul3A_1159 = arith.mulf %broadcast_in_dim3A_186, %get3A_1158 : vector<16xf32>
        %add3A_1160 = arith.addf %add3A_1150, %mul3A_1159 : vector<16xf32>
        %get3A_1161 = arith.constant 2 : i32
        %get3A_1162 = arith.constant 5 : i32
        %get3A_1163 = arith.index_cast %get3A_1161 : i32 to index
        %get3A_1164 = arith.index_cast %get3A_1162 : i32 to index
        %get3A_1165 = arith.index_cast %add3A_1111 : i32 to index
        %get3A_1166 = arith.constant 0 : index
        %get3A_1167 = tpu.vector_load %arg9[%get3A_1163, %get3A_1164, %get3A_1165, %get3A_1166] {strides = array<i32>} : memref<3x8x32x96xf32, #tpu.memory_space<vmem>>, vector<1x1x1x16xf32>,
        %get3A_1168 = vector.shape_cast %get3A_1167 : vector<1x1x1x16xf32> to vector<16xf32>
        %mul3A_1169 = arith.mulf %broadcast_in_dim3A_194, %get3A_1168 : vector<16xf32>
        %add3A_1170 = arith.addf %add3A_1160, %mul3A_1169 : vector<16xf32>
        %get3A_1171 = arith.constant 2 : i32
        %get3A_1172 = arith.constant 6 : i32
        %get3A_1173 = arith.index_cast %get3A_1171 : i32 to index
        %get3A_1174 = arith.index_cast %get3A_1172 : i32 to index
        %get3A_1175 = arith.index_cast %add3A_1111 : i32 to index
        %get3A_1176 = arith.constant 0 : index
        %get3A_1177 = tpu.vector_load %arg9[%get3A_1173, %get3A_1174, %get3A_1175, %get3A_1176] {strides = array<i32>} : memref<3x8x32x96xf32, #tpu.memory_space<vmem>>, vector<1x1x1x16xf32>,
        %get3A_1178 = vector.shape_cast %get3A_1177 : vector<1x1x1x16xf32> to vector<16xf32>
        %mul3A_1179 = arith.mulf %broadcast_in_dim3A_202, %get3A_1178 : vector<16xf32>
        %add3A_1180 = arith.addf %add3A_1170, %mul3A_1179 : vector<16xf32>
        %get3A_1181 = arith.constant 2 : i32
        %get3A_1182 = arith.constant 7 : i32
        %get3A_1183 = arith.index_cast %get3A_1181 : i32 to index
        %get3A_1184 = arith.index_cast %get3A_1182 : i32 to index
        %get3A_1185 = arith.index_cast %add3A_1111 : i32 to index
        %get3A_1186 = arith.constant 0 : index
        %get3A_1187 = tpu.vector_load %arg9[%get3A_1183, %get3A_1184, %get3A_1185, %get3A_1186] {strides = array<i32>} : memref<3x8x32x96xf32, #tpu.memory_space<vmem>>, vector<1x1x1x16xf32>,
        %get3A_1188 = vector.shape_cast %get3A_1187 : vector<1x1x1x16xf32> to vector<16xf32>
        %mul3A_1189 = arith.mulf %broadcast_in_dim3A_210, %get3A_1188 : vector<16xf32>
        %add3A_1190 = arith.addf %add3A_1180, %mul3A_1189 : vector<16xf32>
        %swap3A_1191 = arith.constant 2 : i32
        %swap3A_1192 = arith.index_cast %swap3A_1191 : i32 to index
        %swap3A_1193 = arith.index_cast %add3A_1111 : i32 to index
        %swap3A_1194 = arith.constant 0 : index
        %swap3A_1195 = tpu.vector_load %arg10[%swap3A_1192, %swap3A_1193, %swap3A_1194] {strides = array<i32>} : memref<3x32x96xf32, #tpu.memory_space<vmem>>, vector<1x1x16xf32>,
        %swap3A_1196 = vector.shape_cast %swap3A_1195 : vector<1x1x16xf32> to vector<16xf32>
        %swap3A_1197 = vector.shape_cast %add3A_1190 : vector<16xf32> to vector<1x1x16xf32>
        tpu.vector_store %arg10[%swap3A_1192, %swap3A_1193, %swap3A_1194], %swap3A_1197 {strides = array<i32>} : memref<3x32x96xf32, #tpu.memory_space<vmem>>, vector<1x1x16xf32>,
        %get3A_1198 = arith.constant 2 : i32
        %get3A_1199 = arith.constant 0 : i32
        %get3A_1200 = arith.index_cast %get3A_1198 : i32 to index
        %get3A_1201 = arith.index_cast %get3A_1199 : i32 to index
        %get3A_1202 = arith.index_cast %add3A_1111 : i32 to index
        %get3A_1203 = arith.constant 16 : index
        %get3A_1204 = tpu.vector_load %arg9[%get3A_1200, %get3A_1201, %get3A_1202, %get3A_1203] {strides = array<i32>} : memref<3x8x32x96xf32, #tpu.memory_space<vmem>>, vector<1x1x1x16xf32>,
        %get3A_1205 = vector.shape_cast %get3A_1204 : vector<1x1x1x16xf32> to vector<16xf32>
        %mul3A_1206 = arith.mulf %broadcast_in_dim3A, %get3A_1205 : vector<16xf32>
        %get3A_1207 = arith.constant 2 : i32
        %get3A_1208 = arith.constant 1 : i32
        %get3A_1209 = arith.index_cast %get3A_1207 : i32 to index
        %get3A_1210 = arith.index_cast %get3A_1208 : i32 to index
        %get3A_1211 = arith.index_cast %add3A_1111 : i32 to index
        %get3A_1212 = arith.constant 16 : index
        %get3A_1213 = tpu.vector_load %arg9[%get3A_1209, %get3A_1210, %get3A_1211, %get3A_1212] {strides = array<i32>} : memref<3x8x32x96xf32, #tpu.memory_space<vmem>>, vector<1x1x1x16xf32>,
        %get3A_1214 = vector.shape_cast %get3A_1213 : vector<1x1x1x16xf32> to vector<16xf32>
        %mul3A_1215 = arith.mulf %broadcast_in_dim3A_162, %get3A_1214 : vector<16xf32>
        %add3A_1216 = arith.addf %mul3A_1206, %mul3A_1215 : vector<16xf32>
        %get3A_1217 = arith.constant 2 : i32
        %get3A_1218 = arith.constant 2 : i32
        %get3A_1219 = arith.index_cast %get3A_1217 : i32 to index
        %get3A_1220 = arith.index_cast %get3A_1218 : i32 to index
        %get3A_1221 = arith.index_cast %add3A_1111 : i32 to index
        %get3A_1222 = arith.constant 16 : index
        %get3A_1223 = tpu.vector_load %arg9[%get3A_1219, %get3A_1220, %get3A_1221, %get3A_1222] {strides = array<i32>} : memref<3x8x32x96xf32, #tpu.memory_space<vmem>>, vector<1x1x1x16xf32>,
        %get3A_1224 = vector.shape_cast %get3A_1223 : vector<1x1x1x16xf32> to vector<16xf32>
        %mul3A_1225 = arith.mulf %broadcast_in_dim3A_170, %get3A_1224 : vector<16xf32>
        %add3A_1226 = arith.addf %add3A_1216, %mul3A_1225 : vector<16xf32>
        %get3A_1227 = arith.constant 2 : i32
        %get3A_1228 = arith.constant 3 : i32
        %get3A_1229 = arith.index_cast %get3A_1227 : i32 to index
        %get3A_1230 = arith.index_cast %get3A_1228 : i32 to index
        %get3A_1231 = arith.index_cast %add3A_1111 : i32 to index
        %get3A_1232 = arith.constant 16 : index
        %get3A_1233 = tpu.vector_load %arg9[%get3A_1229, %get3A_1230, %get3A_1231, %get3A_1232] {strides = array<i32>} : memref<3x8x32x96xf32, #tpu.memory_space<vmem>>, vector<1x1x1x16xf32>,
        %get3A_1234 = vector.shape_cast %get3A_1233 : vector<1x1x1x16xf32> to vector<16xf32>
        %mul3A_1235 = arith.mulf %broadcast_in_dim3A_178, %get3A_1234 : vector<16xf32>
        %add3A_1236 = arith.addf %add3A_1226, %mul3A_1235 : vector<16xf32>
        %get3A_1237 = arith.constant 2 : i32
        %get3A_1238 = arith.constant 4 : i32
        %get3A_1239 = arith.index_cast %get3A_1237 : i32 to index
        %get3A_1240 = arith.index_cast %get3A_1238 : i32 to index
        %get3A_1241 = arith.index_cast %add3A_1111 : i32 to index
        %get3A_1242 = arith.constant 16 : index
        %get3A_1243 = tpu.vector_load %arg9[%get3A_1239, %get3A_1240, %get3A_1241, %get3A_1242] {strides = array<i32>} : memref<3x8x32x96xf32, #tpu.memory_space<vmem>>, vector<1x1x1x16xf32>,
        %get3A_1244 = vector.shape_cast %get3A_1243 : vector<1x1x1x16xf32> to vector<16xf32>
        %mul3A_1245 = arith.mulf %broadcast_in_dim3A_186, %get3A_1244 : vector<16xf32>
        %add3A_1246 = arith.addf %add3A_1236, %mul3A_1245 : vector<16xf32>
        %get3A_1247 = arith.constant 2 : i32
        %get3A_1248 = arith.constant 5 : i32
        %get3A_1249 = arith.index_cast %get3A_1247 : i32 to index
        %get3A_1250 = arith.index_cast %get3A_1248 : i32 to index
        %get3A_1251 = arith.index_cast %add3A_1111 : i32 to index
        %get3A_1252 = arith.constant 16 : index
        %get3A_1253 = tpu.vector_load %arg9[%get3A_1249, %get3A_1250, %get3A_1251, %get3A_1252] {strides = array<i32>} : memref<3x8x32x96xf32, #tpu.memory_space<vmem>>, vector<1x1x1x16xf32>,
        %get3A_1254 = vector.shape_cast %get3A_1253 : vector<1x1x1x16xf32> to vector<16xf32>
        %mul3A_1255 = arith.mulf %broadcast_in_dim3A_194, %get3A_1254 : vector<16xf32>
        %add3A_1256 = arith.addf %add3A_1246, %mul3A_1255 : vector<16xf32>
        %get3A_1257 = arith.constant 2 : i32
        %get3A_1258 = arith.constant 6 : i32
        %get3A_1259 = arith.index_cast %get3A_1257 : i32 to index
        %get3A_1260 = arith.index_cast %get3A_1258 : i32 to index
        %get3A_1261 = arith.index_cast %add3A_1111 : i32 to index
        %get3A_1262 = arith.constant 16 : index
        %get3A_1263 = tpu.vector_load %arg9[%get3A_1259, %get3A_1260, %get3A_1261, %get3A_1262] {strides = array<i32>} : memref<3x8x32x96xf32, #tpu.memory_space<vmem>>, vector<1x1x1x16xf32>,
        %get3A_1264 = vector.shape_cast %get3A_1263 : vector<1x1x1x16xf32> to vector<16xf32>
        %mul3A_1265 = arith.mulf %broadcast_in_dim3A_202, %get3A_1264 : vector<16xf32>
        %add3A_1266 = arith.addf %add3A_1256, %mul3A_1265 : vector<16xf32>
        %get3A_1267 = arith.constant 2 : i32
        %get3A_1268 = arith.constant 7 : i32
        %get3A_1269 = arith.index_cast %get3A_1267 : i32 to index
        %get3A_1270 = arith.index_cast %get3A_1268 : i32 to index
        %get3A_1271 = arith.index_cast %add3A_1111 : i32 to index
        %get3A_1272 = arith.constant 16 : index
        %get3A_1273 = tpu.vector_load %arg9[%get3A_1269, %get3A_1270, %get3A_1271, %get3A_1272] {strides = array<i32>} : memref<3x8x32x96xf32, #tpu.memory_space<vmem>>, vector<1x1x1x16xf32>,
        %get3A_1274 = vector.shape_cast %get3A_1273 : vector<1x1x1x16xf32> to vector<16xf32>
        %mul3A_1275 = arith.mulf %broadcast_in_dim3A_210, %get3A_1274 : vector<16xf32>
        %add3A_1276 = arith.addf %add3A_1266, %mul3A_1275 : vector<16xf32>
        %swap3A_1277 = arith.constant 2 : i32
        %swap3A_1278 = arith.index_cast %swap3A_1277 : i32 to index
        %swap3A_1279 = arith.index_cast %add3A_1111 : i32 to index
        %swap3A_1280 = arith.constant 16 : index
        %swap3A_1281 = tpu.vector_load %arg10[%swap3A_1278, %swap3A_1279, %swap3A_1280] {strides = array<i32>} : memref<3x32x96xf32, #tpu.memory_space<vmem>>, vector<1x1x16xf32>,
        %swap3A_1282 = vector.shape_cast %swap3A_1281 : vector<1x1x16xf32> to vector<16xf32>
        %swap3A_1283 = vector.shape_cast %add3A_1276 : vector<16xf32> to vector<1x1x16xf32>
        tpu.vector_store %arg10[%swap3A_1278, %swap3A_1279, %swap3A_1280], %swap3A_1283 {strides = array<i32>} : memref<3x32x96xf32, #tpu.memory_space<vmem>>, vector<1x1x16xf32>,
        %get3A_1284 = arith.constant 2 : i32
        %get3A_1285 = arith.constant 0 : i32
        %get3A_1286 = arith.index_cast %get3A_1284 : i32 to index
        %get3A_1287 = arith.index_cast %get3A_1285 : i32 to index
        %get3A_1288 = arith.index_cast %add3A_1111 : i32 to index
        %get3A_1289 = arith.constant 32 : index
        %get3A_1290 = tpu.vector_load %arg9[%get3A_1286, %get3A_1287, %get3A_1288, %get3A_1289] {strides = array<i32>} : memref<3x8x32x96xf32, #tpu.memory_space<vmem>>, vector<1x1x1x16xf32>,
        %get3A_1291 = vector.shape_cast %get3A_1290 : vector<1x1x1x16xf32> to vector<16xf32>
        %mul3A_1292 = arith.mulf %broadcast_in_dim3A, %get3A_1291 : vector<16xf32>
        %get3A_1293 = arith.constant 2 : i32
        %get3A_1294 = arith.constant 1 : i32
        %get3A_1295 = arith.index_cast %get3A_1293 : i32 to index
        %get3A_1296 = arith.index_cast %get3A_1294 : i32 to index
        %get3A_1297 = arith.index_cast %add3A_1111 : i32 to index
        %get3A_1298 = arith.constant 32 : index
        %get3A_1299 = tpu.vector_load %arg9[%get3A_1295, %get3A_1296, %get3A_1297, %get3A_1298] {strides = array<i32>} : memref<3x8x32x96xf32, #tpu.memory_space<vmem>>, vector<1x1x1x16xf32>,
        %get3A_1300 = vector.shape_cast %get3A_1299 : vector<1x1x1x16xf32> to vector<16xf32>
        %mul3A_1301 = arith.mulf %broadcast_in_dim3A_162, %get3A_1300 : vector<16xf32>
        %add3A_1302 = arith.addf %mul3A_1292, %mul3A_1301 : vector<16xf32>
        %get3A_1303 = arith.constant 2 : i32
        %get3A_1304 = arith.constant 2 : i32
        %get3A_1305 = arith.index_cast %get3A_1303 : i32 to index
        %get3A_1306 = arith.index_cast %get3A_1304 : i32 to index
        %get3A_1307 = arith.index_cast %add3A_1111 : i32 to index
        %get3A_1308 = arith.constant 32 : index
        %get3A_1309 = tpu.vector_load %arg9[%get3A_1305, %get3A_1306, %get3A_1307, %get3A_1308] {strides = array<i32>} : memref<3x8x32x96xf32, #tpu.memory_space<vmem>>, vector<1x1x1x16xf32>,
        %get3A_1310 = vector.shape_cast %get3A_1309 : vector<1x1x1x16xf32> to vector<16xf32>
        %mul3A_1311 = arith.mulf %broadcast_in_dim3A_170, %get3A_1310 : vector<16xf32>
        %add3A_1312 = arith.addf %add3A_1302, %mul3A_1311 : vector<16xf32>
        %get3A_1313 = arith.constant 2 : i32
        %get3A_1314 = arith.constant 3 : i32
        %get3A_1315 = arith.index_cast %get3A_1313 : i32 to index
        %get3A_1316 = arith.index_cast %get3A_1314 : i32 to index
        %get3A_1317 = arith.index_cast %add3A_1111 : i32 to index
        %get3A_1318 = arith.constant 32 : index
        %get3A_1319 = tpu.vector_load %arg9[%get3A_1315, %get3A_1316, %get3A_1317, %get3A_1318] {strides = array<i32>} : memref<3x8x32x96xf32, #tpu.memory_space<vmem>>, vector<1x1x1x16xf32>,
        %get3A_1320 = vector.shape_cast %get3A_1319 : vector<1x1x1x16xf32> to vector<16xf32>
        %mul3A_1321 = arith.mulf %broadcast_in_dim3A_178, %get3A_1320 : vector<16xf32>
        %add3A_1322 = arith.addf %add3A_1312, %mul3A_1321 : vector<16xf32>
        %get3A_1323 = arith.constant 2 : i32
        %get3A_1324 = arith.constant 4 : i32
        %get3A_1325 = arith.index_cast %get3A_1323 : i32 to index
        %get3A_1326 = arith.index_cast %get3A_1324 : i32 to index
        %get3A_1327 = arith.index_cast %add3A_1111 : i32 to index
        %get3A_1328 = arith.constant 32 : index
        %get3A_1329 = tpu.vector_load %arg9[%get3A_1325, %get3A_1326, %get3A_1327, %get3A_1328] {strides = array<i32>} : memref<3x8x32x96xf32, #tpu.memory_space<vmem>>, vector<1x1x1x16xf32>,
        %get3A_1330 = vector.shape_cast %get3A_1329 : vector<1x1x1x16xf32> to vector<16xf32>
        %mul3A_1331 = arith.mulf %broadcast_in_dim3A_186, %get3A_1330 : vector<16xf32>
        %add3A_1332 = arith.addf %add3A_1322, %mul3A_1331 : vector<16xf32>
        %get3A_1333 = arith.constant 2 : i32
        %get3A_1334 = arith.constant 5 : i32
        %get3A_1335 = arith.index_cast %get3A_1333 : i32 to index
        %get3A_1336 = arith.index_cast %get3A_1334 : i32 to index
        %get3A_1337 = arith.index_cast %add3A_1111 : i32 to index
        %get3A_1338 = arith.constant 32 : index
        %get3A_1339 = tpu.vector_load %arg9[%get3A_1335, %get3A_1336, %get3A_1337, %get3A_1338] {strides = array<i32>} : memref<3x8x32x96xf32, #tpu.memory_space<vmem>>, vector<1x1x1x16xf32>,
        %get3A_1340 = vector.shape_cast %get3A_1339 : vector<1x1x1x16xf32> to vector<16xf32>
        %mul3A_1341 = arith.mulf %broadcast_in_dim3A_194, %get3A_1340 : vector<16xf32>
        %add3A_1342 = arith.addf %add3A_1332, %mul3A_1341 : vector<16xf32>
        %get3A_1343 = arith.constant 2 : i32
        %get3A_1344 = arith.constant 6 : i32
        %get3A_1345 = arith.index_cast %get3A_1343 : i32 to index
        %get3A_1346 = arith.index_cast %get3A_1344 : i32 to index
        %get3A_1347 = arith.index_cast %add3A_1111 : i32 to index
        %get3A_1348 = arith.constant 32 : index
        %get3A_1349 = tpu.vector_load %arg9[%get3A_1345, %get3A_1346, %get3A_1347, %get3A_1348] {strides = array<i32>} : memref<3x8x32x96xf32, #tpu.memory_space<vmem>>, vector<1x1x1x16xf32>,
        %get3A_1350 = vector.shape_cast %get3A_1349 : vector<1x1x1x16xf32> to vector<16xf32>
        %mul3A_1351 = arith.mulf %broadcast_in_dim3A_202, %get3A_1350 : vector<16xf32>
        %add3A_1352 = arith.addf %add3A_1342, %mul3A_1351 : vector<16xf32>
        %get3A_1353 = arith.constant 2 : i32
        %get3A_1354 = arith.constant 7 : i32
        %get3A_1355 = arith.index_cast %get3A_1353 : i32 to index
        %get3A_1356 = arith.index_cast %get3A_1354 : i32 to index
        %get3A_1357 = arith.index_cast %add3A_1111 : i32 to index
        %get3A_1358 = arith.constant 32 : index
        %get3A_1359 = tpu.vector_load %arg9[%get3A_1355, %get3A_1356, %get3A_1357, %get3A_1358] {strides = array<i32>} : memref<3x8x32x96xf32, #tpu.memory_space<vmem>>, vector<1x1x1x16xf32>,
        %get3A_1360 = vector.shape_cast %get3A_1359 : vector<1x1x1x16xf32> to vector<16xf32>
        %mul3A_1361 = arith.mulf %broadcast_in_dim3A_210, %get3A_1360 : vector<16xf32>
        %add3A_1362 = arith.addf %add3A_1352, %mul3A_1361 : vector<16xf32>
        %swap3A_1363 = arith.constant 2 : i32
        %swap3A_1364 = arith.index_cast %swap3A_1363 : i32 to index
        %swap3A_1365 = arith.index_cast %add3A_1111 : i32 to index
        %swap3A_1366 = arith.constant 32 : index
        %swap3A_1367 = tpu.vector_load %arg10[%swap3A_1364, %swap3A_1365, %swap3A_1366] {strides = array<i32>} : memref<3x32x96xf32, #tpu.memory_space<vmem>>, vector<1x1x16xf32>,
        %swap3A_1368 = vector.shape_cast %swap3A_1367 : vector<1x1x16xf32> to vector<16xf32>
        %swap3A_1369 = vector.shape_cast %add3A_1362 : vector<16xf32> to vector<1x1x16xf32>
        tpu.vector_store %arg10[%swap3A_1364, %swap3A_1365, %swap3A_1366], %swap3A_1369 {strides = array<i32>} : memref<3x32x96xf32, #tpu.memory_space<vmem>>, vector<1x1x16xf32>,
        %get3A_1370 = arith.constant 2 : i32
        %get3A_1371 = arith.constant 0 : i32
        %get3A_1372 = arith.index_cast %get3A_1370 : i32 to index
        %get3A_1373 = arith.index_cast %get3A_1371 : i32 to index
        %get3A_1374 = arith.index_cast %add3A_1111 : i32 to index
        %get3A_1375 = arith.constant 48 : index
        %get3A_1376 = tpu.vector_load %arg9[%get3A_1372, %get3A_1373, %get3A_1374, %get3A_1375] {strides = array<i32>} : memref<3x8x32x96xf32, #tpu.memory_space<vmem>>, vector<1x1x1x16xf32>,
        %get3A_1377 = vector.shape_cast %get3A_1376 : vector<1x1x1x16xf32> to vector<16xf32>
        %mul3A_1378 = arith.mulf %broadcast_in_dim3A, %get3A_1377 : vector<16xf32>
        %get3A_1379 = arith.constant 2 : i32
        %get3A_1380 = arith.constant 1 : i32
        %get3A_1381 = arith.index_cast %get3A_1379 : i32 to index
        %get3A_1382 = arith.index_cast %get3A_1380 : i32 to index
        %get3A_1383 = arith.index_cast %add3A_1111 : i32 to index
        %get3A_1384 = arith.constant 48 : index
        %get3A_1385 = tpu.vector_load %arg9[%get3A_1381, %get3A_1382, %get3A_1383, %get3A_1384] {strides = array<i32>} : memref<3x8x32x96xf32, #tpu.memory_space<vmem>>, vector<1x1x1x16xf32>,
        %get3A_1386 = vector.shape_cast %get3A_1385 : vector<1x1x1x16xf32> to vector<16xf32>
        %mul3A_1387 = arith.mulf %broadcast_in_dim3A_162, %get3A_1386 : vector<16xf32>
        %add3A_1388 = arith.addf %mul3A_1378, %mul3A_1387 : vector<16xf32>
        %get3A_1389 = arith.constant 2 : i32
        %get3A_1390 = arith.constant 2 : i32
        %get3A_1391 = arith.index_cast %get3A_1389 : i32 to index
        %get3A_1392 = arith.index_cast %get3A_1390 : i32 to index
        %get3A_1393 = arith.index_cast %add3A_1111 : i32 to index
        %get3A_1394 = arith.constant 48 : index
        %get3A_1395 = tpu.vector_load %arg9[%get3A_1391, %get3A_1392, %get3A_1393, %get3A_1394] {strides = array<i32>} : memref<3x8x32x96xf32, #tpu.memory_space<vmem>>, vector<1x1x1x16xf32>,
        %get3A_1396 = vector.shape_cast %get3A_1395 : vector<1x1x1x16xf32> to vector<16xf32>
        %mul3A_1397 = arith.mulf %broadcast_in_dim3A_170, %get3A_1396 : vector<16xf32>
        %add3A_1398 = arith.addf %add3A_1388, %mul3A_1397 : vector<16xf32>
        %get3A_1399 = arith.constant 2 : i32
        %get3A_1400 = arith.constant 3 : i32
        %get3A_1401 = arith.index_cast %get3A_1399 : i32 to index
        %get3A_1402 = arith.index_cast %get3A_1400 : i32 to index
        %get3A_1403 = arith.index_cast %add3A_1111 : i32 to index
        %get3A_1404 = arith.constant 48 : index
        %get3A_1405 = tpu.vector_load %arg9[%get3A_1401, %get3A_1402, %get3A_1403, %get3A_1404] {strides = array<i32>} : memref<3x8x32x96xf32, #tpu.memory_space<vmem>>, vector<1x1x1x16xf32>,
        %get3A_1406 = vector.shape_cast %get3A_1405 : vector<1x1x1x16xf32> to vector<16xf32>
        %mul3A_1407 = arith.mulf %broadcast_in_dim3A_178, %get3A_1406 : vector<16xf32>
        %add3A_1408 = arith.addf %add3A_1398, %mul3A_1407 : vector<16xf32>
        %get3A_1409 = arith.constant 2 : i32
        %get3A_1410 = arith.constant 4 : i32
        %get3A_1411 = arith.index_cast %get3A_1409 : i32 to index
        %get3A_1412 = arith.index_cast %get3A_1410 : i32 to index
        %get3A_1413 = arith.index_cast %add3A_1111 : i32 to index
        %get3A_1414 = arith.constant 48 : index
        %get3A_1415 = tpu.vector_load %arg9[%get3A_1411, %get3A_1412, %get3A_1413, %get3A_1414] {strides = array<i32>} : memref<3x8x32x96xf32, #tpu.memory_space<vmem>>, vector<1x1x1x16xf32>,
        %get3A_1416 = vector.shape_cast %get3A_1415 : vector<1x1x1x16xf32> to vector<16xf32>
        %mul3A_1417 = arith.mulf %broadcast_in_dim3A_186, %get3A_1416 : vector<16xf32>
        %add3A_1418 = arith.addf %add3A_1408, %mul3A_1417 : vector<16xf32>
        %get3A_1419 = arith.constant 2 : i32
        %get3A_1420 = arith.constant 5 : i32
        %get3A_1421 = arith.index_cast %get3A_1419 : i32 to index
        %get3A_1422 = arith.index_cast %get3A_1420 : i32 to index
        %get3A_1423 = arith.index_cast %add3A_1111 : i32 to index
        %get3A_1424 = arith.constant 48 : index
        %get3A_1425 = tpu.vector_load %arg9[%get3A_1421, %get3A_1422, %get3A_1423, %get3A_1424] {strides = array<i32>} : memref<3x8x32x96xf32, #tpu.memory_space<vmem>>, vector<1x1x1x16xf32>,
        %get3A_1426 = vector.shape_cast %get3A_1425 : vector<1x1x1x16xf32> to vector<16xf32>
        %mul3A_1427 = arith.mulf %broadcast_in_dim3A_194, %get3A_1426 : vector<16xf32>
        %add3A_1428 = arith.addf %add3A_1418, %mul3A_1427 : vector<16xf32>
        %get3A_1429 = arith.constant 2 : i32
        %get3A_1430 = arith.constant 6 : i32
        %get3A_1431 = arith.index_cast %get3A_1429 : i32 to index
        %get3A_1432 = arith.index_cast %get3A_1430 : i32 to index
        %get3A_1433 = arith.index_cast %add3A_1111 : i32 to index
        %get3A_1434 = arith.constant 48 : index
        %get3A_1435 = tpu.vector_load %arg9[%get3A_1431, %get3A_1432, %get3A_1433, %get3A_1434] {strides = array<i32>} : memref<3x8x32x96xf32, #tpu.memory_space<vmem>>, vector<1x1x1x16xf32>,
        %get3A_1436 = vector.shape_cast %get3A_1435 : vector<1x1x1x16xf32> to vector<16xf32>
        %mul3A_1437 = arith.mulf %broadcast_in_dim3A_202, %get3A_1436 : vector<16xf32>
        %add3A_1438 = arith.addf %add3A_1428, %mul3A_1437 : vector<16xf32>
        %get3A_1439 = arith.constant 2 : i32
        %get3A_1440 = arith.constant 7 : i32
        %get3A_1441 = arith.index_cast %get3A_1439 : i32 to index
        %get3A_1442 = arith.index_cast %get3A_1440 : i32 to index
        %get3A_1443 = arith.index_cast %add3A_1111 : i32 to index
        %get3A_1444 = arith.constant 48 : index
        %get3A_1445 = tpu.vector_load %arg9[%get3A_1441, %get3A_1442, %get3A_1443, %get3A_1444] {strides = array<i32>} : memref<3x8x32x96xf32, #tpu.memory_space<vmem>>, vector<1x1x1x16xf32>,
        %get3A_1446 = vector.shape_cast %get3A_1445 : vector<1x1x1x16xf32> to vector<16xf32>
        %mul3A_1447 = arith.mulf %broadcast_in_dim3A_210, %get3A_1446 : vector<16xf32>
        %add3A_1448 = arith.addf %add3A_1438, %mul3A_1447 : vector<16xf32>
        %swap3A_1449 = arith.constant 2 : i32
        %swap3A_1450 = arith.index_cast %swap3A_1449 : i32 to index
        %swap3A_1451 = arith.index_cast %add3A_1111 : i32 to index
        %swap3A_1452 = arith.constant 48 : index
        %swap3A_1453 = tpu.vector_load %arg10[%swap3A_1450, %swap3A_1451, %swap3A_1452] {strides = array<i32>} : memref<3x32x96xf32, #tpu.memory_space<vmem>>, vector<1x1x16xf32>,
        %swap3A_1454 = vector.shape_cast %swap3A_1453 : vector<1x1x16xf32> to vector<16xf32>
        %swap3A_1455 = vector.shape_cast %add3A_1448 : vector<16xf32> to vector<1x1x16xf32>
        tpu.vector_store %arg10[%swap3A_1450, %swap3A_1451, %swap3A_1452], %swap3A_1455 {strides = array<i32>} : memref<3x32x96xf32, #tpu.memory_space<vmem>>, vector<1x1x16xf32>,
        %get3A_1456 = arith.constant 2 : i32
        %get3A_1457 = arith.constant 0 : i32
        %get3A_1458 = arith.index_cast %get3A_1456 : i32 to index
        %get3A_1459 = arith.index_cast %get3A_1457 : i32 to index
        %get3A_1460 = arith.index_cast %add3A_1111 : i32 to index
        %get3A_1461 = arith.constant 64 : index
        %get3A_1462 = tpu.vector_load %arg9[%get3A_1458, %get3A_1459, %get3A_1460, %get3A_1461] {strides = array<i32>} : memref<3x8x32x96xf32, #tpu.memory_space<vmem>>, vector<1x1x1x16xf32>,
        %get3A_1463 = vector.shape_cast %get3A_1462 : vector<1x1x1x16xf32> to vector<16xf32>
        %mul3A_1464 = arith.mulf %broadcast_in_dim3A, %get3A_1463 : vector<16xf32>
        %get3A_1465 = arith.constant 2 : i32
        %get3A_1466 = arith.constant 1 : i32
        %get3A_1467 = arith.index_cast %get3A_1465 : i32 to index
        %get3A_1468 = arith.index_cast %get3A_1466 : i32 to index
        %get3A_1469 = arith.index_cast %add3A_1111 : i32 to index
        %get3A_1470 = arith.constant 64 : index
        %get3A_1471 = tpu.vector_load %arg9[%get3A_1467, %get3A_1468, %get3A_1469, %get3A_1470] {strides = array<i32>} : memref<3x8x32x96xf32, #tpu.memory_space<vmem>>, vector<1x1x1x16xf32>,
        %get3A_1472 = vector.shape_cast %get3A_1471 : vector<1x1x1x16xf32> to vector<16xf32>
        %mul3A_1473 = arith.mulf %broadcast_in_dim3A_162, %get3A_1472 : vector<16xf32>
        %add3A_1474 = arith.addf %mul3A_1464, %mul3A_1473 : vector<16xf32>
        %get3A_1475 = arith.constant 2 : i32
        %get3A_1476 = arith.constant 2 : i32
        %get3A_1477 = arith.index_cast %get3A_1475 : i32 to index
        %get3A_1478 = arith.index_cast %get3A_1476 : i32 to index
        %get3A_1479 = arith.index_cast %add3A_1111 : i32 to index
        %get3A_1480 = arith.constant 64 : index
        %get3A_1481 = tpu.vector_load %arg9[%get3A_1477, %get3A_1478, %get3A_1479, %get3A_1480] {strides = array<i32>} : memref<3x8x32x96xf32, #tpu.memory_space<vmem>>, vector<1x1x1x16xf32>,
        %get3A_1482 = vector.shape_cast %get3A_1481 : vector<1x1x1x16xf32> to vector<16xf32>
        %mul3A_1483 = arith.mulf %broadcast_in_dim3A_170, %get3A_1482 : vector<16xf32>
        %add3A_1484 = arith.addf %add3A_1474, %mul3A_1483 : vector<16xf32>
        %get3A_1485 = arith.constant 2 : i32
        %get3A_1486 = arith.constant 3 : i32
        %get3A_1487 = arith.index_cast %get3A_1485 : i32 to index
        %get3A_1488 = arith.index_cast %get3A_1486 : i32 to index
        %get3A_1489 = arith.index_cast %add3A_1111 : i32 to index
        %get3A_1490 = arith.constant 64 : index
        %get3A_1491 = tpu.vector_load %arg9[%get3A_1487, %get3A_1488, %get3A_1489, %get3A_1490] {strides = array<i32>} : memref<3x8x32x96xf32, #tpu.memory_space<vmem>>, vector<1x1x1x16xf32>,
        %get3A_1492 = vector.shape_cast %get3A_1491 : vector<1x1x1x16xf32> to vector<16xf32>
        %mul3A_1493 = arith.mulf %broadcast_in_dim3A_178, %get3A_1492 : vector<16xf32>
        %add3A_1494 = arith.addf %add3A_1484, %mul3A_1493 : vector<16xf32>
        %get3A_1495 = arith.constant 2 : i32
        %get3A_1496 = arith.constant 4 : i32
        %get3A_1497 = arith.index_cast %get3A_1495 : i32 to index
        %get3A_1498 = arith.index_cast %get3A_1496 : i32 to index
        %get3A_1499 = arith.index_cast %add3A_1111 : i32 to index
        %get3A_1500 = arith.constant 64 : index
        %get3A_1501 = tpu.vector_load %arg9[%get3A_1497, %get3A_1498, %get3A_1499, %get3A_1500] {strides = array<i32>} : memref<3x8x32x96xf32, #tpu.memory_space<vmem>>, vector<1x1x1x16xf32>,
        %get3A_1502 = vector.shape_cast %get3A_1501 : vector<1x1x1x16xf32> to vector<16xf32>
        %mul3A_1503 = arith.mulf %broadcast_in_dim3A_186, %get3A_1502 : vector<16xf32>
        %add3A_1504 = arith.addf %add3A_1494, %mul3A_1503 : vector<16xf32>
        %get3A_1505 = arith.constant 2 : i32
        %get3A_1506 = arith.constant 5 : i32
        %get3A_1507 = arith.index_cast %get3A_1505 : i32 to index
        %get3A_1508 = arith.index_cast %get3A_1506 : i32 to index
        %get3A_1509 = arith.index_cast %add3A_1111 : i32 to index
        %get3A_1510 = arith.constant 64 : index
        %get3A_1511 = tpu.vector_load %arg9[%get3A_1507, %get3A_1508, %get3A_1509, %get3A_1510] {strides = array<i32>} : memref<3x8x32x96xf32, #tpu.memory_space<vmem>>, vector<1x1x1x16xf32>,
        %get3A_1512 = vector.shape_cast %get3A_1511 : vector<1x1x1x16xf32> to vector<16xf32>
        %mul3A_1513 = arith.mulf %broadcast_in_dim3A_194, %get3A_1512 : vector<16xf32>
        %add3A_1514 = arith.addf %add3A_1504, %mul3A_1513 : vector<16xf32>
        %get3A_1515 = arith.constant 2 : i32
        %get3A_1516 = arith.constant 6 : i32
        %get3A_1517 = arith.index_cast %get3A_1515 : i32 to index
        %get3A_1518 = arith.index_cast %get3A_1516 : i32 to index
        %get3A_1519 = arith.index_cast %add3A_1111 : i32 to index
        %get3A_1520 = arith.constant 64 : index
        %get3A_1521 = tpu.vector_load %arg9[%get3A_1517, %get3A_1518, %get3A_1519, %get3A_1520] {strides = array<i32>} : memref<3x8x32x96xf32, #tpu.memory_space<vmem>>, vector<1x1x1x16xf32>,
        %get3A_1522 = vector.shape_cast %get3A_1521 : vector<1x1x1x16xf32> to vector<16xf32>
        %mul3A_1523 = arith.mulf %broadcast_in_dim3A_202, %get3A_1522 : vector<16xf32>
        %add3A_1524 = arith.addf %add3A_1514, %mul3A_1523 : vector<16xf32>
        %get3A_1525 = arith.constant 2 : i32
        %get3A_1526 = arith.constant 7 : i32
        %get3A_1527 = arith.index_cast %get3A_1525 : i32 to index
        %get3A_1528 = arith.index_cast %get3A_1526 : i32 to index
        %get3A_1529 = arith.index_cast %add3A_1111 : i32 to index
        %get3A_1530 = arith.constant 64 : index
        %get3A_1531 = tpu.vector_load %arg9[%get3A_1527, %get3A_1528, %get3A_1529, %get3A_1530] {strides = array<i32>} : memref<3x8x32x96xf32, #tpu.memory_space<vmem>>, vector<1x1x1x16xf32>,
        %get3A_1532 = vector.shape_cast %get3A_1531 : vector<1x1x1x16xf32> to vector<16xf32>
        %mul3A_1533 = arith.mulf %broadcast_in_dim3A_210, %get3A_1532 : vector<16xf32>
        %add3A_1534 = arith.addf %add3A_1524, %mul3A_1533 : vector<16xf32>
        %swap3A_1535 = arith.constant 2 : i32
        %swap3A_1536 = arith.index_cast %swap3A_1535 : i32 to index
        %swap3A_1537 = arith.index_cast %add3A_1111 : i32 to index
        %swap3A_1538 = arith.constant 64 : index
        %swap3A_1539 = tpu.vector_load %arg10[%swap3A_1536, %swap3A_1537, %swap3A_1538] {strides = array<i32>} : memref<3x32x96xf32, #tpu.memory_space<vmem>>, vector<1x1x16xf32>,
        %swap3A_1540 = vector.shape_cast %swap3A_1539 : vector<1x1x16xf32> to vector<16xf32>
        %swap3A_1541 = vector.shape_cast %add3A_1534 : vector<16xf32> to vector<1x1x16xf32>
        tpu.vector_store %arg10[%swap3A_1536, %swap3A_1537, %swap3A_1538], %swap3A_1541 {strides = array<i32>} : memref<3x32x96xf32, #tpu.memory_space<vmem>>, vector<1x1x16xf32>,
        %get3A_1542 = arith.constant 2 : i32
        %get3A_1543 = arith.constant 0 : i32
        %get3A_1544 = arith.index_cast %get3A_1542 : i32 to index
        %get3A_1545 = arith.index_cast %get3A_1543 : i32 to index
        %get3A_1546 = arith.index_cast %add3A_1111 : i32 to index
        %get3A_1547 = arith.constant 80 : index
        %get3A_1548 = tpu.vector_load %arg9[%get3A_1544, %get3A_1545, %get3A_1546, %get3A_1547] {strides = array<i32>} : memref<3x8x32x96xf32, #tpu.memory_space<vmem>>, vector<1x1x1x16xf32>,
        %get3A_1549 = vector.shape_cast %get3A_1548 : vector<1x1x1x16xf32> to vector<16xf32>
        %mul3A_1550 = arith.mulf %broadcast_in_dim3A, %get3A_1549 : vector<16xf32>
        %get3A_1551 = arith.constant 2 : i32
        %get3A_1552 = arith.constant 1 : i32
        %get3A_1553 = arith.index_cast %get3A_1551 : i32 to index
        %get3A_1554 = arith.index_cast %get3A_1552 : i32 to index
        %get3A_1555 = arith.index_cast %add3A_1111 : i32 to index
        %get3A_1556 = arith.constant 80 : index
        %get3A_1557 = tpu.vector_load %arg9[%get3A_1553, %get3A_1554, %get3A_1555, %get3A_1556] {strides = array<i32>} : memref<3x8x32x96xf32, #tpu.memory_space<vmem>>, vector<1x1x1x16xf32>,
        %get3A_1558 = vector.shape_cast %get3A_1557 : vector<1x1x1x16xf32> to vector<16xf32>
        %mul3A_1559 = arith.mulf %broadcast_in_dim3A_162, %get3A_1558 : vector<16xf32>
        %add3A_1560 = arith.addf %mul3A_1550, %mul3A_1559 : vector<16xf32>
        %get3A_1561 = arith.constant 2 : i32
        %get3A_1562 = arith.constant 2 : i32
        %get3A_1563 = arith.index_cast %get3A_1561 : i32 to index
        %get3A_1564 = arith.index_cast %get3A_1562 : i32 to index
        %get3A_1565 = arith.index_cast %add3A_1111 : i32 to index
        %get3A_1566 = arith.constant 80 : index
        %get3A_1567 = tpu.vector_load %arg9[%get3A_1563, %get3A_1564, %get3A_1565, %get3A_1566] {strides = array<i32>} : memref<3x8x32x96xf32, #tpu.memory_space<vmem>>, vector<1x1x1x16xf32>,
        %get3A_1568 = vector.shape_cast %get3A_1567 : vector<1x1x1x16xf32> to vector<16xf32>
        %mul3A_1569 = arith.mulf %broadcast_in_dim3A_170, %get3A_1568 : vector<16xf32>
        %add3A_1570 = arith.addf %add3A_1560, %mul3A_1569 : vector<16xf32>
        %get3A_1571 = arith.constant 2 : i32
        %get3A_1572 = arith.constant 3 : i32
        %get3A_1573 = arith.index_cast %get3A_1571 : i32 to index
        %get3A_1574 = arith.index_cast %get3A_1572 : i32 to index
        %get3A_1575 = arith.index_cast %add3A_1111 : i32 to index
        %get3A_1576 = arith.constant 80 : index
        %get3A_1577 = tpu.vector_load %arg9[%get3A_1573, %get3A_1574, %get3A_1575, %get3A_1576] {strides = array<i32>} : memref<3x8x32x96xf32, #tpu.memory_space<vmem>>, vector<1x1x1x16xf32>,
        %get3A_1578 = vector.shape_cast %get3A_1577 : vector<1x1x1x16xf32> to vector<16xf32>
        %mul3A_1579 = arith.mulf %broadcast_in_dim3A_178, %get3A_1578 : vector<16xf32>
        %add3A_1580 = arith.addf %add3A_1570, %mul3A_1579 : vector<16xf32>
        %get3A_1581 = arith.constant 2 : i32
        %get3A_1582 = arith.constant 4 : i32
        %get3A_1583 = arith.index_cast %get3A_1581 : i32 to index
        %get3A_1584 = arith.index_cast %get3A_1582 : i32 to index
        %get3A_1585 = arith.index_cast %add3A_1111 : i32 to index
        %get3A_1586 = arith.constant 80 : index
        %get3A_1587 = tpu.vector_load %arg9[%get3A_1583, %get3A_1584, %get3A_1585, %get3A_1586] {strides = array<i32>} : memref<3x8x32x96xf32, #tpu.memory_space<vmem>>, vector<1x1x1x16xf32>,
        %get3A_1588 = vector.shape_cast %get3A_1587 : vector<1x1x1x16xf32> to vector<16xf32>
        %mul3A_1589 = arith.mulf %broadcast_in_dim3A_186, %get3A_1588 : vector<16xf32>
        %add3A_1590 = arith.addf %add3A_1580, %mul3A_1589 : vector<16xf32>
        %get3A_1591 = arith.constant 2 : i32
        %get3A_1592 = arith.constant 5 : i32
        %get3A_1593 = arith.index_cast %get3A_1591 : i32 to index
        %get3A_1594 = arith.index_cast %get3A_1592 : i32 to index
        %get3A_1595 = arith.index_cast %add3A_1111 : i32 to index
        %get3A_1596 = arith.constant 80 : index
        %get3A_1597 = tpu.vector_load %arg9[%get3A_1593, %get3A_1594, %get3A_1595, %get3A_1596] {strides = array<i32>} : memref<3x8x32x96xf32, #tpu.memory_space<vmem>>, vector<1x1x1x16xf32>,
        %get3A_1598 = vector.shape_cast %get3A_1597 : vector<1x1x1x16xf32> to vector<16xf32>
        %mul3A_1599 = arith.mulf %broadcast_in_dim3A_194, %get3A_1598 : vector<16xf32>
        %add3A_1600 = arith.addf %add3A_1590, %mul3A_1599 : vector<16xf32>
        %get3A_1601 = arith.constant 2 : i32
        %get3A_1602 = arith.constant 6 : i32
        %get3A_1603 = arith.index_cast %get3A_1601 : i32 to index
        %get3A_1604 = arith.index_cast %get3A_1602 : i32 to index
        %get3A_1605 = arith.index_cast %add3A_1111 : i32 to index
        %get3A_1606 = arith.constant 80 : index
        %get3A_1607 = tpu.vector_load %arg9[%get3A_1603, %get3A_1604, %get3A_1605, %get3A_1606] {strides = array<i32>} : memref<3x8x32x96xf32, #tpu.memory_space<vmem>>, vector<1x1x1x16xf32>,
        %get3A_1608 = vector.shape_cast %get3A_1607 : vector<1x1x1x16xf32> to vector<16xf32>
        %mul3A_1609 = arith.mulf %broadcast_in_dim3A_202, %get3A_1608 : vector<16xf32>
        %add3A_1610 = arith.addf %add3A_1600, %mul3A_1609 : vector<16xf32>
        %get3A_1611 = arith.constant 2 : i32
        %get3A_1612 = arith.constant 7 : i32
        %get3A_1613 = arith.index_cast %get3A_1611 : i32 to index
        %get3A_1614 = arith.index_cast %get3A_1612 : i32 to index
        %get3A_1615 = arith.index_cast %add3A_1111 : i32 to index
        %get3A_1616 = arith.constant 80 : index
        %get3A_1617 = tpu.vector_load %arg9[%get3A_1613, %get3A_1614, %get3A_1615, %get3A_1616] {strides = array<i32>} : memref<3x8x32x96xf32, #tpu.memory_space<vmem>>, vector<1x1x1x16xf32>,
        %get3A_1618 = vector.shape_cast %get3A_1617 : vector<1x1x1x16xf32> to vector<16xf32>
        %mul3A_1619 = arith.mulf %broadcast_in_dim3A_210, %get3A_1618 : vector<16xf32>
        %add3A_1620 = arith.addf %add3A_1610, %mul3A_1619 : vector<16xf32>
        %swap3A_1621 = arith.constant 2 : i32
        %swap3A_1622 = arith.index_cast %swap3A_1621 : i32 to index
        %swap3A_1623 = arith.index_cast %add3A_1111 : i32 to index
        %swap3A_1624 = arith.constant 80 : index
        %swap3A_1625 = tpu.vector_load %arg10[%swap3A_1622, %swap3A_1623, %swap3A_1624] {strides = array<i32>} : memref<3x32x96xf32, #tpu.memory_space<vmem>>, vector<1x1x16xf32>,
        %swap3A_1626 = vector.shape_cast %swap3A_1625 : vector<1x1x16xf32> to vector<16xf32>
        %swap3A_1627 = vector.shape_cast %add3A_1620 : vector<16xf32> to vector<1x1x16xf32>
        tpu.vector_store %arg10[%swap3A_1622, %swap3A_1623, %swap3A_1624], %swap3A_1627 {strides = array<i32>} : memref<3x32x96xf32, #tpu.memory_space<vmem>>, vector<1x1x16xf32>,
      }
      %scan3A_561 = arith.constant 16 : i32
      %dma_start3A_562 = arith.constant 2 : i32
      %dma_start3A_563 = arith.constant 2 : i32
      %dma_start3A_564 = arith.constant 0 : i32
      %dma_start3A_565 = arith.constant 0 : i32
      %dma_start3A_566 = tpu.memref_slice %arg10[%dma_start3A_562, %dma_start3A_564, %dma_start3A_565] : memref<3x32x96xf32, #tpu.memory_space<vmem>> -> memref<1x32x96xf32, #tpu.memory_space<vmem>>
      %dma_start3A_567 = tpu.memref_squeeze %dma_start3A_566 : memref<1x32x96xf32, #tpu.memory_space<vmem>> -> memref<32x96xf32, #tpu.memory_space<vmem>>
      %dma_start3A_568 = arith.constant 0 : i32
      %dma_start3A_569 = tpu.memref_slice %arg5[%select_n3A, %add3A_528, %mul3A_32, %dma_start3A_568] : memref<16x64x64x96xf32, #tpu.memory_space<hbm>> -> memref<1x1x32x96xf32, #tpu.memory_space<hbm>>
      %dma_start3A_570 = tpu.memref_squeeze %dma_start3A_569 : memref<1x1x32x96xf32, #tpu.memory_space<hbm>> -> memref<32x96xf32, #tpu.memory_space<hbm>>
      %dma_start3A_571 = tpu.memref_slice %arg12[%dma_start3A_563] : memref<3x!tpu.dma_semaphore, #tpu.memory_space<semaphore_mem>> -> memref<1x!tpu.dma_semaphore, #tpu.memory_space<semaphore_mem>>
      %dma_start3A_572 = tpu.memref_squeeze %dma_start3A_571 : memref<1x!tpu.dma_semaphore, #tpu.memory_space<semaphore_mem>> -> memref<!tpu.dma_semaphore, #tpu.memory_space<semaphore_mem>>
      %dma_start3A_573 = arith.constant 0 : i32
      %dma_start3A_574 = tpu.memref_slice %arg5[%select_n3A, %add3A_528, %mul3A_32, %dma_start3A_573] : memref<16x64x64x96xf32, #tpu.memory_space<hbm>> -> memref<1x1x32x96xf32, #tpu.memory_space<hbm>>
      %dma_start3A_575 = tpu.memref_squeeze %dma_start3A_574 : memref<1x1x32x96xf32, #tpu.memory_space<hbm>> -> memref<32x96xf32, #tpu.memory_space<hbm>>
      %dma_start3A_576 = arith.constant 0 : i32
      %dma_start3A_577 = arith.constant 0 : i32
      %dma_start3A_578 = tpu.memref_slice %arg10[%dma_start3A_562, %dma_start3A_576, %dma_start3A_577] : memref<3x32x96xf32, #tpu.memory_space<vmem>> -> memref<1x32x96xf32, #tpu.memory_space<vmem>>
      %dma_start3A_579 = tpu.memref_squeeze %dma_start3A_578 : memref<1x32x96xf32, #tpu.memory_space<vmem>> -> memref<32x96xf32, #tpu.memory_space<vmem>>
      tpu.enqueue_dma source(%dma_start3A_579 : memref<32x96xf32, #tpu.memory_space<vmem>>) target(%dma_start3A_575 : memref<32x96xf32, #tpu.memory_space<hbm>>) target_semaphore(%dma_start3A_572 : memref<!tpu.dma_semaphore, #tpu.memory_space<semaphore_mem>>)
      %add3A_580 = arith.constant 3 : i32
      %add3A_581 = arith.addi %add3A_528, %add3A_580 : i32
      %lt3A_582 = arith.constant 64 : i32
      %lt3A_583 = arith.cmpi slt, %add3A_581, %lt3A_582 : i32
      %convert_element_type3A_584 = arith.extui %lt3A_583 : i1 to i32
      %cond3A_585 = arith.constant 0 : i32
      %cond3A_586 = arith.cmpi ne, %convert_element_type3A_584, %cond3A_585 : i32
      scf.if %cond3A_586 {
        %add3A_587 = arith.constant 3 : i32
        %add3A_588 = arith.addi %add3A_528, %add3A_587 : i32
        %dma_start3A_589 = arith.constant 2 : i32
        %dma_start3A_590 = arith.constant 2 : i32
        %dma_start3A_591 = arith.constant 0 : i32
        %dma_start3A_592 = arith.constant 0 : i32
        %dma_start3A_593 = arith.constant 0 : i32
        %dma_start3A_594 = tpu.memref_slice %arg9[%dma_start3A_589, %dma_start3A_591, %dma_start3A_592, %dma_start3A_593] : memref<3x8x32x96xf32, #tpu.memory_space<vmem>> -> memref<1x8x32x96xf32, #tpu.memory_space<vmem>>
        %dma_start3A_595 = tpu.memref_squeeze %dma_start3A_594 : memref<1x8x32x96xf32, #tpu.memory_space<vmem>> -> memref<8x32x96xf32, #tpu.memory_space<vmem>>
        %dma_start3A_596 = arith.constant 0 : i32
        %dma_start3A_597 = arith.constant 0 : i32
        %dma_start3A_598 = tpu.memref_slice %arg2[%select_n3A, %dma_start3A_596, %add3A_588, %mul3A_32, %dma_start3A_597] : memref<16x8x64x64x96xf32, #tpu.memory_space<hbm>> -> memref<1x8x1x32x96xf32, #tpu.memory_space<hbm>>
        %dma_start3A_599 = tpu.memref_squeeze %dma_start3A_598 : memref<1x8x1x32x96xf32, #tpu.memory_space<hbm>> -> memref<8x32x96xf32, #tpu.memory_space<hbm>>
        %dma_start3A_600 = tpu.memref_slice %arg11[%dma_start3A_590] : memref<3x!tpu.dma_semaphore, #tpu.memory_space<semaphore_mem>> -> memref<1x!tpu.dma_semaphore, #tpu.memory_space<semaphore_mem>>
        %dma_start3A_601 = tpu.memref_squeeze %dma_start3A_600 : memref<1x!tpu.dma_semaphore, #tpu.memory_space<semaphore_mem>> -> memref<!tpu.dma_semaphore, #tpu.memory_space<semaphore_mem>>
        %dma_start3A_602 = arith.constant 0 : i32
        %dma_start3A_603 = arith.constant 0 : i32
        %dma_start3A_604 = arith.constant 0 : i32
        %dma_start3A_605 = tpu.memref_slice %arg9[%dma_start3A_589, %dma_start3A_602, %dma_start3A_603, %dma_start3A_604] : memref<3x8x32x96xf32, #tpu.memory_space<vmem>> -> memref<1x8x32x96xf32, #tpu.memory_space<vmem>>
        %dma_start3A_606 = tpu.memref_squeeze %dma_start3A_605 : memref<1x8x32x96xf32, #tpu.memory_space<vmem>> -> memref<8x32x96xf32, #tpu.memory_space<vmem>>
        %dma_start3A_607 = arith.constant 0 : i32
        %dma_start3A_608 = arith.constant 0 : i32
        %dma_start3A_609 = tpu.memref_slice %arg2[%select_n3A, %dma_start3A_607, %add3A_588, %mul3A_32, %dma_start3A_608] : memref<16x8x64x64x96xf32, #tpu.memory_space<hbm>> -> memref<1x8x1x32x96xf32, #tpu.memory_space<hbm>>
        %dma_start3A_610 = tpu.memref_squeeze %dma_start3A_609 : memref<1x8x1x32x96xf32, #tpu.memory_space<hbm>> -> memref<8x32x96xf32, #tpu.memory_space<hbm>>
        tpu.enqueue_dma source(%dma_start3A_610 : memref<8x32x96xf32, #tpu.memory_space<hbm>>) target(%dma_start3A_606 : memref<8x32x96xf32, #tpu.memory_space<vmem>>) target_semaphore(%dma_start3A_601 : memref<!tpu.dma_semaphore, #tpu.memory_space<semaphore_mem>>)
      } else {
      }
    }
    %scan3A_283 = arith.constant 21 : i32
    %dma_wait3A = arith.constant 63 : i32
    %dma_wait3A_284 = arith.constant 0 : i32
    %dma_wait3A_285 = arith.constant 0 : i32
    %dma_wait3A_286 = arith.constant 0 : i32
    %dma_wait3A_287 = arith.constant 0 : i32
    %dma_wait3A_288 = arith.constant 0 : i32
    %dma_wait3A_289 = tpu.memref_slice %arg9[%dma_wait3A_284, %dma_wait3A_286, %dma_wait3A_287, %dma_wait3A_288] : memref<3x8x32x96xf32, #tpu.memory_space<vmem>> -> memref<1x8x32x96xf32, #tpu.memory_space<vmem>>
    %dma_wait3A_290 = tpu.memref_squeeze %dma_wait3A_289 : memref<1x8x32x96xf32, #tpu.memory_space<vmem>> -> memref<8x32x96xf32, #tpu.memory_space<vmem>>
    %dma_wait3A_291 = arith.constant 0 : i32
    %dma_wait3A_292 = arith.constant 0 : i32
    %dma_wait3A_293 = tpu.memref_slice %arg2[%select_n3A, %dma_wait3A_291, %dma_wait3A, %mul3A_32, %dma_wait3A_292] : memref<16x8x64x64x96xf32, #tpu.memory_space<hbm>> -> memref<1x8x1x32x96xf32, #tpu.memory_space<hbm>>
    %dma_wait3A_294 = tpu.memref_squeeze %dma_wait3A_293 : memref<1x8x1x32x96xf32, #tpu.memory_space<hbm>> -> memref<8x32x96xf32, #tpu.memory_space<hbm>>
    %dma_wait3A_295 = tpu.memref_slice %arg11[%dma_wait3A_285] : memref<3x!tpu.dma_semaphore, #tpu.memory_space<semaphore_mem>> -> memref<1x!tpu.dma_semaphore, #tpu.memory_space<semaphore_mem>>
    %dma_wait3A_296 = tpu.memref_squeeze %dma_wait3A_295 : memref<1x!tpu.dma_semaphore, #tpu.memory_space<semaphore_mem>> -> memref<!tpu.dma_semaphore, #tpu.memory_space<semaphore_mem>>
    %dma_wait3A_297 = arith.constant 0 : i32
    %dma_wait3A_298 = arith.constant 0 : i32
    %dma_wait3A_299 = arith.constant 0 : i32
    %dma_wait3A_300 = tpu.memref_slice %arg9[%dma_wait3A_284, %dma_wait3A_297, %dma_wait3A_298, %dma_wait3A_299] : memref<3x8x32x96xf32, #tpu.memory_space<vmem>> -> memref<1x8x32x96xf32, #tpu.memory_space<vmem>>
    %dma_wait3A_301 = tpu.memref_squeeze %dma_wait3A_300 : memref<1x8x32x96xf32, #tpu.memory_space<vmem>> -> memref<8x32x96xf32, #tpu.memory_space<vmem>>
    %dma_wait3A_302 = arith.constant 0 : i32
    %dma_wait3A_303 = arith.constant 0 : i32
    %dma_wait3A_304 = tpu.memref_slice %arg2[%select_n3A, %dma_wait3A_302, %dma_wait3A, %mul3A_32, %dma_wait3A_303] : memref<16x8x64x64x96xf32, #tpu.memory_space<hbm>> -> memref<1x8x1x32x96xf32, #tpu.memory_space<hbm>>
    %dma_wait3A_305 = tpu.memref_squeeze %dma_wait3A_304 : memref<1x8x1x32x96xf32, #tpu.memory_space<hbm>> -> memref<8x32x96xf32, #tpu.memory_space<hbm>>
    tpu.wait_dma2 semaphore(%dma_wait3A_296 : memref<!tpu.dma_semaphore, #tpu.memory_space<semaphore_mem>>) src(%dma_wait3A_305 : memref<8x32x96xf32, #tpu.memory_space<hbm>>) dst(%dma_wait3A_301 : memref<8x32x96xf32, #tpu.memory_space<vmem>>)
    %dma_wait3A_306 = arith.constant 0 : i32
    %dma_wait3A_307 = arith.constant 0 : i32
    %dma_wait3A_308 = arith.constant 0 : i32
    %dma_wait3A_309 = arith.constant 0 : i32
    %dma_wait3A_310 = arith.constant 0 : i32
    %dma_wait3A_311 = tpu.memref_slice %arg10[%dma_wait3A_306, %dma_wait3A_309, %dma_wait3A_310] : memref<3x32x96xf32, #tpu.memory_space<vmem>> -> memref<1x32x96xf32, #tpu.memory_space<vmem>>
    %dma_wait3A_312 = tpu.memref_squeeze %dma_wait3A_311 : memref<1x32x96xf32, #tpu.memory_space<vmem>> -> memref<32x96xf32, #tpu.memory_space<vmem>>
    %dma_wait3A_313 = arith.constant 0 : i32
    %dma_wait3A_314 = tpu.memref_slice %arg5[%select_n3A, %dma_wait3A_307, %mul3A_32, %dma_wait3A_313] : memref<16x64x64x96xf32, #tpu.memory_space<hbm>> -> memref<1x1x32x96xf32, #tpu.memory_space<hbm>>
    %dma_wait3A_315 = tpu.memref_squeeze %dma_wait3A_314 : memref<1x1x32x96xf32, #tpu.memory_space<hbm>> -> memref<32x96xf32, #tpu.memory_space<hbm>>
    %dma_wait3A_316 = tpu.memref_slice %arg12[%dma_wait3A_308] : memref<3x!tpu.dma_semaphore, #tpu.memory_space<semaphore_mem>> -> memref<1x!tpu.dma_semaphore, #tpu.memory_space<semaphore_mem>>
    %dma_wait3A_317 = tpu.memref_squeeze %dma_wait3A_316 : memref<1x!tpu.dma_semaphore, #tpu.memory_space<semaphore_mem>> -> memref<!tpu.dma_semaphore, #tpu.memory_space<semaphore_mem>>
    %dma_wait3A_318 = arith.constant 0 : i32
    %dma_wait3A_319 = tpu.memref_slice %arg5[%select_n3A, %dma_wait3A_307, %mul3A_32, %dma_wait3A_318] : memref<16x64x64x96xf32, #tpu.memory_space<hbm>> -> memref<1x1x32x96xf32, #tpu.memory_space<hbm>>
    %dma_wait3A_320 = tpu.memref_squeeze %dma_wait3A_319 : memref<1x1x32x96xf32, #tpu.memory_space<hbm>> -> memref<32x96xf32, #tpu.memory_space<hbm>>
    %dma_wait3A_321 = arith.constant 0 : i32
    %dma_wait3A_322 = arith.constant 0 : i32
    %dma_wait3A_323 = tpu.memref_slice %arg10[%dma_wait3A_306, %dma_wait3A_321, %dma_wait3A_322] : memref<3x32x96xf32, #tpu.memory_space<vmem>> -> memref<1x32x96xf32, #tpu.memory_space<vmem>>
    %dma_wait3A_324 = tpu.memref_squeeze %dma_wait3A_323 : memref<1x32x96xf32, #tpu.memory_space<vmem>> -> memref<32x96xf32, #tpu.memory_space<vmem>>
    tpu.wait_dma2 semaphore(%dma_wait3A_317 : memref<!tpu.dma_semaphore, #tpu.memory_space<semaphore_mem>>) src(%dma_wait3A_324 : memref<32x96xf32, #tpu.memory_space<vmem>>) dst(%dma_wait3A_320 : memref<32x96xf32, #tpu.memory_space<hbm>>)
    %scan3A_325 = arith.constant 0 : i32
    %scan3A_326 = arith.constant 0 : i32
    %scan3A_327 = arith.constant 32 : i32
    %scan3A_328 = arith.addi %scan3A_326, %scan3A_327 : i32
    %scan3A_329 = arith.constant 1 : i32
    scf.for %scan3A_407 = %scan3A_326 to %scan3A_328 step %scan3A_329  : i32 {
      %get3A_408 = arith.constant 0 : i32
      %get3A_409 = arith.constant 0 : i32
      %get3A_410 = arith.index_cast %get3A_408 : i32 to index
      %get3A_411 = arith.index_cast %get3A_409 : i32 to index
      %get3A_412 = arith.index_cast %scan3A_407 : i32 to index
      %get3A_413 = arith.constant 0 : index
      %get3A_414 = tpu.vector_load %arg9[%get3A_410, %get3A_411, %get3A_412, %get3A_413] {strides = array<i32>} : memref<3x8x32x96xf32, #tpu.memory_space<vmem>>, vector<1x1x1x16xf32>,
      %get3A_415 = vector.shape_cast %get3A_414 : vector<1x1x1x16xf32> to vector<16xf32>
      %mul3A_416 = arith.mulf %broadcast_in_dim3A, %get3A_415 : vector<16xf32>
      %get3A_417 = arith.constant 0 : i32
      %get3A_418 = arith.constant 1 : i32
      %get3A_419 = arith.index_cast %get3A_417 : i32 to index
      %get3A_420 = arith.index_cast %get3A_418 : i32 to index
      %get3A_421 = arith.index_cast %scan3A_407 : i32 to index
      %get3A_422 = arith.constant 0 : index
      %get3A_423 = tpu.vector_load %arg9[%get3A_419, %get3A_420, %get3A_421, %get3A_422] {strides = array<i32>} : memref<3x8x32x96xf32, #tpu.memory_space<vmem>>, vector<1x1x1x16xf32>,
      %get3A_424 = vector.shape_cast %get3A_423 : vector<1x1x1x16xf32> to vector<16xf32>
      %mul3A_425 = arith.mulf %broadcast_in_dim3A_162, %get3A_424 : vector<16xf32>
      %add3A_426 = arith.addf %mul3A_416, %mul3A_425 : vector<16xf32>
      %get3A_427 = arith.constant 0 : i32
      %get3A_428 = arith.constant 2 : i32
      %get3A_429 = arith.index_cast %get3A_427 : i32 to index
      %get3A_430 = arith.index_cast %get3A_428 : i32 to index
      %get3A_431 = arith.index_cast %scan3A_407 : i32 to index
      %get3A_432 = arith.constant 0 : index
      %get3A_433 = tpu.vector_load %arg9[%get3A_429, %get3A_430, %get3A_431, %get3A_432] {strides = array<i32>} : memref<3x8x32x96xf32, #tpu.memory_space<vmem>>, vector<1x1x1x16xf32>,
      %get3A_434 = vector.shape_cast %get3A_433 : vector<1x1x1x16xf32> to vector<16xf32>
      %mul3A_435 = arith.mulf %broadcast_in_dim3A_170, %get3A_434 : vector<16xf32>
      %add3A_436 = arith.addf %add3A_426, %mul3A_435 : vector<16xf32>
      %get3A_437 = arith.constant 0 : i32
      %get3A_438 = arith.constant 3 : i32
      %get3A_439 = arith.index_cast %get3A_437 : i32 to index
      %get3A_440 = arith.index_cast %get3A_438 : i32 to index
      %get3A_441 = arith.index_cast %scan3A_407 : i32 to index
      %get3A_442 = arith.constant 0 : index
      %get3A_443 = tpu.vector_load %arg9[%get3A_439, %get3A_440, %get3A_441, %get3A_442] {strides = array<i32>} : memref<3x8x32x96xf32, #tpu.memory_space<vmem>>, vector<1x1x1x16xf32>,
      %get3A_444 = vector.shape_cast %get3A_443 : vector<1x1x1x16xf32> to vector<16xf32>
      %mul3A_445 = arith.mulf %broadcast_in_dim3A_178, %get3A_444 : vector<16xf32>
      %add3A_446 = arith.addf %add3A_436, %mul3A_445 : vector<16xf32>
      %get3A_447 = arith.constant 0 : i32
      %get3A_448 = arith.constant 4 : i32
      %get3A_449 = arith.index_cast %get3A_447 : i32 to index
      %get3A_450 = arith.index_cast %get3A_448 : i32 to index
      %get3A_451 = arith.index_cast %scan3A_407 : i32 to index
      %get3A_452 = arith.constant 0 : index
      %get3A_453 = tpu.vector_load %arg9[%get3A_449, %get3A_450, %get3A_451, %get3A_452] {strides = array<i32>} : memref<3x8x32x96xf32, #tpu.memory_space<vmem>>, vector<1x1x1x16xf32>,
      %get3A_454 = vector.shape_cast %get3A_453 : vector<1x1x1x16xf32> to vector<16xf32>
      %mul3A_455 = arith.mulf %broadcast_in_dim3A_186, %get3A_454 : vector<16xf32>
      %add3A_456 = arith.addf %add3A_446, %mul3A_455 : vector<16xf32>
      %get3A_457 = arith.constant 0 : i32
      %get3A_458 = arith.constant 5 : i32
      %get3A_459 = arith.index_cast %get3A_457 : i32 to index
      %get3A_460 = arith.index_cast %get3A_458 : i32 to index
      %get3A_461 = arith.index_cast %scan3A_407 : i32 to index
      %get3A_462 = arith.constant 0 : index
      %get3A_463 = tpu.vector_load %arg9[%get3A_459, %get3A_460, %get3A_461, %get3A_462] {strides = array<i32>} : memref<3x8x32x96xf32, #tpu.memory_space<vmem>>, vector<1x1x1x16xf32>,
      %get3A_464 = vector.shape_cast %get3A_463 : vector<1x1x1x16xf32> to vector<16xf32>
      %mul3A_465 = arith.mulf %broadcast_in_dim3A_194, %get3A_464 : vector<16xf32>
      %add3A_466 = arith.addf %add3A_456, %mul3A_465 : vector<16xf32>
      %get3A_467 = arith.constant 0 : i32
      %get3A_468 = arith.constant 6 : i32
      %get3A_469 = arith.index_cast %get3A_467 : i32 to index
      %get3A_470 = arith.index_cast %get3A_468 : i32 to index
      %get3A_471 = arith.index_cast %scan3A_407 : i32 to index
      %get3A_472 = arith.constant 0 : index
      %get3A_473 = tpu.vector_load %arg9[%get3A_469, %get3A_470, %get3A_471, %get3A_472] {strides = array<i32>} : memref<3x8x32x96xf32, #tpu.memory_space<vmem>>, vector<1x1x1x16xf32>,
      %get3A_474 = vector.shape_cast %get3A_473 : vector<1x1x1x16xf32> to vector<16xf32>
      %mul3A_475 = arith.mulf %broadcast_in_dim3A_202, %get3A_474 : vector<16xf32>
      %add3A_476 = arith.addf %add3A_466, %mul3A_475 : vector<16xf32>
      %get3A_477 = arith.constant 0 : i32
      %get3A_478 = arith.constant 7 : i32
      %get3A_479 = arith.index_cast %get3A_477 : i32 to index
      %get3A_480 = arith.index_cast %get3A_478 : i32 to index
      %get3A_481 = arith.index_cast %scan3A_407 : i32 to index
      %get3A_482 = arith.constant 0 : index
      %get3A_483 = tpu.vector_load %arg9[%get3A_479, %get3A_480, %get3A_481, %get3A_482] {strides = array<i32>} : memref<3x8x32x96xf32, #tpu.memory_space<vmem>>, vector<1x1x1x16xf32>,
      %get3A_484 = vector.shape_cast %get3A_483 : vector<1x1x1x16xf32> to vector<16xf32>
      %mul3A_485 = arith.mulf %broadcast_in_dim3A_210, %get3A_484 : vector<16xf32>
      %add3A_486 = arith.addf %add3A_476, %mul3A_485 : vector<16xf32>
      %swap3A_487 = arith.constant 0 : i32
      %swap3A_488 = arith.index_cast %swap3A_487 : i32 to index
      %swap3A_489 = arith.index_cast %scan3A_407 : i32 to index
      %swap3A_490 = arith.constant 0 : index
      %swap3A_491 = tpu.vector_load %arg10[%swap3A_488, %swap3A_489, %swap3A_490] {strides = array<i32>} : memref<3x32x96xf32, #tpu.memory_space<vmem>>, vector<1x1x16xf32>,
      %swap3A_492 = vector.shape_cast %swap3A_491 : vector<1x1x16xf32> to vector<16xf32>
      %swap3A_493 = vector.shape_cast %add3A_486 : vector<16xf32> to vector<1x1x16xf32>
      tpu.vector_store %arg10[%swap3A_488, %swap3A_489, %swap3A_490], %swap3A_493 {strides = array<i32>} : memref<3x32x96xf32, #tpu.memory_space<vmem>>, vector<1x1x16xf32>,
      %get3A_494 = arith.constant 0 : i32
      %get3A_495 = arith.constant 0 : i32
      %get3A_496 = arith.index_cast %get3A_494 : i32 to index
      %get3A_497 = arith.index_cast %get3A_495 : i32 to index
      %get3A_498 = arith.index_cast %scan3A_407 : i32 to index
      %get3A_499 = arith.constant 16 : index
      %get3A_500 = tpu.vector_load %arg9[%get3A_496, %get3A_497, %get3A_498, %get3A_499] {strides = array<i32>} : memref<3x8x32x96xf32, #tpu.memory_space<vmem>>, vector<1x1x1x16xf32>,
      %get3A_501 = vector.shape_cast %get3A_500 : vector<1x1x1x16xf32> to vector<16xf32>
      %mul3A_502 = arith.mulf %broadcast_in_dim3A, %get3A_501 : vector<16xf32>
      %get3A_503 = arith.constant 0 : i32
      %get3A_504 = arith.constant 1 : i32
      %get3A_505 = arith.index_cast %get3A_503 : i32 to index
      %get3A_506 = arith.index_cast %get3A_504 : i32 to index
      %get3A_507 = arith.index_cast %scan3A_407 : i32 to index
      %get3A_508 = arith.constant 16 : index
      %get3A_509 = tpu.vector_load %arg9[%get3A_505, %get3A_506, %get3A_507, %get3A_508] {strides = array<i32>} : memref<3x8x32x96xf32, #tpu.memory_space<vmem>>, vector<1x1x1x16xf32>,
      %get3A_510 = vector.shape_cast %get3A_509 : vector<1x1x1x16xf32> to vector<16xf32>
      %mul3A_511 = arith.mulf %broadcast_in_dim3A_162, %get3A_510 : vector<16xf32>
      %add3A_512 = arith.addf %mul3A_502, %mul3A_511 : vector<16xf32>
      %get3A_513 = arith.constant 0 : i32
      %get3A_514 = arith.constant 2 : i32
      %get3A_515 = arith.index_cast %get3A_513 : i32 to index
      %get3A_516 = arith.index_cast %get3A_514 : i32 to index
      %get3A_517 = arith.index_cast %scan3A_407 : i32 to index
      %get3A_518 = arith.constant 16 : index
      %get3A_519 = tpu.vector_load %arg9[%get3A_515, %get3A_516, %get3A_517, %get3A_518] {strides = array<i32>} : memref<3x8x32x96xf32, #tpu.memory_space<vmem>>, vector<1x1x1x16xf32>,
      %get3A_520 = vector.shape_cast %get3A_519 : vector<1x1x1x16xf32> to vector<16xf32>
      %mul3A_521 = arith.mulf %broadcast_in_dim3A_170, %get3A_520 : vector<16xf32>
      %add3A_522 = arith.addf %add3A_512, %mul3A_521 : vector<16xf32>
      %get3A_523 = arith.constant 0 : i32
      %get3A_524 = arith.constant 3 : i32
      %get3A_525 = arith.index_cast %get3A_523 : i32 to index
      %get3A_526 = arith.index_cast %get3A_524 : i32 to index
      %get3A_527 = arith.index_cast %scan3A_407 : i32 to index
      %get3A_528 = arith.constant 16 : index
      %get3A_529 = tpu.vector_load %arg9[%get3A_525, %get3A_526, %get3A_527, %get3A_528] {strides = array<i32>} : memref<3x8x32x96xf32, #tpu.memory_space<vmem>>, vector<1x1x1x16xf32>,
      %get3A_530 = vector.shape_cast %get3A_529 : vector<1x1x1x16xf32> to vector<16xf32>
      %mul3A_531 = arith.mulf %broadcast_in_dim3A_178, %get3A_530 : vector<16xf32>
      %add3A_532 = arith.addf %add3A_522, %mul3A_531 : vector<16xf32>
      %get3A_533 = arith.constant 0 : i32
      %get3A_534 = arith.constant 4 : i32
      %get3A_535 = arith.index_cast %get3A_533 : i32 to index
      %get3A_536 = arith.index_cast %get3A_534 : i32 to index
      %get3A_537 = arith.index_cast %scan3A_407 : i32 to index
      %get3A_538 = arith.constant 16 : index
      %get3A_539 = tpu.vector_load %arg9[%get3A_535, %get3A_536, %get3A_537, %get3A_538] {strides = array<i32>} : memref<3x8x32x96xf32, #tpu.memory_space<vmem>>, vector<1x1x1x16xf32>,
      %get3A_540 = vector.shape_cast %get3A_539 : vector<1x1x1x16xf32> to vector<16xf32>
      %mul3A_541 = arith.mulf %broadcast_in_dim3A_186, %get3A_540 : vector<16xf32>
      %add3A_542 = arith.addf %add3A_532, %mul3A_541 : vector<16xf32>
      %get3A_543 = arith.constant 0 : i32
      %get3A_544 = arith.constant 5 : i32
      %get3A_545 = arith.index_cast %get3A_543 : i32 to index
      %get3A_546 = arith.index_cast %get3A_544 : i32 to index
      %get3A_547 = arith.index_cast %scan3A_407 : i32 to index
      %get3A_548 = arith.constant 16 : index
      %get3A_549 = tpu.vector_load %arg9[%get3A_545, %get3A_546, %get3A_547, %get3A_548] {strides = array<i32>} : memref<3x8x32x96xf32, #tpu.memory_space<vmem>>, vector<1x1x1x16xf32>,
      %get3A_550 = vector.shape_cast %get3A_549 : vector<1x1x1x16xf32> to vector<16xf32>
      %mul3A_551 = arith.mulf %broadcast_in_dim3A_194, %get3A_550 : vector<16xf32>
      %add3A_552 = arith.addf %add3A_542, %mul3A_551 : vector<16xf32>
      %get3A_553 = arith.constant 0 : i32
      %get3A_554 = arith.constant 6 : i32
      %get3A_555 = arith.index_cast %get3A_553 : i32 to index
      %get3A_556 = arith.index_cast %get3A_554 : i32 to index
      %get3A_557 = arith.index_cast %scan3A_407 : i32 to index
      %get3A_558 = arith.constant 16 : index
      %get3A_559 = tpu.vector_load %arg9[%get3A_555, %get3A_556, %get3A_557, %get3A_558] {strides = array<i32>} : memref<3x8x32x96xf32, #tpu.memory_space<vmem>>, vector<1x1x1x16xf32>,
      %get3A_560 = vector.shape_cast %get3A_559 : vector<1x1x1x16xf32> to vector<16xf32>
      %mul3A_561 = arith.mulf %broadcast_in_dim3A_202, %get3A_560 : vector<16xf32>
      %add3A_562 = arith.addf %add3A_552, %mul3A_561 : vector<16xf32>
      %get3A_563 = arith.constant 0 : i32
      %get3A_564 = arith.constant 7 : i32
      %get3A_565 = arith.index_cast %get3A_563 : i32 to index
      %get3A_566 = arith.index_cast %get3A_564 : i32 to index
      %get3A_567 = arith.index_cast %scan3A_407 : i32 to index
      %get3A_568 = arith.constant 16 : index
      %get3A_569 = tpu.vector_load %arg9[%get3A_565, %get3A_566, %get3A_567, %get3A_568] {strides = array<i32>} : memref<3x8x32x96xf32, #tpu.memory_space<vmem>>, vector<1x1x1x16xf32>,
      %get3A_570 = vector.shape_cast %get3A_569 : vector<1x1x1x16xf32> to vector<16xf32>
      %mul3A_571 = arith.mulf %broadcast_in_dim3A_210, %get3A_570 : vector<16xf32>
      %add3A_572 = arith.addf %add3A_562, %mul3A_571 : vector<16xf32>
      %swap3A_573 = arith.constant 0 : i32
      %swap3A_574 = arith.index_cast %swap3A_573 : i32 to index
      %swap3A_575 = arith.index_cast %scan3A_407 : i32 to index
      %swap3A_576 = arith.constant 16 : index
      %swap3A_577 = tpu.vector_load %arg10[%swap3A_574, %swap3A_575, %swap3A_576] {strides = array<i32>} : memref<3x32x96xf32, #tpu.memory_space<vmem>>, vector<1x1x16xf32>,
      %swap3A_578 = vector.shape_cast %swap3A_577 : vector<1x1x16xf32> to vector<16xf32>
      %swap3A_579 = vector.shape_cast %add3A_572 : vector<16xf32> to vector<1x1x16xf32>
      tpu.vector_store %arg10[%swap3A_574, %swap3A_575, %swap3A_576], %swap3A_579 {strides = array<i32>} : memref<3x32x96xf32, #tpu.memory_space<vmem>>, vector<1x1x16xf32>,
      %get3A_580 = arith.constant 0 : i32
      %get3A_581 = arith.constant 0 : i32
      %get3A_582 = arith.index_cast %get3A_580 : i32 to index
      %get3A_583 = arith.index_cast %get3A_581 : i32 to index
      %get3A_584 = arith.index_cast %scan3A_407 : i32 to index
      %get3A_585 = arith.constant 32 : index
      %get3A_586 = tpu.vector_load %arg9[%get3A_582, %get3A_583, %get3A_584, %get3A_585] {strides = array<i32>} : memref<3x8x32x96xf32, #tpu.memory_space<vmem>>, vector<1x1x1x16xf32>,
      %get3A_587 = vector.shape_cast %get3A_586 : vector<1x1x1x16xf32> to vector<16xf32>
      %mul3A_588 = arith.mulf %broadcast_in_dim3A, %get3A_587 : vector<16xf32>
      %get3A_589 = arith.constant 0 : i32
      %get3A_590 = arith.constant 1 : i32
      %get3A_591 = arith.index_cast %get3A_589 : i32 to index
      %get3A_592 = arith.index_cast %get3A_590 : i32 to index
      %get3A_593 = arith.index_cast %scan3A_407 : i32 to index
      %get3A_594 = arith.constant 32 : index
      %get3A_595 = tpu.vector_load %arg9[%get3A_591, %get3A_592, %get3A_593, %get3A_594] {strides = array<i32>} : memref<3x8x32x96xf32, #tpu.memory_space<vmem>>, vector<1x1x1x16xf32>,
      %get3A_596 = vector.shape_cast %get3A_595 : vector<1x1x1x16xf32> to vector<16xf32>
      %mul3A_597 = arith.mulf %broadcast_in_dim3A_162, %get3A_596 : vector<16xf32>
      %add3A_598 = arith.addf %mul3A_588, %mul3A_597 : vector<16xf32>
      %get3A_599 = arith.constant 0 : i32
      %get3A_600 = arith.constant 2 : i32
      %get3A_601 = arith.index_cast %get3A_599 : i32 to index
      %get3A_602 = arith.index_cast %get3A_600 : i32 to index
      %get3A_603 = arith.index_cast %scan3A_407 : i32 to index
      %get3A_604 = arith.constant 32 : index
      %get3A_605 = tpu.vector_load %arg9[%get3A_601, %get3A_602, %get3A_603, %get3A_604] {strides = array<i32>} : memref<3x8x32x96xf32, #tpu.memory_space<vmem>>, vector<1x1x1x16xf32>,
      %get3A_606 = vector.shape_cast %get3A_605 : vector<1x1x1x16xf32> to vector<16xf32>
      %mul3A_607 = arith.mulf %broadcast_in_dim3A_170, %get3A_606 : vector<16xf32>
      %add3A_608 = arith.addf %add3A_598, %mul3A_607 : vector<16xf32>
      %get3A_609 = arith.constant 0 : i32
      %get3A_610 = arith.constant 3 : i32
      %get3A_611 = arith.index_cast %get3A_609 : i32 to index
      %get3A_612 = arith.index_cast %get3A_610 : i32 to index
      %get3A_613 = arith.index_cast %scan3A_407 : i32 to index
      %get3A_614 = arith.constant 32 : index
      %get3A_615 = tpu.vector_load %arg9[%get3A_611, %get3A_612, %get3A_613, %get3A_614] {strides = array<i32>} : memref<3x8x32x96xf32, #tpu.memory_space<vmem>>, vector<1x1x1x16xf32>,
      %get3A_616 = vector.shape_cast %get3A_615 : vector<1x1x1x16xf32> to vector<16xf32>
      %mul3A_617 = arith.mulf %broadcast_in_dim3A_178, %get3A_616 : vector<16xf32>
      %add3A_618 = arith.addf %add3A_608, %mul3A_617 : vector<16xf32>
      %get3A_619 = arith.constant 0 : i32
      %get3A_620 = arith.constant 4 : i32
      %get3A_621 = arith.index_cast %get3A_619 : i32 to index
      %get3A_622 = arith.index_cast %get3A_620 : i32 to index
      %get3A_623 = arith.index_cast %scan3A_407 : i32 to index
      %get3A_624 = arith.constant 32 : index
      %get3A_625 = tpu.vector_load %arg9[%get3A_621, %get3A_622, %get3A_623, %get3A_624] {strides = array<i32>} : memref<3x8x32x96xf32, #tpu.memory_space<vmem>>, vector<1x1x1x16xf32>,
      %get3A_626 = vector.shape_cast %get3A_625 : vector<1x1x1x16xf32> to vector<16xf32>
      %mul3A_627 = arith.mulf %broadcast_in_dim3A_186, %get3A_626 : vector<16xf32>
      %add3A_628 = arith.addf %add3A_618, %mul3A_627 : vector<16xf32>
      %get3A_629 = arith.constant 0 : i32
      %get3A_630 = arith.constant 5 : i32
      %get3A_631 = arith.index_cast %get3A_629 : i32 to index
      %get3A_632 = arith.index_cast %get3A_630 : i32 to index
      %get3A_633 = arith.index_cast %scan3A_407 : i32 to index
      %get3A_634 = arith.constant 32 : index
      %get3A_635 = tpu.vector_load %arg9[%get3A_631, %get3A_632, %get3A_633, %get3A_634] {strides = array<i32>} : memref<3x8x32x96xf32, #tpu.memory_space<vmem>>, vector<1x1x1x16xf32>,
      %get3A_636 = vector.shape_cast %get3A_635 : vector<1x1x1x16xf32> to vector<16xf32>
      %mul3A_637 = arith.mulf %broadcast_in_dim3A_194, %get3A_636 : vector<16xf32>
      %add3A_638 = arith.addf %add3A_628, %mul3A_637 : vector<16xf32>
      %get3A_639 = arith.constant 0 : i32
      %get3A_640 = arith.constant 6 : i32
      %get3A_641 = arith.index_cast %get3A_639 : i32 to index
      %get3A_642 = arith.index_cast %get3A_640 : i32 to index
      %get3A_643 = arith.index_cast %scan3A_407 : i32 to index
      %get3A_644 = arith.constant 32 : index
      %get3A_645 = tpu.vector_load %arg9[%get3A_641, %get3A_642, %get3A_643, %get3A_644] {strides = array<i32>} : memref<3x8x32x96xf32, #tpu.memory_space<vmem>>, vector<1x1x1x16xf32>,
      %get3A_646 = vector.shape_cast %get3A_645 : vector<1x1x1x16xf32> to vector<16xf32>
      %mul3A_647 = arith.mulf %broadcast_in_dim3A_202, %get3A_646 : vector<16xf32>
      %add3A_648 = arith.addf %add3A_638, %mul3A_647 : vector<16xf32>
      %get3A_649 = arith.constant 0 : i32
      %get3A_650 = arith.constant 7 : i32
      %get3A_651 = arith.index_cast %get3A_649 : i32 to index
      %get3A_652 = arith.index_cast %get3A_650 : i32 to index
      %get3A_653 = arith.index_cast %scan3A_407 : i32 to index
      %get3A_654 = arith.constant 32 : index
      %get3A_655 = tpu.vector_load %arg9[%get3A_651, %get3A_652, %get3A_653, %get3A_654] {strides = array<i32>} : memref<3x8x32x96xf32, #tpu.memory_space<vmem>>, vector<1x1x1x16xf32>,
      %get3A_656 = vector.shape_cast %get3A_655 : vector<1x1x1x16xf32> to vector<16xf32>
      %mul3A_657 = arith.mulf %broadcast_in_dim3A_210, %get3A_656 : vector<16xf32>
      %add3A_658 = arith.addf %add3A_648, %mul3A_657 : vector<16xf32>
      %swap3A_659 = arith.constant 0 : i32
      %swap3A_660 = arith.index_cast %swap3A_659 : i32 to index
      %swap3A_661 = arith.index_cast %scan3A_407 : i32 to index
      %swap3A_662 = arith.constant 32 : index
      %swap3A_663 = tpu.vector_load %arg10[%swap3A_660, %swap3A_661, %swap3A_662] {strides = array<i32>} : memref<3x32x96xf32, #tpu.memory_space<vmem>>, vector<1x1x16xf32>,
      %swap3A_664 = vector.shape_cast %swap3A_663 : vector<1x1x16xf32> to vector<16xf32>
      %swap3A_665 = vector.shape_cast %add3A_658 : vector<16xf32> to vector<1x1x16xf32>
      tpu.vector_store %arg10[%swap3A_660, %swap3A_661, %swap3A_662], %swap3A_665 {strides = array<i32>} : memref<3x32x96xf32, #tpu.memory_space<vmem>>, vector<1x1x16xf32>,
      %get3A_666 = arith.constant 0 : i32
      %get3A_667 = arith.constant 0 : i32
      %get3A_668 = arith.index_cast %get3A_666 : i32 to index
      %get3A_669 = arith.index_cast %get3A_667 : i32 to index
      %get3A_670 = arith.index_cast %scan3A_407 : i32 to index
      %get3A_671 = arith.constant 48 : index
      %get3A_672 = tpu.vector_load %arg9[%get3A_668, %get3A_669, %get3A_670, %get3A_671] {strides = array<i32>} : memref<3x8x32x96xf32, #tpu.memory_space<vmem>>, vector<1x1x1x16xf32>,
      %get3A_673 = vector.shape_cast %get3A_672 : vector<1x1x1x16xf32> to vector<16xf32>
      %mul3A_674 = arith.mulf %broadcast_in_dim3A, %get3A_673 : vector<16xf32>
      %get3A_675 = arith.constant 0 : i32
      %get3A_676 = arith.constant 1 : i32
      %get3A_677 = arith.index_cast %get3A_675 : i32 to index
      %get3A_678 = arith.index_cast %get3A_676 : i32 to index
      %get3A_679 = arith.index_cast %scan3A_407 : i32 to index
      %get3A_680 = arith.constant 48 : index
      %get3A_681 = tpu.vector_load %arg9[%get3A_677, %get3A_678, %get3A_679, %get3A_680] {strides = array<i32>} : memref<3x8x32x96xf32, #tpu.memory_space<vmem>>, vector<1x1x1x16xf32>,
      %get3A_682 = vector.shape_cast %get3A_681 : vector<1x1x1x16xf32> to vector<16xf32>
      %mul3A_683 = arith.mulf %broadcast_in_dim3A_162, %get3A_682 : vector<16xf32>
      %add3A_684 = arith.addf %mul3A_674, %mul3A_683 : vector<16xf32>
      %get3A_685 = arith.constant 0 : i32
      %get3A_686 = arith.constant 2 : i32
      %get3A_687 = arith.index_cast %get3A_685 : i32 to index
      %get3A_688 = arith.index_cast %get3A_686 : i32 to index
      %get3A_689 = arith.index_cast %scan3A_407 : i32 to index
      %get3A_690 = arith.constant 48 : index
      %get3A_691 = tpu.vector_load %arg9[%get3A_687, %get3A_688, %get3A_689, %get3A_690] {strides = array<i32>} : memref<3x8x32x96xf32, #tpu.memory_space<vmem>>, vector<1x1x1x16xf32>,
      %get3A_692 = vector.shape_cast %get3A_691 : vector<1x1x1x16xf32> to vector<16xf32>
      %mul3A_693 = arith.mulf %broadcast_in_dim3A_170, %get3A_692 : vector<16xf32>
      %add3A_694 = arith.addf %add3A_684, %mul3A_693 : vector<16xf32>
      %get3A_695 = arith.constant 0 : i32
      %get3A_696 = arith.constant 3 : i32
      %get3A_697 = arith.index_cast %get3A_695 : i32 to index
      %get3A_698 = arith.index_cast %get3A_696 : i32 to index
      %get3A_699 = arith.index_cast %scan3A_407 : i32 to index
      %get3A_700 = arith.constant 48 : index
      %get3A_701 = tpu.vector_load %arg9[%get3A_697, %get3A_698, %get3A_699, %get3A_700] {strides = array<i32>} : memref<3x8x32x96xf32, #tpu.memory_space<vmem>>, vector<1x1x1x16xf32>,
      %get3A_702 = vector.shape_cast %get3A_701 : vector<1x1x1x16xf32> to vector<16xf32>
      %mul3A_703 = arith.mulf %broadcast_in_dim3A_178, %get3A_702 : vector<16xf32>
      %add3A_704 = arith.addf %add3A_694, %mul3A_703 : vector<16xf32>
      %get3A_705 = arith.constant 0 : i32
      %get3A_706 = arith.constant 4 : i32
      %get3A_707 = arith.index_cast %get3A_705 : i32 to index
      %get3A_708 = arith.index_cast %get3A_706 : i32 to index
      %get3A_709 = arith.index_cast %scan3A_407 : i32 to index
      %get3A_710 = arith.constant 48 : index
      %get3A_711 = tpu.vector_load %arg9[%get3A_707, %get3A_708, %get3A_709, %get3A_710] {strides = array<i32>} : memref<3x8x32x96xf32, #tpu.memory_space<vmem>>, vector<1x1x1x16xf32>,
      %get3A_712 = vector.shape_cast %get3A_711 : vector<1x1x1x16xf32> to vector<16xf32>
      %mul3A_713 = arith.mulf %broadcast_in_dim3A_186, %get3A_712 : vector<16xf32>
      %add3A_714 = arith.addf %add3A_704, %mul3A_713 : vector<16xf32>
      %get3A_715 = arith.constant 0 : i32
      %get3A_716 = arith.constant 5 : i32
      %get3A_717 = arith.index_cast %get3A_715 : i32 to index
      %get3A_718 = arith.index_cast %get3A_716 : i32 to index
      %get3A_719 = arith.index_cast %scan3A_407 : i32 to index
      %get3A_720 = arith.constant 48 : index
      %get3A_721 = tpu.vector_load %arg9[%get3A_717, %get3A_718, %get3A_719, %get3A_720] {strides = array<i32>} : memref<3x8x32x96xf32, #tpu.memory_space<vmem>>, vector<1x1x1x16xf32>,
      %get3A_722 = vector.shape_cast %get3A_721 : vector<1x1x1x16xf32> to vector<16xf32>
      %mul3A_723 = arith.mulf %broadcast_in_dim3A_194, %get3A_722 : vector<16xf32>
      %add3A_724 = arith.addf %add3A_714, %mul3A_723 : vector<16xf32>
      %get3A_725 = arith.constant 0 : i32
      %get3A_726 = arith.constant 6 : i32
      %get3A_727 = arith.index_cast %get3A_725 : i32 to index
      %get3A_728 = arith.index_cast %get3A_726 : i32 to index
      %get3A_729 = arith.index_cast %scan3A_407 : i32 to index
      %get3A_730 = arith.constant 48 : index
      %get3A_731 = tpu.vector_load %arg9[%get3A_727, %get3A_728, %get3A_729, %get3A_730] {strides = array<i32>} : memref<3x8x32x96xf32, #tpu.memory_space<vmem>>, vector<1x1x1x16xf32>,
      %get3A_732 = vector.shape_cast %get3A_731 : vector<1x1x1x16xf32> to vector<16xf32>
      %mul3A_733 = arith.mulf %broadcast_in_dim3A_202, %get3A_732 : vector<16xf32>
      %add3A_734 = arith.addf %add3A_724, %mul3A_733 : vector<16xf32>
      %get3A_735 = arith.constant 0 : i32
      %get3A_736 = arith.constant 7 : i32
      %get3A_737 = arith.index_cast %get3A_735 : i32 to index
      %get3A_738 = arith.index_cast %get3A_736 : i32 to index
      %get3A_739 = arith.index_cast %scan3A_407 : i32 to index
      %get3A_740 = arith.constant 48 : index
      %get3A_741 = tpu.vector_load %arg9[%get3A_737, %get3A_738, %get3A_739, %get3A_740] {strides = array<i32>} : memref<3x8x32x96xf32, #tpu.memory_space<vmem>>, vector<1x1x1x16xf32>,
      %get3A_742 = vector.shape_cast %get3A_741 : vector<1x1x1x16xf32> to vector<16xf32>
      %mul3A_743 = arith.mulf %broadcast_in_dim3A_210, %get3A_742 : vector<16xf32>
      %add3A_744 = arith.addf %add3A_734, %mul3A_743 : vector<16xf32>
      %swap3A_745 = arith.constant 0 : i32
      %swap3A_746 = arith.index_cast %swap3A_745 : i32 to index
      %swap3A_747 = arith.index_cast %scan3A_407 : i32 to index
      %swap3A_748 = arith.constant 48 : index
      %swap3A_749 = tpu.vector_load %arg10[%swap3A_746, %swap3A_747, %swap3A_748] {strides = array<i32>} : memref<3x32x96xf32, #tpu.memory_space<vmem>>, vector<1x1x16xf32>,
      %swap3A_750 = vector.shape_cast %swap3A_749 : vector<1x1x16xf32> to vector<16xf32>
      %swap3A_751 = vector.shape_cast %add3A_744 : vector<16xf32> to vector<1x1x16xf32>
      tpu.vector_store %arg10[%swap3A_746, %swap3A_747, %swap3A_748], %swap3A_751 {strides = array<i32>} : memref<3x32x96xf32, #tpu.memory_space<vmem>>, vector<1x1x16xf32>,
      %get3A_752 = arith.constant 0 : i32
      %get3A_753 = arith.constant 0 : i32
      %get3A_754 = arith.index_cast %get3A_752 : i32 to index
      %get3A_755 = arith.index_cast %get3A_753 : i32 to index
      %get3A_756 = arith.index_cast %scan3A_407 : i32 to index
      %get3A_757 = arith.constant 64 : index
      %get3A_758 = tpu.vector_load %arg9[%get3A_754, %get3A_755, %get3A_756, %get3A_757] {strides = array<i32>} : memref<3x8x32x96xf32, #tpu.memory_space<vmem>>, vector<1x1x1x16xf32>,
      %get3A_759 = vector.shape_cast %get3A_758 : vector<1x1x1x16xf32> to vector<16xf32>
      %mul3A_760 = arith.mulf %broadcast_in_dim3A, %get3A_759 : vector<16xf32>
      %get3A_761 = arith.constant 0 : i32
      %get3A_762 = arith.constant 1 : i32
      %get3A_763 = arith.index_cast %get3A_761 : i32 to index
      %get3A_764 = arith.index_cast %get3A_762 : i32 to index
      %get3A_765 = arith.index_cast %scan3A_407 : i32 to index
      %get3A_766 = arith.constant 64 : index
      %get3A_767 = tpu.vector_load %arg9[%get3A_763, %get3A_764, %get3A_765, %get3A_766] {strides = array<i32>} : memref<3x8x32x96xf32, #tpu.memory_space<vmem>>, vector<1x1x1x16xf32>,
      %get3A_768 = vector.shape_cast %get3A_767 : vector<1x1x1x16xf32> to vector<16xf32>
      %mul3A_769 = arith.mulf %broadcast_in_dim3A_162, %get3A_768 : vector<16xf32>
      %add3A_770 = arith.addf %mul3A_760, %mul3A_769 : vector<16xf32>
      %get3A_771 = arith.constant 0 : i32
      %get3A_772 = arith.constant 2 : i32
      %get3A_773 = arith.index_cast %get3A_771 : i32 to index
      %get3A_774 = arith.index_cast %get3A_772 : i32 to index
      %get3A_775 = arith.index_cast %scan3A_407 : i32 to index
      %get3A_776 = arith.constant 64 : index
      %get3A_777 = tpu.vector_load %arg9[%get3A_773, %get3A_774, %get3A_775, %get3A_776] {strides = array<i32>} : memref<3x8x32x96xf32, #tpu.memory_space<vmem>>, vector<1x1x1x16xf32>,
      %get3A_778 = vector.shape_cast %get3A_777 : vector<1x1x1x16xf32> to vector<16xf32>
      %mul3A_779 = arith.mulf %broadcast_in_dim3A_170, %get3A_778 : vector<16xf32>
      %add3A_780 = arith.addf %add3A_770, %mul3A_779 : vector<16xf32>
      %get3A_781 = arith.constant 0 : i32
      %get3A_782 = arith.constant 3 : i32
      %get3A_783 = arith.index_cast %get3A_781 : i32 to index
      %get3A_784 = arith.index_cast %get3A_782 : i32 to index
      %get3A_785 = arith.index_cast %scan3A_407 : i32 to index
      %get3A_786 = arith.constant 64 : index
      %get3A_787 = tpu.vector_load %arg9[%get3A_783, %get3A_784, %get3A_785, %get3A_786] {strides = array<i32>} : memref<3x8x32x96xf32, #tpu.memory_space<vmem>>, vector<1x1x1x16xf32>,
      %get3A_788 = vector.shape_cast %get3A_787 : vector<1x1x1x16xf32> to vector<16xf32>
      %mul3A_789 = arith.mulf %broadcast_in_dim3A_178, %get3A_788 : vector<16xf32>
      %add3A_790 = arith.addf %add3A_780, %mul3A_789 : vector<16xf32>
      %get3A_791 = arith.constant 0 : i32
      %get3A_792 = arith.constant 4 : i32
      %get3A_793 = arith.index_cast %get3A_791 : i32 to index
      %get3A_794 = arith.index_cast %get3A_792 : i32 to index
      %get3A_795 = arith.index_cast %scan3A_407 : i32 to index
      %get3A_796 = arith.constant 64 : index
      %get3A_797 = tpu.vector_load %arg9[%get3A_793, %get3A_794, %get3A_795, %get3A_796] {strides = array<i32>} : memref<3x8x32x96xf32, #tpu.memory_space<vmem>>, vector<1x1x1x16xf32>,
      %get3A_798 = vector.shape_cast %get3A_797 : vector<1x1x1x16xf32> to vector<16xf32>
      %mul3A_799 = arith.mulf %broadcast_in_dim3A_186, %get3A_798 : vector<16xf32>
      %add3A_800 = arith.addf %add3A_790, %mul3A_799 : vector<16xf32>
      %get3A_801 = arith.constant 0 : i32
      %get3A_802 = arith.constant 5 : i32
      %get3A_803 = arith.index_cast %get3A_801 : i32 to index
      %get3A_804 = arith.index_cast %get3A_802 : i32 to index
      %get3A_805 = arith.index_cast %scan3A_407 : i32 to index
      %get3A_806 = arith.constant 64 : index
      %get3A_807 = tpu.vector_load %arg9[%get3A_803, %get3A_804, %get3A_805, %get3A_806] {strides = array<i32>} : memref<3x8x32x96xf32, #tpu.memory_space<vmem>>, vector<1x1x1x16xf32>,
      %get3A_808 = vector.shape_cast %get3A_807 : vector<1x1x1x16xf32> to vector<16xf32>
      %mul3A_809 = arith.mulf %broadcast_in_dim3A_194, %get3A_808 : vector<16xf32>
      %add3A_810 = arith.addf %add3A_800, %mul3A_809 : vector<16xf32>
      %get3A_811 = arith.constant 0 : i32
      %get3A_812 = arith.constant 6 : i32
      %get3A_813 = arith.index_cast %get3A_811 : i32 to index
      %get3A_814 = arith.index_cast %get3A_812 : i32 to index
      %get3A_815 = arith.index_cast %scan3A_407 : i32 to index
      %get3A_816 = arith.constant 64 : index
      %get3A_817 = tpu.vector_load %arg9[%get3A_813, %get3A_814, %get3A_815, %get3A_816] {strides = array<i32>} : memref<3x8x32x96xf32, #tpu.memory_space<vmem>>, vector<1x1x1x16xf32>,
      %get3A_818 = vector.shape_cast %get3A_817 : vector<1x1x1x16xf32> to vector<16xf32>
      %mul3A_819 = arith.mulf %broadcast_in_dim3A_202, %get3A_818 : vector<16xf32>
      %add3A_820 = arith.addf %add3A_810, %mul3A_819 : vector<16xf32>
      %get3A_821 = arith.constant 0 : i32
      %get3A_822 = arith.constant 7 : i32
      %get3A_823 = arith.index_cast %get3A_821 : i32 to index
      %get3A_824 = arith.index_cast %get3A_822 : i32 to index
      %get3A_825 = arith.index_cast %scan3A_407 : i32 to index
      %get3A_826 = arith.constant 64 : index
      %get3A_827 = tpu.vector_load %arg9[%get3A_823, %get3A_824, %get3A_825, %get3A_826] {strides = array<i32>} : memref<3x8x32x96xf32, #tpu.memory_space<vmem>>, vector<1x1x1x16xf32>,
      %get3A_828 = vector.shape_cast %get3A_827 : vector<1x1x1x16xf32> to vector<16xf32>
      %mul3A_829 = arith.mulf %broadcast_in_dim3A_210, %get3A_828 : vector<16xf32>
      %add3A_830 = arith.addf %add3A_820, %mul3A_829 : vector<16xf32>
      %swap3A_831 = arith.constant 0 : i32
      %swap3A_832 = arith.index_cast %swap3A_831 : i32 to index
      %swap3A_833 = arith.index_cast %scan3A_407 : i32 to index
      %swap3A_834 = arith.constant 64 : index
      %swap3A_835 = tpu.vector_load %arg10[%swap3A_832, %swap3A_833, %swap3A_834] {strides = array<i32>} : memref<3x32x96xf32, #tpu.memory_space<vmem>>, vector<1x1x16xf32>,
      %swap3A_836 = vector.shape_cast %swap3A_835 : vector<1x1x16xf32> to vector<16xf32>
      %swap3A_837 = vector.shape_cast %add3A_830 : vector<16xf32> to vector<1x1x16xf32>
      tpu.vector_store %arg10[%swap3A_832, %swap3A_833, %swap3A_834], %swap3A_837 {strides = array<i32>} : memref<3x32x96xf32, #tpu.memory_space<vmem>>, vector<1x1x16xf32>,
      %get3A_838 = arith.constant 0 : i32
      %get3A_839 = arith.constant 0 : i32
      %get3A_840 = arith.index_cast %get3A_838 : i32 to index
      %get3A_841 = arith.index_cast %get3A_839 : i32 to index
      %get3A_842 = arith.index_cast %scan3A_407 : i32 to index
      %get3A_843 = arith.constant 80 : index
      %get3A_844 = tpu.vector_load %arg9[%get3A_840, %get3A_841, %get3A_842, %get3A_843] {strides = array<i32>} : memref<3x8x32x96xf32, #tpu.memory_space<vmem>>, vector<1x1x1x16xf32>,
      %get3A_845 = vector.shape_cast %get3A_844 : vector<1x1x1x16xf32> to vector<16xf32>
      %mul3A_846 = arith.mulf %broadcast_in_dim3A, %get3A_845 : vector<16xf32>
      %get3A_847 = arith.constant 0 : i32
      %get3A_848 = arith.constant 1 : i32
      %get3A_849 = arith.index_cast %get3A_847 : i32 to index
      %get3A_850 = arith.index_cast %get3A_848 : i32 to index
      %get3A_851 = arith.index_cast %scan3A_407 : i32 to index
      %get3A_852 = arith.constant 80 : index
      %get3A_853 = tpu.vector_load %arg9[%get3A_849, %get3A_850, %get3A_851, %get3A_852] {strides = array<i32>} : memref<3x8x32x96xf32, #tpu.memory_space<vmem>>, vector<1x1x1x16xf32>,
      %get3A_854 = vector.shape_cast %get3A_853 : vector<1x1x1x16xf32> to vector<16xf32>
      %mul3A_855 = arith.mulf %broadcast_in_dim3A_162, %get3A_854 : vector<16xf32>
      %add3A_856 = arith.addf %mul3A_846, %mul3A_855 : vector<16xf32>
      %get3A_857 = arith.constant 0 : i32
      %get3A_858 = arith.constant 2 : i32
      %get3A_859 = arith.index_cast %get3A_857 : i32 to index
      %get3A_860 = arith.index_cast %get3A_858 : i32 to index
      %get3A_861 = arith.index_cast %scan3A_407 : i32 to index
      %get3A_862 = arith.constant 80 : index
      %get3A_863 = tpu.vector_load %arg9[%get3A_859, %get3A_860, %get3A_861, %get3A_862] {strides = array<i32>} : memref<3x8x32x96xf32, #tpu.memory_space<vmem>>, vector<1x1x1x16xf32>,
      %get3A_864 = vector.shape_cast %get3A_863 : vector<1x1x1x16xf32> to vector<16xf32>
      %mul3A_865 = arith.mulf %broadcast_in_dim3A_170, %get3A_864 : vector<16xf32>
      %add3A_866 = arith.addf %add3A_856, %mul3A_865 : vector<16xf32>
      %get3A_867 = arith.constant 0 : i32
      %get3A_868 = arith.constant 3 : i32
      %get3A_869 = arith.index_cast %get3A_867 : i32 to index
      %get3A_870 = arith.index_cast %get3A_868 : i32 to index
      %get3A_871 = arith.index_cast %scan3A_407 : i32 to index
      %get3A_872 = arith.constant 80 : index
      %get3A_873 = tpu.vector_load %arg9[%get3A_869, %get3A_870, %get3A_871, %get3A_872] {strides = array<i32>} : memref<3x8x32x96xf32, #tpu.memory_space<vmem>>, vector<1x1x1x16xf32>,
      %get3A_874 = vector.shape_cast %get3A_873 : vector<1x1x1x16xf32> to vector<16xf32>
      %mul3A_875 = arith.mulf %broadcast_in_dim3A_178, %get3A_874 : vector<16xf32>
      %add3A_876 = arith.addf %add3A_866, %mul3A_875 : vector<16xf32>
      %get3A_877 = arith.constant 0 : i32
      %get3A_878 = arith.constant 4 : i32
      %get3A_879 = arith.index_cast %get3A_877 : i32 to index
      %get3A_880 = arith.index_cast %get3A_878 : i32 to index
      %get3A_881 = arith.index_cast %scan3A_407 : i32 to index
      %get3A_882 = arith.constant 80 : index
      %get3A_883 = tpu.vector_load %arg9[%get3A_879, %get3A_880, %get3A_881, %get3A_882] {strides = array<i32>} : memref<3x8x32x96xf32, #tpu.memory_space<vmem>>, vector<1x1x1x16xf32>,
      %get3A_884 = vector.shape_cast %get3A_883 : vector<1x1x1x16xf32> to vector<16xf32>
      %mul3A_885 = arith.mulf %broadcast_in_dim3A_186, %get3A_884 : vector<16xf32>
      %add3A_886 = arith.addf %add3A_876, %mul3A_885 : vector<16xf32>
      %get3A_887 = arith.constant 0 : i32
      %get3A_888 = arith.constant 5 : i32
      %get3A_889 = arith.index_cast %get3A_887 : i32 to index
      %get3A_890 = arith.index_cast %get3A_888 : i32 to index
      %get3A_891 = arith.index_cast %scan3A_407 : i32 to index
      %get3A_892 = arith.constant 80 : index
      %get3A_893 = tpu.vector_load %arg9[%get3A_889, %get3A_890, %get3A_891, %get3A_892] {strides = array<i32>} : memref<3x8x32x96xf32, #tpu.memory_space<vmem>>, vector<1x1x1x16xf32>,
      %get3A_894 = vector.shape_cast %get3A_893 : vector<1x1x1x16xf32> to vector<16xf32>
      %mul3A_895 = arith.mulf %broadcast_in_dim3A_194, %get3A_894 : vector<16xf32>
      %add3A_896 = arith.addf %add3A_886, %mul3A_895 : vector<16xf32>
      %get3A_897 = arith.constant 0 : i32
      %get3A_898 = arith.constant 6 : i32
      %get3A_899 = arith.index_cast %get3A_897 : i32 to index
      %get3A_900 = arith.index_cast %get3A_898 : i32 to index
      %get3A_901 = arith.index_cast %scan3A_407 : i32 to index
      %get3A_902 = arith.constant 80 : index
      %get3A_903 = tpu.vector_load %arg9[%get3A_899, %get3A_900, %get3A_901, %get3A_902] {strides = array<i32>} : memref<3x8x32x96xf32, #tpu.memory_space<vmem>>, vector<1x1x1x16xf32>,
      %get3A_904 = vector.shape_cast %get3A_903 : vector<1x1x1x16xf32> to vector<16xf32>
      %mul3A_905 = arith.mulf %broadcast_in_dim3A_202, %get3A_904 : vector<16xf32>
      %add3A_906 = arith.addf %add3A_896, %mul3A_905 : vector<16xf32>
      %get3A_907 = arith.constant 0 : i32
      %get3A_908 = arith.constant 7 : i32
      %get3A_909 = arith.index_cast %get3A_907 : i32 to index
      %get3A_910 = arith.index_cast %get3A_908 : i32 to index
      %get3A_911 = arith.index_cast %scan3A_407 : i32 to index
      %get3A_912 = arith.constant 80 : index
      %get3A_913 = tpu.vector_load %arg9[%get3A_909, %get3A_910, %get3A_911, %get3A_912] {strides = array<i32>} : memref<3x8x32x96xf32, #tpu.memory_space<vmem>>, vector<1x1x1x16xf32>,
      %get3A_914 = vector.shape_cast %get3A_913 : vector<1x1x1x16xf32> to vector<16xf32>
      %mul3A_915 = arith.mulf %broadcast_in_dim3A_210, %get3A_914 : vector<16xf32>
      %add3A_916 = arith.addf %add3A_906, %mul3A_915 : vector<16xf32>
      %swap3A_917 = arith.constant 0 : i32
      %swap3A_918 = arith.index_cast %swap3A_917 : i32 to index
      %swap3A_919 = arith.index_cast %scan3A_407 : i32 to index
      %swap3A_920 = arith.constant 80 : index
      %swap3A_921 = tpu.vector_load %arg10[%swap3A_918, %swap3A_919, %swap3A_920] {strides = array<i32>} : memref<3x32x96xf32, #tpu.memory_space<vmem>>, vector<1x1x16xf32>,
      %swap3A_922 = vector.shape_cast %swap3A_921 : vector<1x1x16xf32> to vector<16xf32>
      %swap3A_923 = vector.shape_cast %add3A_916 : vector<16xf32> to vector<1x1x16xf32>
      tpu.vector_store %arg10[%swap3A_918, %swap3A_919, %swap3A_920], %swap3A_923 {strides = array<i32>} : memref<3x32x96xf32, #tpu.memory_space<vmem>>, vector<1x1x16xf32>,
    }
    %scan3A_330 = arith.constant 32 : i32
    %dma_start3A_331 = arith.constant 0 : i32
    %dma_start3A_332 = arith.constant 63 : i32
    %dma_start3A_333 = arith.constant 0 : i32
    %dma_start3A_334 = arith.constant 0 : i32
    %dma_start3A_335 = arith.constant 0 : i32
    %dma_start3A_336 = tpu.memref_slice %arg10[%dma_start3A_331, %dma_start3A_334, %dma_start3A_335] : memref<3x32x96xf32, #tpu.memory_space<vmem>> -> memref<1x32x96xf32, #tpu.memory_space<vmem>>
    %dma_start3A_337 = tpu.memref_squeeze %dma_start3A_336 : memref<1x32x96xf32, #tpu.memory_space<vmem>> -> memref<32x96xf32, #tpu.memory_space<vmem>>
    %dma_start3A_338 = arith.constant 0 : i32
    %dma_start3A_339 = tpu.memref_slice %arg5[%select_n3A, %dma_start3A_332, %mul3A_32, %dma_start3A_338] : memref<16x64x64x96xf32, #tpu.memory_space<hbm>> -> memref<1x1x32x96xf32, #tpu.memory_space<hbm>>
    %dma_start3A_340 = tpu.memref_squeeze %dma_start3A_339 : memref<1x1x32x96xf32, #tpu.memory_space<hbm>> -> memref<32x96xf32, #tpu.memory_space<hbm>>
    %dma_start3A_341 = tpu.memref_slice %arg12[%dma_start3A_333] : memref<3x!tpu.dma_semaphore, #tpu.memory_space<semaphore_mem>> -> memref<1x!tpu.dma_semaphore, #tpu.memory_space<semaphore_mem>>
    %dma_start3A_342 = tpu.memref_squeeze %dma_start3A_341 : memref<1x!tpu.dma_semaphore, #tpu.memory_space<semaphore_mem>> -> memref<!tpu.dma_semaphore, #tpu.memory_space<semaphore_mem>>
    %dma_start3A_343 = arith.constant 0 : i32
    %dma_start3A_344 = tpu.memref_slice %arg5[%select_n3A, %dma_start3A_332, %mul3A_32, %dma_start3A_343] : memref<16x64x64x96xf32, #tpu.memory_space<hbm>> -> memref<1x1x32x96xf32, #tpu.memory_space<hbm>>
    %dma_start3A_345 = tpu.memref_squeeze %dma_start3A_344 : memref<1x1x32x96xf32, #tpu.memory_space<hbm>> -> memref<32x96xf32, #tpu.memory_space<hbm>>
    %dma_start3A_346 = arith.constant 0 : i32
    %dma_start3A_347 = arith.constant 0 : i32
    %dma_start3A_348 = tpu.memref_slice %arg10[%dma_start3A_331, %dma_start3A_346, %dma_start3A_347] : memref<3x32x96xf32, #tpu.memory_space<vmem>> -> memref<1x32x96xf32, #tpu.memory_space<vmem>>
    %dma_start3A_349 = tpu.memref_squeeze %dma_start3A_348 : memref<1x32x96xf32, #tpu.memory_space<vmem>> -> memref<32x96xf32, #tpu.memory_space<vmem>>
    tpu.enqueue_dma source(%dma_start3A_349 : memref<32x96xf32, #tpu.memory_space<vmem>>) target(%dma_start3A_345 : memref<32x96xf32, #tpu.memory_space<hbm>>) target_semaphore(%dma_start3A_342 : memref<!tpu.dma_semaphore, #tpu.memory_space<semaphore_mem>>)
    %dma_wait3A_350 = arith.constant 0 : i32
    %dma_wait3A_351 = arith.constant 0 : i32
    %dma_wait3A_352 = arith.constant 0 : i32
    %dma_wait3A_353 = arith.constant 0 : i32
    %dma_wait3A_354 = arith.constant 0 : i32
    %dma_wait3A_355 = tpu.memref_slice %arg10[%dma_wait3A_350, %dma_wait3A_353, %dma_wait3A_354] : memref<3x32x96xf32, #tpu.memory_space<vmem>> -> memref<1x32x96xf32, #tpu.memory_space<vmem>>
    %dma_wait3A_356 = tpu.memref_squeeze %dma_wait3A_355 : memref<1x32x96xf32, #tpu.memory_space<vmem>> -> memref<32x96xf32, #tpu.memory_space<vmem>>
    %dma_wait3A_357 = arith.constant 0 : i32
    %dma_wait3A_358 = tpu.memref_slice %arg5[%select_n3A, %dma_wait3A_351, %mul3A_32, %dma_wait3A_357] : memref<16x64x64x96xf32, #tpu.memory_space<hbm>> -> memref<1x1x32x96xf32, #tpu.memory_space<hbm>>
    %dma_wait3A_359 = tpu.memref_squeeze %dma_wait3A_358 : memref<1x1x32x96xf32, #tpu.memory_space<hbm>> -> memref<32x96xf32, #tpu.memory_space<hbm>>
    %dma_wait3A_360 = tpu.memref_slice %arg12[%dma_wait3A_352] : memref<3x!tpu.dma_semaphore, #tpu.memory_space<semaphore_mem>> -> memref<1x!tpu.dma_semaphore, #tpu.memory_space<semaphore_mem>>
    %dma_wait3A_361 = tpu.memref_squeeze %dma_wait3A_360 : memref<1x!tpu.dma_semaphore, #tpu.memory_space<semaphore_mem>> -> memref<!tpu.dma_semaphore, #tpu.memory_space<semaphore_mem>>
    %dma_wait3A_362 = arith.constant 0 : i32
    %dma_wait3A_363 = tpu.memref_slice %arg5[%select_n3A, %dma_wait3A_351, %mul3A_32, %dma_wait3A_362] : memref<16x64x64x96xf32, #tpu.memory_space<hbm>> -> memref<1x1x32x96xf32, #tpu.memory_space<hbm>>
    %dma_wait3A_364 = tpu.memref_squeeze %dma_wait3A_363 : memref<1x1x32x96xf32, #tpu.memory_space<hbm>> -> memref<32x96xf32, #tpu.memory_space<hbm>>
    %dma_wait3A_365 = arith.constant 0 : i32
    %dma_wait3A_366 = arith.constant 0 : i32
    %dma_wait3A_367 = tpu.memref_slice %arg10[%dma_wait3A_350, %dma_wait3A_365, %dma_wait3A_366] : memref<3x32x96xf32, #tpu.memory_space<vmem>> -> memref<1x32x96xf32, #tpu.memory_space<vmem>>
    %dma_wait3A_368 = tpu.memref_squeeze %dma_wait3A_367 : memref<1x32x96xf32, #tpu.memory_space<vmem>> -> memref<32x96xf32, #tpu.memory_space<vmem>>
    tpu.wait_dma2 semaphore(%dma_wait3A_361 : memref<!tpu.dma_semaphore, #tpu.memory_space<semaphore_mem>>) src(%dma_wait3A_368 : memref<32x96xf32, #tpu.memory_space<vmem>>) dst(%dma_wait3A_364 : memref<32x96xf32, #tpu.memory_space<hbm>>)
    %dma_wait3A_369 = arith.constant 1 : i32
    %dma_wait3A_370 = arith.constant 0 : i32
    %dma_wait3A_371 = arith.constant 1 : i32
    %dma_wait3A_372 = arith.constant 0 : i32
    %dma_wait3A_373 = arith.constant 0 : i32
    %dma_wait3A_374 = tpu.memref_slice %arg10[%dma_wait3A_369, %dma_wait3A_372, %dma_wait3A_373] : memref<3x32x96xf32, #tpu.memory_space<vmem>> -> memref<1x32x96xf32, #tpu.memory_space<vmem>>
    %dma_wait3A_375 = tpu.memref_squeeze %dma_wait3A_374 : memref<1x32x96xf32, #tpu.memory_space<vmem>> -> memref<32x96xf32, #tpu.memory_space<vmem>>
    %dma_wait3A_376 = arith.constant 0 : i32
    %dma_wait3A_377 = tpu.memref_slice %arg5[%select_n3A, %dma_wait3A_370, %mul3A_32, %dma_wait3A_376] : memref<16x64x64x96xf32, #tpu.memory_space<hbm>> -> memref<1x1x32x96xf32, #tpu.memory_space<hbm>>
    %dma_wait3A_378 = tpu.memref_squeeze %dma_wait3A_377 : memref<1x1x32x96xf32, #tpu.memory_space<hbm>> -> memref<32x96xf32, #tpu.memory_space<hbm>>
    %dma_wait3A_379 = tpu.memref_slice %arg12[%dma_wait3A_371] : memref<3x!tpu.dma_semaphore, #tpu.memory_space<semaphore_mem>> -> memref<1x!tpu.dma_semaphore, #tpu.memory_space<semaphore_mem>>
    %dma_wait3A_380 = tpu.memref_squeeze %dma_wait3A_379 : memref<1x!tpu.dma_semaphore, #tpu.memory_space<semaphore_mem>> -> memref<!tpu.dma_semaphore, #tpu.memory_space<semaphore_mem>>
    %dma_wait3A_381 = arith.constant 0 : i32
    %dma_wait3A_382 = tpu.memref_slice %arg5[%select_n3A, %dma_wait3A_370, %mul3A_32, %dma_wait3A_381] : memref<16x64x64x96xf32, #tpu.memory_space<hbm>> -> memref<1x1x32x96xf32, #tpu.memory_space<hbm>>
    %dma_wait3A_383 = tpu.memref_squeeze %dma_wait3A_382 : memref<1x1x32x96xf32, #tpu.memory_space<hbm>> -> memref<32x96xf32, #tpu.memory_space<hbm>>
    %dma_wait3A_384 = arith.constant 0 : i32
    %dma_wait3A_385 = arith.constant 0 : i32
    %dma_wait3A_386 = tpu.memref_slice %arg10[%dma_wait3A_369, %dma_wait3A_384, %dma_wait3A_385] : memref<3x32x96xf32, #tpu.memory_space<vmem>> -> memref<1x32x96xf32, #tpu.memory_space<vmem>>
    %dma_wait3A_387 = tpu.memref_squeeze %dma_wait3A_386 : memref<1x32x96xf32, #tpu.memory_space<vmem>> -> memref<32x96xf32, #tpu.memory_space<vmem>>
    tpu.wait_dma2 semaphore(%dma_wait3A_380 : memref<!tpu.dma_semaphore, #tpu.memory_space<semaphore_mem>>) src(%dma_wait3A_387 : memref<32x96xf32, #tpu.memory_space<vmem>>) dst(%dma_wait3A_383 : memref<32x96xf32, #tpu.memory_space<hbm>>)
    %dma_wait3A_388 = arith.constant 2 : i32
    %dma_wait3A_389 = arith.constant 0 : i32
    %dma_wait3A_390 = arith.constant 2 : i32
    %dma_wait3A_391 = arith.constant 0 : i32
    %dma_wait3A_392 = arith.constant 0 : i32
    %dma_wait3A_393 = tpu.memref_slice %arg10[%dma_wait3A_388, %dma_wait3A_391, %dma_wait3A_392] : memref<3x32x96xf32, #tpu.memory_space<vmem>> -> memref<1x32x96xf32, #tpu.memory_space<vmem>>
    %dma_wait3A_394 = tpu.memref_squeeze %dma_wait3A_393 : memref<1x32x96xf32, #tpu.memory_space<vmem>> -> memref<32x96xf32, #tpu.memory_space<vmem>>
    %dma_wait3A_395 = arith.constant 0 : i32
    %dma_wait3A_396 = tpu.memref_slice %arg5[%select_n3A, %dma_wait3A_389, %mul3A_32, %dma_wait3A_395] : memref<16x64x64x96xf32, #tpu.memory_space<hbm>> -> memref<1x1x32x96xf32, #tpu.memory_space<hbm>>
    %dma_wait3A_397 = tpu.memref_squeeze %dma_wait3A_396 : memref<1x1x32x96xf32, #tpu.memory_space<hbm>> -> memref<32x96xf32, #tpu.memory_space<hbm>>
    %dma_wait3A_398 = tpu.memref_slice %arg12[%dma_wait3A_390] : memref<3x!tpu.dma_semaphore, #tpu.memory_space<semaphore_mem>> -> memref<1x!tpu.dma_semaphore, #tpu.memory_space<semaphore_mem>>
    %dma_wait3A_399 = tpu.memref_squeeze %dma_wait3A_398 : memref<1x!tpu.dma_semaphore, #tpu.memory_space<semaphore_mem>> -> memref<!tpu.dma_semaphore, #tpu.memory_space<semaphore_mem>>
    %dma_wait3A_400 = arith.constant 0 : i32
    %dma_wait3A_401 = tpu.memref_slice %arg5[%select_n3A, %dma_wait3A_389, %mul3A_32, %dma_wait3A_400] : memref<16x64x64x96xf32, #tpu.memory_space<hbm>> -> memref<1x1x32x96xf32, #tpu.memory_space<hbm>>
    %dma_wait3A_402 = tpu.memref_squeeze %dma_wait3A_401 : memref<1x1x32x96xf32, #tpu.memory_space<hbm>> -> memref<32x96xf32, #tpu.memory_space<hbm>>
    %dma_wait3A_403 = arith.constant 0 : i32
    %dma_wait3A_404 = arith.constant 0 : i32
    %dma_wait3A_405 = tpu.memref_slice %arg10[%dma_wait3A_388, %dma_wait3A_403, %dma_wait3A_404] : memref<3x32x96xf32, #tpu.memory_space<vmem>> -> memref<1x32x96xf32, #tpu.memory_space<vmem>>
    %dma_wait3A_406 = tpu.memref_squeeze %dma_wait3A_405 : memref<1x32x96xf32, #tpu.memory_space<vmem>> -> memref<32x96xf32, #tpu.memory_space<vmem>>
    tpu.wait_dma2 semaphore(%dma_wait3A_399 : memref<!tpu.dma_semaphore, #tpu.memory_space<semaphore_mem>>) src(%dma_wait3A_406 : memref<32x96xf32, #tpu.memory_space<vmem>>) dst(%dma_wait3A_402 : memref<32x96xf32, #tpu.memory_space<hbm>>)
    return
  }
}

</mosaic_0001>

<sc_bundles>
// kernel: kernel.3.cloned.1.call-start
scs
__scs_entry_jumppad:
0x0: {  	(pc) =	sbr.rel $0x88, $3  }
0x1: {  	(tag) =	ssettag $0x0;
	lr =	simm.s32 $0x1  }
0x2: {  	[smem:$0x3F9E] =	sst lr;
	_ =	strace $0xD0000000  }
0x3: {  	_ = 	snop  }
0x4: {  	_ = 	snop  }
0x5: {  	_ = 	snop  }
0x6: {  	_ = 	snop  }
0x7: {  	_ = 	snop  }
__scs_overlays_trampoline_lowered:
0x8: {  	[smem:$0x3FAD] =	sst s0  }
0x9: {  	[smem:$0x3FAE] =	sst s1  }
0xa: {  	[smem:$0x3FAF] =	sst s2  }
0xb: {  	[smem:$0x3FB0] =	sst s3  }
0xc: {  	[smem:$0x3FB1] =	sst s4  }
0xd: {  	[smem:$0x3FB2] =	sst s5  }
0xe: {  	[smem:$0x3FB3] =	sst s6  }
0xf: {  	[smem:$0x3FB4] =	sst s7  }
0x10: {  	[smem:$0x3FB5] =	sst s8  }
0x11: {  	[smem:$0x3FB6] =	sst s9;
	s0 =	simm.s32 @!p0 $0x0  }
0x12: {  	s1 =	sld [smem:$0x3F9C];
	s0 =	simm.s32 @p0 $0x1  }
0x13: {  	[smem:$0x3FB7] =	sst s0;
	s0 =	simm.s32 @!p1 $0x0  }
0x14: {  	s2 =	sld [smem:$0x3F9B];
	s0 =	simm.s32 @p1 $0x1  }
0x15: {  	[smem:$0x3FB8] =	sst s0;
	s0 =	simm.s32 @!p2 $0x0  }
0x16: {  	s3 =	sld [smem:$0x3FDB];
	s0 =	simm.s32 @p2 $0x1  }
0x17: {  	s4 =	simm.s32 $0x1BF5;
	[smem:$0x3FBA] =	sst s0  }
0x18: {  	s0 =	sld [smem:$0x3F9D];
	_ =	swait.ge [sflag:s4], $0x0  }
0x19: {  	s7 =	sld [smem:$0x3F9E]  }
0x1a: {  	s8 =	sadd.s32 $0xFFFFE003, lr  }
0x1b: {  	s9 =	sadd.s32 $0xFFFFFEF7, lr;
	s5 =	simm.s32 $0xFFFFFFFF;
	p2 =	slt.u32 s8, $0xFFFFF086  }
0x1c: {  	p1 =	slt.u32 s9, $0xF7A;
	s5 =	simm.s32 @!p2 $0x0  }
0x1d: {  	s5 =	simm.s32 @p1 $0x1;
	p0 =	seq.s32 s7, s2  }
0x1e: {  	s7 =	smul.u32 @!p0 $0xF7A, s2;
	p2 =	seq.s32 @!p0 s5, $0x0  }
0x1f: {  	s9 =	smul.u32 $0xF7A, s1;
	s8 =	simm.s32 @!p0 $0x1BF5;
	p2 =	por !p2, p0  }
0x20: {  	[sflag:s8] =	ssyncset.s32 @!p0 $0xFFFFF086;
	s6 =	sadd.s32 @!p0 s3, s7;
	s7 =	simm.s32 @!p0 $0x108  }
0x21: {  	s3 =	sadd.s32 s3, s9;
	s6 =	sadd.s32 @!p0 $0x88, s6;
	s7 =	simm.s32 @p2 $0x1082  }
0x22: {  	[simem:s7], [sflag:s8] =	dma.local @!p0 [hbm:s6], $0xF7A  }
0x23: {  	s9 =	sor.u32 $0xD0000000, s2;
	s6 =	simm.s32 $0x108;
	_ =	swait.ge @!p0 [sflag:s8], $0x0  }
0x24: {  	s3 =	sadd.s32 $0x88, s3;
	s6 =	simm.s32 @!p1 $0x1082;
	[sflag:s4] =	ssyncset.s32 $0xFFFFF086  }
0x25: {  	[simem:s6], [sflag:s4] =	dma.local [hbm:s3], $0xF7A  }
0x26: {  	[smem:$0x3F9E] =	sst s1;
	(tag) =	ssettag s2;
	_ =	strace s9  }
0x27: {  	s1 =	sld [smem:$0x3FAE]  }
0x28: {  	s2 =	sld [smem:$0x3FAF]  }
0x29: {  	s4 =	sld [smem:$0x3FB1]  }
0x2a: {  	p0 =	seq.s32 s5, $0x0;
	s5 =	sld [smem:$0x3FB2]  }
0x2b: {  	s6 =	sld [smem:$0x3FB3]  }
0x2c: {  	s7 =	sld [smem:$0x3FB4]  }
0x2d: {  	s3 =	simm.s32 $0x108;
	s8 =	sld [smem:$0x3FB5]  }
0x2e: {  	s3 =	simm.s32 @!p0 $0x1082;
	s9 =	sld [smem:$0x3FB6]  }
0x2f: {  	lr =	sadd.s32 s0, s3;
	s0 =	sld [smem:$0x3FAD]  }
0x30: {  	s3 =	sld [smem:$0x3FB0]  }
0x31: {  	[smem:$0x3FB9] =	sst s10  }
0x32: {  	s10 =	sld [smem:$0x3FB7];
	_ =	sdelay $0x3  }
0x33: {  	p0 =	seq.s32 s10, $0x1;
	s10 =	sld [smem:$0x3FB9];
	_ =	sdelay $0x3  }
0x34: {  	[smem:$0x3FB9] =	sst s10  }
0x35: {  	s10 =	sld [smem:$0x3FB8];
	_ =	sdelay $0x3  }
0x36: {  	p1 =	seq.s32 s10, $0x1;
	s10 =	sld [smem:$0x3FB9];
	_ =	sdelay $0x3  }
0x37: {  	[smem:$0x3FB9] =	sst s10  }
0x38: {  	s10 =	sld [smem:$0x3FBA]  }
0x39: {  	_ = 	snop;
	(pc) =	sbr.ind lr, $3  }
0x3a: {  	_ = 	snop  }
0x3b: {  	_ = 	snop  }
0x3c: {  	p2 =	seq.s32 s10, $0x1;
	s10 =	sld [smem:$0x3FB9]  }
0x3d: {  	_ =	shalt  }
0x3e: {  	_ =	shalt  }
0x3f: {  	_ =	shalt  }
0x40: {  	_ =	shalt  }
0x41: {  	_ =	shalt  }
0x42: {  	_ =	shalt  }
0x43: {  	_ =	shalt  }
0x44: {  	_ =	shalt  }
0x45: {  	_ =	shalt  }
0x46: {  	_ =	shalt  }
0x47: {  	_ =	shalt  }
0x48: {  	_ =	shalt  }
0x49: {  	_ =	shalt  }
0x4a: {  	_ =	shalt  }
0x4b: {  	_ =	shalt  }
0x4c: {  	_ =	shalt  }
0x4d: {  	_ =	shalt  }
0x4e: {  	_ =	shalt  }
0x4f: {  	_ =	shalt  }
0x50: {  	_ =	shalt  }
0x51: {  	_ =	shalt  }
0x52: {  	_ =	shalt  }
0x53: {  	_ =	shalt  }
0x54: {  	_ =	shalt  }
0x55: {  	_ =	shalt  }
0x56: {  	_ =	shalt  }
0x57: {  	_ =	shalt  }
0x58: {  	_ =	shalt  }
0x59: {  	_ =	shalt  }
0x5a: {  	_ =	shalt  }
0x5b: {  	_ =	shalt  }
0x5c: {  	_ =	shalt  }
0x5d: {  	_ =	shalt  }
0x5e: {  	_ =	shalt  }
0x5f: {  	_ =	shalt  }
0x60: {  	_ =	shalt  }
0x61: {  	_ =	shalt  }
0x62: {  	_ =	shalt  }
0x63: {  	_ =	shalt  }
0x64: {  	_ =	shalt  }
0x65: {  	_ =	shalt  }
0x66: {  	_ =	shalt  }
0x67: {  	_ =	shalt  }
0x68: {  	_ =	shalt  }
0x69: {  	_ =	shalt  }
0x6a: {  	_ =	shalt  }
0x6b: {  	_ =	shalt  }
0x6c: {  	_ =	shalt  }
0x6d: {  	_ =	shalt  }
0x6e: {  	_ =	shalt  }
0x6f: {  	_ =	shalt  }
0x70: {  	_ =	shalt  }
0x71: {  	_ =	shalt  }
0x72: {  	_ =	shalt  }
0x73: {  	_ =	shalt  }
0x74: {  	_ =	shalt  }
0x75: {  	_ =	shalt  }
0x76: {  	_ =	shalt  }
0x77: {  	_ =	shalt  }
0x78: {  	_ =	shalt  }
0x79: {  	_ =	shalt  }
0x7a: {  	_ =	shalt  }
0x7b: {  	_ =	shalt  }
0x7c: {  	_ =	shalt  }
0x7d: {  	_ =	shalt  }
0x7e: {  	_ =	shalt  }
0x7f: {  	_ =	shalt  }
0x80: {  	_ =	shalt  }
0x81: {  	_ =	shalt  }
0x82: {  	_ =	shalt  }
0x83: {  	_ =	shalt  }
0x84: {  	_ =	shalt  }
0x85: {  	_ =	shalt  }
0x86: {  	_ =	shalt  }
0x87: {  	_ =	shalt  }
.Lfunc_end0:
.L_simem_size_0:
called_computation_lowered:
.L_overlay_start_0:
0x88: {  	s2 =	sld [smem:$0x3FD9]  }
0x89: {  	s3 =	sld [smem:$0x3FFE];
	_ =	sdelay $0x1  }
0x8a: {  	s1 =	srdreg.scid  }
0x8b: {  	s0 =	sand.u32 $0x1, s1  }
0x8c: {  	s15 =	sshll.u32 s0, $0xA;
	s2 =	sadd.s32 s3, s2  }
0x8d: {  	s2 =	sadd.s32 s2, s15  }
0x8e: {  	[smem:$0x3FC5] =	sst s2  }
0x8f: {  	_ = 	snop  }
0x90: {  	s2 =	sld [smem:$0x3FD0];
	_ =	sdelay $0x1  }
0x91: {  	s16 =	sld [smem:$0x3FC9]  }
0x92: {  	s5 =	simm.s32 $0xA;
	s6 =	simm.s32 $0x10;
	s4 =	sld [smem:$0x3FC8]  }
0x93: {  	[smem:s6], [sflag:s5] =	dma.local [hbm:s2], $0x1  }
0x94: {  	_ =	swait.eq [sflag:s5], $0x1  }
0x95: {  	[sflag:s5] =	ssyncset.done $0x0  }
0x96: {  	s17 =	sld [smem:$0x10];
	[sflag:s5] =	ssyncadd.s32 $0xFFFFFFFF  }
0x97: {  	s18 =	sld [smem:$0x11];
	(tm) =	ssettm $0x1  }
0x98: {  	s19 =	sld [smem:$0x3FFB];
	_ =	sdelay $0x3  }
0x99: {  	_ =	strace s19  }
0x9a: {  	s6 =	sld [smem:$0x3FFC];
	_ =	sdelay $0x3  }
0x9b: {  	_ =	strace s6  }
0x9c: {  	s6 =	sld [smem:$0x3FFD];
	_ =	sdelay $0x3  }
0x9d: {  	_ =	strace s6  }
0x9e: {  	_ =	strace $0x8FFFFFFF  }
0x9f: {  	s20 =	sld [smem:$0x3FDB];
	_ =	sdelay $0x1  }
0xa0: {  	s7 =	simm.s32 $_scs_section_size  }
0xa1: {  	s8 =	simm.s32 $_size__tile_overlayer_lowered;
	s9 =	simm.s32 $_tile_overlayer_lowered  }
0xa2: {  	s23 =	simm.s32 $0x1BFF;
	s22 =	sshll.u32 s9, $0x1;
	s6 =	sadd.s32 s7, s20  }
0xa3: {  	s10 =	simm.s32 $0x0;
	s21 =	sshll.u32 s8, $0x1;
	s8 =	sadd.s32 s22, s6  }
0xa4: {  	[timem:s10], [sflag:s23] =	dma.local [hbm:s8], s21  }
0xa5: {  	_ =	swait.ge [sflag:s23], s21  }
0xa6: {  	s7 =	ssub.s32 $0x0, s21;
	[sflag:s23] =	ssyncset.done $0x0  }
0xa7: {  	[sflag:s23] =	ssyncadd.s32 s7;
	_ =	sdelay $0x1  }
0xa8: {  	s24 =	simm.s32 $0x1B8B  }
0xa9: {  	_ =	swait.ge [sflag:s24], $0x1  }
0xaa: {  	[sflag:s24] =	ssyncset.done $0x0  }
0xab: {  	s25 =	simm.s32 $0x1B8E;
	[sflag:s24] =	ssyncadd.s32 $0xFFFFFFFF  }
0xac: {  	s26 =	simm.s32 $execute0_lowered;
	[smem:$0x3FD2] =	sst s25  }
0xad: {  	s7 =	sshll.u32 s26, $0x1;
	_ =	strace $0x80000046;
	[dreg:$0x1] =	wrdreg $0xFFFFFFFF  }
0xae: {  	s28 =	simm.s32 $_size_execute0_lowered;
	s6 =	sadd.s32 s6, s7;
	[dreg:$0x0] =	wrdreg $0x0  }
0xaf: {  	s7 =	sshll.u32 s28, $0x1;
	[dreg:$0x2] =	wrdreg s6  }
0xb0: {  	[dreg:$0x3] =	wrdreg s7  }
0xb1: {  	[dreg:$0x4] =	wrdreg $0xC0  }
0xb2: {  	_ =	task [dreg:s10], $0x5FFFF  }
0xb3: {  	[dreg:$0x1] =	wrdreg $0xFFFFFFFF  }
0xb4: {  	[dreg:$0x0] =	wrdreg $0x60  }
0xb5: {  	[dreg:$0x2] =	wrdreg s16  }
0xb6: {  	[dreg:$0x3] =	wrdreg s4  }
0xb7: {  	[dreg:$0x4] =	wrdreg s18  }
0xb8: {  	[dreg:$0x5] =	wrdreg s17  }
0xb9: {  	[dreg:$0x6] =	wrdreg $0x9  }
0xba: {  	_ =	task.clear_ibuf [dreg:s10], $0x7FFFF;
	_ =	strace $0x90000046  }
0xbb: {  	s29 =	simm.s32 $0x9;
	_ =	strace $0x80000048  }
0xbc: {  	_ =	swait.ge [sflag:s29], $0x1  }
0xbd: {  	[sflag:s29] =	ssyncadd.s32 $0xFFFFFFFF  }
0xbe: {  	_ =	strace $0x90000048  }
0xbf: {  	_ =	sfence  }
0xc0: {  	s30 =	sld [smem:$0x0];
	_ =	sdelay $0x2  }
0xc1: {  	s31 =	sshll.u32 s1, $0xD;
	s1 =	sshrl.u32 s1, $0x2  }
0xc2: {  	s3 =	sand.u32 $0x4000, s31;
	s1 =	sadd.s32 s1, s30  }
0xc3: {  	s0 =	sor.u32 s3, s0;
	s1 =	sshll.u32 s1, $0x11  }
0xc4: {  	s0 =	sor.u32 s1, s0  }
0xc5: {  	s0 =	sadd.s32 $0x8F2B, s0  }
0xc6: {  	[sflag:s0] =	ssyncadd.remote.s32 $0x1  }
0xc7: {  	_ =	sfence.sel $0xFFFF  }
0xc8: {  	[dreg:$0x0] =	wrdreg $0xFFFFFFFF;
	(pc) =	sbr.abs _section_cstart, $3  }
0xc9: {  	[dreg:$0x1] =	wrdreg $0xFFFFFFFF  }
0xca: {  	_ =	task.clear_ibuf [dreg:s10], $0x2FFFF;
	_ =	strace $0x9FFFFFFF  }
0xcb: {  	(tm) =	ssettm $0x7FFFFFFF  }
tec
execute0_lowered:
.L_overlay_start_1:
0x0: {  	(tag) =	ssettag $0x1  }
0x1: {  	s0 =	srdreg.scid  }
0x2: {  	s3 =	stileid.u32;
	s2 =	simm.s32 $0x1;
	s5 =	rddreg [dreg:$0x3]  }
0x3: {  	s7 =	simm.s32 $0x0;
	s9 =	simm.s32 $0x1;
	s20 =	simm.s32 $0x7  }
0x4: {  	s22 =	simm.s32 $0x1000;
	s23 =	simm.s32 $0x80000;
	s28 =	simm.s32 $0x18580  }
0x5: {  	s29 =	simm.s32 $0x2;
	s30 =	simm.s32 $0x19580;
	s0 =	sand.u32 $0x1, s0  }
0x6: {  	s31 =	simm.s32 $0x3;
	s21 =	simm.s32 $0x0;
	s1 =	sor.u32 s0, s3  }
0x7: {  	[smem:$0x7FF] =	sst s7;
	p1 =	seq.s32 s0, $0x1;
	p0 =	seq.s32 s1, $0x0  }
0x8: {  	s24 =	sshll.u32 s0, $0xC;
	s0 =	ssub.s32 $0x2, s0;
	p0 =	por !p0, !p1  }
0x9: {  	s1 =	rddreg [dreg:$0x0];
	s4 =	sshrl.u32 s0, $0x1;
	p0 =	por !p0, !p0  }
0xa: {  	_ =	strace $0x80000047;
	s0 =	ssub.s32 s0, s4;
	s2 =	simm.s32 @!p0 $0x0  }
0xb: {  	s4 =	simm.s32 $0x5;
	s0 =	smax.u32 s0, $0x1;
	s6 =	ssub.s32 s3, s2  }
0xc: {  	[dreg:$0x9] =	wrdreg s0;
	s3 =	sshll.u32 s6, $0x16;
	s26 =	sshll.u32 s6, $0x13  }
0xd: {  	s0 =	simm.s32 $0x1A580;
	s3 =	sor.u32 s24, s3;
	s13 =	sor.u32 s24, s26  }
0xe: {  	s24 =	simm.s32 $0x580;
	s26 =	simm.s32 $0x10580;
	s8 =	sshrl.u32 s3, $0x3  }
0xf: {  	s12 =	sor.u32 $0x6000, s3;
	s14 =	sor.u32 $0x8000, s3;
	s15 =	sor.u32 $0xA000, s3  }
0x10: {  	s2 =	sshrl.u32 s13, $0x3;
	s16 =	sor.u32 $0x2000, s13;
	s8 =	sadd.s32 s1, s8  }
0x11: {  	s17 =	sor.u32 $0x4000, s13;
	s25 =	sadd.s32 $0x400, s8;
	[dreg:$0x5] =	wrdreg s8  }
0x12: {  	s2 =	sadd.s32 s2, s5;
	s8 =	sadd.s32 $0x800, s8;
	[dreg:$0x6] =	wrdreg s25  }
0x13: {  	s3 =	simm.s32 $0x6;
	s2 =	sadd.s32 $0xFC00, s2;
	[dreg:$0x7] =	wrdreg s8  }
0x14: {  	[dreg:$0x8] =	wrdreg s2;
	s25 =	simm.s32 $0x8580;
	s2 =	simm.s32 $0x4  }
.LBB2_1:
0x15: {  	s8 =	rddreg [dreg:$0x1]  }
0x16: {  	[tilespmem:s7], [sflag:$0x7] =	stream.linear.gather [hbm4b:s8+s7], $0x400, $0x38;
	[tilespmem:$0x1B580] =	vst v63  }
0x17: {  	_ =	swait.ge [sflag:s20], $0x400  }
0x18: {  	[sflag:s20] =	ssyncset.done $0x0  }
0x19: {  	[sflag:s20] =	ssyncadd.s32 $0xFFFFFC00  }
0x1a: {  	s10 =	simm.s32 $0x400;
	s19 =	rddreg [dreg:$0x2]  }
0x1b: {  	[tilespmem:s10], [sflag:$0x7] =	stream.linear.gather [hbm4b:s19+s7], $0x80, $0x38;
	[tilespmem:$0x1B580] =	vst v63  }
0x1c: {  	_ =	swait.ge [sflag:s20], $0x80  }
0x1d: {  	[sflag:s20] =	ssyncset.done $0x0  }
0x1e: {  	[sflag:s20] =	ssyncadd.s32 $0xFFFFFF80  }
0x1f: {  	v0 =	vld [tilespmem:$0x400]  }
0x20: {  	v1 =	vld [tilespmem:$0x0]  }
0x21: {  	v2 =	vld [tilespmem:$0x80]  }
0x22: {  	v3 =	vld [tilespmem:$0x100]  }
0x23: {  	v4 =	vld [tilespmem:$0x180]  }
0x24: {  	v5 =	vld [tilespmem:$0x200]  }
0x25: {  	v6 =	vld [tilespmem:$0x280]  }
0x26: {  	v7 =	vld [tilespmem:$0x300];
	v1 =	vmul.f32 v1, v0;
	v2 =	vmul.f32 v2, v0  }
0x27: {  	v8 =	vld [tilespmem:$0x380];
	v3 =	vmul.f32 v3, v0  }
0x28: {  	v4 =	vmul.f32 v4, v0;
	v9 =	vmax.f32 v1, v2  }
0x29: {  	v5 =	vmul.f32 v5, v0;
	v9 =	vmax.f32 v9, v3  }
0x2a: {  	v6 =	vmul.f32 v6, v0;
	v9 =	vmax.f32 v9, v4  }
0x2b: {  	v7 =	vmul.f32 v7, v0;
	v9 =	vmax.f32 v9, v5  }
0x2c: {  	v0 =	vmul.f32 v8, v0;
	v8 =	vmax.f32 v9, v6  }
0x2d: {  	v8 =	vmax.f32 v8, v7  }
0x2e: {  	v8 =	vmax.f32 v8, v0  }
0x2f: {  	v1 =	vsub.f32 v1, v8  }
0x30: {  	v2 =	vsub.f32 v2, v8  }
0x31: {  	v1 =	vmul.f32 $1.442695020e+00, v1  }
0x32: {  	v3 =	vsub.f32 v3, v8;
	v2 =	vmul.f32 $1.442695020e+00, v2  }
0x33: {  	(erf) = vpow2.f32 v1  }
0x34: {  	v1 =	vmul.f32 $1.442695020e+00, v3;
	(erf) = vpow2.f32 v2;
	v2 =	vsub.f32 v4, v8;
	_ =	sdelay $0x1  }
0x35: {  	(erf) = vpow2.f32 v1;
	v1 =	vmul.f32 $1.442695020e+00, v2;
	v2 =	vsub.f32 v5, v8;
	_ =	sdelay $0x1  }
0x36: {  	(erf) = vpow2.f32 v1;
	v1 =	vmul.f32 $1.442695020e+00, v2;
	v2 =	vsub.f32 v6, v8;
	_ =	sdelay $0x1  }
0x37: {  	(erf) = vpow2.f32 v1;
	v1 =	vmul.f32 $1.442695020e+00, v2;
	v2 =	vsub.f32 v7, v8;
	_ =	sdelay $0x2  }
0x38: {  	v3 =	vpop (erf);
	(erf) = vpow2.f32 v1;
	v1 =	vmul.f32 $1.442695020e+00, v2  }
0x39: {  	v0 =	vsub.f32 v0, v8;
	v2 =	vpop (erf)  }
0x3a: {  	(erf) = vpow2.f32 v1;
	v1 =	vadd.f32 v2, v3  }
0x3b: {  	v0 =	vmul.f32 $1.442695020e+00, v0  }
0x3c: {  	v4 =	vpop (erf)  }
0x3d: {  	(erf) = vpow2.f32 v0;
	v0 =	vadd.f32 v1, v4  }
0x3e: {  	v1 =	vpop (erf)  }
0x3f: {  	v0 =	vadd.f32 v0, v1  }
0x40: {  	v5 =	vpop (erf)  }
0x41: {  	v0 =	vadd.f32 v0, v5  }
0x42: {  	v6 =	vpop (erf)  }
0x43: {  	v0 =	vadd.f32 v0, v6  }
0x44: {  	v7 =	vpop (erf)  }
0x45: {  	v0 =	vadd.f32 v0, v7  }
0x46: {  	v8 =	vpop (erf)  }
0x47: {  	v0 =	vadd.f32 v0, v8;
	_ =	sdelay $0x1  }
0x48: {  	(erf) = vrcp.f32 v0;
	_ =	sdelay $0x8  }
0x49: {  	v0 =	vpop (erf)  }
0x4a: {  	v3 =	vmul.f32 v0, v3  }
0x4b: {  	v2 =	vmul.f32 v0, v2  }
0x4c: {  	v1 =	vmul.f32 v0, v1;
	[tilespmem:$0x480] =	vst v3  }
0x4d: {  	v3 =	vmul.f32 v0, v4;
	[tilespmem:$0x490] =	vst v2  }
0x4e: {  	v2 =	vmul.f32 v0, v5;
	[tilespmem:$0x4B0] =	vst v1  }
0x4f: {  	v1 =	vmul.f32 v0, v6;
	[tilespmem:$0x4A0] =	vst v3  }
0x50: {  	[tilespmem:$0x4C0] =	vst v2;
	v2 =	vmul.f32 v0, v7  }
0x51: {  	[tilespmem:$0x4D0] =	vst v1;
	v0 =	vmul.f32 v0, v8  }
0x52: {  	[tilespmem:$0x4E0] =	vst v2  }
0x53: {  	[tilespmem:$0x4F0] =	vst v0  }
0x54: {  	v6 =	vld.msk [tilespmem:s6+$0x480 ss:$0x0], $0xffff  }
0x55: {  	v7 =	vld.msk [tilespmem:s6+$0x490 ss:$0x0], $0xffff  }
0x56: {  	v5 =	vld.msk [tilespmem:s6+$0x4A0 ss:$0x0], $0xffff  }
0x57: {  	v4 =	vld.msk [tilespmem:s6+$0x4B0 ss:$0x0], $0xffff  }
0x58: {  	v3 =	vld.msk [tilespmem:s6+$0x4C0 ss:$0x0], $0xffff  }
0x59: {  	v2 =	vld.msk [tilespmem:s6+$0x4D0 ss:$0x0], $0xffff  }
0x5a: {  	s11 =	rddreg [dreg:$0x5];
	v1 =	vld.msk [tilespmem:s6+$0x4E0 ss:$0x0], $0xffff  }
0x5b: {  	v0 =	vld.msk [tilespmem:s6+$0x4F0 ss:$0x0], $0xffff;
	[tilespmem:s24], [sflag:$0x1] =	stream.strided.gather [hbm4b:s11+s22], $0x8000, s23, s22, $0x38  }
0x5c: {  	s18 =	rddreg [dreg:$0x6]  }
0x5d: {  	[tilespmem:s25], [sflag:$0x2] =	stream.strided.gather [hbm4b:s18+s22], $0x8000, s23, s22, $0x38;
	[tilespmem:$0x1B580] =	vst v63  }
0x5e: {  	s10 =	simm.s32 $0x0;
	s19 =	rddreg [dreg:$0x7]  }
0x5f: {  	[tilespmem:s26], [sflag:$0x3] =	stream.strided.gather [hbm4b:s19+s22], $0x8000, s23, s22, $0x38;
	[tilespmem:$0x1B580] =	vst v63  }
.LBB2_2:
0x60: {  	_ =	swait.ge [sflag:s9], $0x8000  }
0x61: {  	p0 =	seq.s32 s10, $0x0;
	[sflag:s9] =	ssyncset.done $0x0  }
0x62: {  	s8 =	simm.s32 @!p0 $0x4;
	[sflag:s9] =	ssyncadd.s32 $0xFFFF8000  }
0x63: {  	_ =	swait.ge @!p0 [sflag:s8], $0x1000  }
0x64: {  	[sflag:s8] =	ssyncset.done @!p0 $0x0  }
0x65: {  	s11 =	simm.s32 $0x0;
	[sflag:s8] =	ssyncadd.s32 @!p0 $0xFFFFF000  }
0x66: {  	v8 =	vld [tilespmem:s11+$0x650]  }
0x67: {  	v9 =	vld [tilespmem:s11+$0x1650]  }
0x68: {  	v10 =	vld [tilespmem:s11+$0x580]  }
0x69: {  	v11 =	vld [tilespmem:s11+$0x2650]  }
0x6a: {  	v12 =	vld [tilespmem:s11+$0x1580]  }
0x6b: {  	v13 =	vld [tilespmem:s11+$0x3650]  }
0x6c: {  	v14 =	vld [tilespmem:s11+$0x590]  }
0x6d: {  	v15 =	vld [tilespmem:s11+$0x4650]  }
0x6e: {  	v16 =	vld [tilespmem:s11+$0x1590]  }
0x6f: {  	v17 =	vld [tilespmem:s11+$0x5A0]  }
0x70: {  	v18 =	vld [tilespmem:s11+$0x15A0]  }
0x71: {  	v19 =	vld [tilespmem:s11+$0x5B0]  }
0x72: {  	v20 =	vld [tilespmem:s11+$0x5C0]  }
0x73: {  	v21 =	vld [tilespmem:s11+$0x5D0]  }
0x74: {  	v22 =	vld [tilespmem:s11+$0x600]  }
0x75: {  	v23 =	vld [tilespmem:s11+$0x610]  }
0x76: {  	v24 =	vld [tilespmem:s11+$0x620]  }
0x77: {  	v25 =	vld [tilespmem:s11+$0x1620]  }
0x78: {  	v26 =	vld [tilespmem:s11+$0x630]  }
0x79: {  	v27 =	vld [tilespmem:s11+$0x1630]  }
0x7a: {  	v28 =	vld [tilespmem:s11+$0x640]  }
0x7b: {  	v29 =	vld [tilespmem:s11+$0x1640]  }
0x7c: {  	v30 =	vld [tilespmem:s11+$0x2580]  }
0x7d: {  	v31 =	vld [tilespmem:s11+$0x2590]  }
0x7e: {  	v32 =	vld [tilespmem:s11+$0x25A0]  }
0x7f: {  	v33 =	vld [tilespmem:s11+$0x25B0]  }
0x80: {  	v34 =	vld [tilespmem:s11+$0x25C0]  }
0x81: {  	v35 =	vld [tilespmem:s11+$0x25D0]  }
0x82: {  	v36 =	vld [tilespmem:s11+$0x2600]  }
0x83: {  	v37 =	vld [tilespmem:s11+$0x2610]  }
0x84: {  	v38 =	vld [tilespmem:s11+$0x2620]  }
0x85: {  	v39 =	vld [tilespmem:s11+$0x2630]  }
0x86: {  	v40 =	vld [tilespmem:s11+$0x2640]  }
0x87: {  	v41 =	vld [tilespmem:s11+$0x3580]  }
0x88: {  	v42 =	vld [tilespmem:s11+$0x3590]  }
0x89: {  	v43 =	vld [tilespmem:s11+$0x35A0]  }
0x8a: {  	v44 =	vld [tilespmem:s11+$0x35B0]  }
0x8b: {  	v45 =	vld [tilespmem:s11+$0x35C0];
	v8 =	vmul.f32 v8, v6  }
0x8c: {  	v46 =	vld [tilespmem:s11+$0x35D0];
	v9 =	vmul.f32 v9, v7;
	v10 =	vmul.f32 v10, v6  }
0x8d: {  	v47 =	vld [tilespmem:s11+$0x3600];
	v12 =	vmul.f32 v12, v7;
	v14 =	vmul.f32 v14, v6  }
0x8e: {  	v48 =	vld [tilespmem:s11+$0x3610];
	v16 =	vmul.f32 v16, v7;
	v17 =	vmul.f32 v17, v6  }
0x8f: {  	v49 =	vld [tilespmem:s11+$0x3620];
	v18 =	vmul.f32 v18, v7;
	v51 =	vmul.f32 v25, v7  }
0x90: {  	v25 =	vld [tilespmem:s11+$0x45B0];
	v52 =	vmul.f32 v27, v7;
	v53 =	vmul.f32 v29, v7  }
0x91: {  	v27 =	vld [tilespmem:s11+$0x45C0];
	v54 =	vmul.f32 v30, v5;
	v8 =	vadd.f32 v9, v8;
	v9 =	vmul.f32 v11, v5  }
0x92: {  	v55 =	vmul.f32 v31, v5;
	v56 =	vmul.f32 v32, v5;
	v11 =	vld [tilespmem:s11+$0x5650]  }
0x93: {  	v29 =	vld [tilespmem:s11+$0x45D0];
	v57 =	vmul.f32 v33, v5;
	v8 =	vadd.f32 v9, v8;
	v9 =	vmul.f32 v13, v4  }
0x94: {  	v58 =	vmul.f32 v34, v5;
	v59 =	vmul.f32 v35, v5;
	v13 =	vld [tilespmem:s11+$0x6650]  }
0x95: {  	v60 =	vmul.f32 v36, v5;
	v32 =	vld [tilespmem:s11+$0x4640];
	v8 =	vadd.f32 v9, v8;
	v9 =	vmul.f32 v15, v3  }
0x96: {  	v61 =	vmul.f32 v37, v5;
	v62 =	vmul.f32 v38, v5;
	v10 =	vadd.f32 v12, v10;
	v15 =	vld [tilespmem:s11+$0x7650]  }
0x97: {  	v12 =	vmul.f32 v19, v6;
	v19 =	vld [tilespmem:s11+$0x3630];
	v8 =	vadd.f32 v9, v8;
	v9 =	vmul.f32 v11, v2  }
0x98: {  	v14 =	vadd.f32 v16, v14;
	v16 =	vmul.f32 v20, v6;
	v20 =	vld [tilespmem:s11+$0x3640];
	v17 =	vadd.f32 v18, v17  }
0x99: {  	v18 =	vmul.f32 v21, v6;
	v21 =	vld [tilespmem:s11+$0x4580];
	v8 =	vadd.f32 v9, v8;
	v9 =	vmul.f32 v13, v1  }
0x9a: {  	v63 =	vmul.f32 v39, v5;
	v40 =	vmul.f32 v40, v5;
	v11 =	vld [tilespmem:s11+$0x15B0]  }
0x9b: {  	v41 =	vmul.f32 v41, v4;
	v13 =	vld [tilespmem:s11+$0x15C0];
	v8 =	vadd.f32 v9, v8;
	v9 =	vmul.f32 v15, v0  }
0x9c: {  	v50 =	vmul.f32 v42, v4;
	v10 =	vadd.f32 v54, v10;
	v14 =	vadd.f32 v55, v14;
	v15 =	vld [tilespmem:s11+$0x15D0]  }
0x9d: {  	v31 =	vld [tilespmem:s11+$0x4610];
	v54 =	vmul.f32 v45, v4;
	v55 =	vmul.f32 v46, v4;
	v8 =	vadd.f32 v9, v8  }
0x9e: {  	v17 =	vadd.f32 v56, v17;
	v46 =	vmul.f32 v32, v3;
	v19 =	vmul.f32 v19, v4;
	v9 =	vld [tilespmem:s11+$0x1600]  }
0x9f: {  	v10 =	vadd.f32 v41, v10;
	v21 =	vmul.f32 v21, v3;
	v11 =	vmul.f32 v11, v7;
	[tilespmem:s11+$0x18650] =	vst v8;
	v8 =	vld [tilespmem:s11+$0x1610]  }
0xa0: {  	v33 =	vld [tilespmem:s11+$0x4620];
	v14 =	vadd.f32 v50, v14;
	v20 =	vmul.f32 v20, v4;
	v13 =	vmul.f32 v13, v7  }
0xa1: {  	v10 =	vadd.f32 v21, v10;
	v21 =	vld [tilespmem:s11+$0x6580];
	v11 =	vadd.f32 v11, v12;
	v15 =	vmul.f32 v15, v7  }
0xa2: {  	v30 =	vld [tilespmem:s11+$0x4630];
	v12 =	vmul.f32 v22, v6;
	v13 =	vadd.f32 v13, v16;
	v16 =	vmul.f32 v23, v6  }
0xa3: {  	v35 =	vld [tilespmem:s11+$0x5580];
	v9 =	vmul.f32 v9, v7;
	v15 =	vadd.f32 v15, v18;
	v18 =	vmul.f32 v24, v6  }
0xa4: {  	v37 =	vld [tilespmem:s11+$0x5590];
	v11 =	vadd.f32 v57, v11;
	v13 =	vadd.f32 v58, v13;
	v8 =	vmul.f32 v8, v7  }
0xa5: {  	v34 =	vld [tilespmem:s11+$0x55A0];
	v9 =	vadd.f32 v9, v12;
	v12 =	vmul.f32 v26, v6;
	v18 =	vadd.f32 v51, v18  }
0xa6: {  	v36 =	vld [tilespmem:s11+$0x55B0];
	v21 =	vmul.f32 v21, v1;
	v15 =	vadd.f32 v59, v15;
	v13 =	vadd.f32 v54, v13  }
0xa7: {  	v56 =	vld [tilespmem:s11+$0x55D0];
	v51 =	vmul.f32 v43, v4;
	v8 =	vadd.f32 v8, v16;
	v12 =	vadd.f32 v52, v12  }
0xa8: {  	v22 =	vld [tilespmem:s11+$0x4590];
	v16 =	vmul.f32 v28, v6;
	v9 =	vadd.f32 v60, v9;
	v18 =	vadd.f32 v62, v18  }
0xa9: {  	v23 =	vld [tilespmem:s11+$0x45A0];
	v52 =	vmul.f32 v44, v4;
	v17 =	vadd.f32 v51, v17;
	v15 =	vadd.f32 v55, v15  }
0xaa: {  	v57 =	vmul.f32 v47, v4;
	v26 =	vld [tilespmem:s11+$0x4600];
	v16 =	vadd.f32 v53, v16;
	v8 =	vadd.f32 v61, v8  }
0xab: {  	v45 =	vld [tilespmem:s11+$0x65C0];
	v59 =	vmul.f32 v48, v4;
	v12 =	vadd.f32 v63, v12;
	v11 =	vadd.f32 v52, v11  }
0xac: {  	v50 =	vld [tilespmem:s11+$0x6610];
	v48 =	vmul.f32 v37, v2;
	v9 =	vadd.f32 v57, v9;
	v16 =	vadd.f32 v40, v16  }
0xad: {  	v47 =	vld [tilespmem:s11+$0x65D0];
	v61 =	vmul.f32 v49, v4;
	v12 =	vadd.f32 v19, v12;
	v19 =	vmul.f32 v22, v3  }
0xae: {  	v60 =	vld [tilespmem:s11+$0x5610];
	v52 =	vmul.f32 v56, v2;
	v16 =	vadd.f32 v20, v16;
	v20 =	vmul.f32 v23, v3  }
0xaf: {  	v58 =	vld [tilespmem:s11+$0x5600];
	v26 =	vmul.f32 v26, v3;
	v14 =	vadd.f32 v19, v14;
	v19 =	vmul.f32 v25, v3  }
0xb0: {  	v57 =	vld [tilespmem:s11+$0x7590];
	v8 =	vadd.f32 v59, v8;
	v17 =	vadd.f32 v20, v17;
	v20 =	vmul.f32 v29, v3  }
0xb1: {  	v43 =	vld [tilespmem:s11+$0x6590];
	v18 =	vadd.f32 v61, v18;
	v11 =	vadd.f32 v19, v11;
	v19 =	vmul.f32 v31, v3  }
0xb2: {  	v53 =	vld [tilespmem:s11+$0x55C0];
	v9 =	vadd.f32 v26, v9;
	v15 =	vadd.f32 v20, v15;
	v20 =	vmul.f32 v33, v3  }
0xb3: {  	v62 =	vld [tilespmem:s11+$0x5620];
	v54 =	vmul.f32 v60, v2;
	v8 =	vadd.f32 v19, v8;
	v19 =	vmul.f32 v30, v3  }
0xb4: {  	v44 =	vld [tilespmem:s11+$0x65A0];
	v23 =	vmul.f32 v27, v3;
	v18 =	vadd.f32 v20, v18;
	v20 =	vmul.f32 v35, v2  }
0xb5: {  	v63 =	vld [tilespmem:s11+$0x5630];
	v24 =	vmul.f32 v57, v0;
	v12 =	vadd.f32 v19, v12;
	v19 =	vmul.f32 v34, v2  }
0xb6: {  	v22 =	vld [tilespmem:s11+$0x5640];
	v13 =	vadd.f32 v23, v13;
	v10 =	vadd.f32 v20, v10;
	v20 =	vmul.f32 v36, v2  }
0xb7: {  	v49 =	vld [tilespmem:s11+$0x6600];
	v16 =	vadd.f32 v46, v16;
	v17 =	vadd.f32 v19, v17;
	v19 =	vmul.f32 v53, v2  }
0xb8: {  	v23 =	vld [tilespmem:s11+$0x65B0];
	v14 =	vadd.f32 v48, v14;
	v11 =	vadd.f32 v20, v11;
	v20 =	vmul.f32 v58, v2  }
0xb9: {  	v56 =	vld [tilespmem:s11+$0x7580];
	v13 =	vadd.f32 v19, v13;
	v19 =	vadd.f32 v52, v15;
	v15 =	vmul.f32 v62, v2  }
0xba: {  	v10 =	vadd.f32 v21, v10;
	v21 =	vld [tilespmem:s11+$0x75C0];
	v9 =	vadd.f32 v20, v9;
	v20 =	vmul.f32 v63, v2  }
0xbb: {  	v58 =	vmul.f32 v44, v1;
	v18 =	vadd.f32 v15, v18;
	v15 =	vmul.f32 v22, v2;
	v22 =	vld [tilespmem:s11+$0x75A0]  }
0xbc: {  	v51 =	vld [tilespmem:s11+$0x6620];
	v8 =	vadd.f32 v54, v8;
	v20 =	vadd.f32 v20, v12;
	v12 =	vmul.f32 v43, v1  }
0xbd: {  	v59 =	vld [tilespmem:s11+$0x75B0];
	v25 =	vadd.f32 v58, v17;
	v16 =	vadd.f32 v15, v16;
	v15 =	vmul.f32 v23, v1  }
0xbe: {  	v53 =	vld [tilespmem:s11+$0x6630];
	v17 =	vmul.f32 v49, v1;
	v23 =	vadd.f32 v12, v14;
	v12 =	vmul.f32 v56, v0  }
0xbf: {  	v55 =	vld [tilespmem:s11+$0x6640];
	v14 =	vmul.f32 v45, v1;
	v61 =	vadd.f32 v15, v11;
	v11 =	vmul.f32 v47, v1  }
0xc0: {  	v60 =	vld [tilespmem:s11+$0x75D0];
	v21 =	vmul.f32 v21, v0;
	v22 =	vmul.f32 v22, v0;
	v10 =	vadd.f32 v12, v10  }
0xc1: {  	v62 =	vld [tilespmem:s11+$0x7600];
	v63 =	vadd.f32 v14, v13;
	v13 =	vadd.f32 v11, v19;
	v11 =	vmul.f32 v50, v1  }
0xc2: {  	v15 =	vld [tilespmem:s11+$0x7610];
	v12 =	vadd.f32 v17, v9;
	v9 =	vadd.f32 v24, v23;
	[tilespmem:s11+$0x18580] =	vst v10;
	v10 =	vmul.f32 v51, v1  }
0xc3: {  	v14 =	vld [tilespmem:s11+$0x7620];
	v19 =	vmul.f32 v53, v1;
	v23 =	vmul.f32 v59, v0;
	v22 =	vadd.f32 v22, v25  }
0xc4: {  	v17 =	vld [tilespmem:s11+$0x7630];
	v11 =	vadd.f32 v11, v8;
	v8 =	vadd.f32 v10, v18;
	v10 =	vmul.f32 v55, v1  }
0xc5: {  	s19 =	simm.s32 $0x100;
	[tilespmem:s11+$0x18590] =	vst v9;
	v9 =	vadd.f32 v19, v20;
	v19 =	vadd.f32 v23, v61;
	v20 =	vmul.f32 v60, v0;
	v18 =	vld [tilespmem:s11+$0x7640]  }
0xc6: {  	s18 =	simm.s32 $0x800;
	v10 =	vadd.f32 v10, v16;
	v16 =	vld [tilespmem:s19+$0x650];
	[tilespmem:s11+$0x185A0] =	vst v22;
	v22 =	vadd.f32 v21, v63;
	v21 =	vmul.f32 v62, v0  }
.LBB2_3:
0xc7: {  	p1 =	sne.s32 s18, $0x3C00;
	v23 =	vld [tilespmem:s19+$0x1650];
	[tilespmem:s11+$0x185B0] =	vst v19;
	v13 =	vadd.f32 v20, v13;
	v15 =	vmul.f32 v15, v0  }
0xc8: {  	v19 =	vld [tilespmem:s19+$0x580];
	[tilespmem:s11+$0x185C0] =	vst v22;
	v12 =	vadd.f32 v21, v12;
	v14 =	vmul.f32 v14, v0  }
0xc9: {  	v20 =	vld [tilespmem:s19+$0x2650];
	[tilespmem:s11+$0x185D0] =	vst v13;
	v11 =	vadd.f32 v15, v11;
	v13 =	vmul.f32 v17, v0  }
0xca: {  	v15 =	vld [tilespmem:s19+$0x1580];
	[tilespmem:s11+$0x18600] =	vst v12;
	v8 =	vadd.f32 v14, v8;
	v12 =	vmul.f32 v18, v0  }
0xcb: {  	v14 =	vld [tilespmem:s19+$0x3650];
	[tilespmem:s11+$0x18610] =	vst v11;
	v9 =	vadd.f32 v13, v9  }
0xcc: {  	v13 =	vmul.f32 v16, v6;
	v11 =	vld [tilespmem:s19+$0x590];
	v16 =	vmul.f32 v23, v7;
	[tilespmem:s11+$0x18620] =	vst v8;
	v8 =	vadd.f32 v12, v10  }
0xcd: {  	v10 =	vmul.f32 v19, v6;
	v12 =	vld [tilespmem:s19+$0x4650];
	[tilespmem:s11+$0x18630] =	vst v9  }
0xce: {  	v9 =	vld [tilespmem:s19+$0x1590];
	v13 =	vadd.f32 v16, v13;
	v16 =	vmul.f32 v20, v5;
	[tilespmem:s11+$0x18640] =	vst v8;
	s11 =	smov.u32 s19  }
0xcf: {  	v8 =	vmul.f32 v15, v7;
	v15 =	vld [tilespmem:s11+$0x5650]  }
0xd0: {  	v17 =	vld [tilespmem:s11+$0x5A0];
	v13 =	vadd.f32 v16, v13;
	v14 =	vmul.f32 v14, v4  }
0xd1: {  	v8 =	vadd.f32 v8, v10;
	v10 =	vmul.f32 v11, v6;
	v11 =	vld [tilespmem:s11+$0x6650]  }
0xd2: {  	v16 =	vld [tilespmem:s11+$0x15A0];
	v13 =	vadd.f32 v14, v13;
	v12 =	vmul.f32 v12, v3  }
0xd3: {  	v9 =	vmul.f32 v9, v7;
	v14 =	vld [tilespmem:s11+$0x7650]  }
0xd4: {  	v18 =	vld [tilespmem:s11+$0x5B0];
	v12 =	vadd.f32 v12, v13;
	v13 =	vmul.f32 v15, v2  }
0xd5: {  	v9 =	vadd.f32 v9, v10;
	v10 =	vmul.f32 v17, v6;
	v15 =	vld [tilespmem:s11+$0x15B0]  }
0xd6: {  	v17 =	vld [tilespmem:s11+$0x5C0];
	v12 =	vadd.f32 v13, v12;
	v11 =	vmul.f32 v11, v1  }
0xd7: {  	v13 =	vmul.f32 v16, v7;
	v16 =	vld [tilespmem:s11+$0x15C0]  }
0xd8: {  	v19 =	vld [tilespmem:s11+$0x5D0];
	v11 =	vadd.f32 v11, v12;
	v12 =	vmul.f32 v14, v0  }
0xd9: {  	v10 =	vadd.f32 v13, v10;
	v13 =	vmul.f32 v18, v6;
	v14 =	vld [tilespmem:s11+$0x15D0]  }
0xda: {  	v15 =	vmul.f32 v15, v7;
	v18 =	vld [tilespmem:s11+$0x600];
	v11 =	vadd.f32 v12, v11  }
0xdb: {  	v12 =	vmul.f32 v17, v6;
	v17 =	vld [tilespmem:s11+$0x1600]  }
0xdc: {  	v13 =	vadd.f32 v15, v13;
	v15 =	vmul.f32 v16, v7;
	v16 =	vld [tilespmem:s11+$0x610];
	[tilespmem:s11+$0x18650] =	vst v11  }
0xdd: {  	v11 =	vmul.f32 v19, v6;
	v19 =	vld [tilespmem:s11+$0x1610]  }
0xde: {  	v12 =	vadd.f32 v15, v12;
	v14 =	vmul.f32 v14, v7;
	v15 =	vld [tilespmem:s11+$0x620]  }
0xdf: {  	v18 =	vmul.f32 v18, v6;
	v20 =	vld [tilespmem:s11+$0x1620]  }
0xe0: {  	v11 =	vadd.f32 v14, v11;
	v14 =	vmul.f32 v17, v7;
	v17 =	vld [tilespmem:s11+$0x630]  }
0xe1: {  	v16 =	vmul.f32 v16, v6;
	v21 =	vld [tilespmem:s11+$0x1630]  }
0xe2: {  	v14 =	vadd.f32 v14, v18;
	v18 =	vmul.f32 v19, v7;
	v19 =	vld [tilespmem:s11+$0x640]  }
0xe3: {  	v15 =	vmul.f32 v15, v6;
	v22 =	vld [tilespmem:s11+$0x1640]  }
0xe4: {  	v23 =	vld [tilespmem:s11+$0x2580];
	v16 =	vadd.f32 v18, v16;
	v18 =	vmul.f32 v20, v7  }
0xe5: {  	v20 =	vld [tilespmem:s11+$0x2590];
	v17 =	vmul.f32 v17, v6  }
0xe6: {  	v24 =	vld [tilespmem:s11+$0x25A0];
	v15 =	vadd.f32 v18, v15;
	v18 =	vmul.f32 v21, v7  }
0xe7: {  	v21 =	vld [tilespmem:s11+$0x25B0];
	v19 =	vmul.f32 v19, v6  }
0xe8: {  	v25 =	vld [tilespmem:s11+$0x25C0];
	v17 =	vadd.f32 v18, v17;
	v18 =	vmul.f32 v22, v7  }
0xe9: {  	v22 =	vmul.f32 v23, v5;
	v23 =	vld [tilespmem:s11+$0x25D0]  }
0xea: {  	v20 =	vmul.f32 v20, v5;
	v26 =	vld [tilespmem:s11+$0x2600];
	v18 =	vadd.f32 v18, v19  }
0xeb: {  	v8 =	vadd.f32 v22, v8;
	v19 =	vmul.f32 v24, v5;
	v22 =	vld [tilespmem:s11+$0x2610]  }
0xec: {  	v9 =	vadd.f32 v20, v9;
	v20 =	vmul.f32 v21, v5;
	v21 =	vld [tilespmem:s11+$0x2620]  }
0xed: {  	v10 =	vadd.f32 v19, v10;
	v19 =	vmul.f32 v25, v5;
	v24 =	vld [tilespmem:s11+$0x2630]  }
0xee: {  	v13 =	vadd.f32 v20, v13;
	v20 =	vmul.f32 v23, v5;
	v23 =	vld [tilespmem:s11+$0x2640]  }
0xef: {  	v25 =	vld [tilespmem:s11+$0x3580];
	v12 =	vadd.f32 v19, v12;
	v19 =	vmul.f32 v26, v5  }
0xf0: {  	v26 =	vld [tilespmem:s11+$0x3590];
	v11 =	vadd.f32 v20, v11;
	v20 =	vmul.f32 v22, v5  }
0xf1: {  	v22 =	vld [tilespmem:s11+$0x35A0];
	v14 =	vadd.f32 v19, v14;
	v19 =	vmul.f32 v21, v5  }
0xf2: {  	v21 =	vld [tilespmem:s11+$0x35B0];
	v16 =	vadd.f32 v20, v16;
	v20 =	vmul.f32 v24, v5  }
0xf3: {  	v24 =	vld [tilespmem:s11+$0x35C0];
	v15 =	vadd.f32 v19, v15;
	v19 =	vmul.f32 v23, v5  }
0xf4: {  	v23 =	vmul.f32 v25, v4;
	v25 =	vld [tilespmem:s11+$0x35D0];
	v17 =	vadd.f32 v20, v17  }
0xf5: {  	v20 =	vmul.f32 v26, v4;
	v26 =	vld [tilespmem:s11+$0x3600];
	v18 =	vadd.f32 v19, v18  }
0xf6: {  	v8 =	vadd.f32 v23, v8;
	v19 =	vmul.f32 v22, v4;
	v22 =	vld [tilespmem:s11+$0x3610]  }
0xf7: {  	v9 =	vadd.f32 v20, v9;
	v20 =	vmul.f32 v21, v4;
	v21 =	vld [tilespmem:s11+$0x3620]  }
0xf8: {  	v10 =	vadd.f32 v19, v10;
	v19 =	vmul.f32 v24, v4;
	v23 =	vld [tilespmem:s11+$0x3630]  }
0xf9: {  	v13 =	vadd.f32 v20, v13;
	v20 =	vmul.f32 v25, v4;
	v24 =	vld [tilespmem:s11+$0x3640]  }
0xfa: {  	v25 =	vld [tilespmem:s11+$0x4580];
	v12 =	vadd.f32 v19, v12;
	v19 =	vmul.f32 v26, v4  }
0xfb: {  	v26 =	vld [tilespmem:s11+$0x4590];
	v11 =	vadd.f32 v20, v11;
	v20 =	vmul.f32 v22, v4  }
0xfc: {  	v22 =	vld [tilespmem:s11+$0x45A0];
	v14 =	vadd.f32 v19, v14;
	v19 =	vmul.f32 v21, v4  }
0xfd: {  	v21 =	vld [tilespmem:s11+$0x45B0];
	v16 =	vadd.f32 v20, v16;
	v20 =	vmul.f32 v23, v4  }
0xfe: {  	v23 =	vld [tilespmem:s11+$0x45C0];
	v15 =	vadd.f32 v19, v15;
	v19 =	vmul.f32 v24, v4  }
0xff: {  	v24 =	vmul.f32 v25, v3;
	v25 =	vld [tilespmem:s11+$0x45D0];
	v17 =	vadd.f32 v20, v17  }
0x100: {  	v20 =	vmul.f32 v26, v3;
	v26 =	vld [tilespmem:s11+$0x4600];
	v18 =	vadd.f32 v19, v18  }
0x101: {  	v8 =	vadd.f32 v24, v8;
	v19 =	vmul.f32 v22, v3;
	v22 =	vld [tilespmem:s11+$0x4610]  }
0x102: {  	v9 =	vadd.f32 v20, v9;
	v20 =	vmul.f32 v21, v3;
	v21 =	vld [tilespmem:s11+$0x4620]  }
0x103: {  	v10 =	vadd.f32 v19, v10;
	v19 =	vmul.f32 v23, v3;
	v23 =	vld [tilespmem:s11+$0x4630]  }
0x104: {  	v13 =	vadd.f32 v20, v13;
	v20 =	vmul.f32 v25, v3;
	v24 =	vld [tilespmem:s11+$0x4640]  }
0x105: {  	v25 =	vld [tilespmem:s11+$0x5580];
	v12 =	vadd.f32 v19, v12;
	v19 =	vmul.f32 v26, v3  }
0x106: {  	v26 =	vld [tilespmem:s11+$0x5590];
	v11 =	vadd.f32 v20, v11;
	v20 =	vmul.f32 v22, v3  }
0x107: {  	v22 =	vld [tilespmem:s11+$0x55A0];
	v14 =	vadd.f32 v19, v14;
	v19 =	vmul.f32 v21, v3  }
0x108: {  	v21 =	vld [tilespmem:s11+$0x55B0];
	v16 =	vadd.f32 v20, v16;
	v20 =	vmul.f32 v23, v3  }
0x109: {  	v23 =	vld [tilespmem:s11+$0x55C0];
	v15 =	vadd.f32 v19, v15;
	v19 =	vmul.f32 v24, v3  }
0x10a: {  	v24 =	vmul.f32 v25, v2;
	v25 =	vld [tilespmem:s11+$0x55D0];
	v17 =	vadd.f32 v20, v17  }
0x10b: {  	v20 =	vmul.f32 v26, v2;
	v26 =	vld [tilespmem:s11+$0x5600];
	v18 =	vadd.f32 v19, v18  }
0x10c: {  	v8 =	vadd.f32 v24, v8;
	v19 =	vmul.f32 v22, v2;
	v22 =	vld [tilespmem:s11+$0x5610]  }
0x10d: {  	v9 =	vadd.f32 v20, v9;
	v20 =	vmul.f32 v21, v2;
	v21 =	vld [tilespmem:s11+$0x5620]  }
0x10e: {  	v10 =	vadd.f32 v19, v10;
	v19 =	vmul.f32 v23, v2;
	v23 =	vld [tilespmem:s11+$0x5630]  }
0x10f: {  	v13 =	vadd.f32 v20, v13;
	v20 =	vmul.f32 v25, v2;
	v24 =	vld [tilespmem:s11+$0x5640]  }
0x110: {  	v25 =	vld [tilespmem:s11+$0x6580];
	v12 =	vadd.f32 v19, v12;
	v19 =	vmul.f32 v26, v2  }
0x111: {  	v26 =	vld [tilespmem:s11+$0x6590];
	v11 =	vadd.f32 v20, v11;
	v20 =	vmul.f32 v22, v2  }
0x112: {  	v22 =	vld [tilespmem:s11+$0x65A0];
	v14 =	vadd.f32 v19, v14;
	v19 =	vmul.f32 v21, v2  }
0x113: {  	v21 =	vld [tilespmem:s11+$0x65B0];
	v16 =	vadd.f32 v20, v16;
	v20 =	vmul.f32 v23, v2  }
0x114: {  	v23 =	vld [tilespmem:s11+$0x65C0];
	v15 =	vadd.f32 v19, v15;
	v19 =	vmul.f32 v24, v2  }
0x115: {  	v24 =	vmul.f32 v25, v1;
	v25 =	vld [tilespmem:s11+$0x65D0];
	v17 =	vadd.f32 v20, v17  }
0x116: {  	v20 =	vmul.f32 v26, v1;
	v26 =	vld [tilespmem:s11+$0x6600];
	v18 =	vadd.f32 v19, v18  }
0x117: {  	v19 =	vadd.f32 v24, v8;
	v8 =	vmul.f32 v22, v1;
	v22 =	vld [tilespmem:s11+$0x6610]  }
0x118: {  	v20 =	vadd.f32 v20, v9;
	v9 =	vmul.f32 v21, v1;
	v21 =	vld [tilespmem:s11+$0x6620]  }
0x119: {  	v24 =	vadd.f32 v8, v10;
	v8 =	vmul.f32 v23, v1;
	v10 =	vld [tilespmem:s11+$0x6630]  }
0x11a: {  	v23 =	vadd.f32 v9, v13;
	v9 =	vmul.f32 v25, v1;
	v25 =	vld [tilespmem:s11+$0x6640]  }
0x11b: {  	v27 =	vld [tilespmem:s11+$0x7580];
	v28 =	vadd.f32 v8, v12;
	v8 =	vmul.f32 v26, v1  }
0x11c: {  	v26 =	vld [tilespmem:s11+$0x7590];
	v13 =	vadd.f32 v9, v11;
	v9 =	vmul.f32 v22, v1  }
0x11d: {  	v22 =	vld [tilespmem:s11+$0x75A0];
	v12 =	vadd.f32 v8, v14;
	v8 =	vmul.f32 v21, v1  }
0x11e: {  	v14 =	vld [tilespmem:s11+$0x75B0];
	v11 =	vadd.f32 v9, v16;
	v9 =	vmul.f32 v10, v1  }
0x11f: {  	v16 =	vld [tilespmem:s11+$0x75C0];
	v8 =	vadd.f32 v8, v15;
	v10 =	vmul.f32 v25, v1  }
0x120: {  	v15 =	vmul.f32 v27, v0;
	v21 =	vld [tilespmem:s11+$0x75D0];
	v9 =	vadd.f32 v9, v17  }
0x121: {  	v17 =	vmul.f32 v26, v0;
	v25 =	vld [tilespmem:s11+$0x7600];
	v10 =	vadd.f32 v10, v18  }
.Ltmp0:
0x122: {  	v18 =	vadd.f32 v15, v19;
	v19 =	vmul.f32 v22, v0;
	v15 =	vld [tilespmem:s11+$0x7610];
	(pc) =	sbr.rel @p1 .LBB2_3-.Ltmp0, $4  }
0x123: {  	v20 =	vadd.f32 v17, v20;
	v22 =	vmul.f32 v14, v0;
	v14 =	vld [tilespmem:s11+$0x7620]  }
0x124: {  	[tilespmem:s11+$0x18580] =	vst v18;
	v24 =	vadd.f32 v19, v24;
	v26 =	vmul.f32 v16, v0;
	v17 =	vld [tilespmem:s11+$0x7630]  }
0x125: {  	s19 =	sshra.s32 s18, $0x2;
	[tilespmem:s11+$0x18590] =	vst v20;
	v19 =	vadd.f32 v22, v23;
	v20 =	vmul.f32 v21, v0;
	v18 =	vld [tilespmem:s11+$0x7640]  }
0x126: {  	s18 =	sadd.s32 $0x400, s18;
	v16 =	vld [tilespmem:s19+$0x650];
	[tilespmem:s11+$0x185A0] =	vst v24;
	v22 =	vadd.f32 v26, v28;
	v21 =	vmul.f32 v25, v0  }
0x127: {  	v23 =	vld [tilespmem:s19+$0x1650];
	[tilespmem:s11+$0x185B0] =	vst v19;
	v13 =	vadd.f32 v20, v13;
	v15 =	vmul.f32 v15, v0  }
0x128: {  	v19 =	vld [tilespmem:s19+$0x580];
	[tilespmem:s11+$0x185C0] =	vst v22;
	v12 =	vadd.f32 v21, v12;
	v14 =	vmul.f32 v14, v0  }
0x129: {  	v20 =	vld [tilespmem:s19+$0x2650];
	[tilespmem:s11+$0x185D0] =	vst v13;
	v11 =	vadd.f32 v15, v11;
	v15 =	vmul.f32 v17, v0  }
0x12a: {  	v13 =	vld [tilespmem:s19+$0x1580];
	[tilespmem:s11+$0x18600] =	vst v12;
	v8 =	vadd.f32 v14, v8;
	v14 =	vmul.f32 v18, v0  }
0x12b: {  	v12 =	vld [tilespmem:s19+$0x3650];
	[tilespmem:s11+$0x18610] =	vst v11;
	v9 =	vadd.f32 v15, v9  }
0x12c: {  	v11 =	vld [tilespmem:s19+$0x590];
	[tilespmem:s11+$0x18620] =	vst v8;
	v10 =	vadd.f32 v14, v10  }
0x12d: {  	v14 =	vmul.f32 v23, v7;
	v8 =	vld [tilespmem:s19+$0x4650];
	[tilespmem:s11+$0x18630] =	vst v9;
	v9 =	vmul.f32 v16, v6  }
0x12e: {  	v15 =	vld [tilespmem:s19+$0x1590];
	[tilespmem:s11+$0x18640] =	vst v10  }
0x12f: {  	v9 =	vadd.f32 v14, v9;
	v14 =	vld [tilespmem:s19+$0x5650]  }
0x130: {  	v16 =	vld [tilespmem:s19+$0x5A0]  }
0x131: {  	v17 =	vld [tilespmem:s19+$0x15A0]  }
0x132: {  	v18 =	vld [tilespmem:s19+$0x5B0]  }
0x133: {  	v10 =	vmul.f32 v20, v5;
	v20 =	vld [tilespmem:s19+$0x5C0]  }
0x134: {  	v21 =	vld [tilespmem:s19+$0x5D0]  }
0x135: {  	v22 =	vld [tilespmem:s19+$0x600]  }
0x136: {  	v23 =	vld [tilespmem:s19+$0x610]  }
0x137: {  	v24 =	vld [tilespmem:s19+$0x620]  }
0x138: {  	v25 =	vld [tilespmem:s19+$0x1620]  }
0x139: {  	v26 =	vld [tilespmem:s19+$0x630]  }
0x13a: {  	v27 =	vld [tilespmem:s19+$0x1630]  }
0x13b: {  	v28 =	vld [tilespmem:s19+$0x640]  }
0x13c: {  	v29 =	vld [tilespmem:s19+$0x1640]  }
0x13d: {  	v30 =	vld [tilespmem:s19+$0x2580]  }
0x13e: {  	v31 =	vld [tilespmem:s19+$0x2590]  }
0x13f: {  	v32 =	vld [tilespmem:s19+$0x25A0]  }
0x140: {  	v33 =	vld [tilespmem:s19+$0x25B0]  }
0x141: {  	v34 =	vld [tilespmem:s19+$0x25C0]  }
0x142: {  	v35 =	vld [tilespmem:s19+$0x25D0]  }
0x143: {  	v36 =	vld [tilespmem:s19+$0x2600]  }
0x144: {  	v37 =	vld [tilespmem:s19+$0x2610]  }
0x145: {  	v38 =	vld [tilespmem:s19+$0x2620]  }
0x146: {  	v39 =	vld [tilespmem:s19+$0x2630]  }
0x147: {  	v40 =	vld [tilespmem:s19+$0x2640]  }
0x148: {  	v41 =	vld [tilespmem:s19+$0x3580]  }
0x149: {  	v42 =	vld [tilespmem:s19+$0x3590]  }
0x14a: {  	v43 =	vld [tilespmem:s19+$0x35A0]  }
0x14b: {  	v44 =	vld [tilespmem:s19+$0x35B0]  }
0x14c: {  	v45 =	vld [tilespmem:s19+$0x35C0]  }
0x14d: {  	v46 =	vld [tilespmem:s19+$0x35D0]  }
0x14e: {  	v19 =	vmul.f32 v19, v6;
	v47 =	vld [tilespmem:s19+$0x3600];
	v13 =	vmul.f32 v13, v7  }
0x14f: {  	v48 =	vld [tilespmem:s19+$0x3610];
	v9 =	vadd.f32 v10, v9;
	v10 =	vmul.f32 v12, v4;
	v11 =	vmul.f32 v11, v6  }
0x150: {  	v49 =	vld [tilespmem:s19+$0x3620];
	v8 =	vmul.f32 v8, v3;
	v15 =	vmul.f32 v15, v7  }
0x151: {  	v12 =	vld [tilespmem:s19+$0x6650];
	v16 =	vmul.f32 v16, v6;
	v17 =	vmul.f32 v17, v7  }
0x152: {  	v13 =	vadd.f32 v13, v19;
	v19 =	vld [tilespmem:s19+$0x3630];
	v58 =	vmul.f32 v25, v7;
	v59 =	vmul.f32 v27, v7  }
0x153: {  	v9 =	vadd.f32 v10, v9;
	v10 =	vld [tilespmem:s19+$0x7650];
	v60 =	vmul.f32 v28, v6;
	v61 =	vmul.f32 v29, v7  }
0x154: {  	v25 =	vld [tilespmem:s19+$0x45C0];
	v62 =	vmul.f32 v30, v5;
	v63 =	vmul.f32 v31, v5  }
0x155: {  	v27 =	vld [tilespmem:s19+$0x45D0];
	v50 =	vmul.f32 v32, v5;
	v51 =	vmul.f32 v33, v5  }
0x156: {  	v29 =	vld [tilespmem:s19+$0x4600];
	v52 =	vmul.f32 v34, v5;
	v53 =	vmul.f32 v35, v5  }
0x157: {  	v31 =	vld [tilespmem:s19+$0x4610];
	v54 =	vmul.f32 v36, v5;
	v55 =	vmul.f32 v37, v5  }
0x158: {  	v33 =	vld [tilespmem:s19+$0x4620];
	v56 =	vmul.f32 v38, v5;
	v8 =	vadd.f32 v8, v9;
	v9 =	vmul.f32 v14, v2  }
0x159: {  	v57 =	vmul.f32 v39, v5;
	v14 =	vld [tilespmem:s19+$0x15B0];
	v11 =	vadd.f32 v15, v11;
	v15 =	vmul.f32 v18, v6  }
0x15a: {  	v18 =	vld [tilespmem:s19+$0x3640];
	v16 =	vadd.f32 v17, v16;
	v8 =	vadd.f32 v9, v8;
	v9 =	vmul.f32 v12, v1  }
0x15b: {  	v17 =	vmul.f32 v20, v6;
	v13 =	vadd.f32 v62, v13;
	v62 =	vmul.f32 v44, v4;
	v12 =	vld [tilespmem:s19+$0x15C0]  }
0x15c: {  	v44 =	vmul.f32 v46, v4;
	v8 =	vadd.f32 v9, v8;
	v9 =	vmul.f32 v10, v0;
	v10 =	vld [tilespmem:s19+$0x15D0]  }
0x15d: {  	v20 =	vld [tilespmem:s19+$0x4580];
	v46 =	vmul.f32 v47, v4;
	v19 =	vmul.f32 v19, v4  }
0x15e: {  	v11 =	vadd.f32 v63, v11;
	v14 =	vmul.f32 v14, v7;
	v8 =	vadd.f32 v9, v8;
	v9 =	vld [tilespmem:s19+$0x1600]  }
0x15f: {  	v30 =	vld [tilespmem:s19+$0x4630];
	v63 =	vmul.f32 v45, v4;
	v16 =	vadd.f32 v50, v16;
	v50 =	vmul.f32 v48, v4  }
0x160: {  	v18 =	vmul.f32 v18, v4;
	v12 =	vmul.f32 v12, v7;
	v14 =	vadd.f32 v14, v15;
	[tilespmem:s19+$0x18650] =	vst v8;
	v8 =	vld [tilespmem:s19+$0x1610]  }
0x161: {  	v32 =	vld [tilespmem:s19+$0x4640];
	v15 =	vmul.f32 v21, v6;
	v10 =	vmul.f32 v10, v7  }
0x162: {  	v35 =	vld [tilespmem:s19+$0x5580];
	v20 =	vmul.f32 v20, v3;
	v12 =	vadd.f32 v12, v17;
	v14 =	vadd.f32 v51, v14  }
0x163: {  	v37 =	vld [tilespmem:s19+$0x5590];
	v17 =	vmul.f32 v22, v6;
	v9 =	vmul.f32 v9, v7;
	v10 =	vadd.f32 v10, v15  }
0x164: {  	v34 =	vld [tilespmem:s19+$0x55A0];
	v15 =	vmul.f32 v23, v6;
	v12 =	vadd.f32 v52, v12;
	v14 =	vadd.f32 v62, v14  }
0x165: {  	v36 =	vld [tilespmem:s19+$0x55B0];
	v8 =	vmul.f32 v8, v7;
	v9 =	vadd.f32 v9, v17;
	v17 =	vmul.f32 v24, v6  }
0x166: {  	v39 =	vld [tilespmem:s19+$0x55C0];
	v24 =	vadd.f32 v61, v60;
	v10 =	vadd.f32 v53, v10;
	v60 =	vmul.f32 v42, v4  }
0x167: {  	v47 =	vld [tilespmem:s19+$0x5610];
	v61 =	vmul.f32 v43, v4;
	v12 =	vadd.f32 v63, v12;
	v8 =	vadd.f32 v8, v15  }
0x168: {  	v45 =	vld [tilespmem:s19+$0x5600];
	v15 =	vmul.f32 v26, v6;
	v17 =	vadd.f32 v58, v17;
	v9 =	vadd.f32 v54, v9  }
0x169: {  	v21 =	vld [tilespmem:s19+$0x4590];
	v51 =	vmul.f32 v49, v4;
	v11 =	vadd.f32 v60, v11;
	v16 =	vadd.f32 v61, v16  }
0x16a: {  	v22 =	vld [tilespmem:s19+$0x45A0];
	v58 =	vmul.f32 v40, v5;
	v10 =	vadd.f32 v44, v10;
	v15 =	vadd.f32 v59, v15  }
0x16b: {  	v23 =	vld [tilespmem:s19+$0x45B0];
	v8 =	vadd.f32 v55, v8;
	v17 =	vadd.f32 v56, v17;
	v59 =	vmul.f32 v41, v4  }
0x16c: {  	v52 =	vld [tilespmem:s19+$0x5620];
	v60 =	vmul.f32 v35, v2;
	v24 =	vadd.f32 v58, v24;
	v15 =	vadd.f32 v57, v15  }
0x16d: {  	v62 =	vld [tilespmem:s19+$0x6610];
	v9 =	vadd.f32 v46, v9;
	v55 =	vmul.f32 v27, v3;
	v13 =	vadd.f32 v59, v13  }
0x16e: {  	v63 =	vld [tilespmem:s19+$0x6620];
	v58 =	vmul.f32 v30, v3;
	v15 =	vadd.f32 v19, v15;
	v19 =	vmul.f32 v21, v3  }
0x16f: {  	v54 =	vld [tilespmem:s19+$0x5640];
	v8 =	vadd.f32 v50, v8;
	v13 =	vadd.f32 v20, v13;
	v20 =	vmul.f32 v22, v3  }
0x170: {  	v53 =	vld [tilespmem:s19+$0x5630];
	v17 =	vadd.f32 v51, v17;
	v11 =	vadd.f32 v19, v11;
	v19 =	vmul.f32 v25, v3  }
0x171: {  	v44 =	vld [tilespmem:s19+$0x7590];
	v18 =	vadd.f32 v18, v24;
	v16 =	vadd.f32 v20, v16;
	v20 =	vmul.f32 v29, v3  }
0x172: {  	v42 =	vld [tilespmem:s19+$0x7580];
	v10 =	vadd.f32 v55, v10;
	v12 =	vadd.f32 v19, v12;
	v19 =	vmul.f32 v31, v3  }
0x173: {  	v41 =	vld [tilespmem:s19+$0x55D0];
	v51 =	vmul.f32 v63, v1;
	v9 =	vadd.f32 v20, v9;
	v20 =	vmul.f32 v33, v3  }
0x174: {  	v61 =	vld [tilespmem:s19+$0x6600];
	v26 =	vmul.f32 v54, v2;
	v8 =	vadd.f32 v19, v8;
	v19 =	vmul.f32 v32, v3  }
0x175: {  	v59 =	vld [tilespmem:s19+$0x65D0];
	v22 =	vmul.f32 v23, v3;
	v17 =	vadd.f32 v20, v17;
	v20 =	vmul.f32 v37, v2  }
0x176: {  	v56 =	vld [tilespmem:s19+$0x65A0];
	v49 =	vmul.f32 v44, v0;
	v18 =	vadd.f32 v19, v18;
	v19 =	vmul.f32 v34, v2  }
0x177: {  	v21 =	vld [tilespmem:s19+$0x6580];
	v14 =	vadd.f32 v22, v14;
	v11 =	vadd.f32 v20, v11;
	v20 =	vmul.f32 v36, v2  }
0x178: {  	v46 =	vld [tilespmem:s19+$0x75C0];
	v15 =	vadd.f32 v58, v15;
	v16 =	vadd.f32 v19, v16;
	v19 =	vmul.f32 v41, v2  }
0x179: {  	v23 =	vld [tilespmem:s19+$0x6590];
	v13 =	vadd.f32 v60, v13;
	v14 =	vadd.f32 v20, v14;
	v20 =	vmul.f32 v47, v2  }
0x17a: {  	v57 =	vld [tilespmem:s19+$0x65C0];
	v48 =	vmul.f32 v59, v1;
	v10 =	vadd.f32 v19, v10;
	v19 =	vmul.f32 v52, v2  }
0x17b: {  	v22 =	vld [tilespmem:s19+$0x65B0];
	v36 =	vmul.f32 v39, v2;
	v8 =	vadd.f32 v20, v8;
	v20 =	vmul.f32 v53, v2  }
0x17c: {  	v37 =	vld [tilespmem:s19+$0x6630];
	v39 =	vmul.f32 v45, v2;
	v17 =	vadd.f32 v19, v17;
	v19 =	vmul.f32 v21, v1  }
0x17d: {  	v45 =	vld [tilespmem:s19+$0x75A0];
	v12 =	vadd.f32 v36, v12;
	v15 =	vadd.f32 v20, v15;
	v20 =	vmul.f32 v56, v1  }
0x17e: {  	v9 =	vadd.f32 v39, v9;
	v21 =	vmul.f32 v23, v1;
	v23 =	vld [tilespmem:s19+$0x75B0];
	v13 =	vadd.f32 v19, v13  }
0x17f: {  	v41 =	vld [tilespmem:s19+$0x6640];
	v19 =	vmul.f32 v42, v0;
	v16 =	vadd.f32 v20, v16;
	v20 =	vmul.f32 v57, v1  }
0x180: {  	v22 =	vmul.f32 v22, v1;
	v18 =	vadd.f32 v26, v18;
	v11 =	vadd.f32 v21, v11;
	v21 =	vld [tilespmem:s19+$0x75D0]  }
0x181: {  	v47 =	vld [tilespmem:s19+$0x7600];
	v13 =	vadd.f32 v19, v13;
	v12 =	vadd.f32 v20, v12;
	v20 =	vmul.f32 v61, v1  }
0x182: {  	v14 =	vadd.f32 v22, v14;
	v50 =	vmul.f32 v45, v0;
	v19 =	vld [tilespmem:s19+$0x7610];
	v11 =	vadd.f32 v49, v11  }
0x183: {  	v22 =	vld [tilespmem:s19+$0x7620];
	[tilespmem:s19+$0x18580] =	vst v13;
	v13 =	vmul.f32 v62, v1;
	v9 =	vadd.f32 v20, v9;
	v20 =	vmul.f32 v23, v0  }
0x184: {  	v25 =	vmul.f32 v46, v0;
	v10 =	vadd.f32 v48, v10;
	v16 =	vadd.f32 v50, v16;
	v23 =	vld [tilespmem:s19+$0x7630]  }
0x185: {  	[tilespmem:s19+$0x18590] =	vst v11;
	v8 =	vadd.f32 v13, v8;
	v11 =	vadd.f32 v20, v14;
	v13 =	vmul.f32 v21, v0;
	v14 =	vld [tilespmem:s19+$0x7640]  }
0x186: {  	v17 =	vadd.f32 v51, v17;
	[tilespmem:s19+$0x185A0] =	vst v16;
	v12 =	vadd.f32 v25, v12;
	v16 =	vmul.f32 v47, v0  }
0x187: {  	v20 =	vmul.f32 v37, v1;
	[tilespmem:s19+$0x185B0] =	vst v11;
	v10 =	vadd.f32 v13, v10;
	v11 =	vmul.f32 v19, v0  }
0x188: {  	[tilespmem:s19+$0x185C0] =	vst v12;
	v9 =	vadd.f32 v16, v9;
	v12 =	vmul.f32 v22, v0;
	v13 =	vmul.f32 v41, v1  }
0x189: {  	v15 =	vadd.f32 v20, v15;
	[tilespmem:s19+$0x185D0] =	vst v10;
	v8 =	vadd.f32 v11, v8;
	v10 =	vmul.f32 v23, v0  }
0x18a: {  	s11 =	smul.u32 $0x6000, s10;
	[tilespmem:s19+$0x18600] =	vst v9;
	v9 =	vadd.f32 v12, v17;
	v11 =	vadd.f32 v13, v18;
	v12 =	vmul.f32 v14, v0  }
0x18b: {  	[tilespmem:s19+$0x18610] =	vst v8;
	v8 =	vadd.f32 v10, v15  }
0x18c: {  	s8 =	sadd.s32 s13, s11;
	[tilespmem:s19+$0x18620] =	vst v9;
	v9 =	vadd.f32 v12, v11  }
0x18d: {  	s8 =	sshrl.u32 s8, $0x3;
	[tilespmem:s19+$0x18630] =	vst v8  }
0x18e: {  	s8 =	sadd.s32 s5, s8;
	[tilespmem:s19+$0x18640] =	vst v9;
	s19 =	sadd.s32 s12, s11  }
0x18f: {  	[hbm4b:s8+s7] =	stream.linear.scatter [tilespmem:s28], [sflag:$0x4], $0x1000, $0x38;
	[tilespmem:$0x1B580] =	vst v63  }
0x190: {  	s8 =	sshrl.u32 s19, $0x3  }
0x191: {  	s8 =	sadd.s32 s1, s8  }
0x192: {  	[tilespmem:s24], [sflag:$0x1] =	stream.strided.gather [hbm4b:s8+s22], $0x8000, s23, s22, $0x38;
	[tilespmem:$0x1B580] =	vst v63  }
0x193: {  	_ =	swait.ge [sflag:s29], $0x8000  }
0x194: {  	[sflag:s29] =	ssyncset.done $0x0  }
0x195: {  	s8 =	simm.s32 @!p0 $0x5;
	[sflag:s29] =	ssyncadd.s32 $0xFFFF8000  }
0x196: {  	_ =	swait.ge @!p0 [sflag:s8], $0x1000  }
0x197: {  	[sflag:s8] =	ssyncset.done @!p0 $0x0  }
0x198: {  	s18 =	simm.s32 $0x0;
	[sflag:s8] =	ssyncadd.s32 @!p0 $0xFFFFF000  }
0x199: {  	v8 =	vld [tilespmem:s18+$0x8650]  }
0x19a: {  	v9 =	vld [tilespmem:s18+$0x9650]  }
0x19b: {  	v10 =	vld [tilespmem:s18+$0x8580]  }
0x19c: {  	v11 =	vld [tilespmem:s18+$0xA650]  }
0x19d: {  	v12 =	vld [tilespmem:s18+$0x9580]  }
0x19e: {  	v13 =	vld [tilespmem:s18+$0xB650]  }
0x19f: {  	v14 =	vld [tilespmem:s18+$0x8590]  }
0x1a0: {  	v15 =	vld [tilespmem:s18+$0xC650]  }
0x1a1: {  	v16 =	vld [tilespmem:s18+$0x9590]  }
0x1a2: {  	v17 =	vld [tilespmem:s18+$0x85A0]  }
0x1a3: {  	v18 =	vld [tilespmem:s18+$0x95A0]  }
0x1a4: {  	v19 =	vld [tilespmem:s18+$0x85B0]  }
0x1a5: {  	v20 =	vld [tilespmem:s18+$0x85C0]  }
0x1a6: {  	v21 =	vld [tilespmem:s18+$0x85D0]  }
0x1a7: {  	v22 =	vld [tilespmem:s18+$0x8600]  }
0x1a8: {  	v23 =	vld [tilespmem:s18+$0x8610]  }
0x1a9: {  	v24 =	vld [tilespmem:s18+$0x8620]  }
0x1aa: {  	v25 =	vld [tilespmem:s18+$0x9620]  }
0x1ab: {  	v26 =	vld [tilespmem:s18+$0x8630]  }
0x1ac: {  	v52 =	vld [tilespmem:s18+$0x9630]  }
0x1ad: {  	v28 =	vld [tilespmem:s18+$0x8640]  }
0x1ae: {  	v53 =	vld [tilespmem:s18+$0x9640]  }
0x1af: {  	v54 =	vld [tilespmem:s18+$0xA580]  }
0x1b0: {  	v55 =	vld [tilespmem:s18+$0xA590]  }
0x1b1: {  	v56 =	vld [tilespmem:s18+$0xA5A0]  }
0x1b2: {  	v57 =	vld [tilespmem:s18+$0xA5B0]  }
0x1b3: {  	v58 =	vld [tilespmem:s18+$0xA5C0]  }
0x1b4: {  	v59 =	vld [tilespmem:s18+$0xA5D0]  }
0x1b5: {  	v60 =	vld [tilespmem:s18+$0xA600]  }
0x1b6: {  	v61 =	vld [tilespmem:s18+$0xA610]  }
0x1b7: {  	v62 =	vld [tilespmem:s18+$0xA620]  }
0x1b8: {  	v63 =	vld [tilespmem:s18+$0xA630]  }
0x1b9: {  	v40 =	vld [tilespmem:s18+$0xA640]  }
0x1ba: {  	v41 =	vld [tilespmem:s18+$0xB580]  }
0x1bb: {  	v42 =	vld [tilespmem:s18+$0xB590]  }
0x1bc: {  	v43 =	vld [tilespmem:s18+$0xB5A0]  }
0x1bd: {  	v44 =	vld [tilespmem:s18+$0xB5B0]  }
0x1be: {  	v45 =	vld [tilespmem:s18+$0xB5C0];
	v8 =	vmul.f32 v8, v6  }
0x1bf: {  	v46 =	vld [tilespmem:s18+$0xB5D0];
	v9 =	vmul.f32 v9, v7;
	v10 =	vmul.f32 v10, v6  }
0x1c0: {  	v47 =	vld [tilespmem:s18+$0xB600];
	v12 =	vmul.f32 v12, v7;
	v14 =	vmul.f32 v14, v6  }
0x1c1: {  	v48 =	vld [tilespmem:s18+$0xB610];
	v16 =	vmul.f32 v16, v7;
	v17 =	vmul.f32 v17, v6  }
0x1c2: {  	v49 =	vld [tilespmem:s18+$0xB620];
	v18 =	vmul.f32 v18, v7;
	v51 =	vmul.f32 v25, v7  }
0x1c3: {  	v27 =	vld [tilespmem:s18+$0xC5C0];
	v52 =	vmul.f32 v52, v7;
	v53 =	vmul.f32 v53, v7  }
0x1c4: {  	v29 =	vld [tilespmem:s18+$0xC5D0];
	v54 =	vmul.f32 v54, v5;
	v8 =	vadd.f32 v9, v8;
	v9 =	vmul.f32 v11, v5  }
0x1c5: {  	v55 =	vmul.f32 v55, v5;
	v56 =	vmul.f32 v56, v5;
	v11 =	vld [tilespmem:s18+$0xD650]  }
0x1c6: {  	v31 =	vld [tilespmem:s18+$0xC610];
	v57 =	vmul.f32 v57, v5;
	v8 =	vadd.f32 v9, v8;
	v9 =	vmul.f32 v13, v4  }
0x1c7: {  	v58 =	vmul.f32 v58, v5;
	v59 =	vmul.f32 v59, v5;
	v13 =	vld [tilespmem:s18+$0xE650]  }
0x1c8: {  	v32 =	vld [tilespmem:s18+$0xC640];
	v60 =	vmul.f32 v60, v5;
	v8 =	vadd.f32 v9, v8;
	v9 =	vmul.f32 v15, v3  }
0x1c9: {  	v61 =	vmul.f32 v61, v5;
	v62 =	vmul.f32 v62, v5;
	v10 =	vadd.f32 v12, v10;
	v15 =	vld [tilespmem:s18+$0xF650]  }
0x1ca: {  	v12 =	vmul.f32 v19, v6;
	v19 =	vld [tilespmem:s18+$0xB630];
	v8 =	vadd.f32 v9, v8;
	v9 =	vmul.f32 v11, v2  }
0x1cb: {  	v14 =	vadd.f32 v16, v14;
	v16 =	vmul.f32 v20, v6;
	v20 =	vld [tilespmem:s18+$0xB640];
	v17 =	vadd.f32 v18, v17  }
0x1cc: {  	v18 =	vmul.f32 v21, v6;
	v21 =	vld [tilespmem:s18+$0xC580];
	v8 =	vadd.f32 v9, v8;
	v9 =	vmul.f32 v13, v1  }
0x1cd: {  	v63 =	vmul.f32 v63, v5;
	v40 =	vmul.f32 v40, v5;
	v11 =	vld [tilespmem:s18+$0x95B0]  }
0x1ce: {  	v41 =	vmul.f32 v41, v4;
	v13 =	vld [tilespmem:s18+$0x95C0];
	v8 =	vadd.f32 v9, v8;
	v9 =	vmul.f32 v15, v0  }
0x1cf: {  	v50 =	vmul.f32 v42, v4;
	v10 =	vadd.f32 v54, v10;
	v14 =	vadd.f32 v55, v14;
	v15 =	vld [tilespmem:s18+$0x95D0]  }
0x1d0: {  	v33 =	vld [tilespmem:s18+$0xC620];
	v54 =	vmul.f32 v45, v4;
	v55 =	vmul.f32 v46, v4;
	v8 =	vadd.f32 v9, v8  }
0x1d1: {  	v17 =	vadd.f32 v56, v17;
	v46 =	vmul.f32 v32, v3;
	v19 =	vmul.f32 v19, v4;
	v9 =	vld [tilespmem:s18+$0x9600]  }
0x1d2: {  	v10 =	vadd.f32 v41, v10;
	v21 =	vmul.f32 v21, v3;
	v11 =	vmul.f32 v11, v7;
	[tilespmem:s18+$0x19650] =	vst v8;
	v8 =	vld [tilespmem:s18+$0x9610]  }
0x1d3: {  	v30 =	vld [tilespmem:s18+$0xC630];
	v14 =	vadd.f32 v50, v14;
	v20 =	vmul.f32 v20, v4;
	v13 =	vmul.f32 v13, v7  }
0x1d4: {  	v10 =	vadd.f32 v21, v10;
	v21 =	vld [tilespmem:s18+$0xE580];
	v11 =	vadd.f32 v11, v12;
	v15 =	vmul.f32 v15, v7  }
0x1d5: {  	v35 =	vld [tilespmem:s18+$0xD580];
	v12 =	vmul.f32 v22, v6;
	v13 =	vadd.f32 v13, v16;
	v16 =	vmul.f32 v23, v6  }
0x1d6: {  	v37 =	vld [tilespmem:s18+$0xD590];
	v9 =	vmul.f32 v9, v7;
	v15 =	vadd.f32 v15, v18;
	v18 =	vmul.f32 v24, v6  }
0x1d7: {  	v34 =	vld [tilespmem:s18+$0xD5A0];
	v11 =	vadd.f32 v57, v11;
	v13 =	vadd.f32 v58, v13;
	v8 =	vmul.f32 v8, v7  }
0x1d8: {  	v36 =	vld [tilespmem:s18+$0xD5B0];
	v9 =	vadd.f32 v9, v12;
	v12 =	vmul.f32 v26, v6;
	v18 =	vadd.f32 v51, v18  }
0x1d9: {  	v25 =	vld [tilespmem:s18+$0xC5B0];
	v21 =	vmul.f32 v21, v1;
	v15 =	vadd.f32 v59, v15;
	v13 =	vadd.f32 v54, v13  }
0x1da: {  	v56 =	vld [tilespmem:s18+$0xD5D0];
	v51 =	vmul.f32 v43, v4;
	v8 =	vadd.f32 v8, v16;
	v12 =	vadd.f32 v52, v12  }
0x1db: {  	v22 =	vld [tilespmem:s18+$0xC590];
	v16 =	vmul.f32 v28, v6;
	v9 =	vadd.f32 v60, v9;
	v18 =	vadd.f32 v62, v18  }
0x1dc: {  	v23 =	vld [tilespmem:s18+$0xC5A0];
	v52 =	vmul.f32 v44, v4;
	v17 =	vadd.f32 v51, v17;
	v15 =	vadd.f32 v55, v15  }
0x1dd: {  	v57 =	vmul.f32 v47, v4;
	v26 =	vld [tilespmem:s18+$0xC600];
	v16 =	vadd.f32 v53, v16;
	v8 =	vadd.f32 v61, v8  }
0x1de: {  	v45 =	vld [tilespmem:s18+$0xE5C0];
	v59 =	vmul.f32 v48, v4;
	v12 =	vadd.f32 v63, v12;
	v11 =	vadd.f32 v52, v11  }
0x1df: {  	v50 =	vld [tilespmem:s18+$0xE610];
	v48 =	vmul.f32 v37, v2;
	v9 =	vadd.f32 v57, v9;
	v16 =	vadd.f32 v40, v16  }
0x1e0: {  	v47 =	vld [tilespmem:s18+$0xE5D0];
	v61 =	vmul.f32 v49, v4;
	v12 =	vadd.f32 v19, v12;
	v19 =	vmul.f32 v22, v3  }
0x1e1: {  	v60 =	vld [tilespmem:s18+$0xD610];
	v52 =	vmul.f32 v56, v2;
	v16 =	vadd.f32 v20, v16;
	v20 =	vmul.f32 v23, v3  }
0x1e2: {  	v58 =	vld [tilespmem:s18+$0xD600];
	v26 =	vmul.f32 v26, v3;
	v14 =	vadd.f32 v19, v14;
	v19 =	vmul.f32 v25, v3  }
0x1e3: {  	v57 =	vld [tilespmem:s18+$0xF590];
	v8 =	vadd.f32 v59, v8;
	v17 =	vadd.f32 v20, v17;
	v20 =	vmul.f32 v29, v3  }
0x1e4: {  	v43 =	vld [tilespmem:s18+$0xE590];
	v18 =	vadd.f32 v61, v18;
	v11 =	vadd.f32 v19, v11;
	v19 =	vmul.f32 v31, v3  }
0x1e5: {  	v53 =	vld [tilespmem:s18+$0xD5C0];
	v9 =	vadd.f32 v26, v9;
	v15 =	vadd.f32 v20, v15;
	v20 =	vmul.f32 v33, v3  }
0x1e6: {  	v62 =	vld [tilespmem:s18+$0xD620];
	v54 =	vmul.f32 v60, v2;
	v8 =	vadd.f32 v19, v8;
	v19 =	vmul.f32 v30, v3  }
0x1e7: {  	v44 =	vld [tilespmem:s18+$0xE5A0];
	v23 =	vmul.f32 v27, v3;
	v18 =	vadd.f32 v20, v18;
	v20 =	vmul.f32 v35, v2  }
0x1e8: {  	v63 =	vld [tilespmem:s18+$0xD630];
	v24 =	vmul.f32 v57, v0;
	v12 =	vadd.f32 v19, v12;
	v19 =	vmul.f32 v34, v2  }
0x1e9: {  	v22 =	vld [tilespmem:s18+$0xD640];
	v13 =	vadd.f32 v23, v13;
	v10 =	vadd.f32 v20, v10;
	v20 =	vmul.f32 v36, v2  }
0x1ea: {  	v49 =	vld [tilespmem:s18+$0xE600];
	v16 =	vadd.f32 v46, v16;
	v17 =	vadd.f32 v19, v17;
	v19 =	vmul.f32 v53, v2  }
0x1eb: {  	v23 =	vld [tilespmem:s18+$0xE5B0];
	v14 =	vadd.f32 v48, v14;
	v11 =	vadd.f32 v20, v11;
	v20 =	vmul.f32 v58, v2  }
0x1ec: {  	v56 =	vld [tilespmem:s18+$0xF580];
	v13 =	vadd.f32 v19, v13;
	v19 =	vadd.f32 v52, v15;
	v15 =	vmul.f32 v62, v2  }
0x1ed: {  	v10 =	vadd.f32 v21, v10;
	v21 =	vld [tilespmem:s18+$0xF5C0];
	v9 =	vadd.f32 v20, v9;
	v20 =	vmul.f32 v63, v2  }
0x1ee: {  	v58 =	vmul.f32 v44, v1;
	v18 =	vadd.f32 v15, v18;
	v15 =	vmul.f32 v22, v2;
	v22 =	vld [tilespmem:s18+$0xF5A0]  }
0x1ef: {  	v51 =	vld [tilespmem:s18+$0xE620];
	v8 =	vadd.f32 v54, v8;
	v20 =	vadd.f32 v20, v12;
	v12 =	vmul.f32 v43, v1  }
0x1f0: {  	v59 =	vld [tilespmem:s18+$0xF5B0];
	v25 =	vadd.f32 v58, v17;
	v16 =	vadd.f32 v15, v16;
	v15 =	vmul.f32 v23, v1  }
0x1f1: {  	v53 =	vld [tilespmem:s18+$0xE630];
	v17 =	vmul.f32 v49, v1;
	v23 =	vadd.f32 v12, v14;
	v12 =	vmul.f32 v56, v0  }
0x1f2: {  	v55 =	vld [tilespmem:s18+$0xE640];
	v14 =	vmul.f32 v45, v1;
	v61 =	vadd.f32 v15, v11;
	v11 =	vmul.f32 v47, v1  }
0x1f3: {  	v60 =	vld [tilespmem:s18+$0xF5D0];
	v21 =	vmul.f32 v21, v0;
	v22 =	vmul.f32 v22, v0;
	v10 =	vadd.f32 v12, v10  }
0x1f4: {  	v62 =	vld [tilespmem:s18+$0xF600];
	v63 =	vadd.f32 v14, v13;
	v13 =	vadd.f32 v11, v19;
	v11 =	vmul.f32 v50, v1  }
0x1f5: {  	v15 =	vld [tilespmem:s18+$0xF610];
	v12 =	vadd.f32 v17, v9;
	v9 =	vadd.f32 v24, v23;
	[tilespmem:s18+$0x19580] =	vst v10;
	v10 =	vmul.f32 v51, v1  }
0x1f6: {  	v14 =	vld [tilespmem:s18+$0xF620];
	v19 =	vmul.f32 v53, v1;
	v23 =	vmul.f32 v59, v0;
	v22 =	vadd.f32 v22, v25  }
0x1f7: {  	v17 =	vld [tilespmem:s18+$0xF630];
	v11 =	vadd.f32 v11, v8;
	v8 =	vadd.f32 v10, v18;
	v10 =	vmul.f32 v55, v1  }
0x1f8: {  	s8 =	simm.s32 $0x100;
	[tilespmem:s18+$0x19590] =	vst v9;
	v9 =	vadd.f32 v19, v20;
	v19 =	vadd.f32 v23, v61;
	v20 =	vmul.f32 v60, v0;
	v18 =	vld [tilespmem:s18+$0xF640]  }
0x1f9: {  	s19 =	simm.s32 $0x800;
	v10 =	vadd.f32 v10, v16;
	v16 =	vld [tilespmem:s8+$0x8650];
	[tilespmem:s18+$0x195A0] =	vst v22;
	v22 =	vadd.f32 v21, v63;
	v21 =	vmul.f32 v62, v0  }
.LBB2_5:
0x1fa: {  	p1 =	sne.s32 s19, $0x3C00;
	v23 =	vld [tilespmem:s8+$0x9650];
	[tilespmem:s18+$0x195B0] =	vst v19;
	v13 =	vadd.f32 v20, v13;
	v15 =	vmul.f32 v15, v0  }
0x1fb: {  	v19 =	vld [tilespmem:s8+$0x8580];
	[tilespmem:s18+$0x195C0] =	vst v22;
	v12 =	vadd.f32 v21, v12;
	v14 =	vmul.f32 v14, v0  }
0x1fc: {  	v20 =	vld [tilespmem:s8+$0xA650];
	[tilespmem:s18+$0x195D0] =	vst v13;
	v11 =	vadd.f32 v15, v11;
	v13 =	vmul.f32 v17, v0  }
0x1fd: {  	v15 =	vld [tilespmem:s8+$0x9580];
	[tilespmem:s18+$0x19600] =	vst v12;
	v8 =	vadd.f32 v14, v8;
	v12 =	vmul.f32 v18, v0  }
0x1fe: {  	v14 =	vld [tilespmem:s8+$0xB650];
	[tilespmem:s18+$0x19610] =	vst v11;
	v9 =	vadd.f32 v13, v9  }
0x1ff: {  	v13 =	vmul.f32 v16, v6;
	v11 =	vld [tilespmem:s8+$0x8590];
	v16 =	vmul.f32 v23, v7;
	[tilespmem:s18+$0x19620] =	vst v8;
	v8 =	vadd.f32 v12, v10  }
0x200: {  	v10 =	vmul.f32 v19, v6;
	v12 =	vld [tilespmem:s8+$0xC650];
	[tilespmem:s18+$0x19630] =	vst v9  }
0x201: {  	v9 =	vld [tilespmem:s8+$0x9590];
	v13 =	vadd.f32 v16, v13;
	v16 =	vmul.f32 v20, v5;
	[tilespmem:s18+$0x19640] =	vst v8;
	s18 =	smov.u32 s8  }
0x202: {  	v8 =	vmul.f32 v15, v7;
	v15 =	vld [tilespmem:s18+$0xD650]  }
0x203: {  	v17 =	vld [tilespmem:s18+$0x85A0];
	v13 =	vadd.f32 v16, v13;
	v14 =	vmul.f32 v14, v4  }
0x204: {  	v8 =	vadd.f32 v8, v10;
	v10 =	vmul.f32 v11, v6;
	v11 =	vld [tilespmem:s18+$0xE650]  }
0x205: {  	v16 =	vld [tilespmem:s18+$0x95A0];
	v13 =	vadd.f32 v14, v13;
	v12 =	vmul.f32 v12, v3  }
0x206: {  	v9 =	vmul.f32 v9, v7;
	v14 =	vld [tilespmem:s18+$0xF650]  }
0x207: {  	v18 =	vld [tilespmem:s18+$0x85B0];
	v12 =	vadd.f32 v12, v13;
	v13 =	vmul.f32 v15, v2  }
0x208: {  	v9 =	vadd.f32 v9, v10;
	v10 =	vmul.f32 v17, v6;
	v15 =	vld [tilespmem:s18+$0x95B0]  }
0x209: {  	v17 =	vld [tilespmem:s18+$0x85C0];
	v12 =	vadd.f32 v13, v12;
	v11 =	vmul.f32 v11, v1  }
0x20a: {  	v13 =	vmul.f32 v16, v7;
	v16 =	vld [tilespmem:s18+$0x95C0]  }
0x20b: {  	v19 =	vld [tilespmem:s18+$0x85D0];
	v11 =	vadd.f32 v11, v12;
	v12 =	vmul.f32 v14, v0  }
0x20c: {  	v10 =	vadd.f32 v13, v10;
	v13 =	vmul.f32 v18, v6;
	v14 =	vld [tilespmem:s18+$0x95D0]  }
0x20d: {  	v15 =	vmul.f32 v15, v7;
	v18 =	vld [tilespmem:s18+$0x8600];
	v11 =	vadd.f32 v12, v11  }
0x20e: {  	v12 =	vmul.f32 v17, v6;
	v17 =	vld [tilespmem:s18+$0x9600]  }
0x20f: {  	v13 =	vadd.f32 v15, v13;
	v15 =	vmul.f32 v16, v7;
	v16 =	vld [tilespmem:s18+$0x8610];
	[tilespmem:s18+$0x19650] =	vst v11  }
0x210: {  	v11 =	vmul.f32 v19, v6;
	v19 =	vld [tilespmem:s18+$0x9610]  }
0x211: {  	v12 =	vadd.f32 v15, v12;
	v14 =	vmul.f32 v14, v7;
	v15 =	vld [tilespmem:s18+$0x8620]  }
0x212: {  	v18 =	vmul.f32 v18, v6;
	v20 =	vld [tilespmem:s18+$0x9620]  }
0x213: {  	v11 =	vadd.f32 v14, v11;
	v14 =	vmul.f32 v17, v7;
	v17 =	vld [tilespmem:s18+$0x8630]  }
0x214: {  	v16 =	vmul.f32 v16, v6;
	v21 =	vld [tilespmem:s18+$0x9630]  }
0x215: {  	v14 =	vadd.f32 v14, v18;
	v18 =	vmul.f32 v19, v7;
	v19 =	vld [tilespmem:s18+$0x8640]  }
0x216: {  	v15 =	vmul.f32 v15, v6;
	v22 =	vld [tilespmem:s18+$0x9640]  }
0x217: {  	v23 =	vld [tilespmem:s18+$0xA580];
	v16 =	vadd.f32 v18, v16;
	v18 =	vmul.f32 v20, v7  }
0x218: {  	v20 =	vld [tilespmem:s18+$0xA590];
	v17 =	vmul.f32 v17, v6  }
0x219: {  	v24 =	vld [tilespmem:s18+$0xA5A0];
	v15 =	vadd.f32 v18, v15;
	v18 =	vmul.f32 v21, v7  }
0x21a: {  	v21 =	vld [tilespmem:s18+$0xA5B0];
	v19 =	vmul.f32 v19, v6  }
0x21b: {  	v25 =	vld [tilespmem:s18+$0xA5C0];
	v17 =	vadd.f32 v18, v17;
	v18 =	vmul.f32 v22, v7  }
0x21c: {  	v22 =	vmul.f32 v23, v5;
	v23 =	vld [tilespmem:s18+$0xA5D0]  }
0x21d: {  	v20 =	vmul.f32 v20, v5;
	v26 =	vld [tilespmem:s18+$0xA600];
	v18 =	vadd.f32 v18, v19  }
0x21e: {  	v8 =	vadd.f32 v22, v8;
	v19 =	vmul.f32 v24, v5;
	v22 =	vld [tilespmem:s18+$0xA610]  }
0x21f: {  	v9 =	vadd.f32 v20, v9;
	v20 =	vmul.f32 v21, v5;
	v21 =	vld [tilespmem:s18+$0xA620]  }
0x220: {  	v10 =	vadd.f32 v19, v10;
	v19 =	vmul.f32 v25, v5;
	v24 =	vld [tilespmem:s18+$0xA630]  }
0x221: {  	v13 =	vadd.f32 v20, v13;
	v20 =	vmul.f32 v23, v5;
	v23 =	vld [tilespmem:s18+$0xA640]  }
0x222: {  	v25 =	vld [tilespmem:s18+$0xB580];
	v12 =	vadd.f32 v19, v12;
	v19 =	vmul.f32 v26, v5  }
0x223: {  	v26 =	vld [tilespmem:s18+$0xB590];
	v11 =	vadd.f32 v20, v11;
	v20 =	vmul.f32 v22, v5  }
0x224: {  	v22 =	vld [tilespmem:s18+$0xB5A0];
	v14 =	vadd.f32 v19, v14;
	v19 =	vmul.f32 v21, v5  }
0x225: {  	v21 =	vld [tilespmem:s18+$0xB5B0];
	v16 =	vadd.f32 v20, v16;
	v20 =	vmul.f32 v24, v5  }
0x226: {  	v24 =	vld [tilespmem:s18+$0xB5C0];
	v15 =	vadd.f32 v19, v15;
	v19 =	vmul.f32 v23, v5  }
0x227: {  	v23 =	vmul.f32 v25, v4;
	v25 =	vld [tilespmem:s18+$0xB5D0];
	v17 =	vadd.f32 v20, v17  }
0x228: {  	v20 =	vmul.f32 v26, v4;
	v26 =	vld [tilespmem:s18+$0xB600];
	v18 =	vadd.f32 v19, v18  }
0x229: {  	v8 =	vadd.f32 v23, v8;
	v19 =	vmul.f32 v22, v4;
	v22 =	vld [tilespmem:s18+$0xB610]  }
0x22a: {  	v9 =	vadd.f32 v20, v9;
	v20 =	vmul.f32 v21, v4;
	v21 =	vld [tilespmem:s18+$0xB620]  }
0x22b: {  	v10 =	vadd.f32 v19, v10;
	v19 =	vmul.f32 v24, v4;
	v23 =	vld [tilespmem:s18+$0xB630]  }
0x22c: {  	v13 =	vadd.f32 v20, v13;
	v20 =	vmul.f32 v25, v4;
	v24 =	vld [tilespmem:s18+$0xB640]  }
0x22d: {  	v25 =	vld [tilespmem:s18+$0xC580];
	v12 =	vadd.f32 v19, v12;
	v19 =	vmul.f32 v26, v4  }
0x22e: {  	v26 =	vld [tilespmem:s18+$0xC590];
	v11 =	vadd.f32 v20, v11;
	v20 =	vmul.f32 v22, v4  }
0x22f: {  	v22 =	vld [tilespmem:s18+$0xC5A0];
	v14 =	vadd.f32 v19, v14;
	v19 =	vmul.f32 v21, v4  }
0x230: {  	v21 =	vld [tilespmem:s18+$0xC5B0];
	v16 =	vadd.f32 v20, v16;
	v20 =	vmul.f32 v23, v4  }
0x231: {  	v23 =	vld [tilespmem:s18+$0xC5C0];
	v15 =	vadd.f32 v19, v15;
	v19 =	vmul.f32 v24, v4  }
0x232: {  	v24 =	vmul.f32 v25, v3;
	v25 =	vld [tilespmem:s18+$0xC5D0];
	v17 =	vadd.f32 v20, v17  }
0x233: {  	v20 =	vmul.f32 v26, v3;
	v26 =	vld [tilespmem:s18+$0xC600];
	v18 =	vadd.f32 v19, v18  }
0x234: {  	v8 =	vadd.f32 v24, v8;
	v19 =	vmul.f32 v22, v3;
	v22 =	vld [tilespmem:s18+$0xC610]  }
0x235: {  	v9 =	vadd.f32 v20, v9;
	v20 =	vmul.f32 v21, v3;
	v21 =	vld [tilespmem:s18+$0xC620]  }
0x236: {  	v10 =	vadd.f32 v19, v10;
	v19 =	vmul.f32 v23, v3;
	v23 =	vld [tilespmem:s18+$0xC630]  }
0x237: {  	v13 =	vadd.f32 v20, v13;
	v20 =	vmul.f32 v25, v3;
	v24 =	vld [tilespmem:s18+$0xC640]  }
0x238: {  	v25 =	vld [tilespmem:s18+$0xD580];
	v12 =	vadd.f32 v19, v12;
	v19 =	vmul.f32 v26, v3  }
0x239: {  	v26 =	vld [tilespmem:s18+$0xD590];
	v11 =	vadd.f32 v20, v11;
	v20 =	vmul.f32 v22, v3  }
0x23a: {  	v22 =	vld [tilespmem:s18+$0xD5A0];
	v14 =	vadd.f32 v19, v14;
	v19 =	vmul.f32 v21, v3  }
0x23b: {  	v21 =	vld [tilespmem:s18+$0xD5B0];
	v16 =	vadd.f32 v20, v16;
	v20 =	vmul.f32 v23, v3  }
0x23c: {  	v23 =	vld [tilespmem:s18+$0xD5C0];
	v15 =	vadd.f32 v19, v15;
	v19 =	vmul.f32 v24, v3  }
0x23d: {  	v24 =	vmul.f32 v25, v2;
	v25 =	vld [tilespmem:s18+$0xD5D0];
	v17 =	vadd.f32 v20, v17  }
0x23e: {  	v20 =	vmul.f32 v26, v2;
	v26 =	vld [tilespmem:s18+$0xD600];
	v18 =	vadd.f32 v19, v18  }
0x23f: {  	v8 =	vadd.f32 v24, v8;
	v19 =	vmul.f32 v22, v2;
	v22 =	vld [tilespmem:s18+$0xD610]  }
0x240: {  	v9 =	vadd.f32 v20, v9;
	v20 =	vmul.f32 v21, v2;
	v21 =	vld [tilespmem:s18+$0xD620]  }
0x241: {  	v10 =	vadd.f32 v19, v10;
	v19 =	vmul.f32 v23, v2;
	v23 =	vld [tilespmem:s18+$0xD630]  }
0x242: {  	v13 =	vadd.f32 v20, v13;
	v20 =	vmul.f32 v25, v2;
	v24 =	vld [tilespmem:s18+$0xD640]  }
0x243: {  	v25 =	vld [tilespmem:s18+$0xE580];
	v12 =	vadd.f32 v19, v12;
	v19 =	vmul.f32 v26, v2  }
0x244: {  	v26 =	vld [tilespmem:s18+$0xE590];
	v11 =	vadd.f32 v20, v11;
	v20 =	vmul.f32 v22, v2  }
0x245: {  	v22 =	vld [tilespmem:s18+$0xE5A0];
	v14 =	vadd.f32 v19, v14;
	v19 =	vmul.f32 v21, v2  }
0x246: {  	v21 =	vld [tilespmem:s18+$0xE5B0];
	v16 =	vadd.f32 v20, v16;
	v20 =	vmul.f32 v23, v2  }
0x247: {  	v23 =	vld [tilespmem:s18+$0xE5C0];
	v15 =	vadd.f32 v19, v15;
	v19 =	vmul.f32 v24, v2  }
0x248: {  	v24 =	vmul.f32 v25, v1;
	v25 =	vld [tilespmem:s18+$0xE5D0];
	v17 =	vadd.f32 v20, v17  }
0x249: {  	v20 =	vmul.f32 v26, v1;
	v26 =	vld [tilespmem:s18+$0xE600];
	v18 =	vadd.f32 v19, v18  }
0x24a: {  	v19 =	vadd.f32 v24, v8;
	v8 =	vmul.f32 v22, v1;
	v22 =	vld [tilespmem:s18+$0xE610]  }
0x24b: {  	v20 =	vadd.f32 v20, v9;
	v9 =	vmul.f32 v21, v1;
	v21 =	vld [tilespmem:s18+$0xE620]  }
0x24c: {  	v24 =	vadd.f32 v8, v10;
	v8 =	vmul.f32 v23, v1;
	v10 =	vld [tilespmem:s18+$0xE630]  }
0x24d: {  	v23 =	vadd.f32 v9, v13;
	v9 =	vmul.f32 v25, v1;
	v25 =	vld [tilespmem:s18+$0xE640]  }
0x24e: {  	v27 =	vld [tilespmem:s18+$0xF580];
	v28 =	vadd.f32 v8, v12;
	v8 =	vmul.f32 v26, v1  }
0x24f: {  	v26 =	vld [tilespmem:s18+$0xF590];
	v13 =	vadd.f32 v9, v11;
	v9 =	vmul.f32 v22, v1  }
0x250: {  	v22 =	vld [tilespmem:s18+$0xF5A0];
	v12 =	vadd.f32 v8, v14;
	v8 =	vmul.f32 v21, v1  }
0x251: {  	v14 =	vld [tilespmem:s18+$0xF5B0];
	v11 =	vadd.f32 v9, v16;
	v9 =	vmul.f32 v10, v1  }
0x252: {  	v16 =	vld [tilespmem:s18+$0xF5C0];
	v8 =	vadd.f32 v8, v15;
	v10 =	vmul.f32 v25, v1  }
0x253: {  	v15 =	vmul.f32 v27, v0;
	v21 =	vld [tilespmem:s18+$0xF5D0];
	v9 =	vadd.f32 v9, v17  }
0x254: {  	v17 =	vmul.f32 v26, v0;
	v25 =	vld [tilespmem:s18+$0xF600];
	v10 =	vadd.f32 v10, v18  }
.Ltmp1:
0x255: {  	v18 =	vadd.f32 v15, v19;
	v19 =	vmul.f32 v22, v0;
	v15 =	vld [tilespmem:s18+$0xF610];
	(pc) =	sbr.rel @p1 .LBB2_5-.Ltmp1, $4  }
0x256: {  	v20 =	vadd.f32 v17, v20;
	v22 =	vmul.f32 v14, v0;
	v14 =	vld [tilespmem:s18+$0xF620]  }
0x257: {  	[tilespmem:s18+$0x19580] =	vst v18;
	v24 =	vadd.f32 v19, v24;
	v26 =	vmul.f32 v16, v0;
	v17 =	vld [tilespmem:s18+$0xF630]  }
0x258: {  	s8 =	sshra.s32 s19, $0x2;
	[tilespmem:s18+$0x19590] =	vst v20;
	v19 =	vadd.f32 v22, v23;
	v20 =	vmul.f32 v21, v0;
	v18 =	vld [tilespmem:s18+$0xF640]  }
0x259: {  	s19 =	sadd.s32 $0x400, s19;
	v16 =	vld [tilespmem:s8+$0x8650];
	[tilespmem:s18+$0x195A0] =	vst v24;
	v22 =	vadd.f32 v26, v28;
	v21 =	vmul.f32 v25, v0  }
0x25a: {  	v23 =	vld [tilespmem:s8+$0x9650];
	[tilespmem:s18+$0x195B0] =	vst v19;
	v13 =	vadd.f32 v20, v13;
	v15 =	vmul.f32 v15, v0  }
0x25b: {  	v19 =	vld [tilespmem:s8+$0x8580];
	[tilespmem:s18+$0x195C0] =	vst v22;
	v12 =	vadd.f32 v21, v12;
	v14 =	vmul.f32 v14, v0  }
0x25c: {  	v48 =	vld [tilespmem:s8+$0xA650];
	[tilespmem:s18+$0x195D0] =	vst v13;
	v11 =	vadd.f32 v15, v11;
	v49 =	vmul.f32 v17, v0  }
0x25d: {  	v13 =	vld [tilespmem:s8+$0x9580];
	[tilespmem:s18+$0x19600] =	vst v12;
	v8 =	vadd.f32 v14, v8;
	v50 =	vmul.f32 v18, v0  }
0x25e: {  	v12 =	vld [tilespmem:s8+$0xB650];
	[tilespmem:s18+$0x19610] =	vst v11;
	v9 =	vadd.f32 v49, v9  }
0x25f: {  	v11 =	vld [tilespmem:s8+$0x8590];
	[tilespmem:s18+$0x19620] =	vst v8;
	v10 =	vadd.f32 v50, v10  }
0x260: {  	v8 =	vld [tilespmem:s8+$0xC650];
	[tilespmem:s18+$0x19630] =	vst v9  }
0x261: {  	v15 =	vld [tilespmem:s8+$0x9590];
	[tilespmem:s18+$0x19640] =	vst v10  }
0x262: {  	v54 =	vld [tilespmem:s8+$0xD650]  }
0x263: {  	v51 =	vmul.f32 v16, v6;
	v16 =	vld [tilespmem:s8+$0x85A0]  }
0x264: {  	v56 =	vld [tilespmem:s8+$0xE650]  }
0x265: {  	v17 =	vld [tilespmem:s8+$0x95A0]  }
0x266: {  	v57 =	vld [tilespmem:s8+$0xF650]  }
0x267: {  	v58 =	vld [tilespmem:s8+$0x85B0]  }
0x268: {  	v60 =	vld [tilespmem:s8+$0x95B0]  }
0x269: {  	v52 =	vmul.f32 v23, v7;
	v61 =	vld [tilespmem:s8+$0x85C0]  }
0x26a: {  	v63 =	vld [tilespmem:s8+$0x95C0]  }
0x26b: {  	v9 =	vadd.f32 v52, v51;
	v52 =	vld [tilespmem:s8+$0x85D0]  }
0x26c: {  	v22 =	vld [tilespmem:s8+$0x8600]  }
0x26d: {  	v24 =	vld [tilespmem:s8+$0x8620]  }
0x26e: {  	v25 =	vld [tilespmem:s8+$0x9620]  }
0x26f: {  	v26 =	vld [tilespmem:s8+$0x8630]  }
0x270: {  	v27 =	vld [tilespmem:s8+$0x9630]  }
0x271: {  	v28 =	vld [tilespmem:s8+$0x8640]  }
0x272: {  	v29 =	vld [tilespmem:s8+$0x9640]  }
0x273: {  	v30 =	vld [tilespmem:s8+$0xA580]  }
0x274: {  	v31 =	vld [tilespmem:s8+$0xA590]  }
0x275: {  	v32 =	vld [tilespmem:s8+$0xA5A0]  }
0x276: {  	v33 =	vld [tilespmem:s8+$0xA5B0]  }
0x277: {  	v34 =	vld [tilespmem:s8+$0xA5C0]  }
0x278: {  	v35 =	vld [tilespmem:s8+$0xA5D0]  }
0x279: {  	v36 =	vld [tilespmem:s8+$0xA600]  }
0x27a: {  	v37 =	vld [tilespmem:s8+$0xA610]  }
0x27b: {  	v38 =	vld [tilespmem:s8+$0xA620]  }
0x27c: {  	v39 =	vld [tilespmem:s8+$0xA630]  }
0x27d: {  	v40 =	vld [tilespmem:s8+$0xA640]  }
0x27e: {  	v41 =	vld [tilespmem:s8+$0xB580]  }
0x27f: {  	v42 =	vld [tilespmem:s8+$0xB590]  }
0x280: {  	v19 =	vmul.f32 v19, v6;
	v53 =	vmul.f32 v48, v5;
	v43 =	vld [tilespmem:s8+$0xB5A0]  }
0x281: {  	v44 =	vld [tilespmem:s8+$0xB5B0];
	v13 =	vmul.f32 v13, v7;
	v55 =	vmul.f32 v12, v4  }
0x282: {  	v45 =	vld [tilespmem:s8+$0xB5C0];
	v11 =	vmul.f32 v11, v6;
	v8 =	vmul.f32 v8, v3  }
0x283: {  	v46 =	vld [tilespmem:s8+$0xB5D0];
	v15 =	vmul.f32 v15, v7;
	v59 =	vmul.f32 v54, v2  }
0x284: {  	v47 =	vld [tilespmem:s8+$0xB600];
	v9 =	vadd.f32 v53, v9;
	v62 =	vmul.f32 v56, v1;
	v53 =	vmul.f32 v57, v0  }
0x285: {  	v48 =	vld [tilespmem:s8+$0xB610];
	v16 =	vmul.f32 v16, v6;
	v17 =	vmul.f32 v17, v7  }
0x286: {  	v49 =	vld [tilespmem:s8+$0xB620];
	v18 =	vmul.f32 v58, v6;
	v14 =	vmul.f32 v60, v7  }
0x287: {  	v50 =	vld [tilespmem:s8+$0xB630];
	v57 =	vmul.f32 v61, v6;
	v12 =	vmul.f32 v63, v7  }
0x288: {  	v20 =	vld [tilespmem:s8+$0xB640];
	v58 =	vmul.f32 v52, v6;
	v61 =	vmul.f32 v24, v6  }
0x289: {  	v21 =	vld [tilespmem:s8+$0xC580];
	v63 =	vmul.f32 v26, v6;
	v51 =	vmul.f32 v27, v7  }
0x28a: {  	v23 =	vld [tilespmem:s8+$0xC5A0];
	v52 =	vmul.f32 v28, v6;
	v40 =	vmul.f32 v40, v5  }
0x28b: {  	v9 =	vadd.f32 v55, v9;
	v55 =	vld [tilespmem:s8+$0x9600];
	v41 =	vmul.f32 v41, v4;
	v42 =	vmul.f32 v42, v4  }
0x28c: {  	v54 =	vld [tilespmem:s8+$0x95D0];
	v43 =	vmul.f32 v43, v4;
	v44 =	vmul.f32 v44, v4  }
0x28d: {  	v8 =	vadd.f32 v8, v9;
	v56 =	vld [tilespmem:s8+$0x8610];
	v45 =	vmul.f32 v45, v4;
	v46 =	vmul.f32 v46, v4  }
0x28e: {  	v13 =	vadd.f32 v13, v19;
	v24 =	vld [tilespmem:s8+$0xC5B0];
	v47 =	vmul.f32 v47, v4;
	v48 =	vmul.f32 v48, v4  }
0x28f: {  	v26 =	vld [tilespmem:s8+$0xC5C0];
	v23 =	vmul.f32 v23, v3;
	v8 =	vadd.f32 v59, v8;
	v16 =	vadd.f32 v17, v16  }
0x290: {  	v28 =	vld [tilespmem:s8+$0xC5D0];
	v59 =	vmul.f32 v22, v6;
	v14 =	vadd.f32 v14, v18;
	v12 =	vadd.f32 v12, v57  }
0x291: {  	v27 =	vld [tilespmem:s8+$0xE580];
	v17 =	vadd.f32 v51, v63;
	v57 =	vmul.f32 v33, v5;
	v63 =	vmul.f32 v39, v5  }
0x292: {  	v11 =	vadd.f32 v15, v11;
	v22 =	vld [tilespmem:s8+$0xC590];
	v9 =	vmul.f32 v55, v7;
	v55 =	vmul.f32 v31, v5  }
0x293: {  	v33 =	vld [tilespmem:s8+$0xD590];
	v8 =	vadd.f32 v62, v8;
	v62 =	vmul.f32 v25, v7;
	v14 =	vadd.f32 v57, v14  }
0x294: {  	v51 =	vld [tilespmem:s8+$0xD610];
	v17 =	vadd.f32 v63, v17;
	v10 =	vmul.f32 v54, v7;
	v60 =	vmul.f32 v56, v6  }
0x295: {  	v39 =	vld [tilespmem:s8+$0xD620];
	v9 =	vadd.f32 v9, v59;
	v54 =	vmul.f32 v30, v5;
	v56 =	vmul.f32 v32, v5  }
0x296: {  	v31 =	vld [tilespmem:s8+$0xD580];
	v11 =	vadd.f32 v55, v11;
	v59 =	vmul.f32 v35, v5;
	v55 =	vmul.f32 v20, v4  }
0x297: {  	v25 =	vld [tilespmem:s8+$0xC610];
	v8 =	vadd.f32 v53, v8;
	v53 =	vmul.f32 v29, v7;
	v15 =	vadd.f32 v62, v61  }
0x298: {  	v57 =	vld [tilespmem:s8+$0xD640];
	v61 =	vmul.f32 v37, v5;
	v62 =	vmul.f32 v38, v5;
	v14 =	vadd.f32 v44, v14  }
0x299: {  	v30 =	vld [tilespmem:s8+$0xC600];
	v10 =	vadd.f32 v10, v58;
	v13 =	vadd.f32 v54, v13;
	v58 =	vmul.f32 v34, v5  }
0x29a: {  	v32 =	vld [tilespmem:s8+$0xC630];
	v16 =	vadd.f32 v56, v16;
	v56 =	vmul.f32 v21, v3;
	v22 =	vmul.f32 v22, v3  }
0x29b: {  	v20 =	vld [tilespmem:s8+$0xE590];
	v11 =	vadd.f32 v42, v11;
	v44 =	vmul.f32 v33, v2;
	v51 =	vmul.f32 v51, v2  }
0x29c: {  	v29 =	vld [tilespmem:s8+$0xC620];
	v18 =	vadd.f32 v53, v52;
	v15 =	vadd.f32 v62, v15;
	v52 =	vmul.f32 v49, v4  }
0x29d: {  	v37 =	vld [tilespmem:s8+$0xD5D0];
	v53 =	vmul.f32 v50, v4;
	v12 =	vadd.f32 v58, v12;
	v10 =	vadd.f32 v59, v10  }
0x29e: {  	v34 =	vld [tilespmem:s8+$0xC640];
	v13 =	vadd.f32 v41, v13;
	v16 =	vadd.f32 v43, v16;
	v58 =	vmul.f32 v24, v3  }
0x29f: {  	v54 =	vld [tilespmem:s8+$0xD630];
	v11 =	vadd.f32 v22, v11;
	v59 =	vmul.f32 v26, v3;
	v62 =	vmul.f32 v25, v3  }
0x2a0: {  	[tilespmem:s8+$0x19650] =	vst v8;
	v8 =	vld [tilespmem:s8+$0x9610];
	v43 =	vmul.f32 v31, v2;
	v18 =	vadd.f32 v40, v18;
	v15 =	vadd.f32 v52, v15  }
0x2a1: {  	v24 =	vld [tilespmem:s8+$0xE5D0];
	v17 =	vadd.f32 v53, v17;
	v32 =	vmul.f32 v32, v3;
	v12 =	vadd.f32 v45, v12  }
0x2a2: {  	v25 =	vld [tilespmem:s8+$0xE600];
	v53 =	vmul.f32 v39, v2;
	v10 =	vadd.f32 v46, v10;
	v13 =	vadd.f32 v56, v13  }
0x2a3: {  	v40 =	vld [tilespmem:s8+$0xD600];
	v20 =	vmul.f32 v20, v1;
	v16 =	vadd.f32 v23, v16;
	v14 =	vadd.f32 v58, v14  }
0x2a4: {  	v52 =	vld [tilespmem:s8+$0xF580];
	v63 =	vmul.f32 v29, v3;
	v11 =	vadd.f32 v44, v11;
	v49 =	vmul.f32 v37, v2  }
0x2a5: {  	v39 =	vld [tilespmem:s8+$0xF600];
	v56 =	vmul.f32 v57, v2;
	v58 =	vmul.f32 v27, v1;
	v18 =	vadd.f32 v55, v18  }
0x2a6: {  	v45 =	vld [tilespmem:s8+$0xE610];
	v34 =	vmul.f32 v34, v3;
	v17 =	vadd.f32 v32, v17;
	v12 =	vadd.f32 v59, v12  }
0x2a7: {  	v29 =	vld [tilespmem:s8+$0xE630];
	v54 =	vmul.f32 v54, v2;
	v15 =	vadd.f32 v63, v15;
	v13 =	vadd.f32 v43, v13  }
0x2a8: {  	v57 =	vld [tilespmem:s8+$0xF5A0];
	v8 =	vmul.f32 v8, v7;
	v11 =	vadd.f32 v20, v11;
	v18 =	vadd.f32 v34, v18  }
0x2a9: {  	v35 =	vld [tilespmem:s8+$0xD5C0];
	v17 =	vadd.f32 v54, v17;
	v24 =	vmul.f32 v24, v1;
	v42 =	vmul.f32 v25, v1  }
0x2aa: {  	v55 =	vld [tilespmem:s8+$0xF590];
	v8 =	vadd.f32 v8, v60;
	v60 =	vmul.f32 v36, v5;
	v50 =	vmul.f32 v40, v2  }
0x2ab: {  	v59 =	vld [tilespmem:s8+$0xF5B0];
	v15 =	vadd.f32 v53, v15;
	v13 =	vadd.f32 v58, v13;
	v63 =	vmul.f32 v52, v0  }
0x2ac: {  	v38 =	vld [tilespmem:s8+$0xD5B0];
	v53 =	vmul.f32 v39, v0;
	v18 =	vadd.f32 v56, v18;
	v44 =	vmul.f32 v45, v1  }
0x2ad: {  	v36 =	vld [tilespmem:s8+$0xD5A0];
	v21 =	vmul.f32 v57, v0;
	v52 =	vmul.f32 v29, v1;
	v9 =	vadd.f32 v60, v9  }
0x2ae: {  	v26 =	vld [tilespmem:s8+$0xE5B0];
	v8 =	vadd.f32 v61, v8;
	v60 =	vmul.f32 v28, v3;
	v61 =	vmul.f32 v30, v3  }
0x2af: {  	v23 =	vld [tilespmem:s8+$0xE5A0];
	v40 =	vmul.f32 v55, v0;
	v13 =	vadd.f32 v63, v13;
	v9 =	vadd.f32 v47, v9  }
0x2b0: {  	v32 =	vld [tilespmem:s8+$0xE620];
	v45 =	vmul.f32 v59, v0;
	v8 =	vadd.f32 v48, v8;
	v10 =	vadd.f32 v60, v10  }
0x2b1: {  	v37 =	vld [tilespmem:s8+$0xF5D0];
	v47 =	vmul.f32 v38, v2;
	v48 =	vmul.f32 v35, v2;
	v11 =	vadd.f32 v40, v11  }
0x2b2: {  	v41 =	vld [tilespmem:s8+$0xF610];
	v46 =	vmul.f32 v36, v2;
	v9 =	vadd.f32 v61, v9;
	v8 =	vadd.f32 v62, v8  }
0x2b3: {  	v43 =	vld [tilespmem:s8+$0xF620];
	v14 =	vadd.f32 v47, v14;
	v12 =	vadd.f32 v48, v12;
	v62 =	vmul.f32 v26, v1  }
0x2b4: {  	v28 =	vld [tilespmem:s8+$0xE5C0];
	v60 =	vmul.f32 v23, v1;
	v10 =	vadd.f32 v49, v10;
	v16 =	vadd.f32 v46, v16  }
0x2b5: {  	v61 =	vld [tilespmem:s8+$0xF5C0];
	v49 =	vmul.f32 v32, v1;
	v9 =	vadd.f32 v50, v9;
	v14 =	vadd.f32 v62, v14  }
0x2b6: {  	v31 =	vld [tilespmem:s8+$0xE640];
	v8 =	vadd.f32 v51, v8;
	v10 =	vadd.f32 v24, v10;
	v50 =	vmul.f32 v37, v0  }
0x2b7: {  	v55 =	vmul.f32 v41, v0;
	[tilespmem:s8+$0x19580] =	vst v13;
	v46 =	vld [tilespmem:s8+$0xF630];
	v16 =	vadd.f32 v60, v16;
	v14 =	vadd.f32 v45, v14  }
0x2b8: {  	v57 =	vmul.f32 v43, v0;
	[tilespmem:s8+$0x19590] =	vst v11;
	v51 =	vld [tilespmem:s8+$0xF640];
	v54 =	vadd.f32 v49, v15;
	v10 =	vadd.f32 v50, v10  }
0x2b9: {  	v38 =	vmul.f32 v28, v1;
	v9 =	vadd.f32 v42, v9;
	v47 =	vadd.f32 v21, v16;
	[tilespmem:s8+$0x195B0] =	vst v14  }
0x2ba: {  	v8 =	vadd.f32 v44, v8;
	v48 =	vmul.f32 v61, v0;
	v61 =	vadd.f32 v57, v54;
	[tilespmem:s8+$0x195D0] =	vst v10  }
0x2bb: {  	v56 =	vmul.f32 v31, v1;
	v12 =	vadd.f32 v38, v12;
	v9 =	vadd.f32 v53, v9;
	[tilespmem:s8+$0x195A0] =	vst v47  }
0x2bc: {  	v58 =	vadd.f32 v52, v17;
	v8 =	vadd.f32 v55, v8;
	v59 =	vmul.f32 v46, v0;
	[tilespmem:s8+$0x19620] =	vst v61  }
0x2bd: {  	p1 =	sne.s32 s10, $0x14;
	v60 =	vadd.f32 v56, v18;
	v11 =	vadd.f32 v48, v12;
	v62 =	vmul.f32 v51, v0;
	[tilespmem:s8+$0x19600] =	vst v9  }
.Ltmp2:
0x2be: {  	[tilespmem:s8+$0x19610] =	vst v8;
	v8 =	vadd.f32 v59, v58;
	(pc) =	sbr.rel @p1 .LBB2_8-.Ltmp2, $4  }
0x2bf: {  	s19 =	sadd.s32 s11, s16;
	[tilespmem:s8+$0x195C0] =	vst v11;
	v63 =	vadd.f32 v62, v60  }
0x2c0: {  	s18 =	sshrl.u32 s19, $0x3;
	[tilespmem:s8+$0x19630] =	vst v8  }
0x2c1: {  	s19 =	sadd.s32 s5, s18;
	[tilespmem:s8+$0x19640] =	vst v63  }
0x2c2: {  	[hbm4b:s19+s7] =	stream.linear.scatter [tilespmem:s30], [sflag:$0x5], $0x1000, $0x38;
	[tilespmem:$0x1B580] =	vst v63  }
.Ltmp3:
0x2c3: {  	(pc) =	sbr.rel .LBB2_9-.Ltmp3, $4  }
0x2c4: {  	_ = 	snop  }
0x2c5: {  	_ =	swait.ge [sflag:s31], $0x8000  }
0x2c6: {  	[sflag:s31] =	ssyncset.done $0x0  }
0x2c7: {  	[sflag:s31] =	ssyncadd.s32 $0xFFFF8000  }
.LBB2_8:
0x2c8: {  	s8 =	sadd.s32 s14, s11  }
0x2c9: {  	s8 =	sshrl.u32 s8, $0x3  }
.Ltmp4:
0x2ca: {  	s8 =	sadd.s32 s1, s8;
	(pc) =	sbr.rel @p0 .LBB2_10-.Ltmp4, $4  }
0x2cb: {  	[tilespmem:s25], [sflag:$0x2] =	stream.strided.gather [hbm4b:s8+s22], $0x8000, s23, s22, $0x38;
	[tilespmem:$0x1B580] =	vst v63  }
0x2cc: {  	_ =	swait.ge [sflag:s31], $0x8000  }
0x2cd: {  	[sflag:s31] =	ssyncset.done $0x0  }
0x2ce: {  	[sflag:s31] =	ssyncadd.s32 $0xFFFF8000  }
.LBB2_9:
0x2cf: {  	_ =	swait.ge [sflag:s3], $0x1000  }
0x2d0: {  	[sflag:s3] =	ssyncset.done $0x0  }
0x2d1: {  	[sflag:s3] =	ssyncadd.s32 $0xFFFFF000  }
.LBB2_10:
0x2d2: {  	s18 =	simm.s32 $0x0  }
0x2d3: {  	v8 =	vld [tilespmem:s18+$0x10650]  }
0x2d4: {  	v9 =	vld [tilespmem:s18+$0x11650]  }
0x2d5: {  	v10 =	vld [tilespmem:s18+$0x10580]  }
0x2d6: {  	v11 =	vld [tilespmem:s18+$0x12650]  }
0x2d7: {  	v12 =	vld [tilespmem:s18+$0x11580]  }
0x2d8: {  	v13 =	vld [tilespmem:s18+$0x13650]  }
0x2d9: {  	v14 =	vld [tilespmem:s18+$0x10590]  }
0x2da: {  	v15 =	vld [tilespmem:s18+$0x14650]  }
0x2db: {  	v16 =	vld [tilespmem:s18+$0x11590]  }
0x2dc: {  	v17 =	vld [tilespmem:s18+$0x105A0]  }
0x2dd: {  	v18 =	vld [tilespmem:s18+$0x115A0]  }
0x2de: {  	v19 =	vld [tilespmem:s18+$0x105B0]  }
0x2df: {  	v20 =	vld [tilespmem:s18+$0x105C0]  }
0x2e0: {  	v21 =	vld [tilespmem:s18+$0x105D0]  }
0x2e1: {  	v22 =	vld [tilespmem:s18+$0x10600]  }
0x2e2: {  	v23 =	vld [tilespmem:s18+$0x10610]  }
0x2e3: {  	v24 =	vld [tilespmem:s18+$0x10620]  }
0x2e4: {  	v25 =	vld [tilespmem:s18+$0x11620]  }
0x2e5: {  	v26 =	vld [tilespmem:s18+$0x10630]  }
0x2e6: {  	v27 =	vld [tilespmem:s18+$0x11630]  }
0x2e7: {  	v28 =	vld [tilespmem:s18+$0x10640]  }
0x2e8: {  	v29 =	vld [tilespmem:s18+$0x11640]  }
0x2e9: {  	v30 =	vld [tilespmem:s18+$0x12580]  }
0x2ea: {  	v31 =	vld [tilespmem:s18+$0x12590]  }
0x2eb: {  	v32 =	vld [tilespmem:s18+$0x125A0]  }
0x2ec: {  	v33 =	vld [tilespmem:s18+$0x125B0]  }
0x2ed: {  	v34 =	vld [tilespmem:s18+$0x125C0]  }
0x2ee: {  	v35 =	vld [tilespmem:s18+$0x125D0]  }
0x2ef: {  	v36 =	vld [tilespmem:s18+$0x12600]  }
0x2f0: {  	v37 =	vld [tilespmem:s18+$0x12610]  }
0x2f1: {  	v38 =	vld [tilespmem:s18+$0x12620]  }
0x2f2: {  	v39 =	vld [tilespmem:s18+$0x12630]  }
0x2f3: {  	v40 =	vld [tilespmem:s18+$0x12640]  }
0x2f4: {  	v41 =	vld [tilespmem:s18+$0x13580]  }
0x2f5: {  	v42 =	vld [tilespmem:s18+$0x13590]  }
0x2f6: {  	v43 =	vld [tilespmem:s18+$0x135A0]  }
0x2f7: {  	v44 =	vld [tilespmem:s18+$0x135B0]  }
0x2f8: {  	v45 =	vld [tilespmem:s18+$0x135C0];
	v8 =	vmul.f32 v8, v6  }
0x2f9: {  	v46 =	vld [tilespmem:s18+$0x135D0];
	v9 =	vmul.f32 v9, v7;
	v10 =	vmul.f32 v10, v6  }
0x2fa: {  	v47 =	vld [tilespmem:s18+$0x13600];
	v12 =	vmul.f32 v12, v7;
	v14 =	vmul.f32 v14, v6  }
0x2fb: {  	v48 =	vld [tilespmem:s18+$0x13610];
	v16 =	vmul.f32 v16, v7;
	v17 =	vmul.f32 v17, v6  }
0x2fc: {  	v49 =	vld [tilespmem:s18+$0x13620];
	v18 =	vmul.f32 v18, v7;
	v51 =	vmul.f32 v25, v7  }
0x2fd: {  	v25 =	vld [tilespmem:s18+$0x145B0];
	v52 =	vmul.f32 v27, v7;
	v53 =	vmul.f32 v29, v7  }
0x2fe: {  	v27 =	vld [tilespmem:s18+$0x145C0];
	v54 =	vmul.f32 v30, v5;
	v8 =	vadd.f32 v9, v8;
	v9 =	vmul.f32 v11, v5  }
0x2ff: {  	v55 =	vmul.f32 v31, v5;
	v56 =	vmul.f32 v32, v5;
	v11 =	vld [tilespmem:s18+$0x15650]  }
0x300: {  	v29 =	vld [tilespmem:s18+$0x145D0];
	v57 =	vmul.f32 v33, v5;
	v8 =	vadd.f32 v9, v8;
	v9 =	vmul.f32 v13, v4  }
0x301: {  	v58 =	vmul.f32 v34, v5;
	v59 =	vmul.f32 v35, v5;
	v13 =	vld [tilespmem:s18+$0x16650]  }
0x302: {  	v60 =	vmul.f32 v36, v5;
	v32 =	vld [tilespmem:s18+$0x14640];
	v8 =	vadd.f32 v9, v8;
	v9 =	vmul.f32 v15, v3  }
0x303: {  	v61 =	vmul.f32 v37, v5;
	v62 =	vmul.f32 v38, v5;
	v10 =	vadd.f32 v12, v10;
	v15 =	vld [tilespmem:s18+$0x17650]  }
0x304: {  	v12 =	vmul.f32 v19, v6;
	v19 =	vld [tilespmem:s18+$0x13630];
	v8 =	vadd.f32 v9, v8;
	v9 =	vmul.f32 v11, v2  }
0x305: {  	v14 =	vadd.f32 v16, v14;
	v16 =	vmul.f32 v20, v6;
	v20 =	vld [tilespmem:s18+$0x13640];
	v17 =	vadd.f32 v18, v17  }
0x306: {  	v18 =	vmul.f32 v21, v6;
	v21 =	vld [tilespmem:s18+$0x14580];
	v8 =	vadd.f32 v9, v8;
	v9 =	vmul.f32 v13, v1  }
0x307: {  	v63 =	vmul.f32 v39, v5;
	v40 =	vmul.f32 v40, v5;
	v11 =	vld [tilespmem:s18+$0x115B0]  }
0x308: {  	v41 =	vmul.f32 v41, v4;
	v13 =	vld [tilespmem:s18+$0x115C0];
	v8 =	vadd.f32 v9, v8;
	v9 =	vmul.f32 v15, v0  }
0x309: {  	v50 =	vmul.f32 v42, v4;
	v10 =	vadd.f32 v54, v10;
	v14 =	vadd.f32 v55, v14;
	v15 =	vld [tilespmem:s18+$0x115D0]  }
0x30a: {  	v31 =	vld [tilespmem:s18+$0x14610];
	v54 =	vmul.f32 v45, v4;
	v55 =	vmul.f32 v46, v4;
	v8 =	vadd.f32 v9, v8  }
0x30b: {  	v17 =	vadd.f32 v56, v17;
	v46 =	vmul.f32 v32, v3;
	v19 =	vmul.f32 v19, v4;
	v9 =	vld [tilespmem:s18+$0x11600]  }
0x30c: {  	v10 =	vadd.f32 v41, v10;
	v21 =	vmul.f32 v21, v3;
	v11 =	vmul.f32 v11, v7;
	[tilespmem:s18+$0x1A650] =	vst v8;
	v8 =	vld [tilespmem:s18+$0x11610]  }
0x30d: {  	v33 =	vld [tilespmem:s18+$0x14620];
	v14 =	vadd.f32 v50, v14;
	v20 =	vmul.f32 v20, v4;
	v13 =	vmul.f32 v13, v7  }
0x30e: {  	v10 =	vadd.f32 v21, v10;
	v21 =	vld [tilespmem:s18+$0x16580];
	v11 =	vadd.f32 v11, v12;
	v15 =	vmul.f32 v15, v7  }
0x30f: {  	v30 =	vld [tilespmem:s18+$0x14630];
	v12 =	vmul.f32 v22, v6;
	v13 =	vadd.f32 v13, v16;
	v16 =	vmul.f32 v23, v6  }
0x310: {  	v35 =	vld [tilespmem:s18+$0x15580];
	v9 =	vmul.f32 v9, v7;
	v15 =	vadd.f32 v15, v18;
	v18 =	vmul.f32 v24, v6  }
0x311: {  	v37 =	vld [tilespmem:s18+$0x15590];
	v11 =	vadd.f32 v57, v11;
	v13 =	vadd.f32 v58, v13;
	v8 =	vmul.f32 v8, v7  }
0x312: {  	v34 =	vld [tilespmem:s18+$0x155A0];
	v9 =	vadd.f32 v9, v12;
	v12 =	vmul.f32 v26, v6;
	v18 =	vadd.f32 v51, v18  }
0x313: {  	v36 =	vld [tilespmem:s18+$0x155B0];
	v21 =	vmul.f32 v21, v1;
	v15 =	vadd.f32 v59, v15;
	v13 =	vadd.f32 v54, v13  }
0x314: {  	v56 =	vld [tilespmem:s18+$0x155D0];
	v51 =	vmul.f32 v43, v4;
	v8 =	vadd.f32 v8, v16;
	v12 =	vadd.f32 v52, v12  }
0x315: {  	v22 =	vld [tilespmem:s18+$0x14590];
	v16 =	vmul.f32 v28, v6;
	v9 =	vadd.f32 v60, v9;
	v18 =	vadd.f32 v62, v18  }
0x316: {  	v23 =	vld [tilespmem:s18+$0x145A0];
	v52 =	vmul.f32 v44, v4;
	v17 =	vadd.f32 v51, v17;
	v15 =	vadd.f32 v55, v15  }
0x317: {  	v57 =	vmul.f32 v47, v4;
	v26 =	vld [tilespmem:s18+$0x14600];
	v16 =	vadd.f32 v53, v16;
	v8 =	vadd.f32 v61, v8  }
0x318: {  	v45 =	vld [tilespmem:s18+$0x165C0];
	v59 =	vmul.f32 v48, v4;
	v12 =	vadd.f32 v63, v12;
	v11 =	vadd.f32 v52, v11  }
0x319: {  	v50 =	vld [tilespmem:s18+$0x16610];
	v48 =	vmul.f32 v37, v2;
	v9 =	vadd.f32 v57, v9;
	v16 =	vadd.f32 v40, v16  }
0x31a: {  	v47 =	vld [tilespmem:s18+$0x165D0];
	v61 =	vmul.f32 v49, v4;
	v12 =	vadd.f32 v19, v12;
	v19 =	vmul.f32 v22, v3  }
0x31b: {  	v60 =	vld [tilespmem:s18+$0x15610];
	v52 =	vmul.f32 v56, v2;
	v16 =	vadd.f32 v20, v16;
	v20 =	vmul.f32 v23, v3  }
0x31c: {  	v58 =	vld [tilespmem:s18+$0x15600];
	v26 =	vmul.f32 v26, v3;
	v14 =	vadd.f32 v19, v14;
	v19 =	vmul.f32 v25, v3  }
0x31d: {  	v57 =	vld [tilespmem:s18+$0x17590];
	v8 =	vadd.f32 v59, v8;
	v17 =	vadd.f32 v20, v17;
	v20 =	vmul.f32 v29, v3  }
0x31e: {  	v43 =	vld [tilespmem:s18+$0x16590];
	v18 =	vadd.f32 v61, v18;
	v11 =	vadd.f32 v19, v11;
	v19 =	vmul.f32 v31, v3  }
0x31f: {  	v53 =	vld [tilespmem:s18+$0x155C0];
	v9 =	vadd.f32 v26, v9;
	v15 =	vadd.f32 v20, v15;
	v20 =	vmul.f32 v33, v3  }
0x320: {  	v62 =	vld [tilespmem:s18+$0x15620];
	v54 =	vmul.f32 v60, v2;
	v8 =	vadd.f32 v19, v8;
	v19 =	vmul.f32 v30, v3  }
0x321: {  	v44 =	vld [tilespmem:s18+$0x165A0];
	v23 =	vmul.f32 v27, v3;
	v18 =	vadd.f32 v20, v18;
	v20 =	vmul.f32 v35, v2  }
0x322: {  	v63 =	vld [tilespmem:s18+$0x15630];
	v24 =	vmul.f32 v57, v0;
	v12 =	vadd.f32 v19, v12;
	v19 =	vmul.f32 v34, v2  }
0x323: {  	v22 =	vld [tilespmem:s18+$0x15640];
	v13 =	vadd.f32 v23, v13;
	v10 =	vadd.f32 v20, v10;
	v20 =	vmul.f32 v36, v2  }
0x324: {  	v49 =	vld [tilespmem:s18+$0x16600];
	v16 =	vadd.f32 v46, v16;
	v17 =	vadd.f32 v19, v17;
	v19 =	vmul.f32 v53, v2  }
0x325: {  	v23 =	vld [tilespmem:s18+$0x165B0];
	v14 =	vadd.f32 v48, v14;
	v11 =	vadd.f32 v20, v11;
	v20 =	vmul.f32 v58, v2  }
0x326: {  	v56 =	vld [tilespmem:s18+$0x17580];
	v13 =	vadd.f32 v19, v13;
	v19 =	vadd.f32 v52, v15;
	v15 =	vmul.f32 v62, v2  }
0x327: {  	v10 =	vadd.f32 v21, v10;
	v21 =	vld [tilespmem:s18+$0x175C0];
	v9 =	vadd.f32 v20, v9;
	v20 =	vmul.f32 v63, v2  }
0x328: {  	v58 =	vmul.f32 v44, v1;
	v18 =	vadd.f32 v15, v18;
	v15 =	vmul.f32 v22, v2;
	v22 =	vld [tilespmem:s18+$0x175A0]  }
0x329: {  	v51 =	vld [tilespmem:s18+$0x16620];
	v8 =	vadd.f32 v54, v8;
	v20 =	vadd.f32 v20, v12;
	v12 =	vmul.f32 v43, v1  }
0x32a: {  	v59 =	vld [tilespmem:s18+$0x175B0];
	v25 =	vadd.f32 v58, v17;
	v16 =	vadd.f32 v15, v16;
	v15 =	vmul.f32 v23, v1  }
0x32b: {  	v53 =	vld [tilespmem:s18+$0x16630];
	v17 =	vmul.f32 v49, v1;
	v23 =	vadd.f32 v12, v14;
	v12 =	vmul.f32 v56, v0  }
0x32c: {  	v55 =	vld [tilespmem:s18+$0x16640];
	v14 =	vmul.f32 v45, v1;
	v61 =	vadd.f32 v15, v11;
	v11 =	vmul.f32 v47, v1  }
0x32d: {  	v60 =	vld [tilespmem:s18+$0x175D0];
	v21 =	vmul.f32 v21, v0;
	v22 =	vmul.f32 v22, v0;
	v10 =	vadd.f32 v12, v10  }
0x32e: {  	v62 =	vld [tilespmem:s18+$0x17600];
	v63 =	vadd.f32 v14, v13;
	v13 =	vadd.f32 v11, v19;
	v11 =	vmul.f32 v50, v1  }
0x32f: {  	v15 =	vld [tilespmem:s18+$0x17610];
	v12 =	vadd.f32 v17, v9;
	v9 =	vadd.f32 v24, v23;
	[tilespmem:s18+$0x1A580] =	vst v10;
	v10 =	vmul.f32 v51, v1  }
0x330: {  	v14 =	vld [tilespmem:s18+$0x17620];
	v19 =	vmul.f32 v53, v1;
	v23 =	vmul.f32 v59, v0;
	v22 =	vadd.f32 v22, v25  }
0x331: {  	v17 =	vld [tilespmem:s18+$0x17630];
	v11 =	vadd.f32 v11, v8;
	v8 =	vadd.f32 v10, v18;
	v10 =	vmul.f32 v55, v1  }
0x332: {  	s8 =	simm.s32 $0x100;
	[tilespmem:s18+$0x1A590] =	vst v9;
	v9 =	vadd.f32 v19, v20;
	v19 =	vadd.f32 v23, v61;
	v20 =	vmul.f32 v60, v0;
	v18 =	vld [tilespmem:s18+$0x17640]  }
0x333: {  	s19 =	simm.s32 $0x800;
	v10 =	vadd.f32 v10, v16;
	v16 =	vld [tilespmem:s8+$0x10650];
	[tilespmem:s18+$0x1A5A0] =	vst v22;
	v22 =	vadd.f32 v21, v63;
	v21 =	vmul.f32 v62, v0  }
.LBB2_11:
0x334: {  	p0 =	sne.s32 s19, $0x3C00;
	v23 =	vld [tilespmem:s8+$0x11650];
	[tilespmem:s18+$0x1A5B0] =	vst v19;
	v13 =	vadd.f32 v20, v13;
	v15 =	vmul.f32 v15, v0  }
0x335: {  	v19 =	vld [tilespmem:s8+$0x10580];
	[tilespmem:s18+$0x1A5C0] =	vst v22;
	v12 =	vadd.f32 v21, v12;
	v14 =	vmul.f32 v14, v0  }
0x336: {  	v20 =	vld [tilespmem:s8+$0x12650];
	[tilespmem:s18+$0x1A5D0] =	vst v13;
	v11 =	vadd.f32 v15, v11;
	v13 =	vmul.f32 v17, v0  }
0x337: {  	v15 =	vld [tilespmem:s8+$0x11580];
	[tilespmem:s18+$0x1A600] =	vst v12;
	v8 =	vadd.f32 v14, v8;
	v12 =	vmul.f32 v18, v0  }
0x338: {  	v14 =	vld [tilespmem:s8+$0x13650];
	[tilespmem:s18+$0x1A610] =	vst v11;
	v9 =	vadd.f32 v13, v9  }
0x339: {  	v13 =	vmul.f32 v16, v6;
	v11 =	vld [tilespmem:s8+$0x10590];
	v16 =	vmul.f32 v23, v7;
	[tilespmem:s18+$0x1A620] =	vst v8;
	v8 =	vadd.f32 v12, v10  }
0x33a: {  	v10 =	vmul.f32 v19, v6;
	v12 =	vld [tilespmem:s8+$0x14650];
	[tilespmem:s18+$0x1A630] =	vst v9  }
0x33b: {  	v9 =	vld [tilespmem:s8+$0x11590];
	v13 =	vadd.f32 v16, v13;
	v16 =	vmul.f32 v20, v5;
	[tilespmem:s18+$0x1A640] =	vst v8;
	s18 =	smov.u32 s8  }
0x33c: {  	v8 =	vmul.f32 v15, v7;
	v15 =	vld [tilespmem:s18+$0x15650]  }
0x33d: {  	v17 =	vld [tilespmem:s18+$0x105A0];
	v13 =	vadd.f32 v16, v13;
	v14 =	vmul.f32 v14, v4  }
0x33e: {  	v8 =	vadd.f32 v8, v10;
	v10 =	vmul.f32 v11, v6;
	v11 =	vld [tilespmem:s18+$0x16650]  }
0x33f: {  	v16 =	vld [tilespmem:s18+$0x115A0];
	v13 =	vadd.f32 v14, v13;
	v12 =	vmul.f32 v12, v3  }
0x340: {  	v9 =	vmul.f32 v9, v7;
	v14 =	vld [tilespmem:s18+$0x17650]  }
0x341: {  	v18 =	vld [tilespmem:s18+$0x105B0];
	v12 =	vadd.f32 v12, v13;
	v13 =	vmul.f32 v15, v2  }
0x342: {  	v9 =	vadd.f32 v9, v10;
	v10 =	vmul.f32 v17, v6;
	v15 =	vld [tilespmem:s18+$0x115B0]  }
0x343: {  	v17 =	vld [tilespmem:s18+$0x105C0];
	v12 =	vadd.f32 v13, v12;
	v11 =	vmul.f32 v11, v1  }
0x344: {  	v13 =	vmul.f32 v16, v7;
	v16 =	vld [tilespmem:s18+$0x115C0]  }
0x345: {  	v19 =	vld [tilespmem:s18+$0x105D0];
	v11 =	vadd.f32 v11, v12;
	v12 =	vmul.f32 v14, v0  }
0x346: {  	v10 =	vadd.f32 v13, v10;
	v13 =	vmul.f32 v18, v6;
	v14 =	vld [tilespmem:s18+$0x115D0]  }
0x347: {  	v15 =	vmul.f32 v15, v7;
	v18 =	vld [tilespmem:s18+$0x10600];
	v11 =	vadd.f32 v12, v11  }
0x348: {  	v12 =	vmul.f32 v17, v6;
	v17 =	vld [tilespmem:s18+$0x11600]  }
0x349: {  	v13 =	vadd.f32 v15, v13;
	v15 =	vmul.f32 v16, v7;
	v16 =	vld [tilespmem:s18+$0x10610];
	[tilespmem:s18+$0x1A650] =	vst v11  }
0x34a: {  	v11 =	vmul.f32 v19, v6;
	v19 =	vld [tilespmem:s18+$0x11610]  }
0x34b: {  	v12 =	vadd.f32 v15, v12;
	v14 =	vmul.f32 v14, v7;
	v15 =	vld [tilespmem:s18+$0x10620]  }
0x34c: {  	v18 =	vmul.f32 v18, v6;
	v20 =	vld [tilespmem:s18+$0x11620]  }
0x34d: {  	v11 =	vadd.f32 v14, v11;
	v14 =	vmul.f32 v17, v7;
	v17 =	vld [tilespmem:s18+$0x10630]  }
0x34e: {  	v16 =	vmul.f32 v16, v6;
	v21 =	vld [tilespmem:s18+$0x11630]  }
0x34f: {  	v14 =	vadd.f32 v14, v18;
	v18 =	vmul.f32 v19, v7;
	v19 =	vld [tilespmem:s18+$0x10640]  }
0x350: {  	v15 =	vmul.f32 v15, v6;
	v22 =	vld [tilespmem:s18+$0x11640]  }
0x351: {  	v23 =	vld [tilespmem:s18+$0x12580];
	v16 =	vadd.f32 v18, v16;
	v18 =	vmul.f32 v20, v7  }
0x352: {  	v20 =	vld [tilespmem:s18+$0x12590];
	v17 =	vmul.f32 v17, v6  }
0x353: {  	v24 =	vld [tilespmem:s18+$0x125A0];
	v15 =	vadd.f32 v18, v15;
	v18 =	vmul.f32 v21, v7  }
0x354: {  	v21 =	vld [tilespmem:s18+$0x125B0];
	v19 =	vmul.f32 v19, v6  }
0x355: {  	v25 =	vld [tilespmem:s18+$0x125C0];
	v17 =	vadd.f32 v18, v17;
	v18 =	vmul.f32 v22, v7  }
0x356: {  	v22 =	vmul.f32 v23, v5;
	v23 =	vld [tilespmem:s18+$0x125D0]  }
0x357: {  	v20 =	vmul.f32 v20, v5;
	v26 =	vld [tilespmem:s18+$0x12600];
	v18 =	vadd.f32 v18, v19  }
0x358: {  	v8 =	vadd.f32 v22, v8;
	v19 =	vmul.f32 v24, v5;
	v22 =	vld [tilespmem:s18+$0x12610]  }
0x359: {  	v9 =	vadd.f32 v20, v9;
	v20 =	vmul.f32 v21, v5;
	v21 =	vld [tilespmem:s18+$0x12620]  }
0x35a: {  	v10 =	vadd.f32 v19, v10;
	v19 =	vmul.f32 v25, v5;
	v24 =	vld [tilespmem:s18+$0x12630]  }
0x35b: {  	v13 =	vadd.f32 v20, v13;
	v20 =	vmul.f32 v23, v5;
	v23 =	vld [tilespmem:s18+$0x12640]  }
0x35c: {  	v25 =	vld [tilespmem:s18+$0x13580];
	v12 =	vadd.f32 v19, v12;
	v19 =	vmul.f32 v26, v5  }
0x35d: {  	v26 =	vld [tilespmem:s18+$0x13590];
	v11 =	vadd.f32 v20, v11;
	v20 =	vmul.f32 v22, v5  }
0x35e: {  	v22 =	vld [tilespmem:s18+$0x135A0];
	v14 =	vadd.f32 v19, v14;
	v19 =	vmul.f32 v21, v5  }
0x35f: {  	v21 =	vld [tilespmem:s18+$0x135B0];
	v16 =	vadd.f32 v20, v16;
	v20 =	vmul.f32 v24, v5  }
0x360: {  	v24 =	vld [tilespmem:s18+$0x135C0];
	v15 =	vadd.f32 v19, v15;
	v19 =	vmul.f32 v23, v5  }
0x361: {  	v23 =	vmul.f32 v25, v4;
	v25 =	vld [tilespmem:s18+$0x135D0];
	v17 =	vadd.f32 v20, v17  }
0x362: {  	v20 =	vmul.f32 v26, v4;
	v26 =	vld [tilespmem:s18+$0x13600];
	v18 =	vadd.f32 v19, v18  }
0x363: {  	v8 =	vadd.f32 v23, v8;
	v19 =	vmul.f32 v22, v4;
	v22 =	vld [tilespmem:s18+$0x13610]  }
0x364: {  	v9 =	vadd.f32 v20, v9;
	v20 =	vmul.f32 v21, v4;
	v21 =	vld [tilespmem:s18+$0x13620]  }
0x365: {  	v10 =	vadd.f32 v19, v10;
	v19 =	vmul.f32 v24, v4;
	v23 =	vld [tilespmem:s18+$0x13630]  }
0x366: {  	v13 =	vadd.f32 v20, v13;
	v20 =	vmul.f32 v25, v4;
	v24 =	vld [tilespmem:s18+$0x13640]  }
0x367: {  	v25 =	vld [tilespmem:s18+$0x14580];
	v12 =	vadd.f32 v19, v12;
	v19 =	vmul.f32 v26, v4  }
0x368: {  	v26 =	vld [tilespmem:s18+$0x14590];
	v11 =	vadd.f32 v20, v11;
	v20 =	vmul.f32 v22, v4  }
0x369: {  	v22 =	vld [tilespmem:s18+$0x145A0];
	v14 =	vadd.f32 v19, v14;
	v19 =	vmul.f32 v21, v4  }
0x36a: {  	v21 =	vld [tilespmem:s18+$0x145B0];
	v16 =	vadd.f32 v20, v16;
	v20 =	vmul.f32 v23, v4  }
0x36b: {  	v23 =	vld [tilespmem:s18+$0x145C0];
	v15 =	vadd.f32 v19, v15;
	v19 =	vmul.f32 v24, v4  }
0x36c: {  	v24 =	vmul.f32 v25, v3;
	v25 =	vld [tilespmem:s18+$0x145D0];
	v17 =	vadd.f32 v20, v17  }
0x36d: {  	v20 =	vmul.f32 v26, v3;
	v26 =	vld [tilespmem:s18+$0x14600];
	v18 =	vadd.f32 v19, v18  }
0x36e: {  	v8 =	vadd.f32 v24, v8;
	v19 =	vmul.f32 v22, v3;
	v22 =	vld [tilespmem:s18+$0x14610]  }
0x36f: {  	v9 =	vadd.f32 v20, v9;
	v20 =	vmul.f32 v21, v3;
	v21 =	vld [tilespmem:s18+$0x14620]  }
0x370: {  	v10 =	vadd.f32 v19, v10;
	v19 =	vmul.f32 v23, v3;
	v23 =	vld [tilespmem:s18+$0x14630]  }
0x371: {  	v13 =	vadd.f32 v20, v13;
	v20 =	vmul.f32 v25, v3;
	v24 =	vld [tilespmem:s18+$0x14640]  }
0x372: {  	v25 =	vld [tilespmem:s18+$0x15580];
	v12 =	vadd.f32 v19, v12;
	v19 =	vmul.f32 v26, v3  }
0x373: {  	v26 =	vld [tilespmem:s18+$0x15590];
	v11 =	vadd.f32 v20, v11;
	v20 =	vmul.f32 v22, v3  }
0x374: {  	v22 =	vld [tilespmem:s18+$0x155A0];
	v14 =	vadd.f32 v19, v14;
	v19 =	vmul.f32 v21, v3  }
0x375: {  	v21 =	vld [tilespmem:s18+$0x155B0];
	v16 =	vadd.f32 v20, v16;
	v20 =	vmul.f32 v23, v3  }
0x376: {  	v23 =	vld [tilespmem:s18+$0x155C0];
	v15 =	vadd.f32 v19, v15;
	v19 =	vmul.f32 v24, v3  }
0x377: {  	v24 =	vmul.f32 v25, v2;
	v25 =	vld [tilespmem:s18+$0x155D0];
	v17 =	vadd.f32 v20, v17  }
0x378: {  	v20 =	vmul.f32 v26, v2;
	v26 =	vld [tilespmem:s18+$0x15600];
	v18 =	vadd.f32 v19, v18  }
0x379: {  	v8 =	vadd.f32 v24, v8;
	v19 =	vmul.f32 v22, v2;
	v22 =	vld [tilespmem:s18+$0x15610]  }
0x37a: {  	v9 =	vadd.f32 v20, v9;
	v20 =	vmul.f32 v21, v2;
	v21 =	vld [tilespmem:s18+$0x15620]  }
0x37b: {  	v10 =	vadd.f32 v19, v10;
	v19 =	vmul.f32 v23, v2;
	v23 =	vld [tilespmem:s18+$0x15630]  }
0x37c: {  	v13 =	vadd.f32 v20, v13;
	v20 =	vmul.f32 v25, v2;
	v24 =	vld [tilespmem:s18+$0x15640]  }
0x37d: {  	v25 =	vld [tilespmem:s18+$0x16580];
	v12 =	vadd.f32 v19, v12;
	v19 =	vmul.f32 v26, v2  }
0x37e: {  	v26 =	vld [tilespmem:s18+$0x16590];
	v11 =	vadd.f32 v20, v11;
	v20 =	vmul.f32 v22, v2  }
0x37f: {  	v22 =	vld [tilespmem:s18+$0x165A0];
	v14 =	vadd.f32 v19, v14;
	v19 =	vmul.f32 v21, v2  }
0x380: {  	v21 =	vld [tilespmem:s18+$0x165B0];
	v16 =	vadd.f32 v20, v16;
	v20 =	vmul.f32 v23, v2  }
0x381: {  	v23 =	vld [tilespmem:s18+$0x165C0];
	v15 =	vadd.f32 v19, v15;
	v19 =	vmul.f32 v24, v2  }
0x382: {  	v24 =	vmul.f32 v25, v1;
	v25 =	vld [tilespmem:s18+$0x165D0];
	v17 =	vadd.f32 v20, v17  }
0x383: {  	v20 =	vmul.f32 v26, v1;
	v26 =	vld [tilespmem:s18+$0x16600];
	v18 =	vadd.f32 v19, v18  }
0x384: {  	v19 =	vadd.f32 v24, v8;
	v8 =	vmul.f32 v22, v1;
	v22 =	vld [tilespmem:s18+$0x16610]  }
0x385: {  	v20 =	vadd.f32 v20, v9;
	v9 =	vmul.f32 v21, v1;
	v21 =	vld [tilespmem:s18+$0x16620]  }
0x386: {  	v24 =	vadd.f32 v8, v10;
	v8 =	vmul.f32 v23, v1;
	v10 =	vld [tilespmem:s18+$0x16630]  }
0x387: {  	v23 =	vadd.f32 v9, v13;
	v9 =	vmul.f32 v25, v1;
	v25 =	vld [tilespmem:s18+$0x16640]  }
0x388: {  	v27 =	vld [tilespmem:s18+$0x17580];
	v28 =	vadd.f32 v8, v12;
	v8 =	vmul.f32 v26, v1  }
0x389: {  	v26 =	vld [tilespmem:s18+$0x17590];
	v13 =	vadd.f32 v9, v11;
	v9 =	vmul.f32 v22, v1  }
0x38a: {  	v22 =	vld [tilespmem:s18+$0x175A0];
	v12 =	vadd.f32 v8, v14;
	v8 =	vmul.f32 v21, v1  }
0x38b: {  	v14 =	vld [tilespmem:s18+$0x175B0];
	v11 =	vadd.f32 v9, v16;
	v9 =	vmul.f32 v10, v1  }
0x38c: {  	v16 =	vld [tilespmem:s18+$0x175C0];
	v8 =	vadd.f32 v8, v15;
	v10 =	vmul.f32 v25, v1  }
0x38d: {  	v15 =	vmul.f32 v27, v0;
	v21 =	vld [tilespmem:s18+$0x175D0];
	v9 =	vadd.f32 v9, v17  }
0x38e: {  	v17 =	vmul.f32 v26, v0;
	v25 =	vld [tilespmem:s18+$0x17600];
	v10 =	vadd.f32 v10, v18  }
.Ltmp5:
0x38f: {  	v18 =	vadd.f32 v15, v19;
	v19 =	vmul.f32 v22, v0;
	v15 =	vld [tilespmem:s18+$0x17610];
	(pc) =	sbr.rel @p0 .LBB2_11-.Ltmp5, $4  }
0x390: {  	v20 =	vadd.f32 v17, v20;
	v22 =	vmul.f32 v14, v0;
	v14 =	vld [tilespmem:s18+$0x17620]  }
0x391: {  	[tilespmem:s18+$0x1A580] =	vst v18;
	v24 =	vadd.f32 v19, v24;
	v26 =	vmul.f32 v16, v0;
	v17 =	vld [tilespmem:s18+$0x17630]  }
0x392: {  	s8 =	sshra.s32 s19, $0x2;
	[tilespmem:s18+$0x1A590] =	vst v20;
	v19 =	vadd.f32 v22, v23;
	v20 =	vmul.f32 v21, v0;
	v18 =	vld [tilespmem:s18+$0x17640]  }
0x393: {  	s19 =	sadd.s32 $0x400, s19;
	v16 =	vld [tilespmem:s8+$0x10650];
	[tilespmem:s18+$0x1A5A0] =	vst v24;
	v22 =	vadd.f32 v26, v28;
	v21 =	vmul.f32 v25, v0  }
0x394: {  	v23 =	vld [tilespmem:s8+$0x11650];
	[tilespmem:s18+$0x1A5B0] =	vst v19;
	v13 =	vadd.f32 v20, v13;
	v15 =	vmul.f32 v15, v0  }
0x395: {  	v19 =	vld [tilespmem:s8+$0x10580];
	[tilespmem:s18+$0x1A5C0] =	vst v22;
	v12 =	vadd.f32 v21, v12;
	v14 =	vmul.f32 v14, v0  }
0x396: {  	v48 =	vld [tilespmem:s8+$0x12650];
	[tilespmem:s18+$0x1A5D0] =	vst v13;
	v11 =	vadd.f32 v15, v11;
	v49 =	vmul.f32 v17, v0  }
0x397: {  	v13 =	vld [tilespmem:s8+$0x11580];
	[tilespmem:s18+$0x1A600] =	vst v12;
	v8 =	vadd.f32 v14, v8;
	v50 =	vmul.f32 v18, v0  }
0x398: {  	v12 =	vld [tilespmem:s8+$0x13650];
	[tilespmem:s18+$0x1A610] =	vst v11;
	v9 =	vadd.f32 v49, v9  }
0x399: {  	v11 =	vld [tilespmem:s8+$0x10590];
	[tilespmem:s18+$0x1A620] =	vst v8;
	v10 =	vadd.f32 v50, v10  }
0x39a: {  	v8 =	vld [tilespmem:s8+$0x14650];
	[tilespmem:s18+$0x1A630] =	vst v9  }
0x39b: {  	v15 =	vld [tilespmem:s8+$0x11590];
	[tilespmem:s18+$0x1A640] =	vst v10  }
0x39c: {  	v54 =	vld [tilespmem:s8+$0x15650]  }
0x39d: {  	v51 =	vmul.f32 v16, v6;
	v16 =	vld [tilespmem:s8+$0x105A0]  }
0x39e: {  	v56 =	vld [tilespmem:s8+$0x16650]  }
0x39f: {  	v17 =	vld [tilespmem:s8+$0x115A0]  }
0x3a0: {  	v57 =	vld [tilespmem:s8+$0x17650]  }
0x3a1: {  	v58 =	vld [tilespmem:s8+$0x105B0]  }
0x3a2: {  	v60 =	vld [tilespmem:s8+$0x115B0]  }
0x3a3: {  	v52 =	vmul.f32 v23, v7;
	v61 =	vld [tilespmem:s8+$0x105C0]  }
0x3a4: {  	v63 =	vld [tilespmem:s8+$0x115C0]  }
0x3a5: {  	v9 =	vadd.f32 v52, v51;
	v52 =	vld [tilespmem:s8+$0x105D0]  }
0x3a6: {  	v22 =	vld [tilespmem:s8+$0x10600]  }
0x3a7: {  	v24 =	vld [tilespmem:s8+$0x10620]  }
0x3a8: {  	v25 =	vld [tilespmem:s8+$0x11620]  }
0x3a9: {  	v26 =	vld [tilespmem:s8+$0x10630]  }
0x3aa: {  	v27 =	vld [tilespmem:s8+$0x11630]  }
0x3ab: {  	v28 =	vld [tilespmem:s8+$0x10640]  }
0x3ac: {  	v29 =	vld [tilespmem:s8+$0x11640]  }
0x3ad: {  	v30 =	vld [tilespmem:s8+$0x12580]  }
0x3ae: {  	v31 =	vld [tilespmem:s8+$0x12590]  }
0x3af: {  	v32 =	vld [tilespmem:s8+$0x125A0]  }
0x3b0: {  	v33 =	vld [tilespmem:s8+$0x125B0]  }
0x3b1: {  	v34 =	vld [tilespmem:s8+$0x125C0]  }
0x3b2: {  	v35 =	vld [tilespmem:s8+$0x125D0]  }
0x3b3: {  	v36 =	vld [tilespmem:s8+$0x12600]  }
0x3b4: {  	v37 =	vld [tilespmem:s8+$0x12610]  }
0x3b5: {  	v38 =	vld [tilespmem:s8+$0x12620]  }
0x3b6: {  	v39 =	vld [tilespmem:s8+$0x12630]  }
0x3b7: {  	v40 =	vld [tilespmem:s8+$0x12640]  }
0x3b8: {  	v41 =	vld [tilespmem:s8+$0x13580]  }
0x3b9: {  	v42 =	vld [tilespmem:s8+$0x13590]  }
0x3ba: {  	v19 =	vmul.f32 v19, v6;
	v53 =	vmul.f32 v48, v5;
	v43 =	vld [tilespmem:s8+$0x135A0]  }
0x3bb: {  	v44 =	vld [tilespmem:s8+$0x135B0];
	v13 =	vmul.f32 v13, v7;
	v55 =	vmul.f32 v12, v4  }
0x3bc: {  	v45 =	vld [tilespmem:s8+$0x135C0];
	v11 =	vmul.f32 v11, v6;
	v8 =	vmul.f32 v8, v3  }
0x3bd: {  	v46 =	vld [tilespmem:s8+$0x135D0];
	v15 =	vmul.f32 v15, v7;
	v59 =	vmul.f32 v54, v2  }
0x3be: {  	v47 =	vld [tilespmem:s8+$0x13600];
	v9 =	vadd.f32 v53, v9;
	v62 =	vmul.f32 v56, v1;
	v53 =	vmul.f32 v57, v0  }
0x3bf: {  	v48 =	vld [tilespmem:s8+$0x13610];
	v16 =	vmul.f32 v16, v6;
	v17 =	vmul.f32 v17, v7  }
0x3c0: {  	v49 =	vld [tilespmem:s8+$0x13620];
	v18 =	vmul.f32 v58, v6;
	v14 =	vmul.f32 v60, v7  }
0x3c1: {  	v50 =	vld [tilespmem:s8+$0x13630];
	v57 =	vmul.f32 v61, v6;
	v12 =	vmul.f32 v63, v7  }
0x3c2: {  	v20 =	vld [tilespmem:s8+$0x13640];
	v58 =	vmul.f32 v52, v6;
	v61 =	vmul.f32 v24, v6  }
0x3c3: {  	v21 =	vld [tilespmem:s8+$0x14580];
	v63 =	vmul.f32 v26, v6;
	v51 =	vmul.f32 v27, v7  }
0x3c4: {  	v23 =	vld [tilespmem:s8+$0x145A0];
	v52 =	vmul.f32 v28, v6;
	v40 =	vmul.f32 v40, v5  }
0x3c5: {  	v9 =	vadd.f32 v55, v9;
	v55 =	vld [tilespmem:s8+$0x11600];
	v41 =	vmul.f32 v41, v4;
	v42 =	vmul.f32 v42, v4  }
0x3c6: {  	v54 =	vld [tilespmem:s8+$0x115D0];
	v43 =	vmul.f32 v43, v4;
	v44 =	vmul.f32 v44, v4  }
0x3c7: {  	v8 =	vadd.f32 v8, v9;
	v56 =	vld [tilespmem:s8+$0x10610];
	v45 =	vmul.f32 v45, v4;
	v46 =	vmul.f32 v46, v4  }
0x3c8: {  	v13 =	vadd.f32 v13, v19;
	v24 =	vld [tilespmem:s8+$0x145B0];
	v47 =	vmul.f32 v47, v4;
	v48 =	vmul.f32 v48, v4  }
0x3c9: {  	v26 =	vld [tilespmem:s8+$0x145C0];
	v23 =	vmul.f32 v23, v3;
	v8 =	vadd.f32 v59, v8;
	v16 =	vadd.f32 v17, v16  }
0x3ca: {  	v28 =	vld [tilespmem:s8+$0x145D0];
	v59 =	vmul.f32 v22, v6;
	v14 =	vadd.f32 v14, v18;
	v12 =	vadd.f32 v12, v57  }
0x3cb: {  	v27 =	vld [tilespmem:s8+$0x16580];
	v17 =	vadd.f32 v51, v63;
	v57 =	vmul.f32 v33, v5;
	v63 =	vmul.f32 v39, v5  }
0x3cc: {  	v11 =	vadd.f32 v15, v11;
	v22 =	vld [tilespmem:s8+$0x14590];
	v9 =	vmul.f32 v55, v7;
	v55 =	vmul.f32 v31, v5  }
0x3cd: {  	v33 =	vld [tilespmem:s8+$0x15590];
	v8 =	vadd.f32 v62, v8;
	v62 =	vmul.f32 v25, v7;
	v14 =	vadd.f32 v57, v14  }
0x3ce: {  	v51 =	vld [tilespmem:s8+$0x15610];
	v17 =	vadd.f32 v63, v17;
	v10 =	vmul.f32 v54, v7;
	v60 =	vmul.f32 v56, v6  }
0x3cf: {  	v39 =	vld [tilespmem:s8+$0x15620];
	v9 =	vadd.f32 v9, v59;
	v54 =	vmul.f32 v30, v5;
	v56 =	vmul.f32 v32, v5  }
0x3d0: {  	v31 =	vld [tilespmem:s8+$0x15580];
	v11 =	vadd.f32 v55, v11;
	v59 =	vmul.f32 v35, v5;
	v55 =	vmul.f32 v20, v4  }
0x3d1: {  	v25 =	vld [tilespmem:s8+$0x14610];
	v8 =	vadd.f32 v53, v8;
	v53 =	vmul.f32 v29, v7;
	v15 =	vadd.f32 v62, v61  }
0x3d2: {  	v57 =	vld [tilespmem:s8+$0x15640];
	v61 =	vmul.f32 v37, v5;
	v62 =	vmul.f32 v38, v5;
	v14 =	vadd.f32 v44, v14  }
0x3d3: {  	v30 =	vld [tilespmem:s8+$0x14600];
	v10 =	vadd.f32 v10, v58;
	v13 =	vadd.f32 v54, v13;
	v58 =	vmul.f32 v34, v5  }
0x3d4: {  	v32 =	vld [tilespmem:s8+$0x14630];
	v16 =	vadd.f32 v56, v16;
	v56 =	vmul.f32 v21, v3;
	v22 =	vmul.f32 v22, v3  }
0x3d5: {  	v20 =	vld [tilespmem:s8+$0x16590];
	v11 =	vadd.f32 v42, v11;
	v44 =	vmul.f32 v33, v2;
	v51 =	vmul.f32 v51, v2  }
0x3d6: {  	v29 =	vld [tilespmem:s8+$0x14620];
	v18 =	vadd.f32 v53, v52;
	v15 =	vadd.f32 v62, v15;
	v52 =	vmul.f32 v49, v4  }
0x3d7: {  	v37 =	vld [tilespmem:s8+$0x155D0];
	v53 =	vmul.f32 v50, v4;
	v12 =	vadd.f32 v58, v12;
	v10 =	vadd.f32 v59, v10  }
0x3d8: {  	v34 =	vld [tilespmem:s8+$0x14640];
	v13 =	vadd.f32 v41, v13;
	v16 =	vadd.f32 v43, v16;
	v58 =	vmul.f32 v24, v3  }
0x3d9: {  	v54 =	vld [tilespmem:s8+$0x15630];
	v11 =	vadd.f32 v22, v11;
	v59 =	vmul.f32 v26, v3;
	v62 =	vmul.f32 v25, v3  }
0x3da: {  	[tilespmem:s8+$0x1A650] =	vst v8;
	v8 =	vld [tilespmem:s8+$0x11610];
	v43 =	vmul.f32 v31, v2;
	v18 =	vadd.f32 v40, v18;
	v15 =	vadd.f32 v52, v15  }
0x3db: {  	v24 =	vld [tilespmem:s8+$0x165D0];
	v17 =	vadd.f32 v53, v17;
	v32 =	vmul.f32 v32, v3;
	v12 =	vadd.f32 v45, v12  }
0x3dc: {  	v25 =	vld [tilespmem:s8+$0x16600];
	v53 =	vmul.f32 v39, v2;
	v10 =	vadd.f32 v46, v10;
	v13 =	vadd.f32 v56, v13  }
0x3dd: {  	v40 =	vld [tilespmem:s8+$0x15600];
	v20 =	vmul.f32 v20, v1;
	v16 =	vadd.f32 v23, v16;
	v14 =	vadd.f32 v58, v14  }
0x3de: {  	v52 =	vld [tilespmem:s8+$0x17580];
	v63 =	vmul.f32 v29, v3;
	v11 =	vadd.f32 v44, v11;
	v49 =	vmul.f32 v37, v2  }
0x3df: {  	v39 =	vld [tilespmem:s8+$0x17600];
	v56 =	vmul.f32 v57, v2;
	v58 =	vmul.f32 v27, v1;
	v18 =	vadd.f32 v55, v18  }
0x3e0: {  	v45 =	vld [tilespmem:s8+$0x16610];
	v34 =	vmul.f32 v34, v3;
	v17 =	vadd.f32 v32, v17;
	v12 =	vadd.f32 v59, v12  }
0x3e1: {  	v29 =	vld [tilespmem:s8+$0x16630];
	v54 =	vmul.f32 v54, v2;
	v15 =	vadd.f32 v63, v15;
	v13 =	vadd.f32 v43, v13  }
0x3e2: {  	v57 =	vld [tilespmem:s8+$0x175A0];
	v8 =	vmul.f32 v8, v7;
	v11 =	vadd.f32 v20, v11;
	v18 =	vadd.f32 v34, v18  }
0x3e3: {  	v35 =	vld [tilespmem:s8+$0x155C0];
	v17 =	vadd.f32 v54, v17;
	v24 =	vmul.f32 v24, v1;
	v42 =	vmul.f32 v25, v1  }
0x3e4: {  	v55 =	vld [tilespmem:s8+$0x17590];
	v8 =	vadd.f32 v8, v60;
	v60 =	vmul.f32 v36, v5;
	v50 =	vmul.f32 v40, v2  }
0x3e5: {  	v59 =	vld [tilespmem:s8+$0x175B0];
	v15 =	vadd.f32 v53, v15;
	v13 =	vadd.f32 v58, v13;
	v63 =	vmul.f32 v52, v0  }
0x3e6: {  	v38 =	vld [tilespmem:s8+$0x155B0];
	v53 =	vmul.f32 v39, v0;
	v18 =	vadd.f32 v56, v18;
	v44 =	vmul.f32 v45, v1  }
0x3e7: {  	v36 =	vld [tilespmem:s8+$0x155A0];
	v21 =	vmul.f32 v57, v0;
	v52 =	vmul.f32 v29, v1;
	v9 =	vadd.f32 v60, v9  }
0x3e8: {  	v26 =	vld [tilespmem:s8+$0x165B0];
	v8 =	vadd.f32 v61, v8;
	v60 =	vmul.f32 v28, v3;
	v61 =	vmul.f32 v30, v3  }
0x3e9: {  	v23 =	vld [tilespmem:s8+$0x165A0];
	v40 =	vmul.f32 v55, v0;
	v13 =	vadd.f32 v63, v13;
	v9 =	vadd.f32 v47, v9  }
0x3ea: {  	v32 =	vld [tilespmem:s8+$0x16620];
	v45 =	vmul.f32 v59, v0;
	v8 =	vadd.f32 v48, v8;
	v10 =	vadd.f32 v60, v10  }
0x3eb: {  	v37 =	vld [tilespmem:s8+$0x175D0];
	v47 =	vmul.f32 v38, v2;
	v48 =	vmul.f32 v35, v2;
	v11 =	vadd.f32 v40, v11  }
0x3ec: {  	v41 =	vld [tilespmem:s8+$0x17610];
	v46 =	vmul.f32 v36, v2;
	v9 =	vadd.f32 v61, v9;
	v8 =	vadd.f32 v62, v8  }
0x3ed: {  	v43 =	vld [tilespmem:s8+$0x17620];
	v14 =	vadd.f32 v47, v14;
	v12 =	vadd.f32 v48, v12;
	v62 =	vmul.f32 v26, v1  }
0x3ee: {  	v28 =	vld [tilespmem:s8+$0x165C0];
	v60 =	vmul.f32 v23, v1;
	v10 =	vadd.f32 v49, v10;
	v16 =	vadd.f32 v46, v16  }
0x3ef: {  	v61 =	vld [tilespmem:s8+$0x175C0];
	v49 =	vmul.f32 v32, v1;
	v9 =	vadd.f32 v50, v9;
	v14 =	vadd.f32 v62, v14  }
0x3f0: {  	v31 =	vld [tilespmem:s8+$0x16640];
	v8 =	vadd.f32 v51, v8;
	v10 =	vadd.f32 v24, v10;
	v50 =	vmul.f32 v37, v0  }
0x3f1: {  	v55 =	vmul.f32 v41, v0;
	[tilespmem:s8+$0x1A580] =	vst v13;
	v46 =	vld [tilespmem:s8+$0x17630];
	v16 =	vadd.f32 v60, v16;
	v14 =	vadd.f32 v45, v14  }
0x3f2: {  	v57 =	vmul.f32 v43, v0;
	[tilespmem:s8+$0x1A590] =	vst v11;
	v51 =	vld [tilespmem:s8+$0x17640];
	v54 =	vadd.f32 v49, v15;
	v10 =	vadd.f32 v50, v10  }
0x3f3: {  	v38 =	vmul.f32 v28, v1;
	v9 =	vadd.f32 v42, v9;
	v47 =	vadd.f32 v21, v16;
	[tilespmem:s8+$0x1A5B0] =	vst v14  }
0x3f4: {  	v8 =	vadd.f32 v44, v8;
	v48 =	vmul.f32 v61, v0;
	v61 =	vadd.f32 v57, v54;
	[tilespmem:s8+$0x1A5D0] =	vst v10  }
0x3f5: {  	v56 =	vmul.f32 v31, v1;
	v12 =	vadd.f32 v38, v12;
	v9 =	vadd.f32 v53, v9;
	[tilespmem:s8+$0x1A5A0] =	vst v47  }
0x3f6: {  	v58 =	vadd.f32 v52, v17;
	v8 =	vadd.f32 v55, v8;
	v59 =	vmul.f32 v46, v0;
	[tilespmem:s8+$0x1A620] =	vst v61  }
0x3f7: {  	p0 =	seq.s32 s10, $0x14;
	v60 =	vadd.f32 v56, v18;
	v11 =	vadd.f32 v48, v12;
	v62 =	vmul.f32 v51, v0;
	[tilespmem:s8+$0x1A600] =	vst v9  }
.Ltmp6:
0x3f8: {  	[tilespmem:s8+$0x1A610] =	vst v8;
	v8 =	vadd.f32 v59, v58;
	(pc) =	sbr.rel @p0 .LBB2_14-.Ltmp6, $4  }
0x3f9: {  	s19 =	sadd.s32 s11, s17;
	[tilespmem:s8+$0x1A5C0] =	vst v11;
	v63 =	vadd.f32 v62, v60  }
0x3fa: {  	s18 =	sshrl.u32 s19, $0x3;
	[tilespmem:s8+$0x1A630] =	vst v8  }
0x3fb: {  	s19 =	sadd.s32 s5, s18;
	[tilespmem:s8+$0x1A640] =	vst v63  }
0x3fc: {  	[hbm4b:s19+s7] =	stream.linear.scatter [tilespmem:s0], [sflag:$0x6], $0x1000, $0x38;
	[tilespmem:$0x1B580] =	vst v63  }
.Ltmp7:
0x3fd: {  	(pc) =	sbr.rel .LBB2_2-.Ltmp7, $4  }
0x3fe: {  	s8 =	sadd.s32 s15, s11  }
0x3ff: {  	s8 =	sshrl.u32 s8, $0x3  }
0x400: {  	s10 =	sadd.s32 $0x1, s10;
	s8 =	sadd.s32 s1, s8  }
0x401: {  	[tilespmem:s26], [sflag:$0x3] =	stream.strided.gather [hbm4b:s8+s22], $0x8000, s23, s22, $0x38;
	[tilespmem:$0x1B580] =	vst v63  }
.LBB2_14:
0x402: {  	_ =	swait.ge [sflag:s9], $0x8000  }
0x403: {  	[sflag:s9] =	ssyncset.done $0x0  }
0x404: {  	[sflag:s9] =	ssyncadd.s32 $0xFFFF8000  }
0x405: {  	_ =	swait.ge [sflag:s2], $0x1000  }
0x406: {  	[sflag:s2] =	ssyncset.done $0x0  }
0x407: {  	s8 =	simm.s32 $0x0;
	[sflag:s2] =	ssyncadd.s32 $0xFFFFF000  }
0x408: {  	v8 =	vld [tilespmem:s8+$0x5D0]  }
0x409: {  	v9 =	vld [tilespmem:s8+$0x15D0]  }
0x40a: {  	v10 =	vld [tilespmem:s8+$0x580]  }
0x40b: {  	v11 =	vld [tilespmem:s8+$0x25D0]  }
0x40c: {  	v12 =	vld [tilespmem:s8+$0x1580]  }
0x40d: {  	v13 =	vld [tilespmem:s8+$0x35D0]  }
0x40e: {  	v14 =	vld [tilespmem:s8+$0x590]  }
0x40f: {  	v15 =	vld [tilespmem:s8+$0x45D0]  }
0x410: {  	v16 =	vld [tilespmem:s8+$0x1590]  }
0x411: {  	v17 =	vld [tilespmem:s8+$0x5A0]  }
0x412: {  	v18 =	vld [tilespmem:s8+$0x15A0]  }
0x413: {  	v19 =	vld [tilespmem:s8+$0x5B0]  }
0x414: {  	v20 =	vld [tilespmem:s8+$0x5C0]  }
0x415: {  	v21 =	vld [tilespmem:s8+$0x2580];
	v8 =	vmul.f32 v8, v6;
	v9 =	vmul.f32 v9, v7  }
0x416: {  	v22 =	vld [tilespmem:s8+$0x25A0]  }
0x417: {  	v23 =	vld [tilespmem:s8+$0x25C0];
	v8 =	vadd.f32 v9, v8;
	v9 =	vmul.f32 v11, v5  }
0x418: {  	v11 =	vld [tilespmem:s8+$0x55D0]  }
0x419: {  	v24 =	vld [tilespmem:s8+$0x3590];
	v8 =	vadd.f32 v9, v8;
	v9 =	vmul.f32 v13, v4  }
0x41a: {  	v13 =	vld [tilespmem:s8+$0x65D0]  }
0x41b: {  	v25 =	vld [tilespmem:s8+$0x35A0];
	v8 =	vadd.f32 v9, v8;
	v9 =	vmul.f32 v15, v3  }
0x41c: {  	v15 =	vld [tilespmem:s8+$0x75D0]  }
0x41d: {  	v26 =	vld [tilespmem:s8+$0x35B0];
	v8 =	vadd.f32 v9, v8;
	v9 =	vmul.f32 v11, v2  }
0x41e: {  	v27 =	vld [tilespmem:s8+$0x35C0]  }
0x41f: {  	v28 =	vld [tilespmem:s8+$0x4580];
	v8 =	vadd.f32 v9, v8;
	v9 =	vmul.f32 v13, v1  }
0x420: {  	v11 =	vld [tilespmem:s8+$0x15B0]  }
0x421: {  	v13 =	vld [tilespmem:s8+$0x15C0];
	v8 =	vadd.f32 v9, v8;
	v9 =	vmul.f32 v15, v0  }
0x422: {  	v57 =	vld [tilespmem:s8+$0x45C0];
	v10 =	vmul.f32 v10, v6;
	v12 =	vmul.f32 v12, v7  }
0x423: {  	v14 =	vmul.f32 v14, v6;
	v16 =	vmul.f32 v16, v7;
	v15 =	vld [tilespmem:s8+$0x2590];
	v8 =	vadd.f32 v9, v8  }
0x424: {  	v17 =	vmul.f32 v17, v6;
	v18 =	vmul.f32 v18, v7;
	v9 =	vld [tilespmem:s8+$0x25B0]  }
0x425: {  	v10 =	vadd.f32 v12, v10;
	v12 =	vmul.f32 v19, v6;
	v11 =	vmul.f32 v11, v7;
	[tilespmem:s8+$0x185D0] =	vst v8;
	v8 =	vld [tilespmem:s8+$0x3580]  }
0x426: {  	v58 =	vld [tilespmem:s8+$0x5580];
	v14 =	vadd.f32 v16, v14;
	v16 =	vmul.f32 v20, v6;
	v13 =	vmul.f32 v13, v7  }
0x427: {  	v59 =	vld [tilespmem:s8+$0x55B0];
	v17 =	vadd.f32 v18, v17;
	v11 =	vadd.f32 v11, v12;
	v12 =	vmul.f32 v21, v5  }
0x428: {  	v19 =	vld [tilespmem:s8+$0x4590];
	v15 =	vmul.f32 v15, v5;
	v13 =	vadd.f32 v13, v16;
	v16 =	vmul.f32 v22, v5  }
0x429: {  	v20 =	vld [tilespmem:s8+$0x45A0];
	v10 =	vadd.f32 v12, v10;
	v12 =	vmul.f32 v23, v5;
	v9 =	vmul.f32 v9, v5  }
0x42a: {  	v14 =	vadd.f32 v15, v14;
	v15 =	vadd.f32 v16, v17;
	v16 =	vld [tilespmem:s8+$0x5590];
	v8 =	vmul.f32 v8, v4  }
0x42b: {  	v18 =	vld [tilespmem:s8+$0x45B0];
	v17 =	vmul.f32 v26, v4;
	v9 =	vadd.f32 v9, v11;
	v11 =	vmul.f32 v24, v4  }
0x42c: {  	v61 =	vld [tilespmem:s8+$0x55C0];
	v12 =	vadd.f32 v12, v13;
	v8 =	vadd.f32 v8, v10;
	v10 =	vmul.f32 v25, v4  }
0x42d: {  	v11 =	vadd.f32 v11, v14;
	v14 =	vmul.f32 v27, v4;
	v9 =	vadd.f32 v17, v9;
	v17 =	vld [tilespmem:s8+$0x6580]  }
0x42e: {  	v60 =	vmul.f32 v28, v3;
	v13 =	vld [tilespmem:s8+$0x55A0];
	v10 =	vadd.f32 v10, v15;
	v15 =	vmul.f32 v19, v3  }
0x42f: {  	v16 =	vmul.f32 v16, v2;
	v12 =	vadd.f32 v14, v12;
	v14 =	vmul.f32 v20, v3;
	v19 =	vld [tilespmem:s8+$0x6590]  }
0x430: {  	v20 =	vld [tilespmem:s8+$0x65A0];
	v11 =	vadd.f32 v15, v11;
	v15 =	vmul.f32 v18, v3;
	v18 =	vmul.f32 v57, v3  }
0x431: {  	v62 =	vld [tilespmem:s8+$0x65B0];
	v8 =	vadd.f32 v60, v8;
	v10 =	vadd.f32 v14, v10;
	v14 =	vmul.f32 v58, v2  }
0x432: {  	v17 =	vmul.f32 v17, v1;
	v9 =	vadd.f32 v15, v9;
	v15 =	vadd.f32 v18, v12;
	v18 =	vld [tilespmem:s8+$0x65C0]  }
0x433: {  	v63 =	vld [tilespmem:s8+$0x7580];
	v12 =	vmul.f32 v13, v2;
	v8 =	vadd.f32 v14, v8;
	v13 =	vmul.f32 v59, v2  }
0x434: {  	v14 =	vadd.f32 v16, v11;
	v16 =	vmul.f32 v61, v2;
	v11 =	vld [tilespmem:s8+$0x7590];
	v19 =	vmul.f32 v19, v1  }
0x435: {  	v20 =	vmul.f32 v20, v1;
	v10 =	vadd.f32 v12, v10;
	v23 =	vadd.f32 v13, v9;
	v12 =	vld [tilespmem:s8+$0x75A0]  }
0x436: {  	v9 =	vadd.f32 v16, v15;
	v16 =	vadd.f32 v17, v8;
	v17 =	vmul.f32 v62, v1;
	v13 =	vld [tilespmem:s8+$0x75B0]  }
0x437: {  	s10 =	simm.s32 $0x80;
	v15 =	vadd.f32 v19, v14;
	v14 =	vadd.f32 v20, v10;
	v10 =	vld [tilespmem:s8+$0x75C0];
	v18 =	vmul.f32 v18, v1  }
0x438: {  	s11 =	simm.s32 $0x400;
	v8 =	vld [tilespmem:s10+$0x5D0];
	v19 =	vmul.f32 v63, v0;
	v17 =	vadd.f32 v17, v23  }
.LBB2_15:
0x439: {  	p0 =	sne.s32 s11, $0x3E00;
	v20 =	vld [tilespmem:s10+$0x15D0];
	v11 =	vmul.f32 v11, v0;
	v9 =	vadd.f32 v18, v9  }
0x43a: {  	v18 =	vld [tilespmem:s10+$0x580];
	v16 =	vadd.f32 v19, v16;
	v12 =	vmul.f32 v12, v0  }
0x43b: {  	v19 =	vld [tilespmem:s10+$0x25D0];
	v11 =	vadd.f32 v11, v15;
	v13 =	vmul.f32 v13, v0  }
0x43c: {  	v15 =	vld [tilespmem:s10+$0x1580];
	[tilespmem:s8+$0x18580] =	vst v16;
	v12 =	vadd.f32 v12, v14;
	v10 =	vmul.f32 v10, v0  }
0x43d: {  	v14 =	vld [tilespmem:s10+$0x35D0];
	[tilespmem:s8+$0x18590] =	vst v11;
	v11 =	vadd.f32 v13, v17  }
0x43e: {  	v8 =	vmul.f32 v8, v6;
	v13 =	vld [tilespmem:s10+$0x590];
	v16 =	vmul.f32 v20, v7;
	[tilespmem:s8+$0x185A0] =	vst v12;
	v9 =	vadd.f32 v10, v9  }
0x43f: {  	v10 =	vmul.f32 v18, v6;
	v12 =	vld [tilespmem:s10+$0x45D0];
	[tilespmem:s8+$0x185B0] =	vst v11  }
0x440: {  	v11 =	vld [tilespmem:s10+$0x1590];
	v8 =	vadd.f32 v16, v8;
	v16 =	vmul.f32 v19, v5;
	[tilespmem:s8+$0x185C0] =	vst v9;
	s8 =	smov.u32 s10  }
0x441: {  	v9 =	vmul.f32 v15, v7;
	v15 =	vld [tilespmem:s8+$0x55D0]  }
0x442: {  	v17 =	vld [tilespmem:s8+$0x5A0];
	v8 =	vadd.f32 v16, v8;
	v14 =	vmul.f32 v14, v4  }
0x443: {  	v9 =	vadd.f32 v9, v10;
	v10 =	vmul.f32 v13, v6;
	v13 =	vld [tilespmem:s8+$0x65D0]  }
0x444: {  	v16 =	vld [tilespmem:s8+$0x15A0];
	v8 =	vadd.f32 v14, v8;
	v12 =	vmul.f32 v12, v3  }
0x445: {  	v11 =	vmul.f32 v11, v7;
	v14 =	vld [tilespmem:s8+$0x75D0]  }
0x446: {  	v18 =	vld [tilespmem:s8+$0x5B0];
	v8 =	vadd.f32 v12, v8;
	v12 =	vmul.f32 v15, v2  }
0x447: {  	v10 =	vadd.f32 v11, v10;
	v11 =	vmul.f32 v17, v6;
	v15 =	vld [tilespmem:s8+$0x15B0]  }
0x448: {  	v17 =	vld [tilespmem:s8+$0x5C0];
	v8 =	vadd.f32 v12, v8;
	v12 =	vmul.f32 v13, v1  }
0x449: {  	v13 =	vmul.f32 v16, v7;
	v16 =	vld [tilespmem:s8+$0x15C0]  }
0x44a: {  	v19 =	vld [tilespmem:s8+$0x2580];
	v8 =	vadd.f32 v12, v8;
	v12 =	vmul.f32 v14, v0  }
0x44b: {  	v14 =	vld [tilespmem:s8+$0x2590];
	v11 =	vadd.f32 v13, v11;
	v13 =	vmul.f32 v18, v6  }
0x44c: {  	v18 =	vld [tilespmem:s8+$0x25A0];
	v15 =	vmul.f32 v15, v7;
	v8 =	vadd.f32 v12, v8  }
0x44d: {  	v12 =	vld [tilespmem:s8+$0x25B0];
	v17 =	vmul.f32 v17, v6  }
0x44e: {  	v13 =	vadd.f32 v15, v13;
	v15 =	vmul.f32 v16, v7;
	v16 =	vld [tilespmem:s8+$0x25C0];
	[tilespmem:s8+$0x185D0] =	vst v8  }
0x44f: {  	v8 =	vmul.f32 v19, v5;
	v19 =	vld [tilespmem:s8+$0x3580]  }
0x450: {  	v14 =	vmul.f32 v14, v5;
	v20 =	vld [tilespmem:s8+$0x3590];
	v15 =	vadd.f32 v15, v17  }
0x451: {  	v8 =	vadd.f32 v8, v9;
	v9 =	vmul.f32 v18, v5;
	v17 =	vld [tilespmem:s8+$0x35A0]  }
0x452: {  	v10 =	vadd.f32 v14, v10;
	v12 =	vmul.f32 v12, v5;
	v14 =	vld [tilespmem:s8+$0x35B0]  }
0x453: {  	v9 =	vadd.f32 v9, v11;
	v11 =	vmul.f32 v16, v5;
	v16 =	vld [tilespmem:s8+$0x35C0]  }
0x454: {  	v18 =	vmul.f32 v19, v4;
	v19 =	vld [tilespmem:s8+$0x4580];
	v12 =	vadd.f32 v12, v13  }
0x455: {  	v13 =	vmul.f32 v20, v4;
	v20 =	vld [tilespmem:s8+$0x4590];
	v11 =	vadd.f32 v11, v15  }
0x456: {  	v8 =	vadd.f32 v18, v8;
	v15 =	vmul.f32 v17, v4;
	v17 =	vld [tilespmem:s8+$0x45A0]  }
0x457: {  	v10 =	vadd.f32 v13, v10;
	v13 =	vmul.f32 v14, v4;
	v14 =	vld [tilespmem:s8+$0x45B0]  }
0x458: {  	v9 =	vadd.f32 v15, v9;
	v15 =	vmul.f32 v16, v4;
	v16 =	vld [tilespmem:s8+$0x45C0]  }
0x459: {  	v18 =	vmul.f32 v19, v3;
	v19 =	vld [tilespmem:s8+$0x5580];
	v12 =	vadd.f32 v13, v12  }
0x45a: {  	v13 =	vmul.f32 v20, v3;
	v20 =	vld [tilespmem:s8+$0x5590];
	v11 =	vadd.f32 v15, v11  }
0x45b: {  	v8 =	vadd.f32 v18, v8;
	v15 =	vmul.f32 v17, v3;
	v17 =	vld [tilespmem:s8+$0x55A0]  }
0x45c: {  	v10 =	vadd.f32 v13, v10;
	v13 =	vmul.f32 v14, v3;
	v14 =	vld [tilespmem:s8+$0x55B0]  }
0x45d: {  	v9 =	vadd.f32 v15, v9;
	v15 =	vmul.f32 v16, v3;
	v16 =	vld [tilespmem:s8+$0x55C0]  }
0x45e: {  	v18 =	vmul.f32 v19, v2;
	v19 =	vld [tilespmem:s8+$0x6580];
	v12 =	vadd.f32 v13, v12  }
0x45f: {  	v13 =	vmul.f32 v20, v2;
	v20 =	vld [tilespmem:s8+$0x6590];
	v15 =	vadd.f32 v15, v11  }
0x460: {  	v8 =	vadd.f32 v18, v8;
	v11 =	vmul.f32 v17, v2;
	v17 =	vld [tilespmem:s8+$0x65A0]  }
0x461: {  	v10 =	vadd.f32 v13, v10;
	v13 =	vmul.f32 v14, v2;
	v14 =	vld [tilespmem:s8+$0x65B0]  }
0x462: {  	v18 =	vadd.f32 v11, v9;
	v9 =	vmul.f32 v16, v2;
	v21 =	vld [tilespmem:s8+$0x65C0]  }
0x463: {  	v16 =	vmul.f32 v19, v1;
	v19 =	vld [tilespmem:s8+$0x7580];
	v22 =	vadd.f32 v13, v12  }
.Ltmp8:
0x464: {  	v13 =	vmul.f32 v20, v1;
	v11 =	vld [tilespmem:s8+$0x7590];
	v9 =	vadd.f32 v9, v15;
	(pc) =	sbr.rel @p0 .LBB2_15-.Ltmp8, $4  }
0x465: {  	v16 =	vadd.f32 v16, v8;
	v8 =	vmul.f32 v17, v1;
	v12 =	vld [tilespmem:s8+$0x75A0]  }
0x466: {  	v15 =	vadd.f32 v13, v10;
	v17 =	vmul.f32 v14, v1;
	v13 =	vld [tilespmem:s8+$0x75B0]  }
0x467: {  	s10 =	sshra.s32 s11, $0x2;
	v14 =	vadd.f32 v8, v18;
	v18 =	vmul.f32 v21, v1;
	v10 =	vld [tilespmem:s8+$0x75C0]  }
0x468: {  	s11 =	sadd.s32 $0x200, s11;
	v8 =	vld [tilespmem:s10+$0x5D0];
	v19 =	vmul.f32 v19, v0;
	v17 =	vadd.f32 v17, v22  }
0x469: {  	v20 =	vld [tilespmem:s10+$0x15D0];
	v11 =	vmul.f32 v11, v0  }
0x46a: {  	v21 =	vld [tilespmem:s10+$0x580];
	v16 =	vadd.f32 v19, v16;
	v12 =	vmul.f32 v12, v0  }
0x46b: {  	v28 =	vld [tilespmem:s10+$0x25D0];
	v11 =	vadd.f32 v11, v15;
	v13 =	vmul.f32 v13, v0  }
0x46c: {  	v22 =	vld [tilespmem:s10+$0x1580];
	v9 =	vadd.f32 v18, v9;
	[tilespmem:s8+$0x18580] =	vst v16;
	v12 =	vadd.f32 v12, v14;
	v10 =	vmul.f32 v10, v0  }
0x46d: {  	v29 =	vld [tilespmem:s10+$0x35D0];
	[tilespmem:s8+$0x18590] =	vst v11;
	v13 =	vadd.f32 v13, v17  }
0x46e: {  	v11 =	vld [tilespmem:s10+$0x590];
	[tilespmem:s8+$0x185A0] =	vst v12;
	v9 =	vadd.f32 v10, v9  }
0x46f: {  	v12 =	vld [tilespmem:s10+$0x45D0];
	[tilespmem:s8+$0x185B0] =	vst v13  }
0x470: {  	v13 =	vld [tilespmem:s10+$0x1590];
	[tilespmem:s8+$0x185C0] =	vst v9  }
0x471: {  	v32 =	vld [tilespmem:s10+$0x55D0]  }
0x472: {  	v33 =	vld [tilespmem:s10+$0x5A0]  }
0x473: {  	v35 =	vld [tilespmem:s10+$0x65D0]  }
0x474: {  	v16 =	vld [tilespmem:s10+$0x15A0]  }
0x475: {  	v37 =	vld [tilespmem:s10+$0x75D0]  }
0x476: {  	v38 =	vld [tilespmem:s10+$0x5B0]  }
0x477: {  	v40 =	vld [tilespmem:s10+$0x15B0]  }
0x478: {  	v41 =	vld [tilespmem:s10+$0x5C0]  }
0x479: {  	v43 =	vld [tilespmem:s10+$0x15C0]  }
0x47a: {  	v44 =	vld [tilespmem:s10+$0x2580]  }
0x47b: {  	v46 =	vld [tilespmem:s10+$0x2590]  }
0x47c: {  	v47 =	vld [tilespmem:s10+$0x25A0]  }
0x47d: {  	v8 =	vmul.f32 v8, v6;
	v30 =	vmul.f32 v20, v7;
	v48 =	vld [tilespmem:s10+$0x25B0]  }
0x47e: {  	v31 =	vmul.f32 v28, v5;
	v21 =	vmul.f32 v21, v6;
	v23 =	vld [tilespmem:s10+$0x25C0]  }
0x47f: {  	v22 =	vmul.f32 v22, v7;
	v24 =	vld [tilespmem:s10+$0x3590];
	v34 =	vmul.f32 v29, v4  }
0x480: {  	v25 =	vld [tilespmem:s10+$0x35A0];
	v11 =	vmul.f32 v11, v6;
	v36 =	vmul.f32 v12, v3  }
0x481: {  	v26 =	vld [tilespmem:s10+$0x35B0];
	v13 =	vmul.f32 v13, v7;
	v39 =	vmul.f32 v32, v2  }
0x482: {  	v27 =	vld [tilespmem:s10+$0x35C0];
	v42 =	vmul.f32 v35, v1;
	v45 =	vmul.f32 v37, v0  }
0x483: {  	v8 =	vadd.f32 v30, v8;
	v28 =	vld [tilespmem:s10+$0x4580];
	v14 =	vmul.f32 v33, v6;
	v16 =	vmul.f32 v16, v7  }
0x484: {  	v50 =	vld [tilespmem:s10+$0x45A0];
	v51 =	vmul.f32 v38, v6;
	v10 =	vmul.f32 v40, v7  }
0x485: {  	v52 =	vld [tilespmem:s10+$0x45B0];
	v8 =	vadd.f32 v31, v8;
	v53 =	vmul.f32 v41, v6;
	v54 =	vmul.f32 v43, v7  }
0x486: {  	v55 =	vld [tilespmem:s10+$0x45C0];
	v56 =	vmul.f32 v44, v5;
	v12 =	vmul.f32 v46, v5  }
0x487: {  	v57 =	vld [tilespmem:s10+$0x5580];
	v8 =	vadd.f32 v34, v8;
	v58 =	vmul.f32 v47, v5;
	v9 =	vmul.f32 v48, v5  }
0x488: {  	v21 =	vadd.f32 v22, v21;
	v59 =	vld [tilespmem:s10+$0x5590];
	v60 =	vmul.f32 v23, v5;
	v63 =	vmul.f32 v24, v4  }
0x489: {  	v29 =	vld [tilespmem:s10+$0x4590];
	v8 =	vadd.f32 v36, v8;
	v24 =	vmul.f32 v25, v4;
	v26 =	vmul.f32 v26, v4  }
0x48a: {  	v62 =	vld [tilespmem:s10+$0x55B0];
	v30 =	vmul.f32 v27, v4;
	v32 =	vmul.f32 v28, v3;
	v11 =	vadd.f32 v13, v11  }
0x48b: {  	v25 =	vld [tilespmem:s10+$0x55C0];
	v36 =	vmul.f32 v50, v3;
	v8 =	vadd.f32 v39, v8;
	v14 =	vadd.f32 v16, v14  }
0x48c: {  	v33 =	vld [tilespmem:s10+$0x6590];
	v17 =	vmul.f32 v52, v3;
	v10 =	vadd.f32 v10, v51;
	v6 =	vadd.f32 v54, v53  }
0x48d: {  	v35 =	vld [tilespmem:s10+$0x65A0];
	v38 =	vmul.f32 v55, v3;
	v13 =	vadd.f32 v56, v21;
	v11 =	vadd.f32 v12, v11  }
0x48e: {  	v49 =	vld [tilespmem:s10+$0x3580];
	v34 =	vmul.f32 v29, v3;
	v8 =	vadd.f32 v42, v8;
	v7 =	vadd.f32 v58, v14  }
0x48f: {  	v61 =	vld [tilespmem:s10+$0x55A0];
	v39 =	vmul.f32 v57, v2;
	v9 =	vadd.f32 v9, v10;
	v5 =	vadd.f32 v60, v6  }
0x490: {  	v37 =	vld [tilespmem:s10+$0x65B0];
	v42 =	vmul.f32 v59, v2;
	v10 =	vmul.f32 v62, v2;
	v11 =	vadd.f32 v63, v11  }
0x491: {  	v46 =	vld [tilespmem:s10+$0x7590];
	v47 =	vmul.f32 v25, v2;
	v50 =	vmul.f32 v33, v1;
	v8 =	vadd.f32 v45, v8  }
0x492: {  	v40 =	vld [tilespmem:s10+$0x65C0];
	v52 =	vmul.f32 v35, v1;
	v6 =	vadd.f32 v24, v7;
	v9 =	vadd.f32 v26, v9  }
0x493: {  	v48 =	vld [tilespmem:s10+$0x75A0];
	v11 =	vadd.f32 v34, v11;
	[tilespmem:s10+$0x185D0] =	vst v8;
	v8 =	vmul.f32 v49, v4;
	v4 =	vadd.f32 v30, v5  }
0x494: {  	v51 =	vld [tilespmem:s10+$0x75B0];
	v45 =	vmul.f32 v61, v2;
	v6 =	vadd.f32 v36, v6;
	v41 =	vadd.f32 v17, v9  }
0x495: {  	v31 =	vld [tilespmem:s10+$0x6580];
	v56 =	vmul.f32 v37, v1;
	v9 =	vadd.f32 v42, v11;
	v8 =	vadd.f32 v8, v13  }
0x496: {  	v53 =	vld [tilespmem:s10+$0x75C0];
	v57 =	vmul.f32 v46, v0;
	v3 =	vadd.f32 v38, v4;
	v6 =	vadd.f32 v45, v6  }
0x497: {  	v43 =	vld [tilespmem:s10+$0x7580];
	v58 =	vmul.f32 v40, v1;
	v54 =	vadd.f32 v50, v9;
	v7 =	vadd.f32 v32, v8  }
0x498: {  	v59 =	vmul.f32 v48, v0;
	v8 =	vadd.f32 v10, v41;
	v2 =	vadd.f32 v47, v3  }
0x499: {  	v60 =	vmul.f32 v51, v0;
	v3 =	vadd.f32 v52, v6;
	v6 =	vadd.f32 v57, v54  }
0x49a: {  	v49 =	vmul.f32 v31, v1;
	v44 =	vadd.f32 v39, v7;
	v8 =	vadd.f32 v56, v8  }
0x49b: {  	v62 =	vmul.f32 v53, v0;
	v1 =	vadd.f32 v58, v2;
	v61 =	vadd.f32 v59, v3  }
0x49c: {  	v55 =	vmul.f32 v43, v0;
	[tilespmem:s10+$0x18590] =	vst v6;
	v4 =	vadd.f32 v49, v44;
	v63 =	vadd.f32 v60, v8  }
0x49d: {  	[tilespmem:s10+$0x185A0] =	vst v61;
	v0 =	vadd.f32 v62, v1  }
0x49e: {  	v4 =	vadd.f32 v55, v4;
	[tilespmem:s10+$0x185B0] =	vst v63  }
0x49f: {  	[tilespmem:s10+$0x185C0] =	vst v0  }
0x4a0: {  	s18 =	rddreg [dreg:$0x8];
	[tilespmem:s10+$0x18580] =	vst v4  }
0x4a1: {  	[hbm4b:s18+s7] =	stream.linear.scatter [tilespmem:s28], [sflag:$0x4], $0x1000, $0x38;
	[tilespmem:$0x1B580] =	vst v63  }
0x4a2: {  	_ =	swait.ge [sflag:s2], $0x1000  }
0x4a3: {  	[sflag:s2] =	ssyncset.done $0x0  }
0x4a4: {  	[sflag:s2] =	ssyncadd.s32 $0xFFFFF000  }
0x4a5: {  	_ =	swait.ge [sflag:s4], $0x1000  }
0x4a6: {  	[sflag:s4] =	ssyncset.done $0x0  }
0x4a7: {  	[sflag:s4] =	ssyncadd.s32 $0xFFFFF000  }
0x4a8: {  	_ =	swait.ge [sflag:s3], $0x1000  }
0x4a9: {  	s21 =	sadd.s32 $0x1, s21;
	s19 =	rddreg [dreg:$0x9]  }
0x4aa: {  	p0 =	sne.s32 s21, s19  }
.Ltmp9:
0x4ab: {  	_ = 	snop;
	(pc) =	sbr.rel @p0 .LBB2_1-.Ltmp9, $3  }
0x4ac: {  	_ =	sdelay $0x1  }
0x4ad: {  	[sflag:s3] =	ssyncset.done $0x0  }
0x4ae: {  	[sflag:s3] =	ssyncadd.s32 $0xFFFFF000  }
0x4af: {  	_ =	sfence.sel $0x180000  }
0x4b0: {  	[bflag:$0x0] =	sbarrier.arrive $0xFFFF  }
0x4b1: {  	_ =	strace $0x90000047  }
0x4b2: {  	s0 =	stileid.u32;
	[bflag:$0x2] =	sbarrier.arrive $0xFFFF  }
0x4b3: {  	p0 =	sne.s32 s0, $0x0;
	s0 =	rddreg [dreg:$0x4]  }
0x4b4: {  	s0 =	sadd.s32 @!p0 $0x100000, s0  }
0x4b5: {  	[sflag:s0] =	ssyncadd.tile.s32 @!p0 $0x1;
	_ =	shalt  }
.Lfunc_end2:
_tile_overlayer_lowered:
.L_overlay_start_2:
0x4b6: {  	(tag) =	ssettag $0x2  }
0x4b7: {  	s0 =	rddreg [dreg:$0x0];
	s2 =	stileid.u32  }
0x4b8: {  	s1 =	rddreg [dreg:$0x1];
	p0 =	sne.s32 s2, $0x0  }
0x4b9: {  	s3 =	rddreg [dreg:$0x2];
	[bflag:$0x3] =	sbarrier.arrive $0xFFFF;
	s2 =	simm.s32 @!p0 $0x1C07  }
0x4ba: {  	[timem:s3], [sflag:s2] =	dma.local @!p0 [hbm:s0], s1  }
0x4bb: {  	s0 =	simm.s32 @!p0 $0x7  }
0x4bc: {  	_ =	swait.ge @!p0 [sflag:s0], s1  }
0x4bd: {  	s1 =	ssub.s32 @!p0 $0x0, s1;
	[sflag:s0] =	ssyncset.done @!p0 $0x0  }
0x4be: {  	[sflag:s0] =	ssyncadd.s32 @!p0 s1  }
0x4bf: {  	[bflag:$0x3] =	sbarrier.arrive $0xFFFF  }
0x4c0: {  	_ =	shalt  }

</sc_bundles>
